<compile_context>
chip_gen: v7x
topology: tpu7x:2x2x1
jax: 0.10.2.dev20260603
libtpu: 0.0.44.dev20260713+nightly
codegen_flags: <defaults>
</compile_context>

<pallas_src>
import math

import numpy as np
import jax
import jax.numpy as jnp
from jax import lax
from jax.experimental import pallas as pl
from jax.experimental.pallas import tpu as pltpu
from jax.experimental.pallas import tpu_sc as plsc

_N_IN = 2049
_N_OUT = 512
_OUT_START = 25.0
_OUT_END = 20000.0
_IN_END = 22050.0
_LANES = 16
_NC = 2
_NSC = 16
_NW = _NC * _NSC
_ROWS = 256
_RPW = _ROWS // _NW
_TWPAD = 2056


def _band_structure():
    scale = 1.0
    min_log = math.log10(1.0 + scale * _OUT_START)
    max_log = math.log10(1.0 + scale * _OUT_END)
    lin_logs = np.linspace(min_log, max_log, _N_OUT, dtype=np.float64)
    freq_per_bin = scale * float(_IN_END) / (_N_IN - 1)
    center = ((np.power(10.0, lin_logs) - 1.0) / freq_per_bin).astype(np.float32)
    n_lin = 0
    while n_lin < _N_OUT - 1 and (center[n_lin + 1] - center[n_lin] <= 1.0 or center[n_lin] < 1.0):
        n_lin += 1
    n_sum = n_lin
    while n_sum < _N_OUT - 2 and (center[n_sum + 1] - center[n_sum] <= 2.0 or center[n_sum] < 2.0):
        n_sum += 1
    n_tri = _N_OUT - n_sum
    frac = center[n_sum:n_sum + n_tri]
    dist = center[n_sum:n_sum + n_tri] - center[n_sum - 1:n_sum - 1 + n_tri]
    starts = np.zeros(n_tri, np.int32)
    ends = np.zeros(n_tri, np.int32)
    for i in range(n_tri):
        i_mid = int(math.ceil(frac[i]))
        i_start = int(math.ceil(frac[i] - dist[i]))
        i_end = int(math.ceil(frac[i] + dist[i + 1])) if i < n_tri - 1 else i_mid
        starts[i] = i_start
        ends[i] = max(i_end, i_mid + 1)
    return n_lin, n_sum - n_lin, n_tri, starts, ends


_N_LIN, _N_CUB, _N_TRI, _TRI_STARTS, _TRI_ENDS = _band_structure()
_W = int((_TRI_ENDS - _TRI_STARTS).max())
_NG = -(-_N_TRI // _LANES)
_NTP = _NG * _LANES
_TRIPS = [int((_TRI_ENDS - _TRI_STARTS)[g * _LANES:(g + 1) * _LANES].max())
          for g in range(_NG)]
_NLG = -(-_N_LIN // _LANES)
_NLP = _NLG * _LANES
_NCG = -(-_N_CUB // _LANES)
_NCP = _NCG * _LANES
_TRI_BASE = _N_LIN + _N_CUB
_BPT = _NTP // _NSC
_BW = _BPT * _W
_BCH = _BW // _LANES
_SLAB = _BPT * _TWPAD

_STARTS_PAD = np.zeros(_NTP, np.int32)
_STARTS_PAD[:_N_TRI] = _TRI_STARTS
_D = np.arange(_BW)
_BINLOC = (_D // _W).astype(np.int32)
_RELOFF = ((_D // _W) * _TWPAD + (_D % _W)).astype(np.int32)

_T_LINIDX = 0
_T_LINF = _T_LINIDX + _NLP
_T_CUBPOS = _T_LINF + _NLP
_T_STARTS = _T_CUBPOS + _NCP
_T_BINLOC = _T_STARTS + _NTP
_T_RELOFF = _T_BINLOC + _BW
_T_LEN = _T_RELOFF + _BW


def _body(xh, twh, tabh, outh, xloc, twslab, tab, bandloc, wbt, outbuf, wsh,
          sem, sem_tw):
    c = lax.axis_index("c")
    s = lax.axis_index("s")
    wid = s * _NC + c

    cp_x = pltpu.async_copy(
        xh.at[pl.ds(wid * (_RPW * _N_IN), _RPW * _N_IN)], xloc, sem)
    cp_tw = pltpu.async_copy(twh.at[pl.ds(s * _SLAB, _SLAB)], twslab, sem_tw)
    cp_tab = pltpu.async_copy(tabh, tab, sem)
    cp_tab.wait()
    cp_x.wait()

    iota = lax.iota(jnp.int32, _LANES)

    def interp_body(r, carry):
        base = r * _N_IN
        obase = r * _N_OUT

        for g in range(_NLG):
            idx = base + tab[pl.ds(_T_LINIDX + g * _LANES, _LANES)]
            f = plsc.bitcast(tab[pl.ds(_T_LINF + g * _LANES, _LANES)],
                             jnp.float32)
            x0 = plsc.load_gather(xloc, [idx])
            x1 = plsc.load_gather(xloc, [idx + 1])
            outbuf[pl.ds(obase + g * _LANES, _LANES)] = (1.0 - f) * x0 + f * x1

        for cg in range(_NCG):
            pos = plsc.bitcast(tab[pl.ds(_T_CUBPOS + cg * _LANES, _LANES)],
                               jnp.float32)
            i0 = pos.astype(jnp.int32)
            t = pos - i0.astype(jnp.float32)
            ib = base + i0
            xm1 = plsc.load_gather(xloc, [ib - 1])
            x0 = plsc.load_gather(xloc, [ib])
            x1 = plsc.load_gather(xloc, [ib + 1])
            x2 = plsc.load_gather(xloc, [ib + 2])
            a = -0.5 * xm1 + 1.5 * x0 - 1.5 * x1 + 0.5 * x2
            b = xm1 - 2.5 * x0 + 2.0 * x1 - 0.5 * x2
            cpoly = -0.5 * xm1 + 0.5 * x1
            res = ((a * t + b) * t + cpoly) * t + x0
            mask = iota < (_N_CUB - cg * _LANES)
            plsc.store_scatter(outbuf, [iota + (obase + _N_LIN + cg * _LANES)],
                               res, mask=mask)
        return carry
    lax.fori_loop(0, _RPW, interp_body, 0)

    cp_tw.wait()
    sbin = s * _BPT
    for ch in range(_BCH):
        bl = tab[pl.ds(_T_BINLOC + ch * _LANES, _LANES)]
        ro = tab[pl.ds(_T_RELOFF + ch * _LANES, _LANES)]
        sv = plsc.load_gather(tab, [_T_STARTS + sbin + bl])
        bandloc[pl.ds(ch * _LANES, _LANES)] = plsc.load_gather(twslab, [sv + ro])
    pltpu.sync_copy(bandloc, wsh.at[pl.ds(s * _BW, _BW)])
    plsc.subcore_barrier()
    pltpu.sync_copy(wsh, wbt)

    def tri_body(r, carry):
        base = r * _N_IN
        obase = r * _N_OUT
        for g in range(_NG):
            sg = base + tab[pl.ds(_T_STARTS + g * _LANES, _LANES)]
            wbase = (iota + g * _LANES) * _W

            def tap(k):
                return (plsc.load_gather(xloc, [sg + k])
                        + plsc.load_gather(wbt, [wbase + k]))

            trip = _TRIPS[g]
            n4 = (trip - 1) // 4
            acc0 = tap(0)
            acc1 = jnp.full((_LANES,), -jnp.inf, jnp.float32)

            def quad(i, accs):
                a0, a1 = accs
                kk = 1 + 4 * i
                a0 = jnp.maximum(a0, tap(kk))
                a1 = jnp.maximum(a1, tap(kk + 1))
                a0 = jnp.maximum(a0, tap(kk + 2))
                a1 = jnp.maximum(a1, tap(kk + 3))
                return a0, a1
            acc0, acc1 = lax.fori_loop(0, n4, quad, (acc0, acc1))
            for j in range(1 + 4 * n4, trip):
                if j % 2 == 0:
                    acc0 = jnp.maximum(acc0, tap(j))
                else:
                    acc1 = jnp.maximum(acc1, tap(j))
            acc = jnp.maximum(acc0, acc1)
            mask = iota < (_N_TRI - g * _LANES)
            plsc.store_scatter(outbuf, [iota + (obase + _TRI_BASE + g * _LANES)],
                               acc, mask=mask)
        return carry
    lax.fori_loop(0, _RPW, tri_body, 0)
    pltpu.sync_copy(outbuf, outh.at[pl.ds(wid * (_RPW * _N_OUT), _RPW * _N_OUT)])


def kernel(x, fraction_linear, fraction_cubic, triangular_weights, output_start_idx):
    b, frames, _ = x.shape
    xf = x.reshape(_ROWS * _N_IN)

    twp = jnp.zeros((_NTP, _TWPAD), jnp.float32).at[:_N_TRI, :_N_IN].set(
        triangular_weights).reshape(-1)

    tabs = jnp.concatenate([
        output_start_idx,
        jnp.zeros(_NLP - _N_LIN, jnp.int32),
        lax.bitcast_convert_type(fraction_linear, jnp.int32),
        jnp.zeros(_NLP - _N_LIN, jnp.int32),
        lax.bitcast_convert_type(fraction_cubic, jnp.int32),
        lax.bitcast_convert_type(jnp.full(_NCP - _N_CUB, 100.0, jnp.float32),
                                 jnp.int32),
        jnp.asarray(_STARTS_PAD),
        jnp.asarray(_BINLOC),
        jnp.asarray(_RELOFF),
    ])

    mesh = plsc.VectorSubcoreMesh(core_axis_name="c", subcore_axis_name="s",
                                  num_cores=_NC, num_subcores=_NSC)
    kfn = pl.kernel(
        _body,
        out_type=jax.ShapeDtypeStruct((_ROWS * _N_OUT,), jnp.float32),
        mesh=mesh,
        compiler_params=pltpu.CompilerParams(needs_layout_passes=False),
        scratch_types=[
            pltpu.VMEM((_RPW * _N_IN,), jnp.float32),
            pltpu.VMEM((_SLAB,), jnp.float32),
            pltpu.VMEM((_T_LEN,), jnp.int32),
            pltpu.VMEM((_BW,), jnp.float32),
            pltpu.VMEM((_NTP * _W,), jnp.float32),
            pltpu.VMEM((_RPW * _N_OUT,), jnp.float32),
            pltpu.VMEM_SHARED((_NTP * _W,), jnp.float32),
            pltpu.SemaphoreType.DMA,
            pltpu.SemaphoreType.DMA,
        ],
    )
    out = kfn(xf, twp, tabs)
    return out.reshape(b, frames, _N_OUT)

# --- scband reference (transcript-rebuilt; emitter-appended) ---
"""Pipeline reference for scband-log-scale-26328149524750 (READ-ONLY COPY).

The authoritative reference and input builder live on the scoring server;
editing this copy changes nothing except your own understanding.
"""

import jax, jax.numpy as jnp
import numpy as np
import math

N_INPUTS = 2049
N_OUTPUTS = 512
OUTPUT_START = 25.0
OUTPUT_END = 20000.0
INPUT_END = 22050.0
BATCH = 2
FRAMES = 128


def _fasterlog2(x):
    x = np.ascontiguousarray(np.asarray(x, dtype=np.float32))
    bits = x.view(np.uint32).astype(np.float32)
    return bits * np.float32(1.1920928955078125e-07) - np.float32(126.94269504)


def _energy_to_db(x):
    return (np.float32(3.010299956639812) * _fasterlog2(x)).astype(np.float32)


def _build_buffers(n_inputs, n_outputs, output_start, output_end, input_end):
    scale = 1.0
    min_log = math.log10(1.0 + scale * output_start)
    max_log = math.log10(1.0 + scale * output_end)
    lin_logs = np.linspace(min_log, max_log, n_outputs, dtype=np.float64)
    freq_per_bin = scale * float(input_end) / (n_inputs - 1)
    center_bins = ((np.power(10.0, lin_logs) - 1.0) / freq_per_bin).astype(np.float32)
    n_linear_bins = 0
    while n_linear_bins < n_outputs - 1 and (center_bins[n_linear_bins + 1] - center_bins[n_linear_bins] <= 1.0 or center_bins[n_linear_bins] < 1.0):
        n_linear_bins += 1
    output_start_idx = center_bins[:n_linear_bins].astype(np.int32)
    fraction_linear = (center_bins[:n_linear_bins] - output_start_idx.astype(np.float32)).astype(np.float32)
    n_sum = n_linear_bins
    while n_sum < n_outputs - 2 and (center_bins[n_sum + 1] - center_bins[n_sum] <= 2.0 or center_bins[n_sum] < 2.0):
        n_sum += 1
    n_cubic_bins = n_sum - n_linear_bins
    fraction_cubic = center_bins[n_linear_bins:n_linear_bins + n_cubic_bins].copy().astype(np.float32)
    n_triangular_bins = n_outputs - n_sum
    fraction_triangular = center_bins[n_sum:n_sum + n_triangular_bins].copy()
    if n_triangular_bins > 0:
        distance_triangular = (center_bins[n_sum:n_sum + n_triangular_bins] - center_bins[n_sum - 1:n_sum - 1 + n_triangular_bins]).copy()
    else:
        distance_triangular = np.zeros(0, dtype=np.float32)
    weights = np.full((max(n_triangular_bins, 1), n_inputs), -np.inf, dtype=np.float32)
    for i in range(n_triangular_bins):
        i_mid = int(math.ceil(fraction_triangular[i]))
        i_start = int(math.ceil(fraction_triangular[i] - distance_triangular[i]))
        if i < n_triangular_bins - 1:
            i_end = int(math.ceil(fraction_triangular[i] + distance_triangular[i + 1]))
        else:
            i_end = i_mid
        weights[i, i_mid] = 0.0
        dist_left = float(i_mid - i_start)
        for i_bin in range(i_start, i_mid):
            lin_weight = np.float32(1.0 - (i_mid - i_bin) / dist_left)
            weights[i, i_bin] = _energy_to_db(np.array([lin_weight]))[0]
        if i_end > i_mid:
            dist_right = float(i_end - i_mid)
            for i_bin in range(i_mid + 1, i_end):
                lin_weight = np.float32(1.0 - (i_bin - i_mid) / dist_right)
                weights[i, i_bin] = _energy_to_db(np.array([lin_weight]))[0]
    if n_triangular_bins == 0:
        weights = np.zeros((0, n_inputs), dtype=np.float32)
    else:
        weights = weights[:n_triangular_bins]
    return output_start_idx, fraction_linear, fraction_cubic, weights


def setup_inputs(seed: int = 0):
    key = jax.random.key(seed)
    x = jax.random.normal(key, (BATCH, FRAMES, N_INPUTS), dtype=jnp.float32)
    osi, flin, fcub, tw = _build_buffers(N_INPUTS, N_OUTPUTS, OUTPUT_START, OUTPUT_END, INPUT_END)
    return {
        "x": x,
        "fraction_linear": jnp.asarray(flin),
        "fraction_cubic": jnp.asarray(fcub),
        "triangular_weights": jnp.asarray(tw),
        "output_start_idx": jnp.asarray(osi, dtype=jnp.int32),
    }


def _cubic_interpolation(x, pos):
    # Catmull-Rom 4-point cubic interpolation at fractional bin positions `pos`
    i0 = jnp.floor(pos).astype(jnp.int32)
    t = pos - i0.astype(pos.dtype)
    xm1 = jnp.take(x, i0 - 1, axis=-1)
    x0 = jnp.take(x, i0, axis=-1)
    x1 = jnp.take(x, i0 + 1, axis=-1)
    x2 = jnp.take(x, i0 + 2, axis=-1)
    a = -0.5 * xm1 + 1.5 * x0 - 1.5 * x1 + 0.5 * x2
    b = xm1 - 2.5 * x0 + 2.0 * x1 - 0.5 * x2
    c = -0.5 * xm1 + 0.5 * x1
    d = x0
    return ((a * t + b) * t + c) * t + d


def reference(x, fraction_linear, fraction_cubic, triangular_weights, output_start_idx):
    chunks = []
    if output_start_idx.shape[0] > 0:
        x0 = jnp.take(x, output_start_idx, axis=-1)
        x1 = jnp.take(x, output_start_idx + 1, axis=-1)
        f = fraction_linear
        chunks.append((1.0 - f) * x0 + f * x1)
    if fraction_cubic.shape[0] > 0:
        chunks.append(_cubic_interpolation(x, fraction_cubic))
    if triangular_weights.shape[0] > 0:
        shifted = x[..., None, :] + triangular_weights
        chunks.append(jnp.max(shifted, axis=-1))
    return jnp.concatenate(chunks, axis=-1)

if __name__ == "__main__":
    import jax
    _d = setup_inputs()
    print(jax.jit(kernel)(*tuple(_d.values())))

</pallas_src>

<mosaic_0001>
#map = affine_map<(d0, d1) -> (0)>
module attributes {stable_mosaic.version = 14 : i64} {
  func.func @_body(%arg0: i32, %arg1: i32, %arg2: memref<524544xf32, #tpu.memory_space<hbm>>, %arg3: memref<427648xf32, #tpu.memory_space<hbm>>, %arg4: memref<2064xi32, #tpu.memory_space<hbm>>, %arg5: memref<131072xf32, #tpu.memory_space<hbm>>, %arg6: memref<16392xf32, #tpu.memory_space<vmem>>, %arg7: memref<26728xf32, #tpu.memory_space<vmem>>, %arg8: memref<2064xi32, #tpu.memory_space<vmem>>, %arg9: memref<624xf32, #tpu.memory_space<vmem>>, %arg10: memref<9984xf32, #tpu.memory_space<vmem>>, %arg11: memref<4096xf32, #tpu.memory_space<vmem>>, %arg12: memref<9984xf32, #tpu.memory_space<vmem_shared>>, %arg13: memref<!tpu.dma_semaphore, #tpu.memory_space<semaphore_mem>>, %arg14: memref<!tpu.dma_semaphore, #tpu.memory_space<semaphore_mem>>) attributes {dimension_semantics = [#tpu.dimension_semantics<core_parallel>, #tpu.dimension_semantics<subcore_parallel>], iteration_bounds = array<i64: 2, 16>, scalar_prefetch = 0 : i64, scratch_operands = 9 : i64, tpu.core_type = #tpu.core_type<sc_vector_subcore>, window_params = [{transform_indices = #map}, {transform_indices = #map}, {transform_indices = #map}, {transform_indices = #map}]} {
    %mul3A = arith.constant 2 : i32
    %mul3A_0 = arith.muli %arg1, %mul3A : i32
    %add3A = arith.addi %mul3A_0, %arg0 : i32
    %mul3A_1 = arith.constant 16392 : i32
    %mul3A_2 = arith.muli %add3A, %mul3A_1 : i32
    %dma_start3A = tpu.memref_slice %arg2[%mul3A_2] : memref<524544xf32, #tpu.memory_space<hbm>> -> memref<16392xf32, #tpu.memory_space<hbm>>
    %dma_start3A_3 = tpu.memref_slice %arg2[%mul3A_2] : memref<524544xf32, #tpu.memory_space<hbm>> -> memref<16392xf32, #tpu.memory_space<hbm>>
    tpu.enqueue_dma source(%dma_start3A_3 : memref<16392xf32, #tpu.memory_space<hbm>>) target(%arg6 : memref<16392xf32, #tpu.memory_space<vmem>>) target_semaphore(%arg13 : memref<!tpu.dma_semaphore, #tpu.memory_space<semaphore_mem>>)
    %mul3A_4 = arith.constant 26728 : i32
    %mul3A_5 = arith.muli %arg1, %mul3A_4 : i32
    %dma_start3A_6 = tpu.memref_slice %arg3[%mul3A_5] : memref<427648xf32, #tpu.memory_space<hbm>> -> memref<26728xf32, #tpu.memory_space<hbm>>
    %dma_start3A_7 = tpu.memref_slice %arg3[%mul3A_5] : memref<427648xf32, #tpu.memory_space<hbm>> -> memref<26728xf32, #tpu.memory_space<hbm>>
    tpu.enqueue_dma source(%dma_start3A_7 : memref<26728xf32, #tpu.memory_space<hbm>>) target(%arg7 : memref<26728xf32, #tpu.memory_space<vmem>>) target_semaphore(%arg14 : memref<!tpu.dma_semaphore, #tpu.memory_space<semaphore_mem>>)
    tpu.enqueue_dma source(%arg4 : memref<2064xi32, #tpu.memory_space<hbm>>) target(%arg8 : memref<2064xi32, #tpu.memory_space<vmem>>) target_semaphore(%arg13 : memref<!tpu.dma_semaphore, #tpu.memory_space<semaphore_mem>>)
    tpu.wait_dma2 semaphore(%arg13 : memref<!tpu.dma_semaphore, #tpu.memory_space<semaphore_mem>>) src(%arg4 : memref<2064xi32, #tpu.memory_space<hbm>>) dst(%arg8 : memref<2064xi32, #tpu.memory_space<vmem>>)
    %dma_wait3A = tpu.memref_slice %arg2[%mul3A_2] : memref<524544xf32, #tpu.memory_space<hbm>> -> memref<16392xf32, #tpu.memory_space<hbm>>
    %dma_wait3A_8 = tpu.memref_slice %arg2[%mul3A_2] : memref<524544xf32, #tpu.memory_space<hbm>> -> memref<16392xf32, #tpu.memory_space<hbm>>
    tpu.wait_dma2 semaphore(%arg13 : memref<!tpu.dma_semaphore, #tpu.memory_space<semaphore_mem>>) src(%dma_wait3A_8 : memref<16392xf32, #tpu.memory_space<hbm>>) dst(%arg6 : memref<16392xf32, #tpu.memory_space<vmem>>)
    %iota3A = tpu.iota {dimensions = array<i32: 0>} : vector<16xi32>
    %scan3A = arith.constant 0 : i32
    %scan3A_9 = arith.constant 0 : i32
    %scan3A_10 = arith.constant 8 : i32
    %scan3A_11 = arith.addi %scan3A_9, %scan3A_10 : i32
    %scan3A_12 = arith.constant 1 : i32
    scf.for %scan3A_532 = %scan3A_9 to %scan3A_11 step %scan3A_12  : i32 {
      %mul3A_533 = arith.constant 2049 : i32
      %mul3A_534 = arith.muli %scan3A_532, %mul3A_533 : i32
      %mul3A_535 = arith.constant 512 : i32
      %mul3A_536 = arith.muli %scan3A_532, %mul3A_535 : i32
      %get3A_537 = arith.constant 0 : index
      %get3A_538 = tpu.vector_load %arg8[%get3A_537] {strides = array<i32>} : memref<2064xi32, #tpu.memory_space<vmem>>, vector<16xi32>,
      %add3A_539 = vector.broadcast %mul3A_534 : i32 to vector<16xi32>
      %add3A_540 = arith.addi %add3A_539, %get3A_538 : vector<16xi32>
      %get3A_541 = arith.constant 272 : index
      %get3A_542 = tpu.vector_load %arg8[%get3A_541] {strides = array<i32>} : memref<2064xi32, #tpu.memory_space<vmem>>, vector<16xi32>,
      %bitcast3A = vector.bitcast %get3A_542 : vector<16xi32> to vector<16xf32>
      %gather3A_543 = tpu.vector_load_idx %arg6[%add3A_540] : memref<16392xf32, #tpu.memory_space<vmem>>[vector<16xi32>], vector<16xf32>,
      %add3A_544 = arith.constant 1 : i32
      %add3A_545 = vector.broadcast %add3A_544 : i32 to vector<16xi32>
      %add3A_546 = arith.addi %add3A_540, %add3A_545 : vector<16xi32>
      %gather3A_547 = tpu.vector_load_idx %arg6[%add3A_546] : memref<16392xf32, #tpu.memory_space<vmem>>[vector<16xi32>], vector<16xf32>,
      %sub3A = arith.constant 1.000000e+00 : f32
      %sub3A_548 = vector.broadcast %sub3A : f32 to vector<16xf32>
      %sub3A_549 = arith.subf %sub3A_548, %bitcast3A : vector<16xf32>
      %mul3A_550 = arith.mulf %sub3A_549, %gather3A_543 : vector<16xf32>
      %mul3A_551 = arith.mulf %bitcast3A, %gather3A_547 : vector<16xf32>
      %add3A_552 = arith.addf %mul3A_550, %mul3A_551 : vector<16xf32>
      %add3A_553 = arith.constant 0 : i32
      %add3A_554 = arith.addi %mul3A_536, %add3A_553 : i32
      %swap3A_555 = arith.index_cast %add3A_554 : i32 to index
      %swap3A_556 = tpu.vector_load %arg11[%swap3A_555] {strides = array<i32>} : memref<4096xf32, #tpu.memory_space<vmem>>, vector<16xf32>,
      tpu.vector_store %arg11[%swap3A_555], %add3A_552 {strides = array<i32>} : memref<4096xf32, #tpu.memory_space<vmem>>, vector<16xf32>,
      %get3A_557 = arith.constant 16 : index
      %get3A_558 = tpu.vector_load %arg8[%get3A_557] {strides = array<i32>} : memref<2064xi32, #tpu.memory_space<vmem>>, vector<16xi32>,
      %add3A_559 = vector.broadcast %mul3A_534 : i32 to vector<16xi32>
      %add3A_560 = arith.addi %add3A_559, %get3A_558 : vector<16xi32>
      %get3A_561 = arith.constant 288 : index
      %get3A_562 = tpu.vector_load %arg8[%get3A_561] {strides = array<i32>} : memref<2064xi32, #tpu.memory_space<vmem>>, vector<16xi32>,
      %bitcast3A_563 = vector.bitcast %get3A_562 : vector<16xi32> to vector<16xf32>
      %gather3A_564 = tpu.vector_load_idx %arg6[%add3A_560] : memref<16392xf32, #tpu.memory_space<vmem>>[vector<16xi32>], vector<16xf32>,
      %add3A_565 = arith.constant 1 : i32
      %add3A_566 = vector.broadcast %add3A_565 : i32 to vector<16xi32>
      %add3A_567 = arith.addi %add3A_560, %add3A_566 : vector<16xi32>
      %gather3A_568 = tpu.vector_load_idx %arg6[%add3A_567] : memref<16392xf32, #tpu.memory_space<vmem>>[vector<16xi32>], vector<16xf32>,
      %sub3A_569 = arith.constant 1.000000e+00 : f32
      %sub3A_570 = vector.broadcast %sub3A_569 : f32 to vector<16xf32>
      %sub3A_571 = arith.subf %sub3A_570, %bitcast3A_563 : vector<16xf32>
      %mul3A_572 = arith.mulf %sub3A_571, %gather3A_564 : vector<16xf32>
      %mul3A_573 = arith.mulf %bitcast3A_563, %gather3A_568 : vector<16xf32>
      %add3A_574 = arith.addf %mul3A_572, %mul3A_573 : vector<16xf32>
      %add3A_575 = arith.constant 16 : i32
      %add3A_576 = arith.addi %mul3A_536, %add3A_575 : i32
      %swap3A_577 = arith.index_cast %add3A_576 : i32 to index
      %swap3A_578 = tpu.vector_load %arg11[%swap3A_577] {strides = array<i32>} : memref<4096xf32, #tpu.memory_space<vmem>>, vector<16xf32>,
      tpu.vector_store %arg11[%swap3A_577], %add3A_574 {strides = array<i32>} : memref<4096xf32, #tpu.memory_space<vmem>>, vector<16xf32>,
      %get3A_579 = arith.constant 32 : index
      %get3A_580 = tpu.vector_load %arg8[%get3A_579] {strides = array<i32>} : memref<2064xi32, #tpu.memory_space<vmem>>, vector<16xi32>,
      %add3A_581 = vector.broadcast %mul3A_534 : i32 to vector<16xi32>
      %add3A_582 = arith.addi %add3A_581, %get3A_580 : vector<16xi32>
      %get3A_583 = arith.constant 304 : index
      %get3A_584 = tpu.vector_load %arg8[%get3A_583] {strides = array<i32>} : memref<2064xi32, #tpu.memory_space<vmem>>, vector<16xi32>,
      %bitcast3A_585 = vector.bitcast %get3A_584 : vector<16xi32> to vector<16xf32>
      %gather3A_586 = tpu.vector_load_idx %arg6[%add3A_582] : memref<16392xf32, #tpu.memory_space<vmem>>[vector<16xi32>], vector<16xf32>,
      %add3A_587 = arith.constant 1 : i32
      %add3A_588 = vector.broadcast %add3A_587 : i32 to vector<16xi32>
      %add3A_589 = arith.addi %add3A_582, %add3A_588 : vector<16xi32>
      %gather3A_590 = tpu.vector_load_idx %arg6[%add3A_589] : memref<16392xf32, #tpu.memory_space<vmem>>[vector<16xi32>], vector<16xf32>,
      %sub3A_591 = arith.constant 1.000000e+00 : f32
      %sub3A_592 = vector.broadcast %sub3A_591 : f32 to vector<16xf32>
      %sub3A_593 = arith.subf %sub3A_592, %bitcast3A_585 : vector<16xf32>
      %mul3A_594 = arith.mulf %sub3A_593, %gather3A_586 : vector<16xf32>
      %mul3A_595 = arith.mulf %bitcast3A_585, %gather3A_590 : vector<16xf32>
      %add3A_596 = arith.addf %mul3A_594, %mul3A_595 : vector<16xf32>
      %add3A_597 = arith.constant 32 : i32
      %add3A_598 = arith.addi %mul3A_536, %add3A_597 : i32
      %swap3A_599 = arith.index_cast %add3A_598 : i32 to index
      %swap3A_600 = tpu.vector_load %arg11[%swap3A_599] {strides = array<i32>} : memref<4096xf32, #tpu.memory_space<vmem>>, vector<16xf32>,
      tpu.vector_store %arg11[%swap3A_599], %add3A_596 {strides = array<i32>} : memref<4096xf32, #tpu.memory_space<vmem>>, vector<16xf32>,
      %get3A_601 = arith.constant 48 : index
      %get3A_602 = tpu.vector_load %arg8[%get3A_601] {strides = array<i32>} : memref<2064xi32, #tpu.memory_space<vmem>>, vector<16xi32>,
      %add3A_603 = vector.broadcast %mul3A_534 : i32 to vector<16xi32>
      %add3A_604 = arith.addi %add3A_603, %get3A_602 : vector<16xi32>
      %get3A_605 = arith.constant 320 : index
      %get3A_606 = tpu.vector_load %arg8[%get3A_605] {strides = array<i32>} : memref<2064xi32, #tpu.memory_space<vmem>>, vector<16xi32>,
      %bitcast3A_607 = vector.bitcast %get3A_606 : vector<16xi32> to vector<16xf32>
      %gather3A_608 = tpu.vector_load_idx %arg6[%add3A_604] : memref<16392xf32, #tpu.memory_space<vmem>>[vector<16xi32>], vector<16xf32>,
      %add3A_609 = arith.constant 1 : i32
      %add3A_610 = vector.broadcast %add3A_609 : i32 to vector<16xi32>
      %add3A_611 = arith.addi %add3A_604, %add3A_610 : vector<16xi32>
      %gather3A_612 = tpu.vector_load_idx %arg6[%add3A_611] : memref<16392xf32, #tpu.memory_space<vmem>>[vector<16xi32>], vector<16xf32>,
      %sub3A_613 = arith.constant 1.000000e+00 : f32
      %sub3A_614 = vector.broadcast %sub3A_613 : f32 to vector<16xf32>
      %sub3A_615 = arith.subf %sub3A_614, %bitcast3A_607 : vector<16xf32>
      %mul3A_616 = arith.mulf %sub3A_615, %gather3A_608 : vector<16xf32>
      %mul3A_617 = arith.mulf %bitcast3A_607, %gather3A_612 : vector<16xf32>
      %add3A_618 = arith.addf %mul3A_616, %mul3A_617 : vector<16xf32>
      %add3A_619 = arith.constant 48 : i32
      %add3A_620 = arith.addi %mul3A_536, %add3A_619 : i32
      %swap3A_621 = arith.index_cast %add3A_620 : i32 to index
      %swap3A_622 = tpu.vector_load %arg11[%swap3A_621] {strides = array<i32>} : memref<4096xf32, #tpu.memory_space<vmem>>, vector<16xf32>,
      tpu.vector_store %arg11[%swap3A_621], %add3A_618 {strides = array<i32>} : memref<4096xf32, #tpu.memory_space<vmem>>, vector<16xf32>,
      %get3A_623 = arith.constant 64 : index
      %get3A_624 = tpu.vector_load %arg8[%get3A_623] {strides = array<i32>} : memref<2064xi32, #tpu.memory_space<vmem>>, vector<16xi32>,
      %add3A_625 = vector.broadcast %mul3A_534 : i32 to vector<16xi32>
      %add3A_626 = arith.addi %add3A_625, %get3A_624 : vector<16xi32>
      %get3A_627 = arith.constant 336 : index
      %get3A_628 = tpu.vector_load %arg8[%get3A_627] {strides = array<i32>} : memref<2064xi32, #tpu.memory_space<vmem>>, vector<16xi32>,
      %bitcast3A_629 = vector.bitcast %get3A_628 : vector<16xi32> to vector<16xf32>
      %gather3A_630 = tpu.vector_load_idx %arg6[%add3A_626] : memref<16392xf32, #tpu.memory_space<vmem>>[vector<16xi32>], vector<16xf32>,
      %add3A_631 = arith.constant 1 : i32
      %add3A_632 = vector.broadcast %add3A_631 : i32 to vector<16xi32>
      %add3A_633 = arith.addi %add3A_626, %add3A_632 : vector<16xi32>
      %gather3A_634 = tpu.vector_load_idx %arg6[%add3A_633] : memref<16392xf32, #tpu.memory_space<vmem>>[vector<16xi32>], vector<16xf32>,
      %sub3A_635 = arith.constant 1.000000e+00 : f32
      %sub3A_636 = vector.broadcast %sub3A_635 : f32 to vector<16xf32>
      %sub3A_637 = arith.subf %sub3A_636, %bitcast3A_629 : vector<16xf32>
      %mul3A_638 = arith.mulf %sub3A_637, %gather3A_630 : vector<16xf32>
      %mul3A_639 = arith.mulf %bitcast3A_629, %gather3A_634 : vector<16xf32>
      %add3A_640 = arith.addf %mul3A_638, %mul3A_639 : vector<16xf32>
      %add3A_641 = arith.constant 64 : i32
      %add3A_642 = arith.addi %mul3A_536, %add3A_641 : i32
      %swap3A_643 = arith.index_cast %add3A_642 : i32 to index
      %swap3A_644 = tpu.vector_load %arg11[%swap3A_643] {strides = array<i32>} : memref<4096xf32, #tpu.memory_space<vmem>>, vector<16xf32>,
      tpu.vector_store %arg11[%swap3A_643], %add3A_640 {strides = array<i32>} : memref<4096xf32, #tpu.memory_space<vmem>>, vector<16xf32>,
      %get3A_645 = arith.constant 80 : index
      %get3A_646 = tpu.vector_load %arg8[%get3A_645] {strides = array<i32>} : memref<2064xi32, #tpu.memory_space<vmem>>, vector<16xi32>,
      %add3A_647 = vector.broadcast %mul3A_534 : i32 to vector<16xi32>
      %add3A_648 = arith.addi %add3A_647, %get3A_646 : vector<16xi32>
      %get3A_649 = arith.constant 352 : index
      %get3A_650 = tpu.vector_load %arg8[%get3A_649] {strides = array<i32>} : memref<2064xi32, #tpu.memory_space<vmem>>, vector<16xi32>,
      %bitcast3A_651 = vector.bitcast %get3A_650 : vector<16xi32> to vector<16xf32>
      %gather3A_652 = tpu.vector_load_idx %arg6[%add3A_648] : memref<16392xf32, #tpu.memory_space<vmem>>[vector<16xi32>], vector<16xf32>,
      %add3A_653 = arith.constant 1 : i32
      %add3A_654 = vector.broadcast %add3A_653 : i32 to vector<16xi32>
      %add3A_655 = arith.addi %add3A_648, %add3A_654 : vector<16xi32>
      %gather3A_656 = tpu.vector_load_idx %arg6[%add3A_655] : memref<16392xf32, #tpu.memory_space<vmem>>[vector<16xi32>], vector<16xf32>,
      %sub3A_657 = arith.constant 1.000000e+00 : f32
      %sub3A_658 = vector.broadcast %sub3A_657 : f32 to vector<16xf32>
      %sub3A_659 = arith.subf %sub3A_658, %bitcast3A_651 : vector<16xf32>
      %mul3A_660 = arith.mulf %sub3A_659, %gather3A_652 : vector<16xf32>
      %mul3A_661 = arith.mulf %bitcast3A_651, %gather3A_656 : vector<16xf32>
      %add3A_662 = arith.addf %mul3A_660, %mul3A_661 : vector<16xf32>
      %add3A_663 = arith.constant 80 : i32
      %add3A_664 = arith.addi %mul3A_536, %add3A_663 : i32
      %swap3A_665 = arith.index_cast %add3A_664 : i32 to index
      %swap3A_666 = tpu.vector_load %arg11[%swap3A_665] {strides = array<i32>} : memref<4096xf32, #tpu.memory_space<vmem>>, vector<16xf32>,
      tpu.vector_store %arg11[%swap3A_665], %add3A_662 {strides = array<i32>} : memref<4096xf32, #tpu.memory_space<vmem>>, vector<16xf32>,
      %get3A_667 = arith.constant 96 : index
      %get3A_668 = tpu.vector_load %arg8[%get3A_667] {strides = array<i32>} : memref<2064xi32, #tpu.memory_space<vmem>>, vector<16xi32>,
      %add3A_669 = vector.broadcast %mul3A_534 : i32 to vector<16xi32>
      %add3A_670 = arith.addi %add3A_669, %get3A_668 : vector<16xi32>
      %get3A_671 = arith.constant 368 : index
      %get3A_672 = tpu.vector_load %arg8[%get3A_671] {strides = array<i32>} : memref<2064xi32, #tpu.memory_space<vmem>>, vector<16xi32>,
      %bitcast3A_673 = vector.bitcast %get3A_672 : vector<16xi32> to vector<16xf32>
      %gather3A_674 = tpu.vector_load_idx %arg6[%add3A_670] : memref<16392xf32, #tpu.memory_space<vmem>>[vector<16xi32>], vector<16xf32>,
      %add3A_675 = arith.constant 1 : i32
      %add3A_676 = vector.broadcast %add3A_675 : i32 to vector<16xi32>
      %add3A_677 = arith.addi %add3A_670, %add3A_676 : vector<16xi32>
      %gather3A_678 = tpu.vector_load_idx %arg6[%add3A_677] : memref<16392xf32, #tpu.memory_space<vmem>>[vector<16xi32>], vector<16xf32>,
      %sub3A_679 = arith.constant 1.000000e+00 : f32
      %sub3A_680 = vector.broadcast %sub3A_679 : f32 to vector<16xf32>
      %sub3A_681 = arith.subf %sub3A_680, %bitcast3A_673 : vector<16xf32>
      %mul3A_682 = arith.mulf %sub3A_681, %gather3A_674 : vector<16xf32>
      %mul3A_683 = arith.mulf %bitcast3A_673, %gather3A_678 : vector<16xf32>
      %add3A_684 = arith.addf %mul3A_682, %mul3A_683 : vector<16xf32>
      %add3A_685 = arith.constant 96 : i32
      %add3A_686 = arith.addi %mul3A_536, %add3A_685 : i32
      %swap3A_687 = arith.index_cast %add3A_686 : i32 to index
      %swap3A_688 = tpu.vector_load %arg11[%swap3A_687] {strides = array<i32>} : memref<4096xf32, #tpu.memory_space<vmem>>, vector<16xf32>,
      tpu.vector_store %arg11[%swap3A_687], %add3A_684 {strides = array<i32>} : memref<4096xf32, #tpu.memory_space<vmem>>, vector<16xf32>,
      %get3A_689 = arith.constant 112 : index
      %get3A_690 = tpu.vector_load %arg8[%get3A_689] {strides = array<i32>} : memref<2064xi32, #tpu.memory_space<vmem>>, vector<16xi32>,
      %add3A_691 = vector.broadcast %mul3A_534 : i32 to vector<16xi32>
      %add3A_692 = arith.addi %add3A_691, %get3A_690 : vector<16xi32>
      %get3A_693 = arith.constant 384 : index
      %get3A_694 = tpu.vector_load %arg8[%get3A_693] {strides = array<i32>} : memref<2064xi32, #tpu.memory_space<vmem>>, vector<16xi32>,
      %bitcast3A_695 = vector.bitcast %get3A_694 : vector<16xi32> to vector<16xf32>
      %gather3A_696 = tpu.vector_load_idx %arg6[%add3A_692] : memref<16392xf32, #tpu.memory_space<vmem>>[vector<16xi32>], vector<16xf32>,
      %add3A_697 = arith.constant 1 : i32
      %add3A_698 = vector.broadcast %add3A_697 : i32 to vector<16xi32>
      %add3A_699 = arith.addi %add3A_692, %add3A_698 : vector<16xi32>
      %gather3A_700 = tpu.vector_load_idx %arg6[%add3A_699] : memref<16392xf32, #tpu.memory_space<vmem>>[vector<16xi32>], vector<16xf32>,
      %sub3A_701 = arith.constant 1.000000e+00 : f32
      %sub3A_702 = vector.broadcast %sub3A_701 : f32 to vector<16xf32>
      %sub3A_703 = arith.subf %sub3A_702, %bitcast3A_695 : vector<16xf32>
      %mul3A_704 = arith.mulf %sub3A_703, %gather3A_696 : vector<16xf32>
      %mul3A_705 = arith.mulf %bitcast3A_695, %gather3A_700 : vector<16xf32>
      %add3A_706 = arith.addf %mul3A_704, %mul3A_705 : vector<16xf32>
      %add3A_707 = arith.constant 112 : i32
      %add3A_708 = arith.addi %mul3A_536, %add3A_707 : i32
      %swap3A_709 = arith.index_cast %add3A_708 : i32 to index
      %swap3A_710 = tpu.vector_load %arg11[%swap3A_709] {strides = array<i32>} : memref<4096xf32, #tpu.memory_space<vmem>>, vector<16xf32>,
      tpu.vector_store %arg11[%swap3A_709], %add3A_706 {strides = array<i32>} : memref<4096xf32, #tpu.memory_space<vmem>>, vector<16xf32>,
      %get3A_711 = arith.constant 128 : index
      %get3A_712 = tpu.vector_load %arg8[%get3A_711] {strides = array<i32>} : memref<2064xi32, #tpu.memory_space<vmem>>, vector<16xi32>,
      %add3A_713 = vector.broadcast %mul3A_534 : i32 to vector<16xi32>
      %add3A_714 = arith.addi %add3A_713, %get3A_712 : vector<16xi32>
      %get3A_715 = arith.constant 400 : index
      %get3A_716 = tpu.vector_load %arg8[%get3A_715] {strides = array<i32>} : memref<2064xi32, #tpu.memory_space<vmem>>, vector<16xi32>,
      %bitcast3A_717 = vector.bitcast %get3A_716 : vector<16xi32> to vector<16xf32>
      %gather3A_718 = tpu.vector_load_idx %arg6[%add3A_714] : memref<16392xf32, #tpu.memory_space<vmem>>[vector<16xi32>], vector<16xf32>,
      %add3A_719 = arith.constant 1 : i32
      %add3A_720 = vector.broadcast %add3A_719 : i32 to vector<16xi32>
      %add3A_721 = arith.addi %add3A_714, %add3A_720 : vector<16xi32>
      %gather3A_722 = tpu.vector_load_idx %arg6[%add3A_721] : memref<16392xf32, #tpu.memory_space<vmem>>[vector<16xi32>], vector<16xf32>,
      %sub3A_723 = arith.constant 1.000000e+00 : f32
      %sub3A_724 = vector.broadcast %sub3A_723 : f32 to vector<16xf32>
      %sub3A_725 = arith.subf %sub3A_724, %bitcast3A_717 : vector<16xf32>
      %mul3A_726 = arith.mulf %sub3A_725, %gather3A_718 : vector<16xf32>
      %mul3A_727 = arith.mulf %bitcast3A_717, %gather3A_722 : vector<16xf32>
      %add3A_728 = arith.addf %mul3A_726, %mul3A_727 : vector<16xf32>
      %add3A_729 = arith.constant 128 : i32
      %add3A_730 = arith.addi %mul3A_536, %add3A_729 : i32
      %swap3A_731 = arith.index_cast %add3A_730 : i32 to index
      %swap3A_732 = tpu.vector_load %arg11[%swap3A_731] {strides = array<i32>} : memref<4096xf32, #tpu.memory_space<vmem>>, vector<16xf32>,
      tpu.vector_store %arg11[%swap3A_731], %add3A_728 {strides = array<i32>} : memref<4096xf32, #tpu.memory_space<vmem>>, vector<16xf32>,
      %get3A_733 = arith.constant 144 : index
      %get3A_734 = tpu.vector_load %arg8[%get3A_733] {strides = array<i32>} : memref<2064xi32, #tpu.memory_space<vmem>>, vector<16xi32>,
      %add3A_735 = vector.broadcast %mul3A_534 : i32 to vector<16xi32>
      %add3A_736 = arith.addi %add3A_735, %get3A_734 : vector<16xi32>
      %get3A_737 = arith.constant 416 : index
      %get3A_738 = tpu.vector_load %arg8[%get3A_737] {strides = array<i32>} : memref<2064xi32, #tpu.memory_space<vmem>>, vector<16xi32>,
      %bitcast3A_739 = vector.bitcast %get3A_738 : vector<16xi32> to vector<16xf32>
      %gather3A_740 = tpu.vector_load_idx %arg6[%add3A_736] : memref<16392xf32, #tpu.memory_space<vmem>>[vector<16xi32>], vector<16xf32>,
      %add3A_741 = arith.constant 1 : i32
      %add3A_742 = vector.broadcast %add3A_741 : i32 to vector<16xi32>
      %add3A_743 = arith.addi %add3A_736, %add3A_742 : vector<16xi32>
      %gather3A_744 = tpu.vector_load_idx %arg6[%add3A_743] : memref<16392xf32, #tpu.memory_space<vmem>>[vector<16xi32>], vector<16xf32>,
      %sub3A_745 = arith.constant 1.000000e+00 : f32
      %sub3A_746 = vector.broadcast %sub3A_745 : f32 to vector<16xf32>
      %sub3A_747 = arith.subf %sub3A_746, %bitcast3A_739 : vector<16xf32>
      %mul3A_748 = arith.mulf %sub3A_747, %gather3A_740 : vector<16xf32>
      %mul3A_749 = arith.mulf %bitcast3A_739, %gather3A_744 : vector<16xf32>
      %add3A_750 = arith.addf %mul3A_748, %mul3A_749 : vector<16xf32>
      %add3A_751 = arith.constant 144 : i32
      %add3A_752 = arith.addi %mul3A_536, %add3A_751 : i32
      %swap3A_753 = arith.index_cast %add3A_752 : i32 to index
      %swap3A_754 = tpu.vector_load %arg11[%swap3A_753] {strides = array<i32>} : memref<4096xf32, #tpu.memory_space<vmem>>, vector<16xf32>,
      tpu.vector_store %arg11[%swap3A_753], %add3A_750 {strides = array<i32>} : memref<4096xf32, #tpu.memory_space<vmem>>, vector<16xf32>,
      %get3A_755 = arith.constant 160 : index
      %get3A_756 = tpu.vector_load %arg8[%get3A_755] {strides = array<i32>} : memref<2064xi32, #tpu.memory_space<vmem>>, vector<16xi32>,
      %add3A_757 = vector.broadcast %mul3A_534 : i32 to vector<16xi32>
      %add3A_758 = arith.addi %add3A_757, %get3A_756 : vector<16xi32>
      %get3A_759 = arith.constant 432 : index
      %get3A_760 = tpu.vector_load %arg8[%get3A_759] {strides = array<i32>} : memref<2064xi32, #tpu.memory_space<vmem>>, vector<16xi32>,
      %bitcast3A_761 = vector.bitcast %get3A_760 : vector<16xi32> to vector<16xf32>
      %gather3A_762 = tpu.vector_load_idx %arg6[%add3A_758] : memref<16392xf32, #tpu.memory_space<vmem>>[vector<16xi32>], vector<16xf32>,
      %add3A_763 = arith.constant 1 : i32
      %add3A_764 = vector.broadcast %add3A_763 : i32 to vector<16xi32>
      %add3A_765 = arith.addi %add3A_758, %add3A_764 : vector<16xi32>
      %gather3A_766 = tpu.vector_load_idx %arg6[%add3A_765] : memref<16392xf32, #tpu.memory_space<vmem>>[vector<16xi32>], vector<16xf32>,
      %sub3A_767 = arith.constant 1.000000e+00 : f32
      %sub3A_768 = vector.broadcast %sub3A_767 : f32 to vector<16xf32>
      %sub3A_769 = arith.subf %sub3A_768, %bitcast3A_761 : vector<16xf32>
      %mul3A_770 = arith.mulf %sub3A_769, %gather3A_762 : vector<16xf32>
      %mul3A_771 = arith.mulf %bitcast3A_761, %gather3A_766 : vector<16xf32>
      %add3A_772 = arith.addf %mul3A_770, %mul3A_771 : vector<16xf32>
      %add3A_773 = arith.constant 160 : i32
      %add3A_774 = arith.addi %mul3A_536, %add3A_773 : i32
      %swap3A_775 = arith.index_cast %add3A_774 : i32 to index
      %swap3A_776 = tpu.vector_load %arg11[%swap3A_775] {strides = array<i32>} : memref<4096xf32, #tpu.memory_space<vmem>>, vector<16xf32>,
      tpu.vector_store %arg11[%swap3A_775], %add3A_772 {strides = array<i32>} : memref<4096xf32, #tpu.memory_space<vmem>>, vector<16xf32>,
      %get3A_777 = arith.constant 176 : index
      %get3A_778 = tpu.vector_load %arg8[%get3A_777] {strides = array<i32>} : memref<2064xi32, #tpu.memory_space<vmem>>, vector<16xi32>,
      %add3A_779 = vector.broadcast %mul3A_534 : i32 to vector<16xi32>
      %add3A_780 = arith.addi %add3A_779, %get3A_778 : vector<16xi32>
      %get3A_781 = arith.constant 448 : index
      %get3A_782 = tpu.vector_load %arg8[%get3A_781] {strides = array<i32>} : memref<2064xi32, #tpu.memory_space<vmem>>, vector<16xi32>,
      %bitcast3A_783 = vector.bitcast %get3A_782 : vector<16xi32> to vector<16xf32>
      %gather3A_784 = tpu.vector_load_idx %arg6[%add3A_780] : memref<16392xf32, #tpu.memory_space<vmem>>[vector<16xi32>], vector<16xf32>,
      %add3A_785 = arith.constant 1 : i32
      %add3A_786 = vector.broadcast %add3A_785 : i32 to vector<16xi32>
      %add3A_787 = arith.addi %add3A_780, %add3A_786 : vector<16xi32>
      %gather3A_788 = tpu.vector_load_idx %arg6[%add3A_787] : memref<16392xf32, #tpu.memory_space<vmem>>[vector<16xi32>], vector<16xf32>,
      %sub3A_789 = arith.constant 1.000000e+00 : f32
      %sub3A_790 = vector.broadcast %sub3A_789 : f32 to vector<16xf32>
      %sub3A_791 = arith.subf %sub3A_790, %bitcast3A_783 : vector<16xf32>
      %mul3A_792 = arith.mulf %sub3A_791, %gather3A_784 : vector<16xf32>
      %mul3A_793 = arith.mulf %bitcast3A_783, %gather3A_788 : vector<16xf32>
      %add3A_794 = arith.addf %mul3A_792, %mul3A_793 : vector<16xf32>
      %add3A_795 = arith.constant 176 : i32
      %add3A_796 = arith.addi %mul3A_536, %add3A_795 : i32
      %swap3A_797 = arith.index_cast %add3A_796 : i32 to index
      %swap3A_798 = tpu.vector_load %arg11[%swap3A_797] {strides = array<i32>} : memref<4096xf32, #tpu.memory_space<vmem>>, vector<16xf32>,
      tpu.vector_store %arg11[%swap3A_797], %add3A_794 {strides = array<i32>} : memref<4096xf32, #tpu.memory_space<vmem>>, vector<16xf32>,
      %get3A_799 = arith.constant 192 : index
      %get3A_800 = tpu.vector_load %arg8[%get3A_799] {strides = array<i32>} : memref<2064xi32, #tpu.memory_space<vmem>>, vector<16xi32>,
      %add3A_801 = vector.broadcast %mul3A_534 : i32 to vector<16xi32>
      %add3A_802 = arith.addi %add3A_801, %get3A_800 : vector<16xi32>
      %get3A_803 = arith.constant 464 : index
      %get3A_804 = tpu.vector_load %arg8[%get3A_803] {strides = array<i32>} : memref<2064xi32, #tpu.memory_space<vmem>>, vector<16xi32>,
      %bitcast3A_805 = vector.bitcast %get3A_804 : vector<16xi32> to vector<16xf32>
      %gather3A_806 = tpu.vector_load_idx %arg6[%add3A_802] : memref<16392xf32, #tpu.memory_space<vmem>>[vector<16xi32>], vector<16xf32>,
      %add3A_807 = arith.constant 1 : i32
      %add3A_808 = vector.broadcast %add3A_807 : i32 to vector<16xi32>
      %add3A_809 = arith.addi %add3A_802, %add3A_808 : vector<16xi32>
      %gather3A_810 = tpu.vector_load_idx %arg6[%add3A_809] : memref<16392xf32, #tpu.memory_space<vmem>>[vector<16xi32>], vector<16xf32>,
      %sub3A_811 = arith.constant 1.000000e+00 : f32
      %sub3A_812 = vector.broadcast %sub3A_811 : f32 to vector<16xf32>
      %sub3A_813 = arith.subf %sub3A_812, %bitcast3A_805 : vector<16xf32>
      %mul3A_814 = arith.mulf %sub3A_813, %gather3A_806 : vector<16xf32>
      %mul3A_815 = arith.mulf %bitcast3A_805, %gather3A_810 : vector<16xf32>
      %add3A_816 = arith.addf %mul3A_814, %mul3A_815 : vector<16xf32>
      %add3A_817 = arith.constant 192 : i32
      %add3A_818 = arith.addi %mul3A_536, %add3A_817 : i32
      %swap3A_819 = arith.index_cast %add3A_818 : i32 to index
      %swap3A_820 = tpu.vector_load %arg11[%swap3A_819] {strides = array<i32>} : memref<4096xf32, #tpu.memory_space<vmem>>, vector<16xf32>,
      tpu.vector_store %arg11[%swap3A_819], %add3A_816 {strides = array<i32>} : memref<4096xf32, #tpu.memory_space<vmem>>, vector<16xf32>,
      %get3A_821 = arith.constant 208 : index
      %get3A_822 = tpu.vector_load %arg8[%get3A_821] {strides = array<i32>} : memref<2064xi32, #tpu.memory_space<vmem>>, vector<16xi32>,
      %add3A_823 = vector.broadcast %mul3A_534 : i32 to vector<16xi32>
      %add3A_824 = arith.addi %add3A_823, %get3A_822 : vector<16xi32>
      %get3A_825 = arith.constant 480 : index
      %get3A_826 = tpu.vector_load %arg8[%get3A_825] {strides = array<i32>} : memref<2064xi32, #tpu.memory_space<vmem>>, vector<16xi32>,
      %bitcast3A_827 = vector.bitcast %get3A_826 : vector<16xi32> to vector<16xf32>
      %gather3A_828 = tpu.vector_load_idx %arg6[%add3A_824] : memref<16392xf32, #tpu.memory_space<vmem>>[vector<16xi32>], vector<16xf32>,
      %add3A_829 = arith.constant 1 : i32
      %add3A_830 = vector.broadcast %add3A_829 : i32 to vector<16xi32>
      %add3A_831 = arith.addi %add3A_824, %add3A_830 : vector<16xi32>
      %gather3A_832 = tpu.vector_load_idx %arg6[%add3A_831] : memref<16392xf32, #tpu.memory_space<vmem>>[vector<16xi32>], vector<16xf32>,
      %sub3A_833 = arith.constant 1.000000e+00 : f32
      %sub3A_834 = vector.broadcast %sub3A_833 : f32 to vector<16xf32>
      %sub3A_835 = arith.subf %sub3A_834, %bitcast3A_827 : vector<16xf32>
      %mul3A_836 = arith.mulf %sub3A_835, %gather3A_828 : vector<16xf32>
      %mul3A_837 = arith.mulf %bitcast3A_827, %gather3A_832 : vector<16xf32>
      %add3A_838 = arith.addf %mul3A_836, %mul3A_837 : vector<16xf32>
      %add3A_839 = arith.constant 208 : i32
      %add3A_840 = arith.addi %mul3A_536, %add3A_839 : i32
      %swap3A_841 = arith.index_cast %add3A_840 : i32 to index
      %swap3A_842 = tpu.vector_load %arg11[%swap3A_841] {strides = array<i32>} : memref<4096xf32, #tpu.memory_space<vmem>>, vector<16xf32>,
      tpu.vector_store %arg11[%swap3A_841], %add3A_838 {strides = array<i32>} : memref<4096xf32, #tpu.memory_space<vmem>>, vector<16xf32>,
      %get3A_843 = arith.constant 224 : index
      %get3A_844 = tpu.vector_load %arg8[%get3A_843] {strides = array<i32>} : memref<2064xi32, #tpu.memory_space<vmem>>, vector<16xi32>,
      %add3A_845 = vector.broadcast %mul3A_534 : i32 to vector<16xi32>
      %add3A_846 = arith.addi %add3A_845, %get3A_844 : vector<16xi32>
      %get3A_847 = arith.constant 496 : index
      %get3A_848 = tpu.vector_load %arg8[%get3A_847] {strides = array<i32>} : memref<2064xi32, #tpu.memory_space<vmem>>, vector<16xi32>,
      %bitcast3A_849 = vector.bitcast %get3A_848 : vector<16xi32> to vector<16xf32>
      %gather3A_850 = tpu.vector_load_idx %arg6[%add3A_846] : memref<16392xf32, #tpu.memory_space<vmem>>[vector<16xi32>], vector<16xf32>,
      %add3A_851 = arith.constant 1 : i32
      %add3A_852 = vector.broadcast %add3A_851 : i32 to vector<16xi32>
      %add3A_853 = arith.addi %add3A_846, %add3A_852 : vector<16xi32>
      %gather3A_854 = tpu.vector_load_idx %arg6[%add3A_853] : memref<16392xf32, #tpu.memory_space<vmem>>[vector<16xi32>], vector<16xf32>,
      %sub3A_855 = arith.constant 1.000000e+00 : f32
      %sub3A_856 = vector.broadcast %sub3A_855 : f32 to vector<16xf32>
      %sub3A_857 = arith.subf %sub3A_856, %bitcast3A_849 : vector<16xf32>
      %mul3A_858 = arith.mulf %sub3A_857, %gather3A_850 : vector<16xf32>
      %mul3A_859 = arith.mulf %bitcast3A_849, %gather3A_854 : vector<16xf32>
      %add3A_860 = arith.addf %mul3A_858, %mul3A_859 : vector<16xf32>
      %add3A_861 = arith.constant 224 : i32
      %add3A_862 = arith.addi %mul3A_536, %add3A_861 : i32
      %swap3A_863 = arith.index_cast %add3A_862 : i32 to index
      %swap3A_864 = tpu.vector_load %arg11[%swap3A_863] {strides = array<i32>} : memref<4096xf32, #tpu.memory_space<vmem>>, vector<16xf32>,
      tpu.vector_store %arg11[%swap3A_863], %add3A_860 {strides = array<i32>} : memref<4096xf32, #tpu.memory_space<vmem>>, vector<16xf32>,
      %get3A_865 = arith.constant 240 : index
      %get3A_866 = tpu.vector_load %arg8[%get3A_865] {strides = array<i32>} : memref<2064xi32, #tpu.memory_space<vmem>>, vector<16xi32>,
      %add3A_867 = vector.broadcast %mul3A_534 : i32 to vector<16xi32>
      %add3A_868 = arith.addi %add3A_867, %get3A_866 : vector<16xi32>
      %get3A_869 = arith.constant 512 : index
      %get3A_870 = tpu.vector_load %arg8[%get3A_869] {strides = array<i32>} : memref<2064xi32, #tpu.memory_space<vmem>>, vector<16xi32>,
      %bitcast3A_871 = vector.bitcast %get3A_870 : vector<16xi32> to vector<16xf32>
      %gather3A_872 = tpu.vector_load_idx %arg6[%add3A_868] : memref<16392xf32, #tpu.memory_space<vmem>>[vector<16xi32>], vector<16xf32>,
      %add3A_873 = arith.constant 1 : i32
      %add3A_874 = vector.broadcast %add3A_873 : i32 to vector<16xi32>
      %add3A_875 = arith.addi %add3A_868, %add3A_874 : vector<16xi32>
      %gather3A_876 = tpu.vector_load_idx %arg6[%add3A_875] : memref<16392xf32, #tpu.memory_space<vmem>>[vector<16xi32>], vector<16xf32>,
      %sub3A_877 = arith.constant 1.000000e+00 : f32
      %sub3A_878 = vector.broadcast %sub3A_877 : f32 to vector<16xf32>
      %sub3A_879 = arith.subf %sub3A_878, %bitcast3A_871 : vector<16xf32>
      %mul3A_880 = arith.mulf %sub3A_879, %gather3A_872 : vector<16xf32>
      %mul3A_881 = arith.mulf %bitcast3A_871, %gather3A_876 : vector<16xf32>
      %add3A_882 = arith.addf %mul3A_880, %mul3A_881 : vector<16xf32>
      %add3A_883 = arith.constant 240 : i32
      %add3A_884 = arith.addi %mul3A_536, %add3A_883 : i32
      %swap3A_885 = arith.index_cast %add3A_884 : i32 to index
      %swap3A_886 = tpu.vector_load %arg11[%swap3A_885] {strides = array<i32>} : memref<4096xf32, #tpu.memory_space<vmem>>, vector<16xf32>,
      tpu.vector_store %arg11[%swap3A_885], %add3A_882 {strides = array<i32>} : memref<4096xf32, #tpu.memory_space<vmem>>, vector<16xf32>,
      %get3A_887 = arith.constant 256 : index
      %get3A_888 = tpu.vector_load %arg8[%get3A_887] {strides = array<i32>} : memref<2064xi32, #tpu.memory_space<vmem>>, vector<16xi32>,
      %add3A_889 = vector.broadcast %mul3A_534 : i32 to vector<16xi32>
      %add3A_890 = arith.addi %add3A_889, %get3A_888 : vector<16xi32>
      %get3A_891 = arith.constant 528 : index
      %get3A_892 = tpu.vector_load %arg8[%get3A_891] {strides = array<i32>} : memref<2064xi32, #tpu.memory_space<vmem>>, vector<16xi32>,
      %bitcast3A_893 = vector.bitcast %get3A_892 : vector<16xi32> to vector<16xf32>
      %gather3A_894 = tpu.vector_load_idx %arg6[%add3A_890] : memref<16392xf32, #tpu.memory_space<vmem>>[vector<16xi32>], vector<16xf32>,
      %add3A_895 = arith.constant 1 : i32
      %add3A_896 = vector.broadcast %add3A_895 : i32 to vector<16xi32>
      %add3A_897 = arith.addi %add3A_890, %add3A_896 : vector<16xi32>
      %gather3A_898 = tpu.vector_load_idx %arg6[%add3A_897] : memref<16392xf32, #tpu.memory_space<vmem>>[vector<16xi32>], vector<16xf32>,
      %sub3A_899 = arith.constant 1.000000e+00 : f32
      %sub3A_900 = vector.broadcast %sub3A_899 : f32 to vector<16xf32>
      %sub3A_901 = arith.subf %sub3A_900, %bitcast3A_893 : vector<16xf32>
      %mul3A_902 = arith.mulf %sub3A_901, %gather3A_894 : vector<16xf32>
      %mul3A_903 = arith.mulf %bitcast3A_893, %gather3A_898 : vector<16xf32>
      %add3A_904 = arith.addf %mul3A_902, %mul3A_903 : vector<16xf32>
      %add3A_905 = arith.constant 256 : i32
      %add3A_906 = arith.addi %mul3A_536, %add3A_905 : i32
      %swap3A_907 = arith.index_cast %add3A_906 : i32 to index
      %swap3A_908 = tpu.vector_load %arg11[%swap3A_907] {strides = array<i32>} : memref<4096xf32, #tpu.memory_space<vmem>>, vector<16xf32>,
      tpu.vector_store %arg11[%swap3A_907], %add3A_904 {strides = array<i32>} : memref<4096xf32, #tpu.memory_space<vmem>>, vector<16xf32>,
      %get3A_909 = arith.constant 544 : index
      %get3A_910 = tpu.vector_load %arg8[%get3A_909] {strides = array<i32>} : memref<2064xi32, #tpu.memory_space<vmem>>, vector<16xi32>,
      %bitcast3A_911 = vector.bitcast %get3A_910 : vector<16xi32> to vector<16xf32>
      %convert_element_type3A = arith.fptosi %bitcast3A_911 : vector<16xf32> to vector<16xi32>
      %convert_element_type3A_912 = arith.sitofp %convert_element_type3A : vector<16xi32> to vector<16xf32>
      %sub3A_913 = arith.subf %bitcast3A_911, %convert_element_type3A_912 : vector<16xf32>
      %add3A_914 = vector.broadcast %mul3A_534 : i32 to vector<16xi32>
      %add3A_915 = arith.addi %add3A_914, %convert_element_type3A : vector<16xi32>
      %sub3A_916 = arith.constant 1 : i32
      %sub3A_917 = vector.broadcast %sub3A_916 : i32 to vector<16xi32>
      %sub3A_918 = arith.subi %add3A_915, %sub3A_917 : vector<16xi32>
      %gather3A_919 = tpu.vector_load_idx %arg6[%sub3A_918] : memref<16392xf32, #tpu.memory_space<vmem>>[vector<16xi32>], vector<16xf32>,
      %gather3A_920 = tpu.vector_load_idx %arg6[%add3A_915] : memref<16392xf32, #tpu.memory_space<vmem>>[vector<16xi32>], vector<16xf32>,
      %add3A_921 = arith.constant 1 : i32
      %add3A_922 = vector.broadcast %add3A_921 : i32 to vector<16xi32>
      %add3A_923 = arith.addi %add3A_915, %add3A_922 : vector<16xi32>
      %gather3A_924 = tpu.vector_load_idx %arg6[%add3A_923] : memref<16392xf32, #tpu.memory_space<vmem>>[vector<16xi32>], vector<16xf32>,
      %add3A_925 = arith.constant 2 : i32
      %add3A_926 = vector.broadcast %add3A_925 : i32 to vector<16xi32>
      %add3A_927 = arith.addi %add3A_915, %add3A_926 : vector<16xi32>
      %gather3A_928 = tpu.vector_load_idx %arg6[%add3A_927] : memref<16392xf32, #tpu.memory_space<vmem>>[vector<16xi32>], vector<16xf32>,
      %mul3A_929 = arith.constant -5.000000e-01 : f32
      %mul3A_930 = vector.broadcast %mul3A_929 : f32 to vector<16xf32>
      %mul3A_931 = arith.mulf %mul3A_930, %gather3A_919 : vector<16xf32>
      %mul3A_932 = arith.constant 1.500000e+00 : f32
      %mul3A_933 = vector.broadcast %mul3A_932 : f32 to vector<16xf32>
      %mul3A_934 = arith.mulf %mul3A_933, %gather3A_920 : vector<16xf32>
      %add3A_935 = arith.addf %mul3A_931, %mul3A_934 : vector<16xf32>
      %mul3A_936 = arith.constant 1.500000e+00 : f32
      %mul3A_937 = vector.broadcast %mul3A_936 : f32 to vector<16xf32>
      %mul3A_938 = arith.mulf %mul3A_937, %gather3A_924 : vector<16xf32>
      %sub3A_939 = arith.subf %add3A_935, %mul3A_938 : vector<16xf32>
      %mul3A_940 = arith.constant 5.000000e-01 : f32
      %mul3A_941 = vector.broadcast %mul3A_940 : f32 to vector<16xf32>
      %mul3A_942 = arith.mulf %mul3A_941, %gather3A_928 : vector<16xf32>
      %add3A_943 = arith.addf %sub3A_939, %mul3A_942 : vector<16xf32>
      %mul3A_944 = arith.constant 2.500000e+00 : f32
      %mul3A_945 = vector.broadcast %mul3A_944 : f32 to vector<16xf32>
      %mul3A_946 = arith.mulf %mul3A_945, %gather3A_920 : vector<16xf32>
      %sub3A_947 = arith.subf %gather3A_919, %mul3A_946 : vector<16xf32>
      %mul3A_948 = arith.constant 2.000000e+00 : f32
      %mul3A_949 = vector.broadcast %mul3A_948 : f32 to vector<16xf32>
      %mul3A_950 = arith.mulf %mul3A_949, %gather3A_924 : vector<16xf32>
      %add3A_951 = arith.addf %sub3A_947, %mul3A_950 : vector<16xf32>
      %mul3A_952 = arith.constant 5.000000e-01 : f32
      %mul3A_953 = vector.broadcast %mul3A_952 : f32 to vector<16xf32>
      %mul3A_954 = arith.mulf %mul3A_953, %gather3A_928 : vector<16xf32>
      %sub3A_955 = arith.subf %add3A_951, %mul3A_954 : vector<16xf32>
      %mul3A_956 = arith.constant -5.000000e-01 : f32
      %mul3A_957 = vector.broadcast %mul3A_956 : f32 to vector<16xf32>
      %mul3A_958 = arith.mulf %mul3A_957, %gather3A_919 : vector<16xf32>
      %mul3A_959 = arith.constant 5.000000e-01 : f32
      %mul3A_960 = vector.broadcast %mul3A_959 : f32 to vector<16xf32>
      %mul3A_961 = arith.mulf %mul3A_960, %gather3A_924 : vector<16xf32>
      %add3A_962 = arith.addf %mul3A_958, %mul3A_961 : vector<16xf32>
      %mul3A_963 = arith.mulf %add3A_943, %sub3A_913 : vector<16xf32>
      %add3A_964 = arith.addf %mul3A_963, %sub3A_955 : vector<16xf32>
      %mul3A_965 = arith.mulf %add3A_964, %sub3A_913 : vector<16xf32>
      %add3A_966 = arith.addf %mul3A_965, %add3A_962 : vector<16xf32>
      %mul3A_967 = arith.mulf %add3A_966, %sub3A_913 : vector<16xf32>
      %add3A_968 = arith.addf %mul3A_967, %gather3A_920 : vector<16xf32>
      %lt3A = arith.constant 53 : i32
      %lt3A_969 = vector.broadcast %lt3A : i32 to vector<16xi32>
      %lt3A_970 = arith.cmpi slt, %iota3A, %lt3A_969 : vector<16xi32>
      %add3A_971 = arith.constant 266 : i32
      %add3A_972 = arith.addi %mul3A_536, %add3A_971 : i32
      %add3A_973 = arith.constant 0 : i32
      %add3A_974 = arith.addi %add3A_972, %add3A_973 : i32
      %add3A_975 = vector.broadcast %add3A_974 : i32 to vector<16xi32>
      %add3A_976 = arith.addi %iota3A, %add3A_975 : vector<16xi32>
      tpu.vector_store_idx %arg11[%add3A_976], %add3A_968 masked %lt3A_970 : memref<4096xf32, #tpu.memory_space<vmem>>[vector<16xi32>], vector<16xf32>, vector<16xi1>
      %get3A_977 = arith.constant 560 : index
      %get3A_978 = tpu.vector_load %arg8[%get3A_977] {strides = array<i32>} : memref<2064xi32, #tpu.memory_space<vmem>>, vector<16xi32>,
      %bitcast3A_979 = vector.bitcast %get3A_978 : vector<16xi32> to vector<16xf32>
      %convert_element_type3A_980 = arith.fptosi %bitcast3A_979 : vector<16xf32> to vector<16xi32>
      %convert_element_type3A_981 = arith.sitofp %convert_element_type3A_980 : vector<16xi32> to vector<16xf32>
      %sub3A_982 = arith.subf %bitcast3A_979, %convert_element_type3A_981 : vector<16xf32>
      %add3A_983 = vector.broadcast %mul3A_534 : i32 to vector<16xi32>
      %add3A_984 = arith.addi %add3A_983, %convert_element_type3A_980 : vector<16xi32>
      %sub3A_985 = arith.constant 1 : i32
      %sub3A_986 = vector.broadcast %sub3A_985 : i32 to vector<16xi32>
      %sub3A_987 = arith.subi %add3A_984, %sub3A_986 : vector<16xi32>
      %gather3A_988 = tpu.vector_load_idx %arg6[%sub3A_987] : memref<16392xf32, #tpu.memory_space<vmem>>[vector<16xi32>], vector<16xf32>,
      %gather3A_989 = tpu.vector_load_idx %arg6[%add3A_984] : memref<16392xf32, #tpu.memory_space<vmem>>[vector<16xi32>], vector<16xf32>,
      %add3A_990 = arith.constant 1 : i32
      %add3A_991 = vector.broadcast %add3A_990 : i32 to vector<16xi32>
      %add3A_992 = arith.addi %add3A_984, %add3A_991 : vector<16xi32>
      %gather3A_993 = tpu.vector_load_idx %arg6[%add3A_992] : memref<16392xf32, #tpu.memory_space<vmem>>[vector<16xi32>], vector<16xf32>,
      %add3A_994 = arith.constant 2 : i32
      %add3A_995 = vector.broadcast %add3A_994 : i32 to vector<16xi32>
      %add3A_996 = arith.addi %add3A_984, %add3A_995 : vector<16xi32>
      %gather3A_997 = tpu.vector_load_idx %arg6[%add3A_996] : memref<16392xf32, #tpu.memory_space<vmem>>[vector<16xi32>], vector<16xf32>,
      %mul3A_998 = arith.constant -5.000000e-01 : f32
      %mul3A_999 = vector.broadcast %mul3A_998 : f32 to vector<16xf32>
      %mul3A_1000 = arith.mulf %mul3A_999, %gather3A_988 : vector<16xf32>
      %mul3A_1001 = arith.constant 1.500000e+00 : f32
      %mul3A_1002 = vector.broadcast %mul3A_1001 : f32 to vector<16xf32>
      %mul3A_1003 = arith.mulf %mul3A_1002, %gather3A_989 : vector<16xf32>
      %add3A_1004 = arith.addf %mul3A_1000, %mul3A_1003 : vector<16xf32>
      %mul3A_1005 = arith.constant 1.500000e+00 : f32
      %mul3A_1006 = vector.broadcast %mul3A_1005 : f32 to vector<16xf32>
      %mul3A_1007 = arith.mulf %mul3A_1006, %gather3A_993 : vector<16xf32>
      %sub3A_1008 = arith.subf %add3A_1004, %mul3A_1007 : vector<16xf32>
      %mul3A_1009 = arith.constant 5.000000e-01 : f32
      %mul3A_1010 = vector.broadcast %mul3A_1009 : f32 to vector<16xf32>
      %mul3A_1011 = arith.mulf %mul3A_1010, %gather3A_997 : vector<16xf32>
      %add3A_1012 = arith.addf %sub3A_1008, %mul3A_1011 : vector<16xf32>
      %mul3A_1013 = arith.constant 2.500000e+00 : f32
      %mul3A_1014 = vector.broadcast %mul3A_1013 : f32 to vector<16xf32>
      %mul3A_1015 = arith.mulf %mul3A_1014, %gather3A_989 : vector<16xf32>
      %sub3A_1016 = arith.subf %gather3A_988, %mul3A_1015 : vector<16xf32>
      %mul3A_1017 = arith.constant 2.000000e+00 : f32
      %mul3A_1018 = vector.broadcast %mul3A_1017 : f32 to vector<16xf32>
      %mul3A_1019 = arith.mulf %mul3A_1018, %gather3A_993 : vector<16xf32>
      %add3A_1020 = arith.addf %sub3A_1016, %mul3A_1019 : vector<16xf32>
      %mul3A_1021 = arith.constant 5.000000e-01 : f32
      %mul3A_1022 = vector.broadcast %mul3A_1021 : f32 to vector<16xf32>
      %mul3A_1023 = arith.mulf %mul3A_1022, %gather3A_997 : vector<16xf32>
      %sub3A_1024 = arith.subf %add3A_1020, %mul3A_1023 : vector<16xf32>
      %mul3A_1025 = arith.constant -5.000000e-01 : f32
      %mul3A_1026 = vector.broadcast %mul3A_1025 : f32 to vector<16xf32>
      %mul3A_1027 = arith.mulf %mul3A_1026, %gather3A_988 : vector<16xf32>
      %mul3A_1028 = arith.constant 5.000000e-01 : f32
      %mul3A_1029 = vector.broadcast %mul3A_1028 : f32 to vector<16xf32>
      %mul3A_1030 = arith.mulf %mul3A_1029, %gather3A_993 : vector<16xf32>
      %add3A_1031 = arith.addf %mul3A_1027, %mul3A_1030 : vector<16xf32>
      %mul3A_1032 = arith.mulf %add3A_1012, %sub3A_982 : vector<16xf32>
      %add3A_1033 = arith.addf %mul3A_1032, %sub3A_1024 : vector<16xf32>
      %mul3A_1034 = arith.mulf %add3A_1033, %sub3A_982 : vector<16xf32>
      %add3A_1035 = arith.addf %mul3A_1034, %add3A_1031 : vector<16xf32>
      %mul3A_1036 = arith.mulf %add3A_1035, %sub3A_982 : vector<16xf32>
      %add3A_1037 = arith.addf %mul3A_1036, %gather3A_989 : vector<16xf32>
      %lt3A_1038 = arith.constant 37 : i32
      %lt3A_1039 = vector.broadcast %lt3A_1038 : i32 to vector<16xi32>
      %lt3A_1040 = arith.cmpi slt, %iota3A, %lt3A_1039 : vector<16xi32>
      %add3A_1041 = arith.constant 266 : i32
      %add3A_1042 = arith.addi %mul3A_536, %add3A_1041 : i32
      %add3A_1043 = arith.constant 16 : i32
      %add3A_1044 = arith.addi %add3A_1042, %add3A_1043 : i32
      %add3A_1045 = vector.broadcast %add3A_1044 : i32 to vector<16xi32>
      %add3A_1046 = arith.addi %iota3A, %add3A_1045 : vector<16xi32>
      tpu.vector_store_idx %arg11[%add3A_1046], %add3A_1037 masked %lt3A_1040 : memref<4096xf32, #tpu.memory_space<vmem>>[vector<16xi32>], vector<16xf32>, vector<16xi1>
      %get3A_1047 = arith.constant 576 : index
      %get3A_1048 = tpu.vector_load %arg8[%get3A_1047] {strides = array<i32>} : memref<2064xi32, #tpu.memory_space<vmem>>, vector<16xi32>,
      %bitcast3A_1049 = vector.bitcast %get3A_1048 : vector<16xi32> to vector<16xf32>
      %convert_element_type3A_1050 = arith.fptosi %bitcast3A_1049 : vector<16xf32> to vector<16xi32>
      %convert_element_type3A_1051 = arith.sitofp %convert_element_type3A_1050 : vector<16xi32> to vector<16xf32>
      %sub3A_1052 = arith.subf %bitcast3A_1049, %convert_element_type3A_1051 : vector<16xf32>
      %add3A_1053 = vector.broadcast %mul3A_534 : i32 to vector<16xi32>
      %add3A_1054 = arith.addi %add3A_1053, %convert_element_type3A_1050 : vector<16xi32>
      %sub3A_1055 = arith.constant 1 : i32
      %sub3A_1056 = vector.broadcast %sub3A_1055 : i32 to vector<16xi32>
      %sub3A_1057 = arith.subi %add3A_1054, %sub3A_1056 : vector<16xi32>
      %gather3A_1058 = tpu.vector_load_idx %arg6[%sub3A_1057] : memref<16392xf32, #tpu.memory_space<vmem>>[vector<16xi32>], vector<16xf32>,
      %gather3A_1059 = tpu.vector_load_idx %arg6[%add3A_1054] : memref<16392xf32, #tpu.memory_space<vmem>>[vector<16xi32>], vector<16xf32>,
      %add3A_1060 = arith.constant 1 : i32
      %add3A_1061 = vector.broadcast %add3A_1060 : i32 to vector<16xi32>
      %add3A_1062 = arith.addi %add3A_1054, %add3A_1061 : vector<16xi32>
      %gather3A_1063 = tpu.vector_load_idx %arg6[%add3A_1062] : memref<16392xf32, #tpu.memory_space<vmem>>[vector<16xi32>], vector<16xf32>,
      %add3A_1064 = arith.constant 2 : i32
      %add3A_1065 = vector.broadcast %add3A_1064 : i32 to vector<16xi32>
      %add3A_1066 = arith.addi %add3A_1054, %add3A_1065 : vector<16xi32>
      %gather3A_1067 = tpu.vector_load_idx %arg6[%add3A_1066] : memref<16392xf32, #tpu.memory_space<vmem>>[vector<16xi32>], vector<16xf32>,
      %mul3A_1068 = arith.constant -5.000000e-01 : f32
      %mul3A_1069 = vector.broadcast %mul3A_1068 : f32 to vector<16xf32>
      %mul3A_1070 = arith.mulf %mul3A_1069, %gather3A_1058 : vector<16xf32>
      %mul3A_1071 = arith.constant 1.500000e+00 : f32
      %mul3A_1072 = vector.broadcast %mul3A_1071 : f32 to vector<16xf32>
      %mul3A_1073 = arith.mulf %mul3A_1072, %gather3A_1059 : vector<16xf32>
      %add3A_1074 = arith.addf %mul3A_1070, %mul3A_1073 : vector<16xf32>
      %mul3A_1075 = arith.constant 1.500000e+00 : f32
      %mul3A_1076 = vector.broadcast %mul3A_1075 : f32 to vector<16xf32>
      %mul3A_1077 = arith.mulf %mul3A_1076, %gather3A_1063 : vector<16xf32>
      %sub3A_1078 = arith.subf %add3A_1074, %mul3A_1077 : vector<16xf32>
      %mul3A_1079 = arith.constant 5.000000e-01 : f32
      %mul3A_1080 = vector.broadcast %mul3A_1079 : f32 to vector<16xf32>
      %mul3A_1081 = arith.mulf %mul3A_1080, %gather3A_1067 : vector<16xf32>
      %add3A_1082 = arith.addf %sub3A_1078, %mul3A_1081 : vector<16xf32>
      %mul3A_1083 = arith.constant 2.500000e+00 : f32
      %mul3A_1084 = vector.broadcast %mul3A_1083 : f32 to vector<16xf32>
      %mul3A_1085 = arith.mulf %mul3A_1084, %gather3A_1059 : vector<16xf32>
      %sub3A_1086 = arith.subf %gather3A_1058, %mul3A_1085 : vector<16xf32>
      %mul3A_1087 = arith.constant 2.000000e+00 : f32
      %mul3A_1088 = vector.broadcast %mul3A_1087 : f32 to vector<16xf32>
      %mul3A_1089 = arith.mulf %mul3A_1088, %gather3A_1063 : vector<16xf32>
      %add3A_1090 = arith.addf %sub3A_1086, %mul3A_1089 : vector<16xf32>
      %mul3A_1091 = arith.constant 5.000000e-01 : f32
      %mul3A_1092 = vector.broadcast %mul3A_1091 : f32 to vector<16xf32>
      %mul3A_1093 = arith.mulf %mul3A_1092, %gather3A_1067 : vector<16xf32>
      %sub3A_1094 = arith.subf %add3A_1090, %mul3A_1093 : vector<16xf32>
      %mul3A_1095 = arith.constant -5.000000e-01 : f32
      %mul3A_1096 = vector.broadcast %mul3A_1095 : f32 to vector<16xf32>
      %mul3A_1097 = arith.mulf %mul3A_1096, %gather3A_1058 : vector<16xf32>
      %mul3A_1098 = arith.constant 5.000000e-01 : f32
      %mul3A_1099 = vector.broadcast %mul3A_1098 : f32 to vector<16xf32>
      %mul3A_1100 = arith.mulf %mul3A_1099, %gather3A_1063 : vector<16xf32>
      %add3A_1101 = arith.addf %mul3A_1097, %mul3A_1100 : vector<16xf32>
      %mul3A_1102 = arith.mulf %add3A_1082, %sub3A_1052 : vector<16xf32>
      %add3A_1103 = arith.addf %mul3A_1102, %sub3A_1094 : vector<16xf32>
      %mul3A_1104 = arith.mulf %add3A_1103, %sub3A_1052 : vector<16xf32>
      %add3A_1105 = arith.addf %mul3A_1104, %add3A_1101 : vector<16xf32>
      %mul3A_1106 = arith.mulf %add3A_1105, %sub3A_1052 : vector<16xf32>
      %add3A_1107 = arith.addf %mul3A_1106, %gather3A_1059 : vector<16xf32>
      %lt3A_1108 = arith.constant 21 : i32
      %lt3A_1109 = vector.broadcast %lt3A_1108 : i32 to vector<16xi32>
      %lt3A_1110 = arith.cmpi slt, %iota3A, %lt3A_1109 : vector<16xi32>
      %add3A_1111 = arith.constant 266 : i32
      %add3A_1112 = arith.addi %mul3A_536, %add3A_1111 : i32
      %add3A_1113 = arith.constant 32 : i32
      %add3A_1114 = arith.addi %add3A_1112, %add3A_1113 : i32
      %add3A_1115 = vector.broadcast %add3A_1114 : i32 to vector<16xi32>
      %add3A_1116 = arith.addi %iota3A, %add3A_1115 : vector<16xi32>
      tpu.vector_store_idx %arg11[%add3A_1116], %add3A_1107 masked %lt3A_1110 : memref<4096xf32, #tpu.memory_space<vmem>>[vector<16xi32>], vector<16xf32>, vector<16xi1>
      %get3A_1117 = arith.constant 592 : index
      %get3A_1118 = tpu.vector_load %arg8[%get3A_1117] {strides = array<i32>} : memref<2064xi32, #tpu.memory_space<vmem>>, vector<16xi32>,
      %bitcast3A_1119 = vector.bitcast %get3A_1118 : vector<16xi32> to vector<16xf32>
      %convert_element_type3A_1120 = arith.fptosi %bitcast3A_1119 : vector<16xf32> to vector<16xi32>
      %convert_element_type3A_1121 = arith.sitofp %convert_element_type3A_1120 : vector<16xi32> to vector<16xf32>
      %sub3A_1122 = arith.subf %bitcast3A_1119, %convert_element_type3A_1121 : vector<16xf32>
      %add3A_1123 = vector.broadcast %mul3A_534 : i32 to vector<16xi32>
      %add3A_1124 = arith.addi %add3A_1123, %convert_element_type3A_1120 : vector<16xi32>
      %sub3A_1125 = arith.constant 1 : i32
      %sub3A_1126 = vector.broadcast %sub3A_1125 : i32 to vector<16xi32>
      %sub3A_1127 = arith.subi %add3A_1124, %sub3A_1126 : vector<16xi32>
      %gather3A_1128 = tpu.vector_load_idx %arg6[%sub3A_1127] : memref<16392xf32, #tpu.memory_space<vmem>>[vector<16xi32>], vector<16xf32>,
      %gather3A_1129 = tpu.vector_load_idx %arg6[%add3A_1124] : memref<16392xf32, #tpu.memory_space<vmem>>[vector<16xi32>], vector<16xf32>,
      %add3A_1130 = arith.constant 1 : i32
      %add3A_1131 = vector.broadcast %add3A_1130 : i32 to vector<16xi32>
      %add3A_1132 = arith.addi %add3A_1124, %add3A_1131 : vector<16xi32>
      %gather3A_1133 = tpu.vector_load_idx %arg6[%add3A_1132] : memref<16392xf32, #tpu.memory_space<vmem>>[vector<16xi32>], vector<16xf32>,
      %add3A_1134 = arith.constant 2 : i32
      %add3A_1135 = vector.broadcast %add3A_1134 : i32 to vector<16xi32>
      %add3A_1136 = arith.addi %add3A_1124, %add3A_1135 : vector<16xi32>
      %gather3A_1137 = tpu.vector_load_idx %arg6[%add3A_1136] : memref<16392xf32, #tpu.memory_space<vmem>>[vector<16xi32>], vector<16xf32>,
      %mul3A_1138 = arith.constant -5.000000e-01 : f32
      %mul3A_1139 = vector.broadcast %mul3A_1138 : f32 to vector<16xf32>
      %mul3A_1140 = arith.mulf %mul3A_1139, %gather3A_1128 : vector<16xf32>
      %mul3A_1141 = arith.constant 1.500000e+00 : f32
      %mul3A_1142 = vector.broadcast %mul3A_1141 : f32 to vector<16xf32>
      %mul3A_1143 = arith.mulf %mul3A_1142, %gather3A_1129 : vector<16xf32>
      %add3A_1144 = arith.addf %mul3A_1140, %mul3A_1143 : vector<16xf32>
      %mul3A_1145 = arith.constant 1.500000e+00 : f32
      %mul3A_1146 = vector.broadcast %mul3A_1145 : f32 to vector<16xf32>
      %mul3A_1147 = arith.mulf %mul3A_1146, %gather3A_1133 : vector<16xf32>
      %sub3A_1148 = arith.subf %add3A_1144, %mul3A_1147 : vector<16xf32>
      %mul3A_1149 = arith.constant 5.000000e-01 : f32
      %mul3A_1150 = vector.broadcast %mul3A_1149 : f32 to vector<16xf32>
      %mul3A_1151 = arith.mulf %mul3A_1150, %gather3A_1137 : vector<16xf32>
      %add3A_1152 = arith.addf %sub3A_1148, %mul3A_1151 : vector<16xf32>
      %mul3A_1153 = arith.constant 2.500000e+00 : f32
      %mul3A_1154 = vector.broadcast %mul3A_1153 : f32 to vector<16xf32>
      %mul3A_1155 = arith.mulf %mul3A_1154, %gather3A_1129 : vector<16xf32>
      %sub3A_1156 = arith.subf %gather3A_1128, %mul3A_1155 : vector<16xf32>
      %mul3A_1157 = arith.constant 2.000000e+00 : f32
      %mul3A_1158 = vector.broadcast %mul3A_1157 : f32 to vector<16xf32>
      %mul3A_1159 = arith.mulf %mul3A_1158, %gather3A_1133 : vector<16xf32>
      %add3A_1160 = arith.addf %sub3A_1156, %mul3A_1159 : vector<16xf32>
      %mul3A_1161 = arith.constant 5.000000e-01 : f32
      %mul3A_1162 = vector.broadcast %mul3A_1161 : f32 to vector<16xf32>
      %mul3A_1163 = arith.mulf %mul3A_1162, %gather3A_1137 : vector<16xf32>
      %sub3A_1164 = arith.subf %add3A_1160, %mul3A_1163 : vector<16xf32>
      %mul3A_1165 = arith.constant -5.000000e-01 : f32
      %mul3A_1166 = vector.broadcast %mul3A_1165 : f32 to vector<16xf32>
      %mul3A_1167 = arith.mulf %mul3A_1166, %gather3A_1128 : vector<16xf32>
      %mul3A_1168 = arith.constant 5.000000e-01 : f32
      %mul3A_1169 = vector.broadcast %mul3A_1168 : f32 to vector<16xf32>
      %mul3A_1170 = arith.mulf %mul3A_1169, %gather3A_1133 : vector<16xf32>
      %add3A_1171 = arith.addf %mul3A_1167, %mul3A_1170 : vector<16xf32>
      %mul3A_1172 = arith.mulf %add3A_1152, %sub3A_1122 : vector<16xf32>
      %add3A_1173 = arith.addf %mul3A_1172, %sub3A_1164 : vector<16xf32>
      %mul3A_1174 = arith.mulf %add3A_1173, %sub3A_1122 : vector<16xf32>
      %add3A_1175 = arith.addf %mul3A_1174, %add3A_1171 : vector<16xf32>
      %mul3A_1176 = arith.mulf %add3A_1175, %sub3A_1122 : vector<16xf32>
      %add3A_1177 = arith.addf %mul3A_1176, %gather3A_1129 : vector<16xf32>
      %lt3A_1178 = arith.constant 5 : i32
      %lt3A_1179 = vector.broadcast %lt3A_1178 : i32 to vector<16xi32>
      %lt3A_1180 = arith.cmpi slt, %iota3A, %lt3A_1179 : vector<16xi32>
      %add3A_1181 = arith.constant 266 : i32
      %add3A_1182 = arith.addi %mul3A_536, %add3A_1181 : i32
      %add3A_1183 = arith.constant 48 : i32
      %add3A_1184 = arith.addi %add3A_1182, %add3A_1183 : i32
      %add3A_1185 = vector.broadcast %add3A_1184 : i32 to vector<16xi32>
      %add3A_1186 = arith.addi %iota3A, %add3A_1185 : vector<16xi32>
      tpu.vector_store_idx %arg11[%add3A_1186], %add3A_1177 masked %lt3A_1180 : memref<4096xf32, #tpu.memory_space<vmem>>[vector<16xi32>], vector<16xf32>, vector<16xi1>
    }
    %scan3A_13 = arith.constant 8 : i32
    %dma_wait3A_14 = tpu.memref_slice %arg3[%mul3A_5] : memref<427648xf32, #tpu.memory_space<hbm>> -> memref<26728xf32, #tpu.memory_space<hbm>>
    %dma_wait3A_15 = tpu.memref_slice %arg3[%mul3A_5] : memref<427648xf32, #tpu.memory_space<hbm>> -> memref<26728xf32, #tpu.memory_space<hbm>>
    tpu.wait_dma2 semaphore(%arg14 : memref<!tpu.dma_semaphore, #tpu.memory_space<semaphore_mem>>) src(%dma_wait3A_15 : memref<26728xf32, #tpu.memory_space<hbm>>) dst(%arg7 : memref<26728xf32, #tpu.memory_space<vmem>>)
    %mul3A_16 = arith.constant 13 : i32
    %mul3A_17 = arith.muli %arg1, %mul3A_16 : i32
    %get3A = arith.constant 816 : index
    %get3A_18 = tpu.vector_load %arg8[%get3A] {strides = array<i32>} : memref<2064xi32, #tpu.memory_space<vmem>>, vector<16xi32>,
    %get3A_19 = arith.constant 1440 : index
    %get3A_20 = tpu.vector_load %arg8[%get3A_19] {strides = array<i32>} : memref<2064xi32, #tpu.memory_space<vmem>>, vector<16xi32>,
    %add3A_21 = arith.constant 608 : i32
    %add3A_22 = arith.addi %add3A_21, %mul3A_17 : i32
    %add3A_23 = vector.broadcast %add3A_22 : i32 to vector<16xi32>
    %add3A_24 = arith.addi %add3A_23, %get3A_18 : vector<16xi32>
    %gather3A = tpu.vector_load_idx %arg8[%add3A_24] : memref<2064xi32, #tpu.memory_space<vmem>>[vector<16xi32>], vector<16xi32>,
    %add3A_25 = arith.addi %gather3A, %get3A_20 : vector<16xi32>
    %gather3A_26 = tpu.vector_load_idx %arg7[%add3A_25] : memref<26728xf32, #tpu.memory_space<vmem>>[vector<16xi32>], vector<16xf32>,
    %swap3A = arith.constant 0 : index
    %swap3A_27 = tpu.vector_load %arg9[%swap3A] {strides = array<i32>} : memref<624xf32, #tpu.memory_space<vmem>>, vector<16xf32>,
    tpu.vector_store %arg9[%swap3A], %gather3A_26 {strides = array<i32>} : memref<624xf32, #tpu.memory_space<vmem>>, vector<16xf32>,
    %get3A_28 = arith.constant 832 : index
    %get3A_29 = tpu.vector_load %arg8[%get3A_28] {strides = array<i32>} : memref<2064xi32, #tpu.memory_space<vmem>>, vector<16xi32>,
    %get3A_30 = arith.constant 1456 : index
    %get3A_31 = tpu.vector_load %arg8[%get3A_30] {strides = array<i32>} : memref<2064xi32, #tpu.memory_space<vmem>>, vector<16xi32>,
    %add3A_32 = arith.constant 608 : i32
    %add3A_33 = arith.addi %add3A_32, %mul3A_17 : i32
    %add3A_34 = vector.broadcast %add3A_33 : i32 to vector<16xi32>
    %add3A_35 = arith.addi %add3A_34, %get3A_29 : vector<16xi32>
    %gather3A_36 = tpu.vector_load_idx %arg8[%add3A_35] : memref<2064xi32, #tpu.memory_space<vmem>>[vector<16xi32>], vector<16xi32>,
    %add3A_37 = arith.addi %gather3A_36, %get3A_31 : vector<16xi32>
    %gather3A_38 = tpu.vector_load_idx %arg7[%add3A_37] : memref<26728xf32, #tpu.memory_space<vmem>>[vector<16xi32>], vector<16xf32>,
    %swap3A_39 = arith.constant 16 : index
    %swap3A_40 = tpu.vector_load %arg9[%swap3A_39] {strides = array<i32>} : memref<624xf32, #tpu.memory_space<vmem>>, vector<16xf32>,
    tpu.vector_store %arg9[%swap3A_39], %gather3A_38 {strides = array<i32>} : memref<624xf32, #tpu.memory_space<vmem>>, vector<16xf32>,
    %get3A_41 = arith.constant 848 : index
    %get3A_42 = tpu.vector_load %arg8[%get3A_41] {strides = array<i32>} : memref<2064xi32, #tpu.memory_space<vmem>>, vector<16xi32>,
    %get3A_43 = arith.constant 1472 : index
    %get3A_44 = tpu.vector_load %arg8[%get3A_43] {strides = array<i32>} : memref<2064xi32, #tpu.memory_space<vmem>>, vector<16xi32>,
    %add3A_45 = arith.constant 608 : i32
    %add3A_46 = arith.addi %add3A_45, %mul3A_17 : i32
    %add3A_47 = vector.broadcast %add3A_46 : i32 to vector<16xi32>
    %add3A_48 = arith.addi %add3A_47, %get3A_42 : vector<16xi32>
    %gather3A_49 = tpu.vector_load_idx %arg8[%add3A_48] : memref<2064xi32, #tpu.memory_space<vmem>>[vector<16xi32>], vector<16xi32>,
    %add3A_50 = arith.addi %gather3A_49, %get3A_44 : vector<16xi32>
    %gather3A_51 = tpu.vector_load_idx %arg7[%add3A_50] : memref<26728xf32, #tpu.memory_space<vmem>>[vector<16xi32>], vector<16xf32>,
    %swap3A_52 = arith.constant 32 : index
    %swap3A_53 = tpu.vector_load %arg9[%swap3A_52] {strides = array<i32>} : memref<624xf32, #tpu.memory_space<vmem>>, vector<16xf32>,
    tpu.vector_store %arg9[%swap3A_52], %gather3A_51 {strides = array<i32>} : memref<624xf32, #tpu.memory_space<vmem>>, vector<16xf32>,
    %get3A_54 = arith.constant 864 : index
    %get3A_55 = tpu.vector_load %arg8[%get3A_54] {strides = array<i32>} : memref<2064xi32, #tpu.memory_space<vmem>>, vector<16xi32>,
    %get3A_56 = arith.constant 1488 : index
    %get3A_57 = tpu.vector_load %arg8[%get3A_56] {strides = array<i32>} : memref<2064xi32, #tpu.memory_space<vmem>>, vector<16xi32>,
    %add3A_58 = arith.constant 608 : i32
    %add3A_59 = arith.addi %add3A_58, %mul3A_17 : i32
    %add3A_60 = vector.broadcast %add3A_59 : i32 to vector<16xi32>
    %add3A_61 = arith.addi %add3A_60, %get3A_55 : vector<16xi32>
    %gather3A_62 = tpu.vector_load_idx %arg8[%add3A_61] : memref<2064xi32, #tpu.memory_space<vmem>>[vector<16xi32>], vector<16xi32>,
    %add3A_63 = arith.addi %gather3A_62, %get3A_57 : vector<16xi32>
    %gather3A_64 = tpu.vector_load_idx %arg7[%add3A_63] : memref<26728xf32, #tpu.memory_space<vmem>>[vector<16xi32>], vector<16xf32>,
    %swap3A_65 = arith.constant 48 : index
    %swap3A_66 = tpu.vector_load %arg9[%swap3A_65] {strides = array<i32>} : memref<624xf32, #tpu.memory_space<vmem>>, vector<16xf32>,
    tpu.vector_store %arg9[%swap3A_65], %gather3A_64 {strides = array<i32>} : memref<624xf32, #tpu.memory_space<vmem>>, vector<16xf32>,
    %get3A_67 = arith.constant 880 : index
    %get3A_68 = tpu.vector_load %arg8[%get3A_67] {strides = array<i32>} : memref<2064xi32, #tpu.memory_space<vmem>>, vector<16xi32>,
    %get3A_69 = arith.constant 1504 : index
    %get3A_70 = tpu.vector_load %arg8[%get3A_69] {strides = array<i32>} : memref<2064xi32, #tpu.memory_space<vmem>>, vector<16xi32>,
    %add3A_71 = arith.constant 608 : i32
    %add3A_72 = arith.addi %add3A_71, %mul3A_17 : i32
    %add3A_73 = vector.broadcast %add3A_72 : i32 to vector<16xi32>
    %add3A_74 = arith.addi %add3A_73, %get3A_68 : vector<16xi32>
    %gather3A_75 = tpu.vector_load_idx %arg8[%add3A_74] : memref<2064xi32, #tpu.memory_space<vmem>>[vector<16xi32>], vector<16xi32>,
    %add3A_76 = arith.addi %gather3A_75, %get3A_70 : vector<16xi32>
    %gather3A_77 = tpu.vector_load_idx %arg7[%add3A_76] : memref<26728xf32, #tpu.memory_space<vmem>>[vector<16xi32>], vector<16xf32>,
    %swap3A_78 = arith.constant 64 : index
    %swap3A_79 = tpu.vector_load %arg9[%swap3A_78] {strides = array<i32>} : memref<624xf32, #tpu.memory_space<vmem>>, vector<16xf32>,
    tpu.vector_store %arg9[%swap3A_78], %gather3A_77 {strides = array<i32>} : memref<624xf32, #tpu.memory_space<vmem>>, vector<16xf32>,
    %get3A_80 = arith.constant 896 : index
    %get3A_81 = tpu.vector_load %arg8[%get3A_80] {strides = array<i32>} : memref<2064xi32, #tpu.memory_space<vmem>>, vector<16xi32>,
    %get3A_82 = arith.constant 1520 : index
    %get3A_83 = tpu.vector_load %arg8[%get3A_82] {strides = array<i32>} : memref<2064xi32, #tpu.memory_space<vmem>>, vector<16xi32>,
    %add3A_84 = arith.constant 608 : i32
    %add3A_85 = arith.addi %add3A_84, %mul3A_17 : i32
    %add3A_86 = vector.broadcast %add3A_85 : i32 to vector<16xi32>
    %add3A_87 = arith.addi %add3A_86, %get3A_81 : vector<16xi32>
    %gather3A_88 = tpu.vector_load_idx %arg8[%add3A_87] : memref<2064xi32, #tpu.memory_space<vmem>>[vector<16xi32>], vector<16xi32>,
    %add3A_89 = arith.addi %gather3A_88, %get3A_83 : vector<16xi32>
    %gather3A_90 = tpu.vector_load_idx %arg7[%add3A_89] : memref<26728xf32, #tpu.memory_space<vmem>>[vector<16xi32>], vector<16xf32>,
    %swap3A_91 = arith.constant 80 : index
    %swap3A_92 = tpu.vector_load %arg9[%swap3A_91] {strides = array<i32>} : memref<624xf32, #tpu.memory_space<vmem>>, vector<16xf32>,
    tpu.vector_store %arg9[%swap3A_91], %gather3A_90 {strides = array<i32>} : memref<624xf32, #tpu.memory_space<vmem>>, vector<16xf32>,
    %get3A_93 = arith.constant 912 : index
    %get3A_94 = tpu.vector_load %arg8[%get3A_93] {strides = array<i32>} : memref<2064xi32, #tpu.memory_space<vmem>>, vector<16xi32>,
    %get3A_95 = arith.constant 1536 : index
    %get3A_96 = tpu.vector_load %arg8[%get3A_95] {strides = array<i32>} : memref<2064xi32, #tpu.memory_space<vmem>>, vector<16xi32>,
    %add3A_97 = arith.constant 608 : i32
    %add3A_98 = arith.addi %add3A_97, %mul3A_17 : i32
    %add3A_99 = vector.broadcast %add3A_98 : i32 to vector<16xi32>
    %add3A_100 = arith.addi %add3A_99, %get3A_94 : vector<16xi32>
    %gather3A_101 = tpu.vector_load_idx %arg8[%add3A_100] : memref<2064xi32, #tpu.memory_space<vmem>>[vector<16xi32>], vector<16xi32>,
    %add3A_102 = arith.addi %gather3A_101, %get3A_96 : vector<16xi32>
    %gather3A_103 = tpu.vector_load_idx %arg7[%add3A_102] : memref<26728xf32, #tpu.memory_space<vmem>>[vector<16xi32>], vector<16xf32>,
    %swap3A_104 = arith.constant 96 : index
    %swap3A_105 = tpu.vector_load %arg9[%swap3A_104] {strides = array<i32>} : memref<624xf32, #tpu.memory_space<vmem>>, vector<16xf32>,
    tpu.vector_store %arg9[%swap3A_104], %gather3A_103 {strides = array<i32>} : memref<624xf32, #tpu.memory_space<vmem>>, vector<16xf32>,
    %get3A_106 = arith.constant 928 : index
    %get3A_107 = tpu.vector_load %arg8[%get3A_106] {strides = array<i32>} : memref<2064xi32, #tpu.memory_space<vmem>>, vector<16xi32>,
    %get3A_108 = arith.constant 1552 : index
    %get3A_109 = tpu.vector_load %arg8[%get3A_108] {strides = array<i32>} : memref<2064xi32, #tpu.memory_space<vmem>>, vector<16xi32>,
    %add3A_110 = arith.constant 608 : i32
    %add3A_111 = arith.addi %add3A_110, %mul3A_17 : i32
    %add3A_112 = vector.broadcast %add3A_111 : i32 to vector<16xi32>
    %add3A_113 = arith.addi %add3A_112, %get3A_107 : vector<16xi32>
    %gather3A_114 = tpu.vector_load_idx %arg8[%add3A_113] : memref<2064xi32, #tpu.memory_space<vmem>>[vector<16xi32>], vector<16xi32>,
    %add3A_115 = arith.addi %gather3A_114, %get3A_109 : vector<16xi32>
    %gather3A_116 = tpu.vector_load_idx %arg7[%add3A_115] : memref<26728xf32, #tpu.memory_space<vmem>>[vector<16xi32>], vector<16xf32>,
    %swap3A_117 = arith.constant 112 : index
    %swap3A_118 = tpu.vector_load %arg9[%swap3A_117] {strides = array<i32>} : memref<624xf32, #tpu.memory_space<vmem>>, vector<16xf32>,
    tpu.vector_store %arg9[%swap3A_117], %gather3A_116 {strides = array<i32>} : memref<624xf32, #tpu.memory_space<vmem>>, vector<16xf32>,
    %get3A_119 = arith.constant 944 : index
    %get3A_120 = tpu.vector_load %arg8[%get3A_119] {strides = array<i32>} : memref<2064xi32, #tpu.memory_space<vmem>>, vector<16xi32>,
    %get3A_121 = arith.constant 1568 : index
    %get3A_122 = tpu.vector_load %arg8[%get3A_121] {strides = array<i32>} : memref<2064xi32, #tpu.memory_space<vmem>>, vector<16xi32>,
    %add3A_123 = arith.constant 608 : i32
    %add3A_124 = arith.addi %add3A_123, %mul3A_17 : i32
    %add3A_125 = vector.broadcast %add3A_124 : i32 to vector<16xi32>
    %add3A_126 = arith.addi %add3A_125, %get3A_120 : vector<16xi32>
    %gather3A_127 = tpu.vector_load_idx %arg8[%add3A_126] : memref<2064xi32, #tpu.memory_space<vmem>>[vector<16xi32>], vector<16xi32>,
    %add3A_128 = arith.addi %gather3A_127, %get3A_122 : vector<16xi32>
    %gather3A_129 = tpu.vector_load_idx %arg7[%add3A_128] : memref<26728xf32, #tpu.memory_space<vmem>>[vector<16xi32>], vector<16xf32>,
    %swap3A_130 = arith.constant 128 : index
    %swap3A_131 = tpu.vector_load %arg9[%swap3A_130] {strides = array<i32>} : memref<624xf32, #tpu.memory_space<vmem>>, vector<16xf32>,
    tpu.vector_store %arg9[%swap3A_130], %gather3A_129 {strides = array<i32>} : memref<624xf32, #tpu.memory_space<vmem>>, vector<16xf32>,
    %get3A_132 = arith.constant 960 : index
    %get3A_133 = tpu.vector_load %arg8[%get3A_132] {strides = array<i32>} : memref<2064xi32, #tpu.memory_space<vmem>>, vector<16xi32>,
    %get3A_134 = arith.constant 1584 : index
    %get3A_135 = tpu.vector_load %arg8[%get3A_134] {strides = array<i32>} : memref<2064xi32, #tpu.memory_space<vmem>>, vector<16xi32>,
    %add3A_136 = arith.constant 608 : i32
    %add3A_137 = arith.addi %add3A_136, %mul3A_17 : i32
    %add3A_138 = vector.broadcast %add3A_137 : i32 to vector<16xi32>
    %add3A_139 = arith.addi %add3A_138, %get3A_133 : vector<16xi32>
    %gather3A_140 = tpu.vector_load_idx %arg8[%add3A_139] : memref<2064xi32, #tpu.memory_space<vmem>>[vector<16xi32>], vector<16xi32>,
    %add3A_141 = arith.addi %gather3A_140, %get3A_135 : vector<16xi32>
    %gather3A_142 = tpu.vector_load_idx %arg7[%add3A_141] : memref<26728xf32, #tpu.memory_space<vmem>>[vector<16xi32>], vector<16xf32>,
    %swap3A_143 = arith.constant 144 : index
    %swap3A_144 = tpu.vector_load %arg9[%swap3A_143] {strides = array<i32>} : memref<624xf32, #tpu.memory_space<vmem>>, vector<16xf32>,
    tpu.vector_store %arg9[%swap3A_143], %gather3A_142 {strides = array<i32>} : memref<624xf32, #tpu.memory_space<vmem>>, vector<16xf32>,
    %get3A_145 = arith.constant 976 : index
    %get3A_146 = tpu.vector_load %arg8[%get3A_145] {strides = array<i32>} : memref<2064xi32, #tpu.memory_space<vmem>>, vector<16xi32>,
    %get3A_147 = arith.constant 1600 : index
    %get3A_148 = tpu.vector_load %arg8[%get3A_147] {strides = array<i32>} : memref<2064xi32, #tpu.memory_space<vmem>>, vector<16xi32>,
    %add3A_149 = arith.constant 608 : i32
    %add3A_150 = arith.addi %add3A_149, %mul3A_17 : i32
    %add3A_151 = vector.broadcast %add3A_150 : i32 to vector<16xi32>
    %add3A_152 = arith.addi %add3A_151, %get3A_146 : vector<16xi32>
    %gather3A_153 = tpu.vector_load_idx %arg8[%add3A_152] : memref<2064xi32, #tpu.memory_space<vmem>>[vector<16xi32>], vector<16xi32>,
    %add3A_154 = arith.addi %gather3A_153, %get3A_148 : vector<16xi32>
    %gather3A_155 = tpu.vector_load_idx %arg7[%add3A_154] : memref<26728xf32, #tpu.memory_space<vmem>>[vector<16xi32>], vector<16xf32>,
    %swap3A_156 = arith.constant 160 : index
    %swap3A_157 = tpu.vector_load %arg9[%swap3A_156] {strides = array<i32>} : memref<624xf32, #tpu.memory_space<vmem>>, vector<16xf32>,
    tpu.vector_store %arg9[%swap3A_156], %gather3A_155 {strides = array<i32>} : memref<624xf32, #tpu.memory_space<vmem>>, vector<16xf32>,
    %get3A_158 = arith.constant 992 : index
    %get3A_159 = tpu.vector_load %arg8[%get3A_158] {strides = array<i32>} : memref<2064xi32, #tpu.memory_space<vmem>>, vector<16xi32>,
    %get3A_160 = arith.constant 1616 : index
    %get3A_161 = tpu.vector_load %arg8[%get3A_160] {strides = array<i32>} : memref<2064xi32, #tpu.memory_space<vmem>>, vector<16xi32>,
    %add3A_162 = arith.constant 608 : i32
    %add3A_163 = arith.addi %add3A_162, %mul3A_17 : i32
    %add3A_164 = vector.broadcast %add3A_163 : i32 to vector<16xi32>
    %add3A_165 = arith.addi %add3A_164, %get3A_159 : vector<16xi32>
    %gather3A_166 = tpu.vector_load_idx %arg8[%add3A_165] : memref<2064xi32, #tpu.memory_space<vmem>>[vector<16xi32>], vector<16xi32>,
    %add3A_167 = arith.addi %gather3A_166, %get3A_161 : vector<16xi32>
    %gather3A_168 = tpu.vector_load_idx %arg7[%add3A_167] : memref<26728xf32, #tpu.memory_space<vmem>>[vector<16xi32>], vector<16xf32>,
    %swap3A_169 = arith.constant 176 : index
    %swap3A_170 = tpu.vector_load %arg9[%swap3A_169] {strides = array<i32>} : memref<624xf32, #tpu.memory_space<vmem>>, vector<16xf32>,
    tpu.vector_store %arg9[%swap3A_169], %gather3A_168 {strides = array<i32>} : memref<624xf32, #tpu.memory_space<vmem>>, vector<16xf32>,
    %get3A_171 = arith.constant 1008 : index
    %get3A_172 = tpu.vector_load %arg8[%get3A_171] {strides = array<i32>} : memref<2064xi32, #tpu.memory_space<vmem>>, vector<16xi32>,
    %get3A_173 = arith.constant 1632 : index
    %get3A_174 = tpu.vector_load %arg8[%get3A_173] {strides = array<i32>} : memref<2064xi32, #tpu.memory_space<vmem>>, vector<16xi32>,
    %add3A_175 = arith.constant 608 : i32
    %add3A_176 = arith.addi %add3A_175, %mul3A_17 : i32
    %add3A_177 = vector.broadcast %add3A_176 : i32 to vector<16xi32>
    %add3A_178 = arith.addi %add3A_177, %get3A_172 : vector<16xi32>
    %gather3A_179 = tpu.vector_load_idx %arg8[%add3A_178] : memref<2064xi32, #tpu.memory_space<vmem>>[vector<16xi32>], vector<16xi32>,
    %add3A_180 = arith.addi %gather3A_179, %get3A_174 : vector<16xi32>
    %gather3A_181 = tpu.vector_load_idx %arg7[%add3A_180] : memref<26728xf32, #tpu.memory_space<vmem>>[vector<16xi32>], vector<16xf32>,
    %swap3A_182 = arith.constant 192 : index
    %swap3A_183 = tpu.vector_load %arg9[%swap3A_182] {strides = array<i32>} : memref<624xf32, #tpu.memory_space<vmem>>, vector<16xf32>,
    tpu.vector_store %arg9[%swap3A_182], %gather3A_181 {strides = array<i32>} : memref<624xf32, #tpu.memory_space<vmem>>, vector<16xf32>,
    %get3A_184 = arith.constant 1024 : index
    %get3A_185 = tpu.vector_load %arg8[%get3A_184] {strides = array<i32>} : memref<2064xi32, #tpu.memory_space<vmem>>, vector<16xi32>,
    %get3A_186 = arith.constant 1648 : index
    %get3A_187 = tpu.vector_load %arg8[%get3A_186] {strides = array<i32>} : memref<2064xi32, #tpu.memory_space<vmem>>, vector<16xi32>,
    %add3A_188 = arith.constant 608 : i32
    %add3A_189 = arith.addi %add3A_188, %mul3A_17 : i32
    %add3A_190 = vector.broadcast %add3A_189 : i32 to vector<16xi32>
    %add3A_191 = arith.addi %add3A_190, %get3A_185 : vector<16xi32>
    %gather3A_192 = tpu.vector_load_idx %arg8[%add3A_191] : memref<2064xi32, #tpu.memory_space<vmem>>[vector<16xi32>], vector<16xi32>,
    %add3A_193 = arith.addi %gather3A_192, %get3A_187 : vector<16xi32>
    %gather3A_194 = tpu.vector_load_idx %arg7[%add3A_193] : memref<26728xf32, #tpu.memory_space<vmem>>[vector<16xi32>], vector<16xf32>,
    %swap3A_195 = arith.constant 208 : index
    %swap3A_196 = tpu.vector_load %arg9[%swap3A_195] {strides = array<i32>} : memref<624xf32, #tpu.memory_space<vmem>>, vector<16xf32>,
    tpu.vector_store %arg9[%swap3A_195], %gather3A_194 {strides = array<i32>} : memref<624xf32, #tpu.memory_space<vmem>>, vector<16xf32>,
    %get3A_197 = arith.constant 1040 : index
    %get3A_198 = tpu.vector_load %arg8[%get3A_197] {strides = array<i32>} : memref<2064xi32, #tpu.memory_space<vmem>>, vector<16xi32>,
    %get3A_199 = arith.constant 1664 : index
    %get3A_200 = tpu.vector_load %arg8[%get3A_199] {strides = array<i32>} : memref<2064xi32, #tpu.memory_space<vmem>>, vector<16xi32>,
    %add3A_201 = arith.constant 608 : i32
    %add3A_202 = arith.addi %add3A_201, %mul3A_17 : i32
    %add3A_203 = vector.broadcast %add3A_202 : i32 to vector<16xi32>
    %add3A_204 = arith.addi %add3A_203, %get3A_198 : vector<16xi32>
    %gather3A_205 = tpu.vector_load_idx %arg8[%add3A_204] : memref<2064xi32, #tpu.memory_space<vmem>>[vector<16xi32>], vector<16xi32>,
    %add3A_206 = arith.addi %gather3A_205, %get3A_200 : vector<16xi32>
    %gather3A_207 = tpu.vector_load_idx %arg7[%add3A_206] : memref<26728xf32, #tpu.memory_space<vmem>>[vector<16xi32>], vector<16xf32>,
    %swap3A_208 = arith.constant 224 : index
    %swap3A_209 = tpu.vector_load %arg9[%swap3A_208] {strides = array<i32>} : memref<624xf32, #tpu.memory_space<vmem>>, vector<16xf32>,
    tpu.vector_store %arg9[%swap3A_208], %gather3A_207 {strides = array<i32>} : memref<624xf32, #tpu.memory_space<vmem>>, vector<16xf32>,
    %get3A_210 = arith.constant 1056 : index
    %get3A_211 = tpu.vector_load %arg8[%get3A_210] {strides = array<i32>} : memref<2064xi32, #tpu.memory_space<vmem>>, vector<16xi32>,
    %get3A_212 = arith.constant 1680 : index
    %get3A_213 = tpu.vector_load %arg8[%get3A_212] {strides = array<i32>} : memref<2064xi32, #tpu.memory_space<vmem>>, vector<16xi32>,
    %add3A_214 = arith.constant 608 : i32
    %add3A_215 = arith.addi %add3A_214, %mul3A_17 : i32
    %add3A_216 = vector.broadcast %add3A_215 : i32 to vector<16xi32>
    %add3A_217 = arith.addi %add3A_216, %get3A_211 : vector<16xi32>
    %gather3A_218 = tpu.vector_load_idx %arg8[%add3A_217] : memref<2064xi32, #tpu.memory_space<vmem>>[vector<16xi32>], vector<16xi32>,
    %add3A_219 = arith.addi %gather3A_218, %get3A_213 : vector<16xi32>
    %gather3A_220 = tpu.vector_load_idx %arg7[%add3A_219] : memref<26728xf32, #tpu.memory_space<vmem>>[vector<16xi32>], vector<16xf32>,
    %swap3A_221 = arith.constant 240 : index
    %swap3A_222 = tpu.vector_load %arg9[%swap3A_221] {strides = array<i32>} : memref<624xf32, #tpu.memory_space<vmem>>, vector<16xf32>,
    tpu.vector_store %arg9[%swap3A_221], %gather3A_220 {strides = array<i32>} : memref<624xf32, #tpu.memory_space<vmem>>, vector<16xf32>,
    %get3A_223 = arith.constant 1072 : index
    %get3A_224 = tpu.vector_load %arg8[%get3A_223] {strides = array<i32>} : memref<2064xi32, #tpu.memory_space<vmem>>, vector<16xi32>,
    %get3A_225 = arith.constant 1696 : index
    %get3A_226 = tpu.vector_load %arg8[%get3A_225] {strides = array<i32>} : memref<2064xi32, #tpu.memory_space<vmem>>, vector<16xi32>,
    %add3A_227 = arith.constant 608 : i32
    %add3A_228 = arith.addi %add3A_227, %mul3A_17 : i32
    %add3A_229 = vector.broadcast %add3A_228 : i32 to vector<16xi32>
    %add3A_230 = arith.addi %add3A_229, %get3A_224 : vector<16xi32>
    %gather3A_231 = tpu.vector_load_idx %arg8[%add3A_230] : memref<2064xi32, #tpu.memory_space<vmem>>[vector<16xi32>], vector<16xi32>,
    %add3A_232 = arith.addi %gather3A_231, %get3A_226 : vector<16xi32>
    %gather3A_233 = tpu.vector_load_idx %arg7[%add3A_232] : memref<26728xf32, #tpu.memory_space<vmem>>[vector<16xi32>], vector<16xf32>,
    %swap3A_234 = arith.constant 256 : index
    %swap3A_235 = tpu.vector_load %arg9[%swap3A_234] {strides = array<i32>} : memref<624xf32, #tpu.memory_space<vmem>>, vector<16xf32>,
    tpu.vector_store %arg9[%swap3A_234], %gather3A_233 {strides = array<i32>} : memref<624xf32, #tpu.memory_space<vmem>>, vector<16xf32>,
    %get3A_236 = arith.constant 1088 : index
    %get3A_237 = tpu.vector_load %arg8[%get3A_236] {strides = array<i32>} : memref<2064xi32, #tpu.memory_space<vmem>>, vector<16xi32>,
    %get3A_238 = arith.constant 1712 : index
    %get3A_239 = tpu.vector_load %arg8[%get3A_238] {strides = array<i32>} : memref<2064xi32, #tpu.memory_space<vmem>>, vector<16xi32>,
    %add3A_240 = arith.constant 608 : i32
    %add3A_241 = arith.addi %add3A_240, %mul3A_17 : i32
    %add3A_242 = vector.broadcast %add3A_241 : i32 to vector<16xi32>
    %add3A_243 = arith.addi %add3A_242, %get3A_237 : vector<16xi32>
    %gather3A_244 = tpu.vector_load_idx %arg8[%add3A_243] : memref<2064xi32, #tpu.memory_space<vmem>>[vector<16xi32>], vector<16xi32>,
    %add3A_245 = arith.addi %gather3A_244, %get3A_239 : vector<16xi32>
    %gather3A_246 = tpu.vector_load_idx %arg7[%add3A_245] : memref<26728xf32, #tpu.memory_space<vmem>>[vector<16xi32>], vector<16xf32>,
    %swap3A_247 = arith.constant 272 : index
    %swap3A_248 = tpu.vector_load %arg9[%swap3A_247] {strides = array<i32>} : memref<624xf32, #tpu.memory_space<vmem>>, vector<16xf32>,
    tpu.vector_store %arg9[%swap3A_247], %gather3A_246 {strides = array<i32>} : memref<624xf32, #tpu.memory_space<vmem>>, vector<16xf32>,
    %get3A_249 = arith.constant 1104 : index
    %get3A_250 = tpu.vector_load %arg8[%get3A_249] {strides = array<i32>} : memref<2064xi32, #tpu.memory_space<vmem>>, vector<16xi32>,
    %get3A_251 = arith.constant 1728 : index
    %get3A_252 = tpu.vector_load %arg8[%get3A_251] {strides = array<i32>} : memref<2064xi32, #tpu.memory_space<vmem>>, vector<16xi32>,
    %add3A_253 = arith.constant 608 : i32
    %add3A_254 = arith.addi %add3A_253, %mul3A_17 : i32
    %add3A_255 = vector.broadcast %add3A_254 : i32 to vector<16xi32>
    %add3A_256 = arith.addi %add3A_255, %get3A_250 : vector<16xi32>
    %gather3A_257 = tpu.vector_load_idx %arg8[%add3A_256] : memref<2064xi32, #tpu.memory_space<vmem>>[vector<16xi32>], vector<16xi32>,
    %add3A_258 = arith.addi %gather3A_257, %get3A_252 : vector<16xi32>
    %gather3A_259 = tpu.vector_load_idx %arg7[%add3A_258] : memref<26728xf32, #tpu.memory_space<vmem>>[vector<16xi32>], vector<16xf32>,
    %swap3A_260 = arith.constant 288 : index
    %swap3A_261 = tpu.vector_load %arg9[%swap3A_260] {strides = array<i32>} : memref<624xf32, #tpu.memory_space<vmem>>, vector<16xf32>,
    tpu.vector_store %arg9[%swap3A_260], %gather3A_259 {strides = array<i32>} : memref<624xf32, #tpu.memory_space<vmem>>, vector<16xf32>,
    %get3A_262 = arith.constant 1120 : index
    %get3A_263 = tpu.vector_load %arg8[%get3A_262] {strides = array<i32>} : memref<2064xi32, #tpu.memory_space<vmem>>, vector<16xi32>,
    %get3A_264 = arith.constant 1744 : index
    %get3A_265 = tpu.vector_load %arg8[%get3A_264] {strides = array<i32>} : memref<2064xi32, #tpu.memory_space<vmem>>, vector<16xi32>,
    %add3A_266 = arith.constant 608 : i32
    %add3A_267 = arith.addi %add3A_266, %mul3A_17 : i32
    %add3A_268 = vector.broadcast %add3A_267 : i32 to vector<16xi32>
    %add3A_269 = arith.addi %add3A_268, %get3A_263 : vector<16xi32>
    %gather3A_270 = tpu.vector_load_idx %arg8[%add3A_269] : memref<2064xi32, #tpu.memory_space<vmem>>[vector<16xi32>], vector<16xi32>,
    %add3A_271 = arith.addi %gather3A_270, %get3A_265 : vector<16xi32>
    %gather3A_272 = tpu.vector_load_idx %arg7[%add3A_271] : memref<26728xf32, #tpu.memory_space<vmem>>[vector<16xi32>], vector<16xf32>,
    %swap3A_273 = arith.constant 304 : index
    %swap3A_274 = tpu.vector_load %arg9[%swap3A_273] {strides = array<i32>} : memref<624xf32, #tpu.memory_space<vmem>>, vector<16xf32>,
    tpu.vector_store %arg9[%swap3A_273], %gather3A_272 {strides = array<i32>} : memref<624xf32, #tpu.memory_space<vmem>>, vector<16xf32>,
    %get3A_275 = arith.constant 1136 : index
    %get3A_276 = tpu.vector_load %arg8[%get3A_275] {strides = array<i32>} : memref<2064xi32, #tpu.memory_space<vmem>>, vector<16xi32>,
    %get3A_277 = arith.constant 1760 : index
    %get3A_278 = tpu.vector_load %arg8[%get3A_277] {strides = array<i32>} : memref<2064xi32, #tpu.memory_space<vmem>>, vector<16xi32>,
    %add3A_279 = arith.constant 608 : i32
    %add3A_280 = arith.addi %add3A_279, %mul3A_17 : i32
    %add3A_281 = vector.broadcast %add3A_280 : i32 to vector<16xi32>
    %add3A_282 = arith.addi %add3A_281, %get3A_276 : vector<16xi32>
    %gather3A_283 = tpu.vector_load_idx %arg8[%add3A_282] : memref<2064xi32, #tpu.memory_space<vmem>>[vector<16xi32>], vector<16xi32>,
    %add3A_284 = arith.addi %gather3A_283, %get3A_278 : vector<16xi32>
    %gather3A_285 = tpu.vector_load_idx %arg7[%add3A_284] : memref<26728xf32, #tpu.memory_space<vmem>>[vector<16xi32>], vector<16xf32>,
    %swap3A_286 = arith.constant 320 : index
    %swap3A_287 = tpu.vector_load %arg9[%swap3A_286] {strides = array<i32>} : memref<624xf32, #tpu.memory_space<vmem>>, vector<16xf32>,
    tpu.vector_store %arg9[%swap3A_286], %gather3A_285 {strides = array<i32>} : memref<624xf32, #tpu.memory_space<vmem>>, vector<16xf32>,
    %get3A_288 = arith.constant 1152 : index
    %get3A_289 = tpu.vector_load %arg8[%get3A_288] {strides = array<i32>} : memref<2064xi32, #tpu.memory_space<vmem>>, vector<16xi32>,
    %get3A_290 = arith.constant 1776 : index
    %get3A_291 = tpu.vector_load %arg8[%get3A_290] {strides = array<i32>} : memref<2064xi32, #tpu.memory_space<vmem>>, vector<16xi32>,
    %add3A_292 = arith.constant 608 : i32
    %add3A_293 = arith.addi %add3A_292, %mul3A_17 : i32
    %add3A_294 = vector.broadcast %add3A_293 : i32 to vector<16xi32>
    %add3A_295 = arith.addi %add3A_294, %get3A_289 : vector<16xi32>
    %gather3A_296 = tpu.vector_load_idx %arg8[%add3A_295] : memref<2064xi32, #tpu.memory_space<vmem>>[vector<16xi32>], vector<16xi32>,
    %add3A_297 = arith.addi %gather3A_296, %get3A_291 : vector<16xi32>
    %gather3A_298 = tpu.vector_load_idx %arg7[%add3A_297] : memref<26728xf32, #tpu.memory_space<vmem>>[vector<16xi32>], vector<16xf32>,
    %swap3A_299 = arith.constant 336 : index
    %swap3A_300 = tpu.vector_load %arg9[%swap3A_299] {strides = array<i32>} : memref<624xf32, #tpu.memory_space<vmem>>, vector<16xf32>,
    tpu.vector_store %arg9[%swap3A_299], %gather3A_298 {strides = array<i32>} : memref<624xf32, #tpu.memory_space<vmem>>, vector<16xf32>,
    %get3A_301 = arith.constant 1168 : index
    %get3A_302 = tpu.vector_load %arg8[%get3A_301] {strides = array<i32>} : memref<2064xi32, #tpu.memory_space<vmem>>, vector<16xi32>,
    %get3A_303 = arith.constant 1792 : index
    %get3A_304 = tpu.vector_load %arg8[%get3A_303] {strides = array<i32>} : memref<2064xi32, #tpu.memory_space<vmem>>, vector<16xi32>,
    %add3A_305 = arith.constant 608 : i32
    %add3A_306 = arith.addi %add3A_305, %mul3A_17 : i32
    %add3A_307 = vector.broadcast %add3A_306 : i32 to vector<16xi32>
    %add3A_308 = arith.addi %add3A_307, %get3A_302 : vector<16xi32>
    %gather3A_309 = tpu.vector_load_idx %arg8[%add3A_308] : memref<2064xi32, #tpu.memory_space<vmem>>[vector<16xi32>], vector<16xi32>,
    %add3A_310 = arith.addi %gather3A_309, %get3A_304 : vector<16xi32>
    %gather3A_311 = tpu.vector_load_idx %arg7[%add3A_310] : memref<26728xf32, #tpu.memory_space<vmem>>[vector<16xi32>], vector<16xf32>,
    %swap3A_312 = arith.constant 352 : index
    %swap3A_313 = tpu.vector_load %arg9[%swap3A_312] {strides = array<i32>} : memref<624xf32, #tpu.memory_space<vmem>>, vector<16xf32>,
    tpu.vector_store %arg9[%swap3A_312], %gather3A_311 {strides = array<i32>} : memref<624xf32, #tpu.memory_space<vmem>>, vector<16xf32>,
    %get3A_314 = arith.constant 1184 : index
    %get3A_315 = tpu.vector_load %arg8[%get3A_314] {strides = array<i32>} : memref<2064xi32, #tpu.memory_space<vmem>>, vector<16xi32>,
    %get3A_316 = arith.constant 1808 : index
    %get3A_317 = tpu.vector_load %arg8[%get3A_316] {strides = array<i32>} : memref<2064xi32, #tpu.memory_space<vmem>>, vector<16xi32>,
    %add3A_318 = arith.constant 608 : i32
    %add3A_319 = arith.addi %add3A_318, %mul3A_17 : i32
    %add3A_320 = vector.broadcast %add3A_319 : i32 to vector<16xi32>
    %add3A_321 = arith.addi %add3A_320, %get3A_315 : vector<16xi32>
    %gather3A_322 = tpu.vector_load_idx %arg8[%add3A_321] : memref<2064xi32, #tpu.memory_space<vmem>>[vector<16xi32>], vector<16xi32>,
    %add3A_323 = arith.addi %gather3A_322, %get3A_317 : vector<16xi32>
    %gather3A_324 = tpu.vector_load_idx %arg7[%add3A_323] : memref<26728xf32, #tpu.memory_space<vmem>>[vector<16xi32>], vector<16xf32>,
    %swap3A_325 = arith.constant 368 : index
    %swap3A_326 = tpu.vector_load %arg9[%swap3A_325] {strides = array<i32>} : memref<624xf32, #tpu.memory_space<vmem>>, vector<16xf32>,
    tpu.vector_store %arg9[%swap3A_325], %gather3A_324 {strides = array<i32>} : memref<624xf32, #tpu.memory_space<vmem>>, vector<16xf32>,
    %get3A_327 = arith.constant 1200 : index
    %get3A_328 = tpu.vector_load %arg8[%get3A_327] {strides = array<i32>} : memref<2064xi32, #tpu.memory_space<vmem>>, vector<16xi32>,
    %get3A_329 = arith.constant 1824 : index
    %get3A_330 = tpu.vector_load %arg8[%get3A_329] {strides = array<i32>} : memref<2064xi32, #tpu.memory_space<vmem>>, vector<16xi32>,
    %add3A_331 = arith.constant 608 : i32
    %add3A_332 = arith.addi %add3A_331, %mul3A_17 : i32
    %add3A_333 = vector.broadcast %add3A_332 : i32 to vector<16xi32>
    %add3A_334 = arith.addi %add3A_333, %get3A_328 : vector<16xi32>
    %gather3A_335 = tpu.vector_load_idx %arg8[%add3A_334] : memref<2064xi32, #tpu.memory_space<vmem>>[vector<16xi32>], vector<16xi32>,
    %add3A_336 = arith.addi %gather3A_335, %get3A_330 : vector<16xi32>
    %gather3A_337 = tpu.vector_load_idx %arg7[%add3A_336] : memref<26728xf32, #tpu.memory_space<vmem>>[vector<16xi32>], vector<16xf32>,
    %swap3A_338 = arith.constant 384 : index
    %swap3A_339 = tpu.vector_load %arg9[%swap3A_338] {strides = array<i32>} : memref<624xf32, #tpu.memory_space<vmem>>, vector<16xf32>,
    tpu.vector_store %arg9[%swap3A_338], %gather3A_337 {strides = array<i32>} : memref<624xf32, #tpu.memory_space<vmem>>, vector<16xf32>,
    %get3A_340 = arith.constant 1216 : index
    %get3A_341 = tpu.vector_load %arg8[%get3A_340] {strides = array<i32>} : memref<2064xi32, #tpu.memory_space<vmem>>, vector<16xi32>,
    %get3A_342 = arith.constant 1840 : index
    %get3A_343 = tpu.vector_load %arg8[%get3A_342] {strides = array<i32>} : memref<2064xi32, #tpu.memory_space<vmem>>, vector<16xi32>,
    %add3A_344 = arith.constant 608 : i32
    %add3A_345 = arith.addi %add3A_344, %mul3A_17 : i32
    %add3A_346 = vector.broadcast %add3A_345 : i32 to vector<16xi32>
    %add3A_347 = arith.addi %add3A_346, %get3A_341 : vector<16xi32>
    %gather3A_348 = tpu.vector_load_idx %arg8[%add3A_347] : memref<2064xi32, #tpu.memory_space<vmem>>[vector<16xi32>], vector<16xi32>,
    %add3A_349 = arith.addi %gather3A_348, %get3A_343 : vector<16xi32>
    %gather3A_350 = tpu.vector_load_idx %arg7[%add3A_349] : memref<26728xf32, #tpu.memory_space<vmem>>[vector<16xi32>], vector<16xf32>,
    %swap3A_351 = arith.constant 400 : index
    %swap3A_352 = tpu.vector_load %arg9[%swap3A_351] {strides = array<i32>} : memref<624xf32, #tpu.memory_space<vmem>>, vector<16xf32>,
    tpu.vector_store %arg9[%swap3A_351], %gather3A_350 {strides = array<i32>} : memref<624xf32, #tpu.memory_space<vmem>>, vector<16xf32>,
    %get3A_353 = arith.constant 1232 : index
    %get3A_354 = tpu.vector_load %arg8[%get3A_353] {strides = array<i32>} : memref<2064xi32, #tpu.memory_space<vmem>>, vector<16xi32>,
    %get3A_355 = arith.constant 1856 : index
    %get3A_356 = tpu.vector_load %arg8[%get3A_355] {strides = array<i32>} : memref<2064xi32, #tpu.memory_space<vmem>>, vector<16xi32>,
    %add3A_357 = arith.constant 608 : i32
    %add3A_358 = arith.addi %add3A_357, %mul3A_17 : i32
    %add3A_359 = vector.broadcast %add3A_358 : i32 to vector<16xi32>
    %add3A_360 = arith.addi %add3A_359, %get3A_354 : vector<16xi32>
    %gather3A_361 = tpu.vector_load_idx %arg8[%add3A_360] : memref<2064xi32, #tpu.memory_space<vmem>>[vector<16xi32>], vector<16xi32>,
    %add3A_362 = arith.addi %gather3A_361, %get3A_356 : vector<16xi32>
    %gather3A_363 = tpu.vector_load_idx %arg7[%add3A_362] : memref<26728xf32, #tpu.memory_space<vmem>>[vector<16xi32>], vector<16xf32>,
    %swap3A_364 = arith.constant 416 : index
    %swap3A_365 = tpu.vector_load %arg9[%swap3A_364] {strides = array<i32>} : memref<624xf32, #tpu.memory_space<vmem>>, vector<16xf32>,
    tpu.vector_store %arg9[%swap3A_364], %gather3A_363 {strides = array<i32>} : memref<624xf32, #tpu.memory_space<vmem>>, vector<16xf32>,
    %get3A_366 = arith.constant 1248 : index
    %get3A_367 = tpu.vector_load %arg8[%get3A_366] {strides = array<i32>} : memref<2064xi32, #tpu.memory_space<vmem>>, vector<16xi32>,
    %get3A_368 = arith.constant 1872 : index
    %get3A_369 = tpu.vector_load %arg8[%get3A_368] {strides = array<i32>} : memref<2064xi32, #tpu.memory_space<vmem>>, vector<16xi32>,
    %add3A_370 = arith.constant 608 : i32
    %add3A_371 = arith.addi %add3A_370, %mul3A_17 : i32
    %add3A_372 = vector.broadcast %add3A_371 : i32 to vector<16xi32>
    %add3A_373 = arith.addi %add3A_372, %get3A_367 : vector<16xi32>
    %gather3A_374 = tpu.vector_load_idx %arg8[%add3A_373] : memref<2064xi32, #tpu.memory_space<vmem>>[vector<16xi32>], vector<16xi32>,
    %add3A_375 = arith.addi %gather3A_374, %get3A_369 : vector<16xi32>
    %gather3A_376 = tpu.vector_load_idx %arg7[%add3A_375] : memref<26728xf32, #tpu.memory_space<vmem>>[vector<16xi32>], vector<16xf32>,
    %swap3A_377 = arith.constant 432 : index
    %swap3A_378 = tpu.vector_load %arg9[%swap3A_377] {strides = array<i32>} : memref<624xf32, #tpu.memory_space<vmem>>, vector<16xf32>,
    tpu.vector_store %arg9[%swap3A_377], %gather3A_376 {strides = array<i32>} : memref<624xf32, #tpu.memory_space<vmem>>, vector<16xf32>,
    %get3A_379 = arith.constant 1264 : index
    %get3A_380 = tpu.vector_load %arg8[%get3A_379] {strides = array<i32>} : memref<2064xi32, #tpu.memory_space<vmem>>, vector<16xi32>,
    %get3A_381 = arith.constant 1888 : index
    %get3A_382 = tpu.vector_load %arg8[%get3A_381] {strides = array<i32>} : memref<2064xi32, #tpu.memory_space<vmem>>, vector<16xi32>,
    %add3A_383 = arith.constant 608 : i32
    %add3A_384 = arith.addi %add3A_383, %mul3A_17 : i32
    %add3A_385 = vector.broadcast %add3A_384 : i32 to vector<16xi32>
    %add3A_386 = arith.addi %add3A_385, %get3A_380 : vector<16xi32>
    %gather3A_387 = tpu.vector_load_idx %arg8[%add3A_386] : memref<2064xi32, #tpu.memory_space<vmem>>[vector<16xi32>], vector<16xi32>,
    %add3A_388 = arith.addi %gather3A_387, %get3A_382 : vector<16xi32>
    %gather3A_389 = tpu.vector_load_idx %arg7[%add3A_388] : memref<26728xf32, #tpu.memory_space<vmem>>[vector<16xi32>], vector<16xf32>,
    %swap3A_390 = arith.constant 448 : index
    %swap3A_391 = tpu.vector_load %arg9[%swap3A_390] {strides = array<i32>} : memref<624xf32, #tpu.memory_space<vmem>>, vector<16xf32>,
    tpu.vector_store %arg9[%swap3A_390], %gather3A_389 {strides = array<i32>} : memref<624xf32, #tpu.memory_space<vmem>>, vector<16xf32>,
    %get3A_392 = arith.constant 1280 : index
    %get3A_393 = tpu.vector_load %arg8[%get3A_392] {strides = array<i32>} : memref<2064xi32, #tpu.memory_space<vmem>>, vector<16xi32>,
    %get3A_394 = arith.constant 1904 : index
    %get3A_395 = tpu.vector_load %arg8[%get3A_394] {strides = array<i32>} : memref<2064xi32, #tpu.memory_space<vmem>>, vector<16xi32>,
    %add3A_396 = arith.constant 608 : i32
    %add3A_397 = arith.addi %add3A_396, %mul3A_17 : i32
    %add3A_398 = vector.broadcast %add3A_397 : i32 to vector<16xi32>
    %add3A_399 = arith.addi %add3A_398, %get3A_393 : vector<16xi32>
    %gather3A_400 = tpu.vector_load_idx %arg8[%add3A_399] : memref<2064xi32, #tpu.memory_space<vmem>>[vector<16xi32>], vector<16xi32>,
    %add3A_401 = arith.addi %gather3A_400, %get3A_395 : vector<16xi32>
    %gather3A_402 = tpu.vector_load_idx %arg7[%add3A_401] : memref<26728xf32, #tpu.memory_space<vmem>>[vector<16xi32>], vector<16xf32>,
    %swap3A_403 = arith.constant 464 : index
    %swap3A_404 = tpu.vector_load %arg9[%swap3A_403] {strides = array<i32>} : memref<624xf32, #tpu.memory_space<vmem>>, vector<16xf32>,
    tpu.vector_store %arg9[%swap3A_403], %gather3A_402 {strides = array<i32>} : memref<624xf32, #tpu.memory_space<vmem>>, vector<16xf32>,
    %get3A_405 = arith.constant 1296 : index
    %get3A_406 = tpu.vector_load %arg8[%get3A_405] {strides = array<i32>} : memref<2064xi32, #tpu.memory_space<vmem>>, vector<16xi32>,
    %get3A_407 = arith.constant 1920 : index
    %get3A_408 = tpu.vector_load %arg8[%get3A_407] {strides = array<i32>} : memref<2064xi32, #tpu.memory_space<vmem>>, vector<16xi32>,
    %add3A_409 = arith.constant 608 : i32
    %add3A_410 = arith.addi %add3A_409, %mul3A_17 : i32
    %add3A_411 = vector.broadcast %add3A_410 : i32 to vector<16xi32>
    %add3A_412 = arith.addi %add3A_411, %get3A_406 : vector<16xi32>
    %gather3A_413 = tpu.vector_load_idx %arg8[%add3A_412] : memref<2064xi32, #tpu.memory_space<vmem>>[vector<16xi32>], vector<16xi32>,
    %add3A_414 = arith.addi %gather3A_413, %get3A_408 : vector<16xi32>
    %gather3A_415 = tpu.vector_load_idx %arg7[%add3A_414] : memref<26728xf32, #tpu.memory_space<vmem>>[vector<16xi32>], vector<16xf32>,
    %swap3A_416 = arith.constant 480 : index
    %swap3A_417 = tpu.vector_load %arg9[%swap3A_416] {strides = array<i32>} : memref<624xf32, #tpu.memory_space<vmem>>, vector<16xf32>,
    tpu.vector_store %arg9[%swap3A_416], %gather3A_415 {strides = array<i32>} : memref<624xf32, #tpu.memory_space<vmem>>, vector<16xf32>,
    %get3A_418 = arith.constant 1312 : index
    %get3A_419 = tpu.vector_load %arg8[%get3A_418] {strides = array<i32>} : memref<2064xi32, #tpu.memory_space<vmem>>, vector<16xi32>,
    %get3A_420 = arith.constant 1936 : index
    %get3A_421 = tpu.vector_load %arg8[%get3A_420] {strides = array<i32>} : memref<2064xi32, #tpu.memory_space<vmem>>, vector<16xi32>,
    %add3A_422 = arith.constant 608 : i32
    %add3A_423 = arith.addi %add3A_422, %mul3A_17 : i32
    %add3A_424 = vector.broadcast %add3A_423 : i32 to vector<16xi32>
    %add3A_425 = arith.addi %add3A_424, %get3A_419 : vector<16xi32>
    %gather3A_426 = tpu.vector_load_idx %arg8[%add3A_425] : memref<2064xi32, #tpu.memory_space<vmem>>[vector<16xi32>], vector<16xi32>,
    %add3A_427 = arith.addi %gather3A_426, %get3A_421 : vector<16xi32>
    %gather3A_428 = tpu.vector_load_idx %arg7[%add3A_427] : memref<26728xf32, #tpu.memory_space<vmem>>[vector<16xi32>], vector<16xf32>,
    %swap3A_429 = arith.constant 496 : index
    %swap3A_430 = tpu.vector_load %arg9[%swap3A_429] {strides = array<i32>} : memref<624xf32, #tpu.memory_space<vmem>>, vector<16xf32>,
    tpu.vector_store %arg9[%swap3A_429], %gather3A_428 {strides = array<i32>} : memref<624xf32, #tpu.memory_space<vmem>>, vector<16xf32>,
    %get3A_431 = arith.constant 1328 : index
    %get3A_432 = tpu.vector_load %arg8[%get3A_431] {strides = array<i32>} : memref<2064xi32, #tpu.memory_space<vmem>>, vector<16xi32>,
    %get3A_433 = arith.constant 1952 : index
    %get3A_434 = tpu.vector_load %arg8[%get3A_433] {strides = array<i32>} : memref<2064xi32, #tpu.memory_space<vmem>>, vector<16xi32>,
    %add3A_435 = arith.constant 608 : i32
    %add3A_436 = arith.addi %add3A_435, %mul3A_17 : i32
    %add3A_437 = vector.broadcast %add3A_436 : i32 to vector<16xi32>
    %add3A_438 = arith.addi %add3A_437, %get3A_432 : vector<16xi32>
    %gather3A_439 = tpu.vector_load_idx %arg8[%add3A_438] : memref<2064xi32, #tpu.memory_space<vmem>>[vector<16xi32>], vector<16xi32>,
    %add3A_440 = arith.addi %gather3A_439, %get3A_434 : vector<16xi32>
    %gather3A_441 = tpu.vector_load_idx %arg7[%add3A_440] : memref<26728xf32, #tpu.memory_space<vmem>>[vector<16xi32>], vector<16xf32>,
    %swap3A_442 = arith.constant 512 : index
    %swap3A_443 = tpu.vector_load %arg9[%swap3A_442] {strides = array<i32>} : memref<624xf32, #tpu.memory_space<vmem>>, vector<16xf32>,
    tpu.vector_store %arg9[%swap3A_442], %gather3A_441 {strides = array<i32>} : memref<624xf32, #tpu.memory_space<vmem>>, vector<16xf32>,
    %get3A_444 = arith.constant 1344 : index
    %get3A_445 = tpu.vector_load %arg8[%get3A_444] {strides = array<i32>} : memref<2064xi32, #tpu.memory_space<vmem>>, vector<16xi32>,
    %get3A_446 = arith.constant 1968 : index
    %get3A_447 = tpu.vector_load %arg8[%get3A_446] {strides = array<i32>} : memref<2064xi32, #tpu.memory_space<vmem>>, vector<16xi32>,
    %add3A_448 = arith.constant 608 : i32
    %add3A_449 = arith.addi %add3A_448, %mul3A_17 : i32
    %add3A_450 = vector.broadcast %add3A_449 : i32 to vector<16xi32>
    %add3A_451 = arith.addi %add3A_450, %get3A_445 : vector<16xi32>
    %gather3A_452 = tpu.vector_load_idx %arg8[%add3A_451] : memref<2064xi32, #tpu.memory_space<vmem>>[vector<16xi32>], vector<16xi32>,
    %add3A_453 = arith.addi %gather3A_452, %get3A_447 : vector<16xi32>
    %gather3A_454 = tpu.vector_load_idx %arg7[%add3A_453] : memref<26728xf32, #tpu.memory_space<vmem>>[vector<16xi32>], vector<16xf32>,
    %swap3A_455 = arith.constant 528 : index
    %swap3A_456 = tpu.vector_load %arg9[%swap3A_455] {strides = array<i32>} : memref<624xf32, #tpu.memory_space<vmem>>, vector<16xf32>,
    tpu.vector_store %arg9[%swap3A_455], %gather3A_454 {strides = array<i32>} : memref<624xf32, #tpu.memory_space<vmem>>, vector<16xf32>,
    %get3A_457 = arith.constant 1360 : index
    %get3A_458 = tpu.vector_load %arg8[%get3A_457] {strides = array<i32>} : memref<2064xi32, #tpu.memory_space<vmem>>, vector<16xi32>,
    %get3A_459 = arith.constant 1984 : index
    %get3A_460 = tpu.vector_load %arg8[%get3A_459] {strides = array<i32>} : memref<2064xi32, #tpu.memory_space<vmem>>, vector<16xi32>,
    %add3A_461 = arith.constant 608 : i32
    %add3A_462 = arith.addi %add3A_461, %mul3A_17 : i32
    %add3A_463 = vector.broadcast %add3A_462 : i32 to vector<16xi32>
    %add3A_464 = arith.addi %add3A_463, %get3A_458 : vector<16xi32>
    %gather3A_465 = tpu.vector_load_idx %arg8[%add3A_464] : memref<2064xi32, #tpu.memory_space<vmem>>[vector<16xi32>], vector<16xi32>,
    %add3A_466 = arith.addi %gather3A_465, %get3A_460 : vector<16xi32>
    %gather3A_467 = tpu.vector_load_idx %arg7[%add3A_466] : memref<26728xf32, #tpu.memory_space<vmem>>[vector<16xi32>], vector<16xf32>,
    %swap3A_468 = arith.constant 544 : index
    %swap3A_469 = tpu.vector_load %arg9[%swap3A_468] {strides = array<i32>} : memref<624xf32, #tpu.memory_space<vmem>>, vector<16xf32>,
    tpu.vector_store %arg9[%swap3A_468], %gather3A_467 {strides = array<i32>} : memref<624xf32, #tpu.memory_space<vmem>>, vector<16xf32>,
    %get3A_470 = arith.constant 1376 : index
    %get3A_471 = tpu.vector_load %arg8[%get3A_470] {strides = array<i32>} : memref<2064xi32, #tpu.memory_space<vmem>>, vector<16xi32>,
    %get3A_472 = arith.constant 2000 : index
    %get3A_473 = tpu.vector_load %arg8[%get3A_472] {strides = array<i32>} : memref<2064xi32, #tpu.memory_space<vmem>>, vector<16xi32>,
    %add3A_474 = arith.constant 608 : i32
    %add3A_475 = arith.addi %add3A_474, %mul3A_17 : i32
    %add3A_476 = vector.broadcast %add3A_475 : i32 to vector<16xi32>
    %add3A_477 = arith.addi %add3A_476, %get3A_471 : vector<16xi32>
    %gather3A_478 = tpu.vector_load_idx %arg8[%add3A_477] : memref<2064xi32, #tpu.memory_space<vmem>>[vector<16xi32>], vector<16xi32>,
    %add3A_479 = arith.addi %gather3A_478, %get3A_473 : vector<16xi32>
    %gather3A_480 = tpu.vector_load_idx %arg7[%add3A_479] : memref<26728xf32, #tpu.memory_space<vmem>>[vector<16xi32>], vector<16xf32>,
    %swap3A_481 = arith.constant 560 : index
    %swap3A_482 = tpu.vector_load %arg9[%swap3A_481] {strides = array<i32>} : memref<624xf32, #tpu.memory_space<vmem>>, vector<16xf32>,
    tpu.vector_store %arg9[%swap3A_481], %gather3A_480 {strides = array<i32>} : memref<624xf32, #tpu.memory_space<vmem>>, vector<16xf32>,
    %get3A_483 = arith.constant 1392 : index
    %get3A_484 = tpu.vector_load %arg8[%get3A_483] {strides = array<i32>} : memref<2064xi32, #tpu.memory_space<vmem>>, vector<16xi32>,
    %get3A_485 = arith.constant 2016 : index
    %get3A_486 = tpu.vector_load %arg8[%get3A_485] {strides = array<i32>} : memref<2064xi32, #tpu.memory_space<vmem>>, vector<16xi32>,
    %add3A_487 = arith.constant 608 : i32
    %add3A_488 = arith.addi %add3A_487, %mul3A_17 : i32
    %add3A_489 = vector.broadcast %add3A_488 : i32 to vector<16xi32>
    %add3A_490 = arith.addi %add3A_489, %get3A_484 : vector<16xi32>
    %gather3A_491 = tpu.vector_load_idx %arg8[%add3A_490] : memref<2064xi32, #tpu.memory_space<vmem>>[vector<16xi32>], vector<16xi32>,
    %add3A_492 = arith.addi %gather3A_491, %get3A_486 : vector<16xi32>
    %gather3A_493 = tpu.vector_load_idx %arg7[%add3A_492] : memref<26728xf32, #tpu.memory_space<vmem>>[vector<16xi32>], vector<16xf32>,
    %swap3A_494 = arith.constant 576 : index
    %swap3A_495 = tpu.vector_load %arg9[%swap3A_494] {strides = array<i32>} : memref<624xf32, #tpu.memory_space<vmem>>, vector<16xf32>,
    tpu.vector_store %arg9[%swap3A_494], %gather3A_493 {strides = array<i32>} : memref<624xf32, #tpu.memory_space<vmem>>, vector<16xf32>,
    %get3A_496 = arith.constant 1408 : index
    %get3A_497 = tpu.vector_load %arg8[%get3A_496] {strides = array<i32>} : memref<2064xi32, #tpu.memory_space<vmem>>, vector<16xi32>,
    %get3A_498 = arith.constant 2032 : index
    %get3A_499 = tpu.vector_load %arg8[%get3A_498] {strides = array<i32>} : memref<2064xi32, #tpu.memory_space<vmem>>, vector<16xi32>,
    %add3A_500 = arith.constant 608 : i32
    %add3A_501 = arith.addi %add3A_500, %mul3A_17 : i32
    %add3A_502 = vector.broadcast %add3A_501 : i32 to vector<16xi32>
    %add3A_503 = arith.addi %add3A_502, %get3A_497 : vector<16xi32>
    %gather3A_504 = tpu.vector_load_idx %arg8[%add3A_503] : memref<2064xi32, #tpu.memory_space<vmem>>[vector<16xi32>], vector<16xi32>,
    %add3A_505 = arith.addi %gather3A_504, %get3A_499 : vector<16xi32>
    %gather3A_506 = tpu.vector_load_idx %arg7[%add3A_505] : memref<26728xf32, #tpu.memory_space<vmem>>[vector<16xi32>], vector<16xf32>,
    %swap3A_507 = arith.constant 592 : index
    %swap3A_508 = tpu.vector_load %arg9[%swap3A_507] {strides = array<i32>} : memref<624xf32, #tpu.memory_space<vmem>>, vector<16xf32>,
    tpu.vector_store %arg9[%swap3A_507], %gather3A_506 {strides = array<i32>} : memref<624xf32, #tpu.memory_space<vmem>>, vector<16xf32>,
    %get3A_509 = arith.constant 1424 : index
    %get3A_510 = tpu.vector_load %arg8[%get3A_509] {strides = array<i32>} : memref<2064xi32, #tpu.memory_space<vmem>>, vector<16xi32>,
    %get3A_511 = arith.constant 2048 : index
    %get3A_512 = tpu.vector_load %arg8[%get3A_511] {strides = array<i32>} : memref<2064xi32, #tpu.memory_space<vmem>>, vector<16xi32>,
    %add3A_513 = arith.constant 608 : i32
    %add3A_514 = arith.addi %add3A_513, %mul3A_17 : i32
    %add3A_515 = vector.broadcast %add3A_514 : i32 to vector<16xi32>
    %add3A_516 = arith.addi %add3A_515, %get3A_510 : vector<16xi32>
    %gather3A_517 = tpu.vector_load_idx %arg8[%add3A_516] : memref<2064xi32, #tpu.memory_space<vmem>>[vector<16xi32>], vector<16xi32>,
    %add3A_518 = arith.addi %gather3A_517, %get3A_512 : vector<16xi32>
    %gather3A_519 = tpu.vector_load_idx %arg7[%add3A_518] : memref<26728xf32, #tpu.memory_space<vmem>>[vector<16xi32>], vector<16xf32>,
    %swap3A_520 = arith.constant 608 : index
    %swap3A_521 = tpu.vector_load %arg9[%swap3A_520] {strides = array<i32>} : memref<624xf32, #tpu.memory_space<vmem>>, vector<16xf32>,
    tpu.vector_store %arg9[%swap3A_520], %gather3A_519 {strides = array<i32>} : memref<624xf32, #tpu.memory_space<vmem>>, vector<16xf32>,
    %mul3A_522 = arith.constant 624 : i32
    %mul3A_523 = arith.muli %arg1, %mul3A_522 : i32
    "tpu.region"() ({
      %run_scoped3A = tpu.sem_alloc : memref<!tpu.dma_semaphore, #tpu.memory_space<semaphore_mem>>
      %dma_start3A_532 = tpu.memref_slice %arg12[%mul3A_523] : memref<9984xf32, #tpu.memory_space<vmem_shared>> -> memref<624xf32, #tpu.memory_space<vmem_shared>>
      %dma_start3A_533 = tpu.memref_slice %arg12[%mul3A_523] : memref<9984xf32, #tpu.memory_space<vmem_shared>> -> memref<624xf32, #tpu.memory_space<vmem_shared>>
      tpu.enqueue_dma source(%arg9 : memref<624xf32, #tpu.memory_space<vmem>>) target(%dma_start3A_533 : memref<624xf32, #tpu.memory_space<vmem_shared>>) target_semaphore(%run_scoped3A : memref<!tpu.dma_semaphore, #tpu.memory_space<semaphore_mem>>)
      %dma_wait3A_534 = tpu.memref_slice %arg12[%mul3A_523] : memref<9984xf32, #tpu.memory_space<vmem_shared>> -> memref<624xf32, #tpu.memory_space<vmem_shared>>
      %dma_wait3A_535 = tpu.memref_slice %arg12[%mul3A_523] : memref<9984xf32, #tpu.memory_space<vmem_shared>> -> memref<624xf32, #tpu.memory_space<vmem_shared>>
      tpu.wait_dma2 semaphore(%run_scoped3A : memref<!tpu.dma_semaphore, #tpu.memory_space<semaphore_mem>>) src(%arg9 : memref<624xf32, #tpu.memory_space<vmem>>) dst(%dma_wait3A_535 : memref<624xf32, #tpu.memory_space<vmem_shared>>)
      tpu.yield
    }) : () -> ()
    %barrier3A = arith.constant 0 : index
    tpu.barrier barrier_id(%barrier3A)
    "tpu.region"() ({
      %run_scoped3A = tpu.sem_alloc : memref<!tpu.dma_semaphore, #tpu.memory_space<semaphore_mem>>
      tpu.enqueue_dma source(%arg12 : memref<9984xf32, #tpu.memory_space<vmem_shared>>) target(%arg10 : memref<9984xf32, #tpu.memory_space<vmem>>) target_semaphore(%run_scoped3A : memref<!tpu.dma_semaphore, #tpu.memory_space<semaphore_mem>>)
      tpu.wait_dma2 semaphore(%run_scoped3A : memref<!tpu.dma_semaphore, #tpu.memory_space<semaphore_mem>>) src(%arg12 : memref<9984xf32, #tpu.memory_space<vmem_shared>>) dst(%arg10 : memref<9984xf32, #tpu.memory_space<vmem>>)
      tpu.yield
    }) : () -> ()
    %scan3A_524 = arith.constant 0 : i32
    %scan3A_525 = arith.constant 0 : i32
    %scan3A_526 = arith.constant 8 : i32
    %scan3A_527 = arith.addi %scan3A_525, %scan3A_526 : i32
    %scan3A_528 = arith.constant 1 : i32
    scf.for %scan3A_532 = %scan3A_525 to %scan3A_527 step %scan3A_528  : i32 {
      %mul3A_533 = arith.constant 2049 : i32
      %mul3A_534 = arith.muli %scan3A_532, %mul3A_533 : i32
      %mul3A_535 = arith.constant 512 : i32
      %mul3A_536 = arith.muli %scan3A_532, %mul3A_535 : i32
      %get3A_537 = arith.constant 608 : index
      %get3A_538 = tpu.vector_load %arg8[%get3A_537] {strides = array<i32>} : memref<2064xi32, #tpu.memory_space<vmem>>, vector<16xi32>,
      %add3A_539 = vector.broadcast %mul3A_534 : i32 to vector<16xi32>
      %add3A_540 = arith.addi %add3A_539, %get3A_538 : vector<16xi32>
      %add3A_541 = arith.constant 0 : i32
      %add3A_542 = vector.broadcast %add3A_541 : i32 to vector<16xi32>
      %add3A_543 = arith.addi %iota3A, %add3A_542 : vector<16xi32>
      %mul3A_544 = arith.constant 48 : i32
      %mul3A_545 = vector.broadcast %mul3A_544 : i32 to vector<16xi32>
      %mul3A_546 = arith.muli %add3A_543, %mul3A_545 : vector<16xi32>
      %add3A_547 = arith.constant 0 : i32
      %add3A_548 = vector.broadcast %add3A_547 : i32 to vector<16xi32>
      %add3A_549 = arith.addi %add3A_540, %add3A_548 : vector<16xi32>
      %gather3A_550 = tpu.vector_load_idx %arg6[%add3A_549] : memref<16392xf32, #tpu.memory_space<vmem>>[vector<16xi32>], vector<16xf32>,
      %add3A_551 = arith.constant 0 : i32
      %add3A_552 = vector.broadcast %add3A_551 : i32 to vector<16xi32>
      %add3A_553 = arith.addi %mul3A_546, %add3A_552 : vector<16xi32>
      %gather3A_554 = tpu.vector_load_idx %arg10[%add3A_553] : memref<9984xf32, #tpu.memory_space<vmem>>[vector<16xi32>], vector<16xf32>,
      %add3A_555 = arith.addf %gather3A_550, %gather3A_554 : vector<16xf32>
      %broadcast_in_dim3A = arith.constant 0xFF800000 : f32
      %broadcast_in_dim3A_556 = vector.broadcast %broadcast_in_dim3A : f32 to vector<16xf32>
      %scan3A_557 = arith.constant 0 : i32
      %mul3A_558 = arith.constant 4 : i32
      %mul3A_559 = arith.muli %mul3A_558, %scan3A_557 : i32
      %add3A_560 = arith.constant 1 : i32
      %add3A_561 = arith.addi %add3A_560, %mul3A_559 : i32
      %add3A_562 = vector.broadcast %add3A_561 : i32 to vector<16xi32>
      %add3A_563 = arith.addi %add3A_540, %add3A_562 : vector<16xi32>
      %gather3A_564 = tpu.vector_load_idx %arg6[%add3A_563] : memref<16392xf32, #tpu.memory_space<vmem>>[vector<16xi32>], vector<16xf32>,
      %add3A_565 = vector.broadcast %add3A_561 : i32 to vector<16xi32>
      %add3A_566 = arith.addi %mul3A_546, %add3A_565 : vector<16xi32>
      %gather3A_567 = tpu.vector_load_idx %arg10[%add3A_566] : memref<9984xf32, #tpu.memory_space<vmem>>[vector<16xi32>], vector<16xf32>,
      %add3A_568 = arith.addf %gather3A_564, %gather3A_567 : vector<16xf32>
      %max3A = arith.maximumf %add3A_555, %add3A_568 : vector<16xf32>
      %add3A_569 = arith.constant 1 : i32
      %add3A_570 = arith.addi %add3A_561, %add3A_569 : i32
      %add3A_571 = vector.broadcast %add3A_570 : i32 to vector<16xi32>
      %add3A_572 = arith.addi %add3A_540, %add3A_571 : vector<16xi32>
      %gather3A_573 = tpu.vector_load_idx %arg6[%add3A_572] : memref<16392xf32, #tpu.memory_space<vmem>>[vector<16xi32>], vector<16xf32>,
      %add3A_574 = vector.broadcast %add3A_570 : i32 to vector<16xi32>
      %add3A_575 = arith.addi %mul3A_546, %add3A_574 : vector<16xi32>
      %gather3A_576 = tpu.vector_load_idx %arg10[%add3A_575] : memref<9984xf32, #tpu.memory_space<vmem>>[vector<16xi32>], vector<16xf32>,
      %add3A_577 = arith.addf %gather3A_573, %gather3A_576 : vector<16xf32>
      %max3A_578 = arith.maximumf %broadcast_in_dim3A_556, %add3A_577 : vector<16xf32>
      %add3A_579 = arith.constant 2 : i32
      %add3A_580 = arith.addi %add3A_561, %add3A_579 : i32
      %add3A_581 = vector.broadcast %add3A_580 : i32 to vector<16xi32>
      %add3A_582 = arith.addi %add3A_540, %add3A_581 : vector<16xi32>
      %gather3A_583 = tpu.vector_load_idx %arg6[%add3A_582] : memref<16392xf32, #tpu.memory_space<vmem>>[vector<16xi32>], vector<16xf32>,
      %add3A_584 = vector.broadcast %add3A_580 : i32 to vector<16xi32>
      %add3A_585 = arith.addi %mul3A_546, %add3A_584 : vector<16xi32>
      %gather3A_586 = tpu.vector_load_idx %arg10[%add3A_585] : memref<9984xf32, #tpu.memory_space<vmem>>[vector<16xi32>], vector<16xf32>,
      %add3A_587 = arith.addf %gather3A_583, %gather3A_586 : vector<16xf32>
      %max3A_588 = arith.maximumf %max3A, %add3A_587 : vector<16xf32>
      %add3A_589 = arith.constant 3 : i32
      %add3A_590 = arith.addi %add3A_561, %add3A_589 : i32
      %add3A_591 = vector.broadcast %add3A_590 : i32 to vector<16xi32>
      %add3A_592 = arith.addi %add3A_540, %add3A_591 : vector<16xi32>
      %gather3A_593 = tpu.vector_load_idx %arg6[%add3A_592] : memref<16392xf32, #tpu.memory_space<vmem>>[vector<16xi32>], vector<16xf32>,
      %add3A_594 = vector.broadcast %add3A_590 : i32 to vector<16xi32>
      %add3A_595 = arith.addi %mul3A_546, %add3A_594 : vector<16xi32>
      %gather3A_596 = tpu.vector_load_idx %arg10[%add3A_595] : memref<9984xf32, #tpu.memory_space<vmem>>[vector<16xi32>], vector<16xf32>,
      %add3A_597 = arith.addf %gather3A_593, %gather3A_596 : vector<16xf32>
      %max3A_598 = arith.maximumf %max3A_578, %add3A_597 : vector<16xf32>
      %scan3A_599 = arith.constant 1 : i32
      %max3A_600 = arith.maximumf %max3A_588, %max3A_598 : vector<16xf32>
      %lt3A = arith.constant 193 : i32
      %lt3A_601 = vector.broadcast %lt3A : i32 to vector<16xi32>
      %lt3A_602 = arith.cmpi slt, %iota3A, %lt3A_601 : vector<16xi32>
      %add3A_603 = arith.constant 319 : i32
      %add3A_604 = arith.addi %mul3A_536, %add3A_603 : i32
      %add3A_605 = arith.constant 0 : i32
      %add3A_606 = arith.addi %add3A_604, %add3A_605 : i32
      %add3A_607 = vector.broadcast %add3A_606 : i32 to vector<16xi32>
      %add3A_608 = arith.addi %iota3A, %add3A_607 : vector<16xi32>
      tpu.vector_store_idx %arg11[%add3A_608], %max3A_600 masked %lt3A_602 : memref<4096xf32, #tpu.memory_space<vmem>>[vector<16xi32>], vector<16xf32>, vector<16xi1>
      %get3A_609 = arith.constant 624 : index
      %get3A_610 = tpu.vector_load %arg8[%get3A_609] {strides = array<i32>} : memref<2064xi32, #tpu.memory_space<vmem>>, vector<16xi32>,
      %add3A_611 = vector.broadcast %mul3A_534 : i32 to vector<16xi32>
      %add3A_612 = arith.addi %add3A_611, %get3A_610 : vector<16xi32>
      %add3A_613 = arith.constant 16 : i32
      %add3A_614 = vector.broadcast %add3A_613 : i32 to vector<16xi32>
      %add3A_615 = arith.addi %iota3A, %add3A_614 : vector<16xi32>
      %mul3A_616 = arith.constant 48 : i32
      %mul3A_617 = vector.broadcast %mul3A_616 : i32 to vector<16xi32>
      %mul3A_618 = arith.muli %add3A_615, %mul3A_617 : vector<16xi32>
      %add3A_619 = arith.constant 0 : i32
      %add3A_620 = vector.broadcast %add3A_619 : i32 to vector<16xi32>
      %add3A_621 = arith.addi %add3A_612, %add3A_620 : vector<16xi32>
      %gather3A_622 = tpu.vector_load_idx %arg6[%add3A_621] : memref<16392xf32, #tpu.memory_space<vmem>>[vector<16xi32>], vector<16xf32>,
      %add3A_623 = arith.constant 0 : i32
      %add3A_624 = vector.broadcast %add3A_623 : i32 to vector<16xi32>
      %add3A_625 = arith.addi %mul3A_618, %add3A_624 : vector<16xi32>
      %gather3A_626 = tpu.vector_load_idx %arg10[%add3A_625] : memref<9984xf32, #tpu.memory_space<vmem>>[vector<16xi32>], vector<16xf32>,
      %add3A_627 = arith.addf %gather3A_622, %gather3A_626 : vector<16xf32>
      %broadcast_in_dim3A_628 = arith.constant 0xFF800000 : f32
      %broadcast_in_dim3A_629 = vector.broadcast %broadcast_in_dim3A_628 : f32 to vector<16xf32>
      %scan3A_630 = arith.constant 0 : i32
      %mul3A_631 = arith.constant 4 : i32
      %mul3A_632 = arith.muli %mul3A_631, %scan3A_630 : i32
      %add3A_633 = arith.constant 1 : i32
      %add3A_634 = arith.addi %add3A_633, %mul3A_632 : i32
      %add3A_635 = vector.broadcast %add3A_634 : i32 to vector<16xi32>
      %add3A_636 = arith.addi %add3A_612, %add3A_635 : vector<16xi32>
      %gather3A_637 = tpu.vector_load_idx %arg6[%add3A_636] : memref<16392xf32, #tpu.memory_space<vmem>>[vector<16xi32>], vector<16xf32>,
      %add3A_638 = vector.broadcast %add3A_634 : i32 to vector<16xi32>
      %add3A_639 = arith.addi %mul3A_618, %add3A_638 : vector<16xi32>
      %gather3A_640 = tpu.vector_load_idx %arg10[%add3A_639] : memref<9984xf32, #tpu.memory_space<vmem>>[vector<16xi32>], vector<16xf32>,
      %add3A_641 = arith.addf %gather3A_637, %gather3A_640 : vector<16xf32>
      %max3A_642 = arith.maximumf %add3A_627, %add3A_641 : vector<16xf32>
      %add3A_643 = arith.constant 1 : i32
      %add3A_644 = arith.addi %add3A_634, %add3A_643 : i32
      %add3A_645 = vector.broadcast %add3A_644 : i32 to vector<16xi32>
      %add3A_646 = arith.addi %add3A_612, %add3A_645 : vector<16xi32>
      %gather3A_647 = tpu.vector_load_idx %arg6[%add3A_646] : memref<16392xf32, #tpu.memory_space<vmem>>[vector<16xi32>], vector<16xf32>,
      %add3A_648 = vector.broadcast %add3A_644 : i32 to vector<16xi32>
      %add3A_649 = arith.addi %mul3A_618, %add3A_648 : vector<16xi32>
      %gather3A_650 = tpu.vector_load_idx %arg10[%add3A_649] : memref<9984xf32, #tpu.memory_space<vmem>>[vector<16xi32>], vector<16xf32>,
      %add3A_651 = arith.addf %gather3A_647, %gather3A_650 : vector<16xf32>
      %max3A_652 = arith.maximumf %broadcast_in_dim3A_629, %add3A_651 : vector<16xf32>
      %add3A_653 = arith.constant 2 : i32
      %add3A_654 = arith.addi %add3A_634, %add3A_653 : i32
      %add3A_655 = vector.broadcast %add3A_654 : i32 to vector<16xi32>
      %add3A_656 = arith.addi %add3A_612, %add3A_655 : vector<16xi32>
      %gather3A_657 = tpu.vector_load_idx %arg6[%add3A_656] : memref<16392xf32, #tpu.memory_space<vmem>>[vector<16xi32>], vector<16xf32>,
      %add3A_658 = vector.broadcast %add3A_654 : i32 to vector<16xi32>
      %add3A_659 = arith.addi %mul3A_618, %add3A_658 : vector<16xi32>
      %gather3A_660 = tpu.vector_load_idx %arg10[%add3A_659] : memref<9984xf32, #tpu.memory_space<vmem>>[vector<16xi32>], vector<16xf32>,
      %add3A_661 = arith.addf %gather3A_657, %gather3A_660 : vector<16xf32>
      %max3A_662 = arith.maximumf %max3A_642, %add3A_661 : vector<16xf32>
      %add3A_663 = arith.constant 3 : i32
      %add3A_664 = arith.addi %add3A_634, %add3A_663 : i32
      %add3A_665 = vector.broadcast %add3A_664 : i32 to vector<16xi32>
      %add3A_666 = arith.addi %add3A_612, %add3A_665 : vector<16xi32>
      %gather3A_667 = tpu.vector_load_idx %arg6[%add3A_666] : memref<16392xf32, #tpu.memory_space<vmem>>[vector<16xi32>], vector<16xf32>,
      %add3A_668 = vector.broadcast %add3A_664 : i32 to vector<16xi32>
      %add3A_669 = arith.addi %mul3A_618, %add3A_668 : vector<16xi32>
      %gather3A_670 = tpu.vector_load_idx %arg10[%add3A_669] : memref<9984xf32, #tpu.memory_space<vmem>>[vector<16xi32>], vector<16xf32>,
      %add3A_671 = arith.addf %gather3A_667, %gather3A_670 : vector<16xf32>
      %max3A_672 = arith.maximumf %max3A_652, %add3A_671 : vector<16xf32>
      %scan3A_673 = arith.constant 1 : i32
      %add3A_674 = arith.constant 5 : i32
      %add3A_675 = vector.broadcast %add3A_674 : i32 to vector<16xi32>
      %add3A_676 = arith.addi %add3A_612, %add3A_675 : vector<16xi32>
      %gather3A_677 = tpu.vector_load_idx %arg6[%add3A_676] : memref<16392xf32, #tpu.memory_space<vmem>>[vector<16xi32>], vector<16xf32>,
      %add3A_678 = arith.constant 5 : i32
      %add3A_679 = vector.broadcast %add3A_678 : i32 to vector<16xi32>
      %add3A_680 = arith.addi %mul3A_618, %add3A_679 : vector<16xi32>
      %gather3A_681 = tpu.vector_load_idx %arg10[%add3A_680] : memref<9984xf32, #tpu.memory_space<vmem>>[vector<16xi32>], vector<16xf32>,
      %add3A_682 = arith.addf %gather3A_677, %gather3A_681 : vector<16xf32>
      %max3A_683 = arith.maximumf %max3A_672, %add3A_682 : vector<16xf32>
      %max3A_684 = arith.maximumf %max3A_662, %max3A_683 : vector<16xf32>
      %lt3A_685 = arith.constant 177 : i32
      %lt3A_686 = vector.broadcast %lt3A_685 : i32 to vector<16xi32>
      %lt3A_687 = arith.cmpi slt, %iota3A, %lt3A_686 : vector<16xi32>
      %add3A_688 = arith.constant 319 : i32
      %add3A_689 = arith.addi %mul3A_536, %add3A_688 : i32
      %add3A_690 = arith.constant 16 : i32
      %add3A_691 = arith.addi %add3A_689, %add3A_690 : i32
      %add3A_692 = vector.broadcast %add3A_691 : i32 to vector<16xi32>
      %add3A_693 = arith.addi %iota3A, %add3A_692 : vector<16xi32>
      tpu.vector_store_idx %arg11[%add3A_693], %max3A_684 masked %lt3A_687 : memref<4096xf32, #tpu.memory_space<vmem>>[vector<16xi32>], vector<16xf32>, vector<16xi1>
      %get3A_694 = arith.constant 640 : index
      %get3A_695 = tpu.vector_load %arg8[%get3A_694] {strides = array<i32>} : memref<2064xi32, #tpu.memory_space<vmem>>, vector<16xi32>,
      %add3A_696 = vector.broadcast %mul3A_534 : i32 to vector<16xi32>
      %add3A_697 = arith.addi %add3A_696, %get3A_695 : vector<16xi32>
      %add3A_698 = arith.constant 32 : i32
      %add3A_699 = vector.broadcast %add3A_698 : i32 to vector<16xi32>
      %add3A_700 = arith.addi %iota3A, %add3A_699 : vector<16xi32>
      %mul3A_701 = arith.constant 48 : i32
      %mul3A_702 = vector.broadcast %mul3A_701 : i32 to vector<16xi32>
      %mul3A_703 = arith.muli %add3A_700, %mul3A_702 : vector<16xi32>
      %add3A_704 = arith.constant 0 : i32
      %add3A_705 = vector.broadcast %add3A_704 : i32 to vector<16xi32>
      %add3A_706 = arith.addi %add3A_697, %add3A_705 : vector<16xi32>
      %gather3A_707 = tpu.vector_load_idx %arg6[%add3A_706] : memref<16392xf32, #tpu.memory_space<vmem>>[vector<16xi32>], vector<16xf32>,
      %add3A_708 = arith.constant 0 : i32
      %add3A_709 = vector.broadcast %add3A_708 : i32 to vector<16xi32>
      %add3A_710 = arith.addi %mul3A_703, %add3A_709 : vector<16xi32>
      %gather3A_711 = tpu.vector_load_idx %arg10[%add3A_710] : memref<9984xf32, #tpu.memory_space<vmem>>[vector<16xi32>], vector<16xf32>,
      %add3A_712 = arith.addf %gather3A_707, %gather3A_711 : vector<16xf32>
      %broadcast_in_dim3A_713 = arith.constant 0xFF800000 : f32
      %broadcast_in_dim3A_714 = vector.broadcast %broadcast_in_dim3A_713 : f32 to vector<16xf32>
      %scan3A_715 = arith.constant 0 : i32
      %mul3A_716 = arith.constant 4 : i32
      %mul3A_717 = arith.muli %mul3A_716, %scan3A_715 : i32
      %add3A_718 = arith.constant 1 : i32
      %add3A_719 = arith.addi %add3A_718, %mul3A_717 : i32
      %add3A_720 = vector.broadcast %add3A_719 : i32 to vector<16xi32>
      %add3A_721 = arith.addi %add3A_697, %add3A_720 : vector<16xi32>
      %gather3A_722 = tpu.vector_load_idx %arg6[%add3A_721] : memref<16392xf32, #tpu.memory_space<vmem>>[vector<16xi32>], vector<16xf32>,
      %add3A_723 = vector.broadcast %add3A_719 : i32 to vector<16xi32>
      %add3A_724 = arith.addi %mul3A_703, %add3A_723 : vector<16xi32>
      %gather3A_725 = tpu.vector_load_idx %arg10[%add3A_724] : memref<9984xf32, #tpu.memory_space<vmem>>[vector<16xi32>], vector<16xf32>,
      %add3A_726 = arith.addf %gather3A_722, %gather3A_725 : vector<16xf32>
      %max3A_727 = arith.maximumf %add3A_712, %add3A_726 : vector<16xf32>
      %add3A_728 = arith.constant 1 : i32
      %add3A_729 = arith.addi %add3A_719, %add3A_728 : i32
      %add3A_730 = vector.broadcast %add3A_729 : i32 to vector<16xi32>
      %add3A_731 = arith.addi %add3A_697, %add3A_730 : vector<16xi32>
      %gather3A_732 = tpu.vector_load_idx %arg6[%add3A_731] : memref<16392xf32, #tpu.memory_space<vmem>>[vector<16xi32>], vector<16xf32>,
      %add3A_733 = vector.broadcast %add3A_729 : i32 to vector<16xi32>
      %add3A_734 = arith.addi %mul3A_703, %add3A_733 : vector<16xi32>
      %gather3A_735 = tpu.vector_load_idx %arg10[%add3A_734] : memref<9984xf32, #tpu.memory_space<vmem>>[vector<16xi32>], vector<16xf32>,
      %add3A_736 = arith.addf %gather3A_732, %gather3A_735 : vector<16xf32>
      %max3A_737 = arith.maximumf %broadcast_in_dim3A_714, %add3A_736 : vector<16xf32>
      %add3A_738 = arith.constant 2 : i32
      %add3A_739 = arith.addi %add3A_719, %add3A_738 : i32
      %add3A_740 = vector.broadcast %add3A_739 : i32 to vector<16xi32>
      %add3A_741 = arith.addi %add3A_697, %add3A_740 : vector<16xi32>
      %gather3A_742 = tpu.vector_load_idx %arg6[%add3A_741] : memref<16392xf32, #tpu.memory_space<vmem>>[vector<16xi32>], vector<16xf32>,
      %add3A_743 = vector.broadcast %add3A_739 : i32 to vector<16xi32>
      %add3A_744 = arith.addi %mul3A_703, %add3A_743 : vector<16xi32>
      %gather3A_745 = tpu.vector_load_idx %arg10[%add3A_744] : memref<9984xf32, #tpu.memory_space<vmem>>[vector<16xi32>], vector<16xf32>,
      %add3A_746 = arith.addf %gather3A_742, %gather3A_745 : vector<16xf32>
      %max3A_747 = arith.maximumf %max3A_727, %add3A_746 : vector<16xf32>
      %add3A_748 = arith.constant 3 : i32
      %add3A_749 = arith.addi %add3A_719, %add3A_748 : i32
      %add3A_750 = vector.broadcast %add3A_749 : i32 to vector<16xi32>
      %add3A_751 = arith.addi %add3A_697, %add3A_750 : vector<16xi32>
      %gather3A_752 = tpu.vector_load_idx %arg6[%add3A_751] : memref<16392xf32, #tpu.memory_space<vmem>>[vector<16xi32>], vector<16xf32>,
      %add3A_753 = vector.broadcast %add3A_749 : i32 to vector<16xi32>
      %add3A_754 = arith.addi %mul3A_703, %add3A_753 : vector<16xi32>
      %gather3A_755 = tpu.vector_load_idx %arg10[%add3A_754] : memref<9984xf32, #tpu.memory_space<vmem>>[vector<16xi32>], vector<16xf32>,
      %add3A_756 = arith.addf %gather3A_752, %gather3A_755 : vector<16xf32>
      %max3A_757 = arith.maximumf %max3A_737, %add3A_756 : vector<16xf32>
      %scan3A_758 = arith.constant 1 : i32
      %add3A_759 = arith.constant 5 : i32
      %add3A_760 = vector.broadcast %add3A_759 : i32 to vector<16xi32>
      %add3A_761 = arith.addi %add3A_697, %add3A_760 : vector<16xi32>
      %gather3A_762 = tpu.vector_load_idx %arg6[%add3A_761] : memref<16392xf32, #tpu.memory_space<vmem>>[vector<16xi32>], vector<16xf32>,
      %add3A_763 = arith.constant 5 : i32
      %add3A_764 = vector.broadcast %add3A_763 : i32 to vector<16xi32>
      %add3A_765 = arith.addi %mul3A_703, %add3A_764 : vector<16xi32>
      %gather3A_766 = tpu.vector_load_idx %arg10[%add3A_765] : memref<9984xf32, #tpu.memory_space<vmem>>[vector<16xi32>], vector<16xf32>,
      %add3A_767 = arith.addf %gather3A_762, %gather3A_766 : vector<16xf32>
      %max3A_768 = arith.maximumf %max3A_757, %add3A_767 : vector<16xf32>
      %add3A_769 = arith.constant 6 : i32
      %add3A_770 = vector.broadcast %add3A_769 : i32 to vector<16xi32>
      %add3A_771 = arith.addi %add3A_697, %add3A_770 : vector<16xi32>
      %gather3A_772 = tpu.vector_load_idx %arg6[%add3A_771] : memref<16392xf32, #tpu.memory_space<vmem>>[vector<16xi32>], vector<16xf32>,
      %add3A_773 = arith.constant 6 : i32
      %add3A_774 = vector.broadcast %add3A_773 : i32 to vector<16xi32>
      %add3A_775 = arith.addi %mul3A_703, %add3A_774 : vector<16xi32>
      %gather3A_776 = tpu.vector_load_idx %arg10[%add3A_775] : memref<9984xf32, #tpu.memory_space<vmem>>[vector<16xi32>], vector<16xf32>,
      %add3A_777 = arith.addf %gather3A_772, %gather3A_776 : vector<16xf32>
      %max3A_778 = arith.maximumf %max3A_747, %add3A_777 : vector<16xf32>
      %add3A_779 = arith.constant 7 : i32
      %add3A_780 = vector.broadcast %add3A_779 : i32 to vector<16xi32>
      %add3A_781 = arith.addi %add3A_697, %add3A_780 : vector<16xi32>
      %gather3A_782 = tpu.vector_load_idx %arg6[%add3A_781] : memref<16392xf32, #tpu.memory_space<vmem>>[vector<16xi32>], vector<16xf32>,
      %add3A_783 = arith.constant 7 : i32
      %add3A_784 = vector.broadcast %add3A_783 : i32 to vector<16xi32>
      %add3A_785 = arith.addi %mul3A_703, %add3A_784 : vector<16xi32>
      %gather3A_786 = tpu.vector_load_idx %arg10[%add3A_785] : memref<9984xf32, #tpu.memory_space<vmem>>[vector<16xi32>], vector<16xf32>,
      %add3A_787 = arith.addf %gather3A_782, %gather3A_786 : vector<16xf32>
      %max3A_788 = arith.maximumf %max3A_768, %add3A_787 : vector<16xf32>
      %max3A_789 = arith.maximumf %max3A_778, %max3A_788 : vector<16xf32>
      %lt3A_790 = arith.constant 161 : i32
      %lt3A_791 = vector.broadcast %lt3A_790 : i32 to vector<16xi32>
      %lt3A_792 = arith.cmpi slt, %iota3A, %lt3A_791 : vector<16xi32>
      %add3A_793 = arith.constant 319 : i32
      %add3A_794 = arith.addi %mul3A_536, %add3A_793 : i32
      %add3A_795 = arith.constant 32 : i32
      %add3A_796 = arith.addi %add3A_794, %add3A_795 : i32
      %add3A_797 = vector.broadcast %add3A_796 : i32 to vector<16xi32>
      %add3A_798 = arith.addi %iota3A, %add3A_797 : vector<16xi32>
      tpu.vector_store_idx %arg11[%add3A_798], %max3A_789 masked %lt3A_792 : memref<4096xf32, #tpu.memory_space<vmem>>[vector<16xi32>], vector<16xf32>, vector<16xi1>
      %get3A_799 = arith.constant 656 : index
      %get3A_800 = tpu.vector_load %arg8[%get3A_799] {strides = array<i32>} : memref<2064xi32, #tpu.memory_space<vmem>>, vector<16xi32>,
      %add3A_801 = vector.broadcast %mul3A_534 : i32 to vector<16xi32>
      %add3A_802 = arith.addi %add3A_801, %get3A_800 : vector<16xi32>
      %add3A_803 = arith.constant 48 : i32
      %add3A_804 = vector.broadcast %add3A_803 : i32 to vector<16xi32>
      %add3A_805 = arith.addi %iota3A, %add3A_804 : vector<16xi32>
      %mul3A_806 = arith.constant 48 : i32
      %mul3A_807 = vector.broadcast %mul3A_806 : i32 to vector<16xi32>
      %mul3A_808 = arith.muli %add3A_805, %mul3A_807 : vector<16xi32>
      %add3A_809 = arith.constant 0 : i32
      %add3A_810 = vector.broadcast %add3A_809 : i32 to vector<16xi32>
      %add3A_811 = arith.addi %add3A_802, %add3A_810 : vector<16xi32>
      %gather3A_812 = tpu.vector_load_idx %arg6[%add3A_811] : memref<16392xf32, #tpu.memory_space<vmem>>[vector<16xi32>], vector<16xf32>,
      %add3A_813 = arith.constant 0 : i32
      %add3A_814 = vector.broadcast %add3A_813 : i32 to vector<16xi32>
      %add3A_815 = arith.addi %mul3A_808, %add3A_814 : vector<16xi32>
      %gather3A_816 = tpu.vector_load_idx %arg10[%add3A_815] : memref<9984xf32, #tpu.memory_space<vmem>>[vector<16xi32>], vector<16xf32>,
      %add3A_817 = arith.addf %gather3A_812, %gather3A_816 : vector<16xf32>
      %broadcast_in_dim3A_818 = arith.constant 0xFF800000 : f32
      %broadcast_in_dim3A_819 = vector.broadcast %broadcast_in_dim3A_818 : f32 to vector<16xf32>
      %scan3A_820 = arith.constant 0 : i32
      %scan3A_821 = arith.constant 2 : i32
      %scan3A_822 = arith.addi %scan3A_820, %scan3A_821 : i32
      %scan3A_823 = arith.constant 1 : i32
      %scan3A_824:2 = scf.for %scan3A_1289 = %scan3A_820 to %scan3A_822 step %scan3A_823 iter_args(%scan3A_1290 = %add3A_817, %scan3A_1291 = %broadcast_in_dim3A_819) -> (vector<16xf32>, vector<16xf32>)  : i32 {
        %mul3A_1292 = arith.constant 4 : i32
        %mul3A_1293 = arith.muli %mul3A_1292, %scan3A_1289 : i32
        %add3A_1294 = arith.constant 1 : i32
        %add3A_1295 = arith.addi %add3A_1294, %mul3A_1293 : i32
        %add3A_1296 = vector.broadcast %add3A_1295 : i32 to vector<16xi32>
        %add3A_1297 = arith.addi %add3A_802, %add3A_1296 : vector<16xi32>
        %gather3A_1298 = tpu.vector_load_idx %arg6[%add3A_1297] : memref<16392xf32, #tpu.memory_space<vmem>>[vector<16xi32>], vector<16xf32>,
        %add3A_1299 = vector.broadcast %add3A_1295 : i32 to vector<16xi32>
        %add3A_1300 = arith.addi %mul3A_808, %add3A_1299 : vector<16xi32>
        %gather3A_1301 = tpu.vector_load_idx %arg10[%add3A_1300] : memref<9984xf32, #tpu.memory_space<vmem>>[vector<16xi32>], vector<16xf32>,
        %add3A_1302 = arith.addf %gather3A_1298, %gather3A_1301 : vector<16xf32>
        %max3A_1303 = arith.maximumf %scan3A_1290, %add3A_1302 : vector<16xf32>
        %add3A_1304 = arith.constant 1 : i32
        %add3A_1305 = arith.addi %add3A_1295, %add3A_1304 : i32
        %add3A_1306 = vector.broadcast %add3A_1305 : i32 to vector<16xi32>
        %add3A_1307 = arith.addi %add3A_802, %add3A_1306 : vector<16xi32>
        %gather3A_1308 = tpu.vector_load_idx %arg6[%add3A_1307] : memref<16392xf32, #tpu.memory_space<vmem>>[vector<16xi32>], vector<16xf32>,
        %add3A_1309 = vector.broadcast %add3A_1305 : i32 to vector<16xi32>
        %add3A_1310 = arith.addi %mul3A_808, %add3A_1309 : vector<16xi32>
        %gather3A_1311 = tpu.vector_load_idx %arg10[%add3A_1310] : memref<9984xf32, #tpu.memory_space<vmem>>[vector<16xi32>], vector<16xf32>,
        %add3A_1312 = arith.addf %gather3A_1308, %gather3A_1311 : vector<16xf32>
        %max3A_1313 = arith.maximumf %scan3A_1291, %add3A_1312 : vector<16xf32>
        %add3A_1314 = arith.constant 2 : i32
        %add3A_1315 = arith.addi %add3A_1295, %add3A_1314 : i32
        %add3A_1316 = vector.broadcast %add3A_1315 : i32 to vector<16xi32>
        %add3A_1317 = arith.addi %add3A_802, %add3A_1316 : vector<16xi32>
        %gather3A_1318 = tpu.vector_load_idx %arg6[%add3A_1317] : memref<16392xf32, #tpu.memory_space<vmem>>[vector<16xi32>], vector<16xf32>,
        %add3A_1319 = vector.broadcast %add3A_1315 : i32 to vector<16xi32>
        %add3A_1320 = arith.addi %mul3A_808, %add3A_1319 : vector<16xi32>
        %gather3A_1321 = tpu.vector_load_idx %arg10[%add3A_1320] : memref<9984xf32, #tpu.memory_space<vmem>>[vector<16xi32>], vector<16xf32>,
        %add3A_1322 = arith.addf %gather3A_1318, %gather3A_1321 : vector<16xf32>
        %max3A_1323 = arith.maximumf %max3A_1303, %add3A_1322 : vector<16xf32>
        %add3A_1324 = arith.constant 3 : i32
        %add3A_1325 = arith.addi %add3A_1295, %add3A_1324 : i32
        %add3A_1326 = vector.broadcast %add3A_1325 : i32 to vector<16xi32>
        %add3A_1327 = arith.addi %add3A_802, %add3A_1326 : vector<16xi32>
        %gather3A_1328 = tpu.vector_load_idx %arg6[%add3A_1327] : memref<16392xf32, #tpu.memory_space<vmem>>[vector<16xi32>], vector<16xf32>,
        %add3A_1329 = vector.broadcast %add3A_1325 : i32 to vector<16xi32>
        %add3A_1330 = arith.addi %mul3A_808, %add3A_1329 : vector<16xi32>
        %gather3A_1331 = tpu.vector_load_idx %arg10[%add3A_1330] : memref<9984xf32, #tpu.memory_space<vmem>>[vector<16xi32>], vector<16xf32>,
        %add3A_1332 = arith.addf %gather3A_1328, %gather3A_1331 : vector<16xf32>
        %max3A_1333 = arith.maximumf %max3A_1313, %add3A_1332 : vector<16xf32>
        scf.yield %max3A_1323, %max3A_1333 : vector<16xf32>, vector<16xf32>
      }
      %scan3A_825 = arith.constant 2 : i32
      %max3A_826 = arith.maximumf %scan3A_824#0, %scan3A_824#1 : vector<16xf32>
      %lt3A_827 = arith.constant 145 : i32
      %lt3A_828 = vector.broadcast %lt3A_827 : i32 to vector<16xi32>
      %lt3A_829 = arith.cmpi slt, %iota3A, %lt3A_828 : vector<16xi32>
      %add3A_830 = arith.constant 319 : i32
      %add3A_831 = arith.addi %mul3A_536, %add3A_830 : i32
      %add3A_832 = arith.constant 48 : i32
      %add3A_833 = arith.addi %add3A_831, %add3A_832 : i32
      %add3A_834 = vector.broadcast %add3A_833 : i32 to vector<16xi32>
      %add3A_835 = arith.addi %iota3A, %add3A_834 : vector<16xi32>
      tpu.vector_store_idx %arg11[%add3A_835], %max3A_826 masked %lt3A_829 : memref<4096xf32, #tpu.memory_space<vmem>>[vector<16xi32>], vector<16xf32>, vector<16xi1>
      %get3A_836 = arith.constant 672 : index
      %get3A_837 = tpu.vector_load %arg8[%get3A_836] {strides = array<i32>} : memref<2064xi32, #tpu.memory_space<vmem>>, vector<16xi32>,
      %add3A_838 = vector.broadcast %mul3A_534 : i32 to vector<16xi32>
      %add3A_839 = arith.addi %add3A_838, %get3A_837 : vector<16xi32>
      %add3A_840 = arith.constant 64 : i32
      %add3A_841 = vector.broadcast %add3A_840 : i32 to vector<16xi32>
      %add3A_842 = arith.addi %iota3A, %add3A_841 : vector<16xi32>
      %mul3A_843 = arith.constant 48 : i32
      %mul3A_844 = vector.broadcast %mul3A_843 : i32 to vector<16xi32>
      %mul3A_845 = arith.muli %add3A_842, %mul3A_844 : vector<16xi32>
      %add3A_846 = arith.constant 0 : i32
      %add3A_847 = vector.broadcast %add3A_846 : i32 to vector<16xi32>
      %add3A_848 = arith.addi %add3A_839, %add3A_847 : vector<16xi32>
      %gather3A_849 = tpu.vector_load_idx %arg6[%add3A_848] : memref<16392xf32, #tpu.memory_space<vmem>>[vector<16xi32>], vector<16xf32>,
      %add3A_850 = arith.constant 0 : i32
      %add3A_851 = vector.broadcast %add3A_850 : i32 to vector<16xi32>
      %add3A_852 = arith.addi %mul3A_845, %add3A_851 : vector<16xi32>
      %gather3A_853 = tpu.vector_load_idx %arg10[%add3A_852] : memref<9984xf32, #tpu.memory_space<vmem>>[vector<16xi32>], vector<16xf32>,
      %add3A_854 = arith.addf %gather3A_849, %gather3A_853 : vector<16xf32>
      %broadcast_in_dim3A_855 = arith.constant 0xFF800000 : f32
      %broadcast_in_dim3A_856 = vector.broadcast %broadcast_in_dim3A_855 : f32 to vector<16xf32>
      %scan3A_857 = arith.constant 0 : i32
      %scan3A_858 = arith.constant 2 : i32
      %scan3A_859 = arith.addi %scan3A_857, %scan3A_858 : i32
      %scan3A_860 = arith.constant 1 : i32
      %scan3A_861:2 = scf.for %scan3A_1289 = %scan3A_857 to %scan3A_859 step %scan3A_860 iter_args(%scan3A_1290 = %add3A_854, %scan3A_1291 = %broadcast_in_dim3A_856) -> (vector<16xf32>, vector<16xf32>)  : i32 {
        %mul3A_1292 = arith.constant 4 : i32
        %mul3A_1293 = arith.muli %mul3A_1292, %scan3A_1289 : i32
        %add3A_1294 = arith.constant 1 : i32
        %add3A_1295 = arith.addi %add3A_1294, %mul3A_1293 : i32
        %add3A_1296 = vector.broadcast %add3A_1295 : i32 to vector<16xi32>
        %add3A_1297 = arith.addi %add3A_839, %add3A_1296 : vector<16xi32>
        %gather3A_1298 = tpu.vector_load_idx %arg6[%add3A_1297] : memref<16392xf32, #tpu.memory_space<vmem>>[vector<16xi32>], vector<16xf32>,
        %add3A_1299 = vector.broadcast %add3A_1295 : i32 to vector<16xi32>
        %add3A_1300 = arith.addi %mul3A_845, %add3A_1299 : vector<16xi32>
        %gather3A_1301 = tpu.vector_load_idx %arg10[%add3A_1300] : memref<9984xf32, #tpu.memory_space<vmem>>[vector<16xi32>], vector<16xf32>,
        %add3A_1302 = arith.addf %gather3A_1298, %gather3A_1301 : vector<16xf32>
        %max3A_1303 = arith.maximumf %scan3A_1290, %add3A_1302 : vector<16xf32>
        %add3A_1304 = arith.constant 1 : i32
        %add3A_1305 = arith.addi %add3A_1295, %add3A_1304 : i32
        %add3A_1306 = vector.broadcast %add3A_1305 : i32 to vector<16xi32>
        %add3A_1307 = arith.addi %add3A_839, %add3A_1306 : vector<16xi32>
        %gather3A_1308 = tpu.vector_load_idx %arg6[%add3A_1307] : memref<16392xf32, #tpu.memory_space<vmem>>[vector<16xi32>], vector<16xf32>,
        %add3A_1309 = vector.broadcast %add3A_1305 : i32 to vector<16xi32>
        %add3A_1310 = arith.addi %mul3A_845, %add3A_1309 : vector<16xi32>
        %gather3A_1311 = tpu.vector_load_idx %arg10[%add3A_1310] : memref<9984xf32, #tpu.memory_space<vmem>>[vector<16xi32>], vector<16xf32>,
        %add3A_1312 = arith.addf %gather3A_1308, %gather3A_1311 : vector<16xf32>
        %max3A_1313 = arith.maximumf %scan3A_1291, %add3A_1312 : vector<16xf32>
        %add3A_1314 = arith.constant 2 : i32
        %add3A_1315 = arith.addi %add3A_1295, %add3A_1314 : i32
        %add3A_1316 = vector.broadcast %add3A_1315 : i32 to vector<16xi32>
        %add3A_1317 = arith.addi %add3A_839, %add3A_1316 : vector<16xi32>
        %gather3A_1318 = tpu.vector_load_idx %arg6[%add3A_1317] : memref<16392xf32, #tpu.memory_space<vmem>>[vector<16xi32>], vector<16xf32>,
        %add3A_1319 = vector.broadcast %add3A_1315 : i32 to vector<16xi32>
        %add3A_1320 = arith.addi %mul3A_845, %add3A_1319 : vector<16xi32>
        %gather3A_1321 = tpu.vector_load_idx %arg10[%add3A_1320] : memref<9984xf32, #tpu.memory_space<vmem>>[vector<16xi32>], vector<16xf32>,
        %add3A_1322 = arith.addf %gather3A_1318, %gather3A_1321 : vector<16xf32>
        %max3A_1323 = arith.maximumf %max3A_1303, %add3A_1322 : vector<16xf32>
        %add3A_1324 = arith.constant 3 : i32
        %add3A_1325 = arith.addi %add3A_1295, %add3A_1324 : i32
        %add3A_1326 = vector.broadcast %add3A_1325 : i32 to vector<16xi32>
        %add3A_1327 = arith.addi %add3A_839, %add3A_1326 : vector<16xi32>
        %gather3A_1328 = tpu.vector_load_idx %arg6[%add3A_1327] : memref<16392xf32, #tpu.memory_space<vmem>>[vector<16xi32>], vector<16xf32>,
        %add3A_1329 = vector.broadcast %add3A_1325 : i32 to vector<16xi32>
        %add3A_1330 = arith.addi %mul3A_845, %add3A_1329 : vector<16xi32>
        %gather3A_1331 = tpu.vector_load_idx %arg10[%add3A_1330] : memref<9984xf32, #tpu.memory_space<vmem>>[vector<16xi32>], vector<16xf32>,
        %add3A_1332 = arith.addf %gather3A_1328, %gather3A_1331 : vector<16xf32>
        %max3A_1333 = arith.maximumf %max3A_1313, %add3A_1332 : vector<16xf32>
        scf.yield %max3A_1323, %max3A_1333 : vector<16xf32>, vector<16xf32>
      }
      %scan3A_862 = arith.constant 2 : i32
      %add3A_863 = arith.constant 9 : i32
      %add3A_864 = vector.broadcast %add3A_863 : i32 to vector<16xi32>
      %add3A_865 = arith.addi %add3A_839, %add3A_864 : vector<16xi32>
      %gather3A_866 = tpu.vector_load_idx %arg6[%add3A_865] : memref<16392xf32, #tpu.memory_space<vmem>>[vector<16xi32>], vector<16xf32>,
      %add3A_867 = arith.constant 9 : i32
      %add3A_868 = vector.broadcast %add3A_867 : i32 to vector<16xi32>
      %add3A_869 = arith.addi %mul3A_845, %add3A_868 : vector<16xi32>
      %gather3A_870 = tpu.vector_load_idx %arg10[%add3A_869] : memref<9984xf32, #tpu.memory_space<vmem>>[vector<16xi32>], vector<16xf32>,
      %add3A_871 = arith.addf %gather3A_866, %gather3A_870 : vector<16xf32>
      %max3A_872 = arith.maximumf %scan3A_861#1, %add3A_871 : vector<16xf32>
      %add3A_873 = arith.constant 10 : i32
      %add3A_874 = vector.broadcast %add3A_873 : i32 to vector<16xi32>
      %add3A_875 = arith.addi %add3A_839, %add3A_874 : vector<16xi32>
      %gather3A_876 = tpu.vector_load_idx %arg6[%add3A_875] : memref<16392xf32, #tpu.memory_space<vmem>>[vector<16xi32>], vector<16xf32>,
      %add3A_877 = arith.constant 10 : i32
      %add3A_878 = vector.broadcast %add3A_877 : i32 to vector<16xi32>
      %add3A_879 = arith.addi %mul3A_845, %add3A_878 : vector<16xi32>
      %gather3A_880 = tpu.vector_load_idx %arg10[%add3A_879] : memref<9984xf32, #tpu.memory_space<vmem>>[vector<16xi32>], vector<16xf32>,
      %add3A_881 = arith.addf %gather3A_876, %gather3A_880 : vector<16xf32>
      %max3A_882 = arith.maximumf %scan3A_861#0, %add3A_881 : vector<16xf32>
      %max3A_883 = arith.maximumf %max3A_882, %max3A_872 : vector<16xf32>
      %lt3A_884 = arith.constant 129 : i32
      %lt3A_885 = vector.broadcast %lt3A_884 : i32 to vector<16xi32>
      %lt3A_886 = arith.cmpi slt, %iota3A, %lt3A_885 : vector<16xi32>
      %add3A_887 = arith.constant 319 : i32
      %add3A_888 = arith.addi %mul3A_536, %add3A_887 : i32
      %add3A_889 = arith.constant 64 : i32
      %add3A_890 = arith.addi %add3A_888, %add3A_889 : i32
      %add3A_891 = vector.broadcast %add3A_890 : i32 to vector<16xi32>
      %add3A_892 = arith.addi %iota3A, %add3A_891 : vector<16xi32>
      tpu.vector_store_idx %arg11[%add3A_892], %max3A_883 masked %lt3A_886 : memref<4096xf32, #tpu.memory_space<vmem>>[vector<16xi32>], vector<16xf32>, vector<16xi1>
      %get3A_893 = arith.constant 688 : index
      %get3A_894 = tpu.vector_load %arg8[%get3A_893] {strides = array<i32>} : memref<2064xi32, #tpu.memory_space<vmem>>, vector<16xi32>,
      %add3A_895 = vector.broadcast %mul3A_534 : i32 to vector<16xi32>
      %add3A_896 = arith.addi %add3A_895, %get3A_894 : vector<16xi32>
      %add3A_897 = arith.constant 80 : i32
      %add3A_898 = vector.broadcast %add3A_897 : i32 to vector<16xi32>
      %add3A_899 = arith.addi %iota3A, %add3A_898 : vector<16xi32>
      %mul3A_900 = arith.constant 48 : i32
      %mul3A_901 = vector.broadcast %mul3A_900 : i32 to vector<16xi32>
      %mul3A_902 = arith.muli %add3A_899, %mul3A_901 : vector<16xi32>
      %add3A_903 = arith.constant 0 : i32
      %add3A_904 = vector.broadcast %add3A_903 : i32 to vector<16xi32>
      %add3A_905 = arith.addi %add3A_896, %add3A_904 : vector<16xi32>
      %gather3A_906 = tpu.vector_load_idx %arg6[%add3A_905] : memref<16392xf32, #tpu.memory_space<vmem>>[vector<16xi32>], vector<16xf32>,
      %add3A_907 = arith.constant 0 : i32
      %add3A_908 = vector.broadcast %add3A_907 : i32 to vector<16xi32>
      %add3A_909 = arith.addi %mul3A_902, %add3A_908 : vector<16xi32>
      %gather3A_910 = tpu.vector_load_idx %arg10[%add3A_909] : memref<9984xf32, #tpu.memory_space<vmem>>[vector<16xi32>], vector<16xf32>,
      %add3A_911 = arith.addf %gather3A_906, %gather3A_910 : vector<16xf32>
      %broadcast_in_dim3A_912 = arith.constant 0xFF800000 : f32
      %broadcast_in_dim3A_913 = vector.broadcast %broadcast_in_dim3A_912 : f32 to vector<16xf32>
      %scan3A_914 = arith.constant 0 : i32
      %scan3A_915 = arith.constant 3 : i32
      %scan3A_916 = arith.addi %scan3A_914, %scan3A_915 : i32
      %scan3A_917 = arith.constant 1 : i32
      %scan3A_918:2 = scf.for %scan3A_1289 = %scan3A_914 to %scan3A_916 step %scan3A_917 iter_args(%scan3A_1290 = %add3A_911, %scan3A_1291 = %broadcast_in_dim3A_913) -> (vector<16xf32>, vector<16xf32>)  : i32 {
        %mul3A_1292 = arith.constant 4 : i32
        %mul3A_1293 = arith.muli %mul3A_1292, %scan3A_1289 : i32
        %add3A_1294 = arith.constant 1 : i32
        %add3A_1295 = arith.addi %add3A_1294, %mul3A_1293 : i32
        %add3A_1296 = vector.broadcast %add3A_1295 : i32 to vector<16xi32>
        %add3A_1297 = arith.addi %add3A_896, %add3A_1296 : vector<16xi32>
        %gather3A_1298 = tpu.vector_load_idx %arg6[%add3A_1297] : memref<16392xf32, #tpu.memory_space<vmem>>[vector<16xi32>], vector<16xf32>,
        %add3A_1299 = vector.broadcast %add3A_1295 : i32 to vector<16xi32>
        %add3A_1300 = arith.addi %mul3A_902, %add3A_1299 : vector<16xi32>
        %gather3A_1301 = tpu.vector_load_idx %arg10[%add3A_1300] : memref<9984xf32, #tpu.memory_space<vmem>>[vector<16xi32>], vector<16xf32>,
        %add3A_1302 = arith.addf %gather3A_1298, %gather3A_1301 : vector<16xf32>
        %max3A_1303 = arith.maximumf %scan3A_1290, %add3A_1302 : vector<16xf32>
        %add3A_1304 = arith.constant 1 : i32
        %add3A_1305 = arith.addi %add3A_1295, %add3A_1304 : i32
        %add3A_1306 = vector.broadcast %add3A_1305 : i32 to vector<16xi32>
        %add3A_1307 = arith.addi %add3A_896, %add3A_1306 : vector<16xi32>
        %gather3A_1308 = tpu.vector_load_idx %arg6[%add3A_1307] : memref<16392xf32, #tpu.memory_space<vmem>>[vector<16xi32>], vector<16xf32>,
        %add3A_1309 = vector.broadcast %add3A_1305 : i32 to vector<16xi32>
        %add3A_1310 = arith.addi %mul3A_902, %add3A_1309 : vector<16xi32>
        %gather3A_1311 = tpu.vector_load_idx %arg10[%add3A_1310] : memref<9984xf32, #tpu.memory_space<vmem>>[vector<16xi32>], vector<16xf32>,
        %add3A_1312 = arith.addf %gather3A_1308, %gather3A_1311 : vector<16xf32>
        %max3A_1313 = arith.maximumf %scan3A_1291, %add3A_1312 : vector<16xf32>
        %add3A_1314 = arith.constant 2 : i32
        %add3A_1315 = arith.addi %add3A_1295, %add3A_1314 : i32
        %add3A_1316 = vector.broadcast %add3A_1315 : i32 to vector<16xi32>
        %add3A_1317 = arith.addi %add3A_896, %add3A_1316 : vector<16xi32>
        %gather3A_1318 = tpu.vector_load_idx %arg6[%add3A_1317] : memref<16392xf32, #tpu.memory_space<vmem>>[vector<16xi32>], vector<16xf32>,
        %add3A_1319 = vector.broadcast %add3A_1315 : i32 to vector<16xi32>
        %add3A_1320 = arith.addi %mul3A_902, %add3A_1319 : vector<16xi32>
        %gather3A_1321 = tpu.vector_load_idx %arg10[%add3A_1320] : memref<9984xf32, #tpu.memory_space<vmem>>[vector<16xi32>], vector<16xf32>,
        %add3A_1322 = arith.addf %gather3A_1318, %gather3A_1321 : vector<16xf32>
        %max3A_1323 = arith.maximumf %max3A_1303, %add3A_1322 : vector<16xf32>
        %add3A_1324 = arith.constant 3 : i32
        %add3A_1325 = arith.addi %add3A_1295, %add3A_1324 : i32
        %add3A_1326 = vector.broadcast %add3A_1325 : i32 to vector<16xi32>
        %add3A_1327 = arith.addi %add3A_896, %add3A_1326 : vector<16xi32>
        %gather3A_1328 = tpu.vector_load_idx %arg6[%add3A_1327] : memref<16392xf32, #tpu.memory_space<vmem>>[vector<16xi32>], vector<16xf32>,
        %add3A_1329 = vector.broadcast %add3A_1325 : i32 to vector<16xi32>
        %add3A_1330 = arith.addi %mul3A_902, %add3A_1329 : vector<16xi32>
        %gather3A_1331 = tpu.vector_load_idx %arg10[%add3A_1330] : memref<9984xf32, #tpu.memory_space<vmem>>[vector<16xi32>], vector<16xf32>,
        %add3A_1332 = arith.addf %gather3A_1328, %gather3A_1331 : vector<16xf32>
        %max3A_1333 = arith.maximumf %max3A_1313, %add3A_1332 : vector<16xf32>
        scf.yield %max3A_1323, %max3A_1333 : vector<16xf32>, vector<16xf32>
      }
      %scan3A_919 = arith.constant 3 : i32
      %add3A_920 = arith.constant 13 : i32
      %add3A_921 = vector.broadcast %add3A_920 : i32 to vector<16xi32>
      %add3A_922 = arith.addi %add3A_896, %add3A_921 : vector<16xi32>
      %gather3A_923 = tpu.vector_load_idx %arg6[%add3A_922] : memref<16392xf32, #tpu.memory_space<vmem>>[vector<16xi32>], vector<16xf32>,
      %add3A_924 = arith.constant 13 : i32
      %add3A_925 = vector.broadcast %add3A_924 : i32 to vector<16xi32>
      %add3A_926 = arith.addi %mul3A_902, %add3A_925 : vector<16xi32>
      %gather3A_927 = tpu.vector_load_idx %arg10[%add3A_926] : memref<9984xf32, #tpu.memory_space<vmem>>[vector<16xi32>], vector<16xf32>,
      %add3A_928 = arith.addf %gather3A_923, %gather3A_927 : vector<16xf32>
      %max3A_929 = arith.maximumf %scan3A_918#1, %add3A_928 : vector<16xf32>
      %max3A_930 = arith.maximumf %scan3A_918#0, %max3A_929 : vector<16xf32>
      %lt3A_931 = arith.constant 113 : i32
      %lt3A_932 = vector.broadcast %lt3A_931 : i32 to vector<16xi32>
      %lt3A_933 = arith.cmpi slt, %iota3A, %lt3A_932 : vector<16xi32>
      %add3A_934 = arith.constant 319 : i32
      %add3A_935 = arith.addi %mul3A_536, %add3A_934 : i32
      %add3A_936 = arith.constant 80 : i32
      %add3A_937 = arith.addi %add3A_935, %add3A_936 : i32
      %add3A_938 = vector.broadcast %add3A_937 : i32 to vector<16xi32>
      %add3A_939 = arith.addi %iota3A, %add3A_938 : vector<16xi32>
      tpu.vector_store_idx %arg11[%add3A_939], %max3A_930 masked %lt3A_933 : memref<4096xf32, #tpu.memory_space<vmem>>[vector<16xi32>], vector<16xf32>, vector<16xi1>
      %get3A_940 = arith.constant 704 : index
      %get3A_941 = tpu.vector_load %arg8[%get3A_940] {strides = array<i32>} : memref<2064xi32, #tpu.memory_space<vmem>>, vector<16xi32>,
      %add3A_942 = vector.broadcast %mul3A_534 : i32 to vector<16xi32>
      %add3A_943 = arith.addi %add3A_942, %get3A_941 : vector<16xi32>
      %add3A_944 = arith.constant 96 : i32
      %add3A_945 = vector.broadcast %add3A_944 : i32 to vector<16xi32>
      %add3A_946 = arith.addi %iota3A, %add3A_945 : vector<16xi32>
      %mul3A_947 = arith.constant 48 : i32
      %mul3A_948 = vector.broadcast %mul3A_947 : i32 to vector<16xi32>
      %mul3A_949 = arith.muli %add3A_946, %mul3A_948 : vector<16xi32>
      %add3A_950 = arith.constant 0 : i32
      %add3A_951 = vector.broadcast %add3A_950 : i32 to vector<16xi32>
      %add3A_952 = arith.addi %add3A_943, %add3A_951 : vector<16xi32>
      %gather3A_953 = tpu.vector_load_idx %arg6[%add3A_952] : memref<16392xf32, #tpu.memory_space<vmem>>[vector<16xi32>], vector<16xf32>,
      %add3A_954 = arith.constant 0 : i32
      %add3A_955 = vector.broadcast %add3A_954 : i32 to vector<16xi32>
      %add3A_956 = arith.addi %mul3A_949, %add3A_955 : vector<16xi32>
      %gather3A_957 = tpu.vector_load_idx %arg10[%add3A_956] : memref<9984xf32, #tpu.memory_space<vmem>>[vector<16xi32>], vector<16xf32>,
      %add3A_958 = arith.addf %gather3A_953, %gather3A_957 : vector<16xf32>
      %broadcast_in_dim3A_959 = arith.constant 0xFF800000 : f32
      %broadcast_in_dim3A_960 = vector.broadcast %broadcast_in_dim3A_959 : f32 to vector<16xf32>
      %scan3A_961 = arith.constant 0 : i32
      %scan3A_962 = arith.constant 4 : i32
      %scan3A_963 = arith.addi %scan3A_961, %scan3A_962 : i32
      %scan3A_964 = arith.constant 1 : i32
      %scan3A_965:2 = scf.for %scan3A_1289 = %scan3A_961 to %scan3A_963 step %scan3A_964 iter_args(%scan3A_1290 = %add3A_958, %scan3A_1291 = %broadcast_in_dim3A_960) -> (vector<16xf32>, vector<16xf32>)  : i32 {
        %mul3A_1292 = arith.constant 4 : i32
        %mul3A_1293 = arith.muli %mul3A_1292, %scan3A_1289 : i32
        %add3A_1294 = arith.constant 1 : i32
        %add3A_1295 = arith.addi %add3A_1294, %mul3A_1293 : i32
        %add3A_1296 = vector.broadcast %add3A_1295 : i32 to vector<16xi32>
        %add3A_1297 = arith.addi %add3A_943, %add3A_1296 : vector<16xi32>
        %gather3A_1298 = tpu.vector_load_idx %arg6[%add3A_1297] : memref<16392xf32, #tpu.memory_space<vmem>>[vector<16xi32>], vector<16xf32>,
        %add3A_1299 = vector.broadcast %add3A_1295 : i32 to vector<16xi32>
        %add3A_1300 = arith.addi %mul3A_949, %add3A_1299 : vector<16xi32>
        %gather3A_1301 = tpu.vector_load_idx %arg10[%add3A_1300] : memref<9984xf32, #tpu.memory_space<vmem>>[vector<16xi32>], vector<16xf32>,
        %add3A_1302 = arith.addf %gather3A_1298, %gather3A_1301 : vector<16xf32>
        %max3A_1303 = arith.maximumf %scan3A_1290, %add3A_1302 : vector<16xf32>
        %add3A_1304 = arith.constant 1 : i32
        %add3A_1305 = arith.addi %add3A_1295, %add3A_1304 : i32
        %add3A_1306 = vector.broadcast %add3A_1305 : i32 to vector<16xi32>
        %add3A_1307 = arith.addi %add3A_943, %add3A_1306 : vector<16xi32>
        %gather3A_1308 = tpu.vector_load_idx %arg6[%add3A_1307] : memref<16392xf32, #tpu.memory_space<vmem>>[vector<16xi32>], vector<16xf32>,
        %add3A_1309 = vector.broadcast %add3A_1305 : i32 to vector<16xi32>
        %add3A_1310 = arith.addi %mul3A_949, %add3A_1309 : vector<16xi32>
        %gather3A_1311 = tpu.vector_load_idx %arg10[%add3A_1310] : memref<9984xf32, #tpu.memory_space<vmem>>[vector<16xi32>], vector<16xf32>,
        %add3A_1312 = arith.addf %gather3A_1308, %gather3A_1311 : vector<16xf32>
        %max3A_1313 = arith.maximumf %scan3A_1291, %add3A_1312 : vector<16xf32>
        %add3A_1314 = arith.constant 2 : i32
        %add3A_1315 = arith.addi %add3A_1295, %add3A_1314 : i32
        %add3A_1316 = vector.broadcast %add3A_1315 : i32 to vector<16xi32>
        %add3A_1317 = arith.addi %add3A_943, %add3A_1316 : vector<16xi32>
        %gather3A_1318 = tpu.vector_load_idx %arg6[%add3A_1317] : memref<16392xf32, #tpu.memory_space<vmem>>[vector<16xi32>], vector<16xf32>,
        %add3A_1319 = vector.broadcast %add3A_1315 : i32 to vector<16xi32>
        %add3A_1320 = arith.addi %mul3A_949, %add3A_1319 : vector<16xi32>
        %gather3A_1321 = tpu.vector_load_idx %arg10[%add3A_1320] : memref<9984xf32, #tpu.memory_space<vmem>>[vector<16xi32>], vector<16xf32>,
        %add3A_1322 = arith.addf %gather3A_1318, %gather3A_1321 : vector<16xf32>
        %max3A_1323 = arith.maximumf %max3A_1303, %add3A_1322 : vector<16xf32>
        %add3A_1324 = arith.constant 3 : i32
        %add3A_1325 = arith.addi %add3A_1295, %add3A_1324 : i32
        %add3A_1326 = vector.broadcast %add3A_1325 : i32 to vector<16xi32>
        %add3A_1327 = arith.addi %add3A_943, %add3A_1326 : vector<16xi32>
        %gather3A_1328 = tpu.vector_load_idx %arg6[%add3A_1327] : memref<16392xf32, #tpu.memory_space<vmem>>[vector<16xi32>], vector<16xf32>,
        %add3A_1329 = vector.broadcast %add3A_1325 : i32 to vector<16xi32>
        %add3A_1330 = arith.addi %mul3A_949, %add3A_1329 : vector<16xi32>
        %gather3A_1331 = tpu.vector_load_idx %arg10[%add3A_1330] : memref<9984xf32, #tpu.memory_space<vmem>>[vector<16xi32>], vector<16xf32>,
        %add3A_1332 = arith.addf %gather3A_1328, %gather3A_1331 : vector<16xf32>
        %max3A_1333 = arith.maximumf %max3A_1313, %add3A_1332 : vector<16xf32>
        scf.yield %max3A_1323, %max3A_1333 : vector<16xf32>, vector<16xf32>
      }
      %scan3A_966 = arith.constant 4 : i32
      %max3A_967 = arith.maximumf %scan3A_965#0, %scan3A_965#1 : vector<16xf32>
      %lt3A_968 = arith.constant 97 : i32
      %lt3A_969 = vector.broadcast %lt3A_968 : i32 to vector<16xi32>
      %lt3A_970 = arith.cmpi slt, %iota3A, %lt3A_969 : vector<16xi32>
      %add3A_971 = arith.constant 319 : i32
      %add3A_972 = arith.addi %mul3A_536, %add3A_971 : i32
      %add3A_973 = arith.constant 96 : i32
      %add3A_974 = arith.addi %add3A_972, %add3A_973 : i32
      %add3A_975 = vector.broadcast %add3A_974 : i32 to vector<16xi32>
      %add3A_976 = arith.addi %iota3A, %add3A_975 : vector<16xi32>
      tpu.vector_store_idx %arg11[%add3A_976], %max3A_967 masked %lt3A_970 : memref<4096xf32, #tpu.memory_space<vmem>>[vector<16xi32>], vector<16xf32>, vector<16xi1>
      %get3A_977 = arith.constant 720 : index
      %get3A_978 = tpu.vector_load %arg8[%get3A_977] {strides = array<i32>} : memref<2064xi32, #tpu.memory_space<vmem>>, vector<16xi32>,
      %add3A_979 = vector.broadcast %mul3A_534 : i32 to vector<16xi32>
      %add3A_980 = arith.addi %add3A_979, %get3A_978 : vector<16xi32>
      %add3A_981 = arith.constant 112 : i32
      %add3A_982 = vector.broadcast %add3A_981 : i32 to vector<16xi32>
      %add3A_983 = arith.addi %iota3A, %add3A_982 : vector<16xi32>
      %mul3A_984 = arith.constant 48 : i32
      %mul3A_985 = vector.broadcast %mul3A_984 : i32 to vector<16xi32>
      %mul3A_986 = arith.muli %add3A_983, %mul3A_985 : vector<16xi32>
      %add3A_987 = arith.constant 0 : i32
      %add3A_988 = vector.broadcast %add3A_987 : i32 to vector<16xi32>
      %add3A_989 = arith.addi %add3A_980, %add3A_988 : vector<16xi32>
      %gather3A_990 = tpu.vector_load_idx %arg6[%add3A_989] : memref<16392xf32, #tpu.memory_space<vmem>>[vector<16xi32>], vector<16xf32>,
      %add3A_991 = arith.constant 0 : i32
      %add3A_992 = vector.broadcast %add3A_991 : i32 to vector<16xi32>
      %add3A_993 = arith.addi %mul3A_986, %add3A_992 : vector<16xi32>
      %gather3A_994 = tpu.vector_load_idx %arg10[%add3A_993] : memref<9984xf32, #tpu.memory_space<vmem>>[vector<16xi32>], vector<16xf32>,
      %add3A_995 = arith.addf %gather3A_990, %gather3A_994 : vector<16xf32>
      %broadcast_in_dim3A_996 = arith.constant 0xFF800000 : f32
      %broadcast_in_dim3A_997 = vector.broadcast %broadcast_in_dim3A_996 : f32 to vector<16xf32>
      %scan3A_998 = arith.constant 0 : i32
      %scan3A_999 = arith.constant 5 : i32
      %scan3A_1000 = arith.addi %scan3A_998, %scan3A_999 : i32
      %scan3A_1001 = arith.constant 1 : i32
      %scan3A_1002:2 = scf.for %scan3A_1289 = %scan3A_998 to %scan3A_1000 step %scan3A_1001 iter_args(%scan3A_1290 = %add3A_995, %scan3A_1291 = %broadcast_in_dim3A_997) -> (vector<16xf32>, vector<16xf32>)  : i32 {
        %mul3A_1292 = arith.constant 4 : i32
        %mul3A_1293 = arith.muli %mul3A_1292, %scan3A_1289 : i32
        %add3A_1294 = arith.constant 1 : i32
        %add3A_1295 = arith.addi %add3A_1294, %mul3A_1293 : i32
        %add3A_1296 = vector.broadcast %add3A_1295 : i32 to vector<16xi32>
        %add3A_1297 = arith.addi %add3A_980, %add3A_1296 : vector<16xi32>
        %gather3A_1298 = tpu.vector_load_idx %arg6[%add3A_1297] : memref<16392xf32, #tpu.memory_space<vmem>>[vector<16xi32>], vector<16xf32>,
        %add3A_1299 = vector.broadcast %add3A_1295 : i32 to vector<16xi32>
        %add3A_1300 = arith.addi %mul3A_986, %add3A_1299 : vector<16xi32>
        %gather3A_1301 = tpu.vector_load_idx %arg10[%add3A_1300] : memref<9984xf32, #tpu.memory_space<vmem>>[vector<16xi32>], vector<16xf32>,
        %add3A_1302 = arith.addf %gather3A_1298, %gather3A_1301 : vector<16xf32>
        %max3A_1303 = arith.maximumf %scan3A_1290, %add3A_1302 : vector<16xf32>
        %add3A_1304 = arith.constant 1 : i32
        %add3A_1305 = arith.addi %add3A_1295, %add3A_1304 : i32
        %add3A_1306 = vector.broadcast %add3A_1305 : i32 to vector<16xi32>
        %add3A_1307 = arith.addi %add3A_980, %add3A_1306 : vector<16xi32>
        %gather3A_1308 = tpu.vector_load_idx %arg6[%add3A_1307] : memref<16392xf32, #tpu.memory_space<vmem>>[vector<16xi32>], vector<16xf32>,
        %add3A_1309 = vector.broadcast %add3A_1305 : i32 to vector<16xi32>
        %add3A_1310 = arith.addi %mul3A_986, %add3A_1309 : vector<16xi32>
        %gather3A_1311 = tpu.vector_load_idx %arg10[%add3A_1310] : memref<9984xf32, #tpu.memory_space<vmem>>[vector<16xi32>], vector<16xf32>,
        %add3A_1312 = arith.addf %gather3A_1308, %gather3A_1311 : vector<16xf32>
        %max3A_1313 = arith.maximumf %scan3A_1291, %add3A_1312 : vector<16xf32>
        %add3A_1314 = arith.constant 2 : i32
        %add3A_1315 = arith.addi %add3A_1295, %add3A_1314 : i32
        %add3A_1316 = vector.broadcast %add3A_1315 : i32 to vector<16xi32>
        %add3A_1317 = arith.addi %add3A_980, %add3A_1316 : vector<16xi32>
        %gather3A_1318 = tpu.vector_load_idx %arg6[%add3A_1317] : memref<16392xf32, #tpu.memory_space<vmem>>[vector<16xi32>], vector<16xf32>,
        %add3A_1319 = vector.broadcast %add3A_1315 : i32 to vector<16xi32>
        %add3A_1320 = arith.addi %mul3A_986, %add3A_1319 : vector<16xi32>
        %gather3A_1321 = tpu.vector_load_idx %arg10[%add3A_1320] : memref<9984xf32, #tpu.memory_space<vmem>>[vector<16xi32>], vector<16xf32>,
        %add3A_1322 = arith.addf %gather3A_1318, %gather3A_1321 : vector<16xf32>
        %max3A_1323 = arith.maximumf %max3A_1303, %add3A_1322 : vector<16xf32>
        %add3A_1324 = arith.constant 3 : i32
        %add3A_1325 = arith.addi %add3A_1295, %add3A_1324 : i32
        %add3A_1326 = vector.broadcast %add3A_1325 : i32 to vector<16xi32>
        %add3A_1327 = arith.addi %add3A_980, %add3A_1326 : vector<16xi32>
        %gather3A_1328 = tpu.vector_load_idx %arg6[%add3A_1327] : memref<16392xf32, #tpu.memory_space<vmem>>[vector<16xi32>], vector<16xf32>,
        %add3A_1329 = vector.broadcast %add3A_1325 : i32 to vector<16xi32>
        %add3A_1330 = arith.addi %mul3A_986, %add3A_1329 : vector<16xi32>
        %gather3A_1331 = tpu.vector_load_idx %arg10[%add3A_1330] : memref<9984xf32, #tpu.memory_space<vmem>>[vector<16xi32>], vector<16xf32>,
        %add3A_1332 = arith.addf %gather3A_1328, %gather3A_1331 : vector<16xf32>
        %max3A_1333 = arith.maximumf %max3A_1313, %add3A_1332 : vector<16xf32>
        scf.yield %max3A_1323, %max3A_1333 : vector<16xf32>, vector<16xf32>
      }
      %scan3A_1003 = arith.constant 5 : i32
      %max3A_1004 = arith.maximumf %scan3A_1002#0, %scan3A_1002#1 : vector<16xf32>
      %lt3A_1005 = arith.constant 81 : i32
      %lt3A_1006 = vector.broadcast %lt3A_1005 : i32 to vector<16xi32>
      %lt3A_1007 = arith.cmpi slt, %iota3A, %lt3A_1006 : vector<16xi32>
      %add3A_1008 = arith.constant 319 : i32
      %add3A_1009 = arith.addi %mul3A_536, %add3A_1008 : i32
      %add3A_1010 = arith.constant 112 : i32
      %add3A_1011 = arith.addi %add3A_1009, %add3A_1010 : i32
      %add3A_1012 = vector.broadcast %add3A_1011 : i32 to vector<16xi32>
      %add3A_1013 = arith.addi %iota3A, %add3A_1012 : vector<16xi32>
      tpu.vector_store_idx %arg11[%add3A_1013], %max3A_1004 masked %lt3A_1007 : memref<4096xf32, #tpu.memory_space<vmem>>[vector<16xi32>], vector<16xf32>, vector<16xi1>
      %get3A_1014 = arith.constant 736 : index
      %get3A_1015 = tpu.vector_load %arg8[%get3A_1014] {strides = array<i32>} : memref<2064xi32, #tpu.memory_space<vmem>>, vector<16xi32>,
      %add3A_1016 = vector.broadcast %mul3A_534 : i32 to vector<16xi32>
      %add3A_1017 = arith.addi %add3A_1016, %get3A_1015 : vector<16xi32>
      %add3A_1018 = arith.constant 128 : i32
      %add3A_1019 = vector.broadcast %add3A_1018 : i32 to vector<16xi32>
      %add3A_1020 = arith.addi %iota3A, %add3A_1019 : vector<16xi32>
      %mul3A_1021 = arith.constant 48 : i32
      %mul3A_1022 = vector.broadcast %mul3A_1021 : i32 to vector<16xi32>
      %mul3A_1023 = arith.muli %add3A_1020, %mul3A_1022 : vector<16xi32>
      %add3A_1024 = arith.constant 0 : i32
      %add3A_1025 = vector.broadcast %add3A_1024 : i32 to vector<16xi32>
      %add3A_1026 = arith.addi %add3A_1017, %add3A_1025 : vector<16xi32>
      %gather3A_1027 = tpu.vector_load_idx %arg6[%add3A_1026] : memref<16392xf32, #tpu.memory_space<vmem>>[vector<16xi32>], vector<16xf32>,
      %add3A_1028 = arith.constant 0 : i32
      %add3A_1029 = vector.broadcast %add3A_1028 : i32 to vector<16xi32>
      %add3A_1030 = arith.addi %mul3A_1023, %add3A_1029 : vector<16xi32>
      %gather3A_1031 = tpu.vector_load_idx %arg10[%add3A_1030] : memref<9984xf32, #tpu.memory_space<vmem>>[vector<16xi32>], vector<16xf32>,
      %add3A_1032 = arith.addf %gather3A_1027, %gather3A_1031 : vector<16xf32>
      %broadcast_in_dim3A_1033 = arith.constant 0xFF800000 : f32
      %broadcast_in_dim3A_1034 = vector.broadcast %broadcast_in_dim3A_1033 : f32 to vector<16xf32>
      %scan3A_1035 = arith.constant 0 : i32
      %scan3A_1036 = arith.constant 6 : i32
      %scan3A_1037 = arith.addi %scan3A_1035, %scan3A_1036 : i32
      %scan3A_1038 = arith.constant 1 : i32
      %scan3A_1039:2 = scf.for %scan3A_1289 = %scan3A_1035 to %scan3A_1037 step %scan3A_1038 iter_args(%scan3A_1290 = %add3A_1032, %scan3A_1291 = %broadcast_in_dim3A_1034) -> (vector<16xf32>, vector<16xf32>)  : i32 {
        %mul3A_1292 = arith.constant 4 : i32
        %mul3A_1293 = arith.muli %mul3A_1292, %scan3A_1289 : i32
        %add3A_1294 = arith.constant 1 : i32
        %add3A_1295 = arith.addi %add3A_1294, %mul3A_1293 : i32
        %add3A_1296 = vector.broadcast %add3A_1295 : i32 to vector<16xi32>
        %add3A_1297 = arith.addi %add3A_1017, %add3A_1296 : vector<16xi32>
        %gather3A_1298 = tpu.vector_load_idx %arg6[%add3A_1297] : memref<16392xf32, #tpu.memory_space<vmem>>[vector<16xi32>], vector<16xf32>,
        %add3A_1299 = vector.broadcast %add3A_1295 : i32 to vector<16xi32>
        %add3A_1300 = arith.addi %mul3A_1023, %add3A_1299 : vector<16xi32>
        %gather3A_1301 = tpu.vector_load_idx %arg10[%add3A_1300] : memref<9984xf32, #tpu.memory_space<vmem>>[vector<16xi32>], vector<16xf32>,
        %add3A_1302 = arith.addf %gather3A_1298, %gather3A_1301 : vector<16xf32>
        %max3A_1303 = arith.maximumf %scan3A_1290, %add3A_1302 : vector<16xf32>
        %add3A_1304 = arith.constant 1 : i32
        %add3A_1305 = arith.addi %add3A_1295, %add3A_1304 : i32
        %add3A_1306 = vector.broadcast %add3A_1305 : i32 to vector<16xi32>
        %add3A_1307 = arith.addi %add3A_1017, %add3A_1306 : vector<16xi32>
        %gather3A_1308 = tpu.vector_load_idx %arg6[%add3A_1307] : memref<16392xf32, #tpu.memory_space<vmem>>[vector<16xi32>], vector<16xf32>,
        %add3A_1309 = vector.broadcast %add3A_1305 : i32 to vector<16xi32>
        %add3A_1310 = arith.addi %mul3A_1023, %add3A_1309 : vector<16xi32>
        %gather3A_1311 = tpu.vector_load_idx %arg10[%add3A_1310] : memref<9984xf32, #tpu.memory_space<vmem>>[vector<16xi32>], vector<16xf32>,
        %add3A_1312 = arith.addf %gather3A_1308, %gather3A_1311 : vector<16xf32>
        %max3A_1313 = arith.maximumf %scan3A_1291, %add3A_1312 : vector<16xf32>
        %add3A_1314 = arith.constant 2 : i32
        %add3A_1315 = arith.addi %add3A_1295, %add3A_1314 : i32
        %add3A_1316 = vector.broadcast %add3A_1315 : i32 to vector<16xi32>
        %add3A_1317 = arith.addi %add3A_1017, %add3A_1316 : vector<16xi32>
        %gather3A_1318 = tpu.vector_load_idx %arg6[%add3A_1317] : memref<16392xf32, #tpu.memory_space<vmem>>[vector<16xi32>], vector<16xf32>,
        %add3A_1319 = vector.broadcast %add3A_1315 : i32 to vector<16xi32>
        %add3A_1320 = arith.addi %mul3A_1023, %add3A_1319 : vector<16xi32>
        %gather3A_1321 = tpu.vector_load_idx %arg10[%add3A_1320] : memref<9984xf32, #tpu.memory_space<vmem>>[vector<16xi32>], vector<16xf32>,
        %add3A_1322 = arith.addf %gather3A_1318, %gather3A_1321 : vector<16xf32>
        %max3A_1323 = arith.maximumf %max3A_1303, %add3A_1322 : vector<16xf32>
        %add3A_1324 = arith.constant 3 : i32
        %add3A_1325 = arith.addi %add3A_1295, %add3A_1324 : i32
        %add3A_1326 = vector.broadcast %add3A_1325 : i32 to vector<16xi32>
        %add3A_1327 = arith.addi %add3A_1017, %add3A_1326 : vector<16xi32>
        %gather3A_1328 = tpu.vector_load_idx %arg6[%add3A_1327] : memref<16392xf32, #tpu.memory_space<vmem>>[vector<16xi32>], vector<16xf32>,
        %add3A_1329 = vector.broadcast %add3A_1325 : i32 to vector<16xi32>
        %add3A_1330 = arith.addi %mul3A_1023, %add3A_1329 : vector<16xi32>
        %gather3A_1331 = tpu.vector_load_idx %arg10[%add3A_1330] : memref<9984xf32, #tpu.memory_space<vmem>>[vector<16xi32>], vector<16xf32>,
        %add3A_1332 = arith.addf %gather3A_1328, %gather3A_1331 : vector<16xf32>
        %max3A_1333 = arith.maximumf %max3A_1313, %add3A_1332 : vector<16xf32>
        scf.yield %max3A_1323, %max3A_1333 : vector<16xf32>, vector<16xf32>
      }
      %scan3A_1040 = arith.constant 6 : i32
      %add3A_1041 = arith.constant 25 : i32
      %add3A_1042 = vector.broadcast %add3A_1041 : i32 to vector<16xi32>
      %add3A_1043 = arith.addi %add3A_1017, %add3A_1042 : vector<16xi32>
      %gather3A_1044 = tpu.vector_load_idx %arg6[%add3A_1043] : memref<16392xf32, #tpu.memory_space<vmem>>[vector<16xi32>], vector<16xf32>,
      %add3A_1045 = arith.constant 25 : i32
      %add3A_1046 = vector.broadcast %add3A_1045 : i32 to vector<16xi32>
      %add3A_1047 = arith.addi %mul3A_1023, %add3A_1046 : vector<16xi32>
      %gather3A_1048 = tpu.vector_load_idx %arg10[%add3A_1047] : memref<9984xf32, #tpu.memory_space<vmem>>[vector<16xi32>], vector<16xf32>,
      %add3A_1049 = arith.addf %gather3A_1044, %gather3A_1048 : vector<16xf32>
      %max3A_1050 = arith.maximumf %scan3A_1039#1, %add3A_1049 : vector<16xf32>
      %max3A_1051 = arith.maximumf %scan3A_1039#0, %max3A_1050 : vector<16xf32>
      %lt3A_1052 = arith.constant 65 : i32
      %lt3A_1053 = vector.broadcast %lt3A_1052 : i32 to vector<16xi32>
      %lt3A_1054 = arith.cmpi slt, %iota3A, %lt3A_1053 : vector<16xi32>
      %add3A_1055 = arith.constant 319 : i32
      %add3A_1056 = arith.addi %mul3A_536, %add3A_1055 : i32
      %add3A_1057 = arith.constant 128 : i32
      %add3A_1058 = arith.addi %add3A_1056, %add3A_1057 : i32
      %add3A_1059 = vector.broadcast %add3A_1058 : i32 to vector<16xi32>
      %add3A_1060 = arith.addi %iota3A, %add3A_1059 : vector<16xi32>
      tpu.vector_store_idx %arg11[%add3A_1060], %max3A_1051 masked %lt3A_1054 : memref<4096xf32, #tpu.memory_space<vmem>>[vector<16xi32>], vector<16xf32>, vector<16xi1>
      %get3A_1061 = arith.constant 752 : index
      %get3A_1062 = tpu.vector_load %arg8[%get3A_1061] {strides = array<i32>} : memref<2064xi32, #tpu.memory_space<vmem>>, vector<16xi32>,
      %add3A_1063 = vector.broadcast %mul3A_534 : i32 to vector<16xi32>
      %add3A_1064 = arith.addi %add3A_1063, %get3A_1062 : vector<16xi32>
      %add3A_1065 = arith.constant 144 : i32
      %add3A_1066 = vector.broadcast %add3A_1065 : i32 to vector<16xi32>
      %add3A_1067 = arith.addi %iota3A, %add3A_1066 : vector<16xi32>
      %mul3A_1068 = arith.constant 48 : i32
      %mul3A_1069 = vector.broadcast %mul3A_1068 : i32 to vector<16xi32>
      %mul3A_1070 = arith.muli %add3A_1067, %mul3A_1069 : vector<16xi32>
      %add3A_1071 = arith.constant 0 : i32
      %add3A_1072 = vector.broadcast %add3A_1071 : i32 to vector<16xi32>
      %add3A_1073 = arith.addi %add3A_1064, %add3A_1072 : vector<16xi32>
      %gather3A_1074 = tpu.vector_load_idx %arg6[%add3A_1073] : memref<16392xf32, #tpu.memory_space<vmem>>[vector<16xi32>], vector<16xf32>,
      %add3A_1075 = arith.constant 0 : i32
      %add3A_1076 = vector.broadcast %add3A_1075 : i32 to vector<16xi32>
      %add3A_1077 = arith.addi %mul3A_1070, %add3A_1076 : vector<16xi32>
      %gather3A_1078 = tpu.vector_load_idx %arg10[%add3A_1077] : memref<9984xf32, #tpu.memory_space<vmem>>[vector<16xi32>], vector<16xf32>,
      %add3A_1079 = arith.addf %gather3A_1074, %gather3A_1078 : vector<16xf32>
      %broadcast_in_dim3A_1080 = arith.constant 0xFF800000 : f32
      %broadcast_in_dim3A_1081 = vector.broadcast %broadcast_in_dim3A_1080 : f32 to vector<16xf32>
      %scan3A_1082 = arith.constant 0 : i32
      %scan3A_1083 = arith.constant 7 : i32
      %scan3A_1084 = arith.addi %scan3A_1082, %scan3A_1083 : i32
      %scan3A_1085 = arith.constant 1 : i32
      %scan3A_1086:2 = scf.for %scan3A_1289 = %scan3A_1082 to %scan3A_1084 step %scan3A_1085 iter_args(%scan3A_1290 = %add3A_1079, %scan3A_1291 = %broadcast_in_dim3A_1081) -> (vector<16xf32>, vector<16xf32>)  : i32 {
        %mul3A_1292 = arith.constant 4 : i32
        %mul3A_1293 = arith.muli %mul3A_1292, %scan3A_1289 : i32
        %add3A_1294 = arith.constant 1 : i32
        %add3A_1295 = arith.addi %add3A_1294, %mul3A_1293 : i32
        %add3A_1296 = vector.broadcast %add3A_1295 : i32 to vector<16xi32>
        %add3A_1297 = arith.addi %add3A_1064, %add3A_1296 : vector<16xi32>
        %gather3A_1298 = tpu.vector_load_idx %arg6[%add3A_1297] : memref<16392xf32, #tpu.memory_space<vmem>>[vector<16xi32>], vector<16xf32>,
        %add3A_1299 = vector.broadcast %add3A_1295 : i32 to vector<16xi32>
        %add3A_1300 = arith.addi %mul3A_1070, %add3A_1299 : vector<16xi32>
        %gather3A_1301 = tpu.vector_load_idx %arg10[%add3A_1300] : memref<9984xf32, #tpu.memory_space<vmem>>[vector<16xi32>], vector<16xf32>,
        %add3A_1302 = arith.addf %gather3A_1298, %gather3A_1301 : vector<16xf32>
        %max3A_1303 = arith.maximumf %scan3A_1290, %add3A_1302 : vector<16xf32>
        %add3A_1304 = arith.constant 1 : i32
        %add3A_1305 = arith.addi %add3A_1295, %add3A_1304 : i32
        %add3A_1306 = vector.broadcast %add3A_1305 : i32 to vector<16xi32>
        %add3A_1307 = arith.addi %add3A_1064, %add3A_1306 : vector<16xi32>
        %gather3A_1308 = tpu.vector_load_idx %arg6[%add3A_1307] : memref<16392xf32, #tpu.memory_space<vmem>>[vector<16xi32>], vector<16xf32>,
        %add3A_1309 = vector.broadcast %add3A_1305 : i32 to vector<16xi32>
        %add3A_1310 = arith.addi %mul3A_1070, %add3A_1309 : vector<16xi32>
        %gather3A_1311 = tpu.vector_load_idx %arg10[%add3A_1310] : memref<9984xf32, #tpu.memory_space<vmem>>[vector<16xi32>], vector<16xf32>,
        %add3A_1312 = arith.addf %gather3A_1308, %gather3A_1311 : vector<16xf32>
        %max3A_1313 = arith.maximumf %scan3A_1291, %add3A_1312 : vector<16xf32>
        %add3A_1314 = arith.constant 2 : i32
        %add3A_1315 = arith.addi %add3A_1295, %add3A_1314 : i32
        %add3A_1316 = vector.broadcast %add3A_1315 : i32 to vector<16xi32>
        %add3A_1317 = arith.addi %add3A_1064, %add3A_1316 : vector<16xi32>
        %gather3A_1318 = tpu.vector_load_idx %arg6[%add3A_1317] : memref<16392xf32, #tpu.memory_space<vmem>>[vector<16xi32>], vector<16xf32>,
        %add3A_1319 = vector.broadcast %add3A_1315 : i32 to vector<16xi32>
        %add3A_1320 = arith.addi %mul3A_1070, %add3A_1319 : vector<16xi32>
        %gather3A_1321 = tpu.vector_load_idx %arg10[%add3A_1320] : memref<9984xf32, #tpu.memory_space<vmem>>[vector<16xi32>], vector<16xf32>,
        %add3A_1322 = arith.addf %gather3A_1318, %gather3A_1321 : vector<16xf32>
        %max3A_1323 = arith.maximumf %max3A_1303, %add3A_1322 : vector<16xf32>
        %add3A_1324 = arith.constant 3 : i32
        %add3A_1325 = arith.addi %add3A_1295, %add3A_1324 : i32
        %add3A_1326 = vector.broadcast %add3A_1325 : i32 to vector<16xi32>
        %add3A_1327 = arith.addi %add3A_1064, %add3A_1326 : vector<16xi32>
        %gather3A_1328 = tpu.vector_load_idx %arg6[%add3A_1327] : memref<16392xf32, #tpu.memory_space<vmem>>[vector<16xi32>], vector<16xf32>,
        %add3A_1329 = vector.broadcast %add3A_1325 : i32 to vector<16xi32>
        %add3A_1330 = arith.addi %mul3A_1070, %add3A_1329 : vector<16xi32>
        %gather3A_1331 = tpu.vector_load_idx %arg10[%add3A_1330] : memref<9984xf32, #tpu.memory_space<vmem>>[vector<16xi32>], vector<16xf32>,
        %add3A_1332 = arith.addf %gather3A_1328, %gather3A_1331 : vector<16xf32>
        %max3A_1333 = arith.maximumf %max3A_1313, %add3A_1332 : vector<16xf32>
        scf.yield %max3A_1323, %max3A_1333 : vector<16xf32>, vector<16xf32>
      }
      %scan3A_1087 = arith.constant 7 : i32
      %add3A_1088 = arith.constant 29 : i32
      %add3A_1089 = vector.broadcast %add3A_1088 : i32 to vector<16xi32>
      %add3A_1090 = arith.addi %add3A_1064, %add3A_1089 : vector<16xi32>
      %gather3A_1091 = tpu.vector_load_idx %arg6[%add3A_1090] : memref<16392xf32, #tpu.memory_space<vmem>>[vector<16xi32>], vector<16xf32>,
      %add3A_1092 = arith.constant 29 : i32
      %add3A_1093 = vector.broadcast %add3A_1092 : i32 to vector<16xi32>
      %add3A_1094 = arith.addi %mul3A_1070, %add3A_1093 : vector<16xi32>
      %gather3A_1095 = tpu.vector_load_idx %arg10[%add3A_1094] : memref<9984xf32, #tpu.memory_space<vmem>>[vector<16xi32>], vector<16xf32>,
      %add3A_1096 = arith.addf %gather3A_1091, %gather3A_1095 : vector<16xf32>
      %max3A_1097 = arith.maximumf %scan3A_1086#1, %add3A_1096 : vector<16xf32>
      %add3A_1098 = arith.constant 30 : i32
      %add3A_1099 = vector.broadcast %add3A_1098 : i32 to vector<16xi32>
      %add3A_1100 = arith.addi %add3A_1064, %add3A_1099 : vector<16xi32>
      %gather3A_1101 = tpu.vector_load_idx %arg6[%add3A_1100] : memref<16392xf32, #tpu.memory_space<vmem>>[vector<16xi32>], vector<16xf32>,
      %add3A_1102 = arith.constant 30 : i32
      %add3A_1103 = vector.broadcast %add3A_1102 : i32 to vector<16xi32>
      %add3A_1104 = arith.addi %mul3A_1070, %add3A_1103 : vector<16xi32>
      %gather3A_1105 = tpu.vector_load_idx %arg10[%add3A_1104] : memref<9984xf32, #tpu.memory_space<vmem>>[vector<16xi32>], vector<16xf32>,
      %add3A_1106 = arith.addf %gather3A_1101, %gather3A_1105 : vector<16xf32>
      %max3A_1107 = arith.maximumf %scan3A_1086#0, %add3A_1106 : vector<16xf32>
      %add3A_1108 = arith.constant 31 : i32
      %add3A_1109 = vector.broadcast %add3A_1108 : i32 to vector<16xi32>
      %add3A_1110 = arith.addi %add3A_1064, %add3A_1109 : vector<16xi32>
      %gather3A_1111 = tpu.vector_load_idx %arg6[%add3A_1110] : memref<16392xf32, #tpu.memory_space<vmem>>[vector<16xi32>], vector<16xf32>,
      %add3A_1112 = arith.constant 31 : i32
      %add3A_1113 = vector.broadcast %add3A_1112 : i32 to vector<16xi32>
      %add3A_1114 = arith.addi %mul3A_1070, %add3A_1113 : vector<16xi32>
      %gather3A_1115 = tpu.vector_load_idx %arg10[%add3A_1114] : memref<9984xf32, #tpu.memory_space<vmem>>[vector<16xi32>], vector<16xf32>,
      %add3A_1116 = arith.addf %gather3A_1111, %gather3A_1115 : vector<16xf32>
      %max3A_1117 = arith.maximumf %max3A_1097, %add3A_1116 : vector<16xf32>
      %max3A_1118 = arith.maximumf %max3A_1107, %max3A_1117 : vector<16xf32>
      %lt3A_1119 = arith.constant 49 : i32
      %lt3A_1120 = vector.broadcast %lt3A_1119 : i32 to vector<16xi32>
      %lt3A_1121 = arith.cmpi slt, %iota3A, %lt3A_1120 : vector<16xi32>
      %add3A_1122 = arith.constant 319 : i32
      %add3A_1123 = arith.addi %mul3A_536, %add3A_1122 : i32
      %add3A_1124 = arith.constant 144 : i32
      %add3A_1125 = arith.addi %add3A_1123, %add3A_1124 : i32
      %add3A_1126 = vector.broadcast %add3A_1125 : i32 to vector<16xi32>
      %add3A_1127 = arith.addi %iota3A, %add3A_1126 : vector<16xi32>
      tpu.vector_store_idx %arg11[%add3A_1127], %max3A_1118 masked %lt3A_1121 : memref<4096xf32, #tpu.memory_space<vmem>>[vector<16xi32>], vector<16xf32>, vector<16xi1>
      %get3A_1128 = arith.constant 768 : index
      %get3A_1129 = tpu.vector_load %arg8[%get3A_1128] {strides = array<i32>} : memref<2064xi32, #tpu.memory_space<vmem>>, vector<16xi32>,
      %add3A_1130 = vector.broadcast %mul3A_534 : i32 to vector<16xi32>
      %add3A_1131 = arith.addi %add3A_1130, %get3A_1129 : vector<16xi32>
      %add3A_1132 = arith.constant 160 : i32
      %add3A_1133 = vector.broadcast %add3A_1132 : i32 to vector<16xi32>
      %add3A_1134 = arith.addi %iota3A, %add3A_1133 : vector<16xi32>
      %mul3A_1135 = arith.constant 48 : i32
      %mul3A_1136 = vector.broadcast %mul3A_1135 : i32 to vector<16xi32>
      %mul3A_1137 = arith.muli %add3A_1134, %mul3A_1136 : vector<16xi32>
      %add3A_1138 = arith.constant 0 : i32
      %add3A_1139 = vector.broadcast %add3A_1138 : i32 to vector<16xi32>
      %add3A_1140 = arith.addi %add3A_1131, %add3A_1139 : vector<16xi32>
      %gather3A_1141 = tpu.vector_load_idx %arg6[%add3A_1140] : memref<16392xf32, #tpu.memory_space<vmem>>[vector<16xi32>], vector<16xf32>,
      %add3A_1142 = arith.constant 0 : i32
      %add3A_1143 = vector.broadcast %add3A_1142 : i32 to vector<16xi32>
      %add3A_1144 = arith.addi %mul3A_1137, %add3A_1143 : vector<16xi32>
      %gather3A_1145 = tpu.vector_load_idx %arg10[%add3A_1144] : memref<9984xf32, #tpu.memory_space<vmem>>[vector<16xi32>], vector<16xf32>,
      %add3A_1146 = arith.addf %gather3A_1141, %gather3A_1145 : vector<16xf32>
      %broadcast_in_dim3A_1147 = arith.constant 0xFF800000 : f32
      %broadcast_in_dim3A_1148 = vector.broadcast %broadcast_in_dim3A_1147 : f32 to vector<16xf32>
      %scan3A_1149 = arith.constant 0 : i32
      %scan3A_1150 = arith.constant 9 : i32
      %scan3A_1151 = arith.addi %scan3A_1149, %scan3A_1150 : i32
      %scan3A_1152 = arith.constant 1 : i32
      %scan3A_1153:2 = scf.for %scan3A_1289 = %scan3A_1149 to %scan3A_1151 step %scan3A_1152 iter_args(%scan3A_1290 = %add3A_1146, %scan3A_1291 = %broadcast_in_dim3A_1148) -> (vector<16xf32>, vector<16xf32>)  : i32 {
        %mul3A_1292 = arith.constant 4 : i32
        %mul3A_1293 = arith.muli %mul3A_1292, %scan3A_1289 : i32
        %add3A_1294 = arith.constant 1 : i32
        %add3A_1295 = arith.addi %add3A_1294, %mul3A_1293 : i32
        %add3A_1296 = vector.broadcast %add3A_1295 : i32 to vector<16xi32>
        %add3A_1297 = arith.addi %add3A_1131, %add3A_1296 : vector<16xi32>
        %gather3A_1298 = tpu.vector_load_idx %arg6[%add3A_1297] : memref<16392xf32, #tpu.memory_space<vmem>>[vector<16xi32>], vector<16xf32>,
        %add3A_1299 = vector.broadcast %add3A_1295 : i32 to vector<16xi32>
        %add3A_1300 = arith.addi %mul3A_1137, %add3A_1299 : vector<16xi32>
        %gather3A_1301 = tpu.vector_load_idx %arg10[%add3A_1300] : memref<9984xf32, #tpu.memory_space<vmem>>[vector<16xi32>], vector<16xf32>,
        %add3A_1302 = arith.addf %gather3A_1298, %gather3A_1301 : vector<16xf32>
        %max3A_1303 = arith.maximumf %scan3A_1290, %add3A_1302 : vector<16xf32>
        %add3A_1304 = arith.constant 1 : i32
        %add3A_1305 = arith.addi %add3A_1295, %add3A_1304 : i32
        %add3A_1306 = vector.broadcast %add3A_1305 : i32 to vector<16xi32>
        %add3A_1307 = arith.addi %add3A_1131, %add3A_1306 : vector<16xi32>
        %gather3A_1308 = tpu.vector_load_idx %arg6[%add3A_1307] : memref<16392xf32, #tpu.memory_space<vmem>>[vector<16xi32>], vector<16xf32>,
        %add3A_1309 = vector.broadcast %add3A_1305 : i32 to vector<16xi32>
        %add3A_1310 = arith.addi %mul3A_1137, %add3A_1309 : vector<16xi32>
        %gather3A_1311 = tpu.vector_load_idx %arg10[%add3A_1310] : memref<9984xf32, #tpu.memory_space<vmem>>[vector<16xi32>], vector<16xf32>,
        %add3A_1312 = arith.addf %gather3A_1308, %gather3A_1311 : vector<16xf32>
        %max3A_1313 = arith.maximumf %scan3A_1291, %add3A_1312 : vector<16xf32>
        %add3A_1314 = arith.constant 2 : i32
        %add3A_1315 = arith.addi %add3A_1295, %add3A_1314 : i32
        %add3A_1316 = vector.broadcast %add3A_1315 : i32 to vector<16xi32>
        %add3A_1317 = arith.addi %add3A_1131, %add3A_1316 : vector<16xi32>
        %gather3A_1318 = tpu.vector_load_idx %arg6[%add3A_1317] : memref<16392xf32, #tpu.memory_space<vmem>>[vector<16xi32>], vector<16xf32>,
        %add3A_1319 = vector.broadcast %add3A_1315 : i32 to vector<16xi32>
        %add3A_1320 = arith.addi %mul3A_1137, %add3A_1319 : vector<16xi32>
        %gather3A_1321 = tpu.vector_load_idx %arg10[%add3A_1320] : memref<9984xf32, #tpu.memory_space<vmem>>[vector<16xi32>], vector<16xf32>,
        %add3A_1322 = arith.addf %gather3A_1318, %gather3A_1321 : vector<16xf32>
        %max3A_1323 = arith.maximumf %max3A_1303, %add3A_1322 : vector<16xf32>
        %add3A_1324 = arith.constant 3 : i32
        %add3A_1325 = arith.addi %add3A_1295, %add3A_1324 : i32
        %add3A_1326 = vector.broadcast %add3A_1325 : i32 to vector<16xi32>
        %add3A_1327 = arith.addi %add3A_1131, %add3A_1326 : vector<16xi32>
        %gather3A_1328 = tpu.vector_load_idx %arg6[%add3A_1327] : memref<16392xf32, #tpu.memory_space<vmem>>[vector<16xi32>], vector<16xf32>,
        %add3A_1329 = vector.broadcast %add3A_1325 : i32 to vector<16xi32>
        %add3A_1330 = arith.addi %mul3A_1137, %add3A_1329 : vector<16xi32>
        %gather3A_1331 = tpu.vector_load_idx %arg10[%add3A_1330] : memref<9984xf32, #tpu.memory_space<vmem>>[vector<16xi32>], vector<16xf32>,
        %add3A_1332 = arith.addf %gather3A_1328, %gather3A_1331 : vector<16xf32>
        %max3A_1333 = arith.maximumf %max3A_1313, %add3A_1332 : vector<16xf32>
        scf.yield %max3A_1323, %max3A_1333 : vector<16xf32>, vector<16xf32>
      }
      %scan3A_1154 = arith.constant 9 : i32
      %add3A_1155 = arith.constant 37 : i32
      %add3A_1156 = vector.broadcast %add3A_1155 : i32 to vector<16xi32>
      %add3A_1157 = arith.addi %add3A_1131, %add3A_1156 : vector<16xi32>
      %gather3A_1158 = tpu.vector_load_idx %arg6[%add3A_1157] : memref<16392xf32, #tpu.memory_space<vmem>>[vector<16xi32>], vector<16xf32>,
      %add3A_1159 = arith.constant 37 : i32
      %add3A_1160 = vector.broadcast %add3A_1159 : i32 to vector<16xi32>
      %add3A_1161 = arith.addi %mul3A_1137, %add3A_1160 : vector<16xi32>
      %gather3A_1162 = tpu.vector_load_idx %arg10[%add3A_1161] : memref<9984xf32, #tpu.memory_space<vmem>>[vector<16xi32>], vector<16xf32>,
      %add3A_1163 = arith.addf %gather3A_1158, %gather3A_1162 : vector<16xf32>
      %max3A_1164 = arith.maximumf %scan3A_1153#1, %add3A_1163 : vector<16xf32>
      %add3A_1165 = arith.constant 38 : i32
      %add3A_1166 = vector.broadcast %add3A_1165 : i32 to vector<16xi32>
      %add3A_1167 = arith.addi %add3A_1131, %add3A_1166 : vector<16xi32>
      %gather3A_1168 = tpu.vector_load_idx %arg6[%add3A_1167] : memref<16392xf32, #tpu.memory_space<vmem>>[vector<16xi32>], vector<16xf32>,
      %add3A_1169 = arith.constant 38 : i32
      %add3A_1170 = vector.broadcast %add3A_1169 : i32 to vector<16xi32>
      %add3A_1171 = arith.addi %mul3A_1137, %add3A_1170 : vector<16xi32>
      %gather3A_1172 = tpu.vector_load_idx %arg10[%add3A_1171] : memref<9984xf32, #tpu.memory_space<vmem>>[vector<16xi32>], vector<16xf32>,
      %add3A_1173 = arith.addf %gather3A_1168, %gather3A_1172 : vector<16xf32>
      %max3A_1174 = arith.maximumf %scan3A_1153#0, %add3A_1173 : vector<16xf32>
      %max3A_1175 = arith.maximumf %max3A_1174, %max3A_1164 : vector<16xf32>
      %lt3A_1176 = arith.constant 33 : i32
      %lt3A_1177 = vector.broadcast %lt3A_1176 : i32 to vector<16xi32>
      %lt3A_1178 = arith.cmpi slt, %iota3A, %lt3A_1177 : vector<16xi32>
      %add3A_1179 = arith.constant 319 : i32
      %add3A_1180 = arith.addi %mul3A_536, %add3A_1179 : i32
      %add3A_1181 = arith.constant 160 : i32
      %add3A_1182 = arith.addi %add3A_1180, %add3A_1181 : i32
      %add3A_1183 = vector.broadcast %add3A_1182 : i32 to vector<16xi32>
      %add3A_1184 = arith.addi %iota3A, %add3A_1183 : vector<16xi32>
      tpu.vector_store_idx %arg11[%add3A_1184], %max3A_1175 masked %lt3A_1178 : memref<4096xf32, #tpu.memory_space<vmem>>[vector<16xi32>], vector<16xf32>, vector<16xi1>
      %get3A_1185 = arith.constant 784 : index
      %get3A_1186 = tpu.vector_load %arg8[%get3A_1185] {strides = array<i32>} : memref<2064xi32, #tpu.memory_space<vmem>>, vector<16xi32>,
      %add3A_1187 = vector.broadcast %mul3A_534 : i32 to vector<16xi32>
      %add3A_1188 = arith.addi %add3A_1187, %get3A_1186 : vector<16xi32>
      %add3A_1189 = arith.constant 176 : i32
      %add3A_1190 = vector.broadcast %add3A_1189 : i32 to vector<16xi32>
      %add3A_1191 = arith.addi %iota3A, %add3A_1190 : vector<16xi32>
      %mul3A_1192 = arith.constant 48 : i32
      %mul3A_1193 = vector.broadcast %mul3A_1192 : i32 to vector<16xi32>
      %mul3A_1194 = arith.muli %add3A_1191, %mul3A_1193 : vector<16xi32>
      %add3A_1195 = arith.constant 0 : i32
      %add3A_1196 = vector.broadcast %add3A_1195 : i32 to vector<16xi32>
      %add3A_1197 = arith.addi %add3A_1188, %add3A_1196 : vector<16xi32>
      %gather3A_1198 = tpu.vector_load_idx %arg6[%add3A_1197] : memref<16392xf32, #tpu.memory_space<vmem>>[vector<16xi32>], vector<16xf32>,
      %add3A_1199 = arith.constant 0 : i32
      %add3A_1200 = vector.broadcast %add3A_1199 : i32 to vector<16xi32>
      %add3A_1201 = arith.addi %mul3A_1194, %add3A_1200 : vector<16xi32>
      %gather3A_1202 = tpu.vector_load_idx %arg10[%add3A_1201] : memref<9984xf32, #tpu.memory_space<vmem>>[vector<16xi32>], vector<16xf32>,
      %add3A_1203 = arith.addf %gather3A_1198, %gather3A_1202 : vector<16xf32>
      %broadcast_in_dim3A_1204 = arith.constant 0xFF800000 : f32
      %broadcast_in_dim3A_1205 = vector.broadcast %broadcast_in_dim3A_1204 : f32 to vector<16xf32>
      %scan3A_1206 = arith.constant 0 : i32
      %scan3A_1207 = arith.constant 11 : i32
      %scan3A_1208 = arith.addi %scan3A_1206, %scan3A_1207 : i32
      %scan3A_1209 = arith.constant 1 : i32
      %scan3A_1210:2 = scf.for %scan3A_1289 = %scan3A_1206 to %scan3A_1208 step %scan3A_1209 iter_args(%scan3A_1290 = %add3A_1203, %scan3A_1291 = %broadcast_in_dim3A_1205) -> (vector<16xf32>, vector<16xf32>)  : i32 {
        %mul3A_1292 = arith.constant 4 : i32
        %mul3A_1293 = arith.muli %mul3A_1292, %scan3A_1289 : i32
        %add3A_1294 = arith.constant 1 : i32
        %add3A_1295 = arith.addi %add3A_1294, %mul3A_1293 : i32
        %add3A_1296 = vector.broadcast %add3A_1295 : i32 to vector<16xi32>
        %add3A_1297 = arith.addi %add3A_1188, %add3A_1296 : vector<16xi32>
        %gather3A_1298 = tpu.vector_load_idx %arg6[%add3A_1297] : memref<16392xf32, #tpu.memory_space<vmem>>[vector<16xi32>], vector<16xf32>,
        %add3A_1299 = vector.broadcast %add3A_1295 : i32 to vector<16xi32>
        %add3A_1300 = arith.addi %mul3A_1194, %add3A_1299 : vector<16xi32>
        %gather3A_1301 = tpu.vector_load_idx %arg10[%add3A_1300] : memref<9984xf32, #tpu.memory_space<vmem>>[vector<16xi32>], vector<16xf32>,
        %add3A_1302 = arith.addf %gather3A_1298, %gather3A_1301 : vector<16xf32>
        %max3A_1303 = arith.maximumf %scan3A_1290, %add3A_1302 : vector<16xf32>
        %add3A_1304 = arith.constant 1 : i32
        %add3A_1305 = arith.addi %add3A_1295, %add3A_1304 : i32
        %add3A_1306 = vector.broadcast %add3A_1305 : i32 to vector<16xi32>
        %add3A_1307 = arith.addi %add3A_1188, %add3A_1306 : vector<16xi32>
        %gather3A_1308 = tpu.vector_load_idx %arg6[%add3A_1307] : memref<16392xf32, #tpu.memory_space<vmem>>[vector<16xi32>], vector<16xf32>,
        %add3A_1309 = vector.broadcast %add3A_1305 : i32 to vector<16xi32>
        %add3A_1310 = arith.addi %mul3A_1194, %add3A_1309 : vector<16xi32>
        %gather3A_1311 = tpu.vector_load_idx %arg10[%add3A_1310] : memref<9984xf32, #tpu.memory_space<vmem>>[vector<16xi32>], vector<16xf32>,
        %add3A_1312 = arith.addf %gather3A_1308, %gather3A_1311 : vector<16xf32>
        %max3A_1313 = arith.maximumf %scan3A_1291, %add3A_1312 : vector<16xf32>
        %add3A_1314 = arith.constant 2 : i32
        %add3A_1315 = arith.addi %add3A_1295, %add3A_1314 : i32
        %add3A_1316 = vector.broadcast %add3A_1315 : i32 to vector<16xi32>
        %add3A_1317 = arith.addi %add3A_1188, %add3A_1316 : vector<16xi32>
        %gather3A_1318 = tpu.vector_load_idx %arg6[%add3A_1317] : memref<16392xf32, #tpu.memory_space<vmem>>[vector<16xi32>], vector<16xf32>,
        %add3A_1319 = vector.broadcast %add3A_1315 : i32 to vector<16xi32>
        %add3A_1320 = arith.addi %mul3A_1194, %add3A_1319 : vector<16xi32>
        %gather3A_1321 = tpu.vector_load_idx %arg10[%add3A_1320] : memref<9984xf32, #tpu.memory_space<vmem>>[vector<16xi32>], vector<16xf32>,
        %add3A_1322 = arith.addf %gather3A_1318, %gather3A_1321 : vector<16xf32>
        %max3A_1323 = arith.maximumf %max3A_1303, %add3A_1322 : vector<16xf32>
        %add3A_1324 = arith.constant 3 : i32
        %add3A_1325 = arith.addi %add3A_1295, %add3A_1324 : i32
        %add3A_1326 = vector.broadcast %add3A_1325 : i32 to vector<16xi32>
        %add3A_1327 = arith.addi %add3A_1188, %add3A_1326 : vector<16xi32>
        %gather3A_1328 = tpu.vector_load_idx %arg6[%add3A_1327] : memref<16392xf32, #tpu.memory_space<vmem>>[vector<16xi32>], vector<16xf32>,
        %add3A_1329 = vector.broadcast %add3A_1325 : i32 to vector<16xi32>
        %add3A_1330 = arith.addi %mul3A_1194, %add3A_1329 : vector<16xi32>
        %gather3A_1331 = tpu.vector_load_idx %arg10[%add3A_1330] : memref<9984xf32, #tpu.memory_space<vmem>>[vector<16xi32>], vector<16xf32>,
        %add3A_1332 = arith.addf %gather3A_1328, %gather3A_1331 : vector<16xf32>
        %max3A_1333 = arith.maximumf %max3A_1313, %add3A_1332 : vector<16xf32>
        scf.yield %max3A_1323, %max3A_1333 : vector<16xf32>, vector<16xf32>
      }
      %scan3A_1211 = arith.constant 11 : i32
      %add3A_1212 = arith.constant 45 : i32
      %add3A_1213 = vector.broadcast %add3A_1212 : i32 to vector<16xi32>
      %add3A_1214 = arith.addi %add3A_1188, %add3A_1213 : vector<16xi32>
      %gather3A_1215 = tpu.vector_load_idx %arg6[%add3A_1214] : memref<16392xf32, #tpu.memory_space<vmem>>[vector<16xi32>], vector<16xf32>,
      %add3A_1216 = arith.constant 45 : i32
      %add3A_1217 = vector.broadcast %add3A_1216 : i32 to vector<16xi32>
      %add3A_1218 = arith.addi %mul3A_1194, %add3A_1217 : vector<16xi32>
      %gather3A_1219 = tpu.vector_load_idx %arg10[%add3A_1218] : memref<9984xf32, #tpu.memory_space<vmem>>[vector<16xi32>], vector<16xf32>,
      %add3A_1220 = arith.addf %gather3A_1215, %gather3A_1219 : vector<16xf32>
      %max3A_1221 = arith.maximumf %scan3A_1210#1, %add3A_1220 : vector<16xf32>
      %add3A_1222 = arith.constant 46 : i32
      %add3A_1223 = vector.broadcast %add3A_1222 : i32 to vector<16xi32>
      %add3A_1224 = arith.addi %add3A_1188, %add3A_1223 : vector<16xi32>
      %gather3A_1225 = tpu.vector_load_idx %arg6[%add3A_1224] : memref<16392xf32, #tpu.memory_space<vmem>>[vector<16xi32>], vector<16xf32>,
      %add3A_1226 = arith.constant 46 : i32
      %add3A_1227 = vector.broadcast %add3A_1226 : i32 to vector<16xi32>
      %add3A_1228 = arith.addi %mul3A_1194, %add3A_1227 : vector<16xi32>
      %gather3A_1229 = tpu.vector_load_idx %arg10[%add3A_1228] : memref<9984xf32, #tpu.memory_space<vmem>>[vector<16xi32>], vector<16xf32>,
      %add3A_1230 = arith.addf %gather3A_1225, %gather3A_1229 : vector<16xf32>
      %max3A_1231 = arith.maximumf %scan3A_1210#0, %add3A_1230 : vector<16xf32>
      %add3A_1232 = arith.constant 47 : i32
      %add3A_1233 = vector.broadcast %add3A_1232 : i32 to vector<16xi32>
      %add3A_1234 = arith.addi %add3A_1188, %add3A_1233 : vector<16xi32>
      %gather3A_1235 = tpu.vector_load_idx %arg6[%add3A_1234] : memref<16392xf32, #tpu.memory_space<vmem>>[vector<16xi32>], vector<16xf32>,
      %add3A_1236 = arith.constant 47 : i32
      %add3A_1237 = vector.broadcast %add3A_1236 : i32 to vector<16xi32>
      %add3A_1238 = arith.addi %mul3A_1194, %add3A_1237 : vector<16xi32>
      %gather3A_1239 = tpu.vector_load_idx %arg10[%add3A_1238] : memref<9984xf32, #tpu.memory_space<vmem>>[vector<16xi32>], vector<16xf32>,
      %add3A_1240 = arith.addf %gather3A_1235, %gather3A_1239 : vector<16xf32>
      %max3A_1241 = arith.maximumf %max3A_1221, %add3A_1240 : vector<16xf32>
      %max3A_1242 = arith.maximumf %max3A_1231, %max3A_1241 : vector<16xf32>
      %lt3A_1243 = arith.constant 17 : i32
      %lt3A_1244 = vector.broadcast %lt3A_1243 : i32 to vector<16xi32>
      %lt3A_1245 = arith.cmpi slt, %iota3A, %lt3A_1244 : vector<16xi32>
      %add3A_1246 = arith.constant 319 : i32
      %add3A_1247 = arith.addi %mul3A_536, %add3A_1246 : i32
      %add3A_1248 = arith.constant 176 : i32
      %add3A_1249 = arith.addi %add3A_1247, %add3A_1248 : i32
      %add3A_1250 = vector.broadcast %add3A_1249 : i32 to vector<16xi32>
      %add3A_1251 = arith.addi %iota3A, %add3A_1250 : vector<16xi32>
      tpu.vector_store_idx %arg11[%add3A_1251], %max3A_1242 masked %lt3A_1245 : memref<4096xf32, #tpu.memory_space<vmem>>[vector<16xi32>], vector<16xf32>, vector<16xi1>
      %get3A_1252 = arith.constant 800 : index
      %get3A_1253 = tpu.vector_load %arg8[%get3A_1252] {strides = array<i32>} : memref<2064xi32, #tpu.memory_space<vmem>>, vector<16xi32>,
      %add3A_1254 = vector.broadcast %mul3A_534 : i32 to vector<16xi32>
      %add3A_1255 = arith.addi %add3A_1254, %get3A_1253 : vector<16xi32>
      %add3A_1256 = arith.constant 192 : i32
      %add3A_1257 = vector.broadcast %add3A_1256 : i32 to vector<16xi32>
      %add3A_1258 = arith.addi %iota3A, %add3A_1257 : vector<16xi32>
      %mul3A_1259 = arith.constant 48 : i32
      %mul3A_1260 = vector.broadcast %mul3A_1259 : i32 to vector<16xi32>
      %mul3A_1261 = arith.muli %add3A_1258, %mul3A_1260 : vector<16xi32>
      %add3A_1262 = arith.constant 0 : i32
      %add3A_1263 = vector.broadcast %add3A_1262 : i32 to vector<16xi32>
      %add3A_1264 = arith.addi %add3A_1255, %add3A_1263 : vector<16xi32>
      %gather3A_1265 = tpu.vector_load_idx %arg6[%add3A_1264] : memref<16392xf32, #tpu.memory_space<vmem>>[vector<16xi32>], vector<16xf32>,
      %add3A_1266 = arith.constant 0 : i32
      %add3A_1267 = vector.broadcast %add3A_1266 : i32 to vector<16xi32>
      %add3A_1268 = arith.addi %mul3A_1261, %add3A_1267 : vector<16xi32>
      %gather3A_1269 = tpu.vector_load_idx %arg10[%add3A_1268] : memref<9984xf32, #tpu.memory_space<vmem>>[vector<16xi32>], vector<16xf32>,
      %add3A_1270 = arith.addf %gather3A_1265, %gather3A_1269 : vector<16xf32>
      %broadcast_in_dim3A_1271 = arith.constant 0xFF800000 : f32
      %broadcast_in_dim3A_1272 = vector.broadcast %broadcast_in_dim3A_1271 : f32 to vector<16xf32>
      %scan3A_1273 = arith.constant 0 : i32
      %scan3A_1274 = arith.constant 6 : i32
      %scan3A_1275 = arith.addi %scan3A_1273, %scan3A_1274 : i32
      %scan3A_1276 = arith.constant 1 : i32
      %scan3A_1277:2 = scf.for %scan3A_1289 = %scan3A_1273 to %scan3A_1275 step %scan3A_1276 iter_args(%scan3A_1290 = %add3A_1270, %scan3A_1291 = %broadcast_in_dim3A_1272) -> (vector<16xf32>, vector<16xf32>)  : i32 {
        %mul3A_1292 = arith.constant 4 : i32
        %mul3A_1293 = arith.muli %mul3A_1292, %scan3A_1289 : i32
        %add3A_1294 = arith.constant 1 : i32
        %add3A_1295 = arith.addi %add3A_1294, %mul3A_1293 : i32
        %add3A_1296 = vector.broadcast %add3A_1295 : i32 to vector<16xi32>
        %add3A_1297 = arith.addi %add3A_1255, %add3A_1296 : vector<16xi32>
        %gather3A_1298 = tpu.vector_load_idx %arg6[%add3A_1297] : memref<16392xf32, #tpu.memory_space<vmem>>[vector<16xi32>], vector<16xf32>,
        %add3A_1299 = vector.broadcast %add3A_1295 : i32 to vector<16xi32>
        %add3A_1300 = arith.addi %mul3A_1261, %add3A_1299 : vector<16xi32>
        %gather3A_1301 = tpu.vector_load_idx %arg10[%add3A_1300] : memref<9984xf32, #tpu.memory_space<vmem>>[vector<16xi32>], vector<16xf32>,
        %add3A_1302 = arith.addf %gather3A_1298, %gather3A_1301 : vector<16xf32>
        %max3A_1303 = arith.maximumf %scan3A_1290, %add3A_1302 : vector<16xf32>
        %add3A_1304 = arith.constant 1 : i32
        %add3A_1305 = arith.addi %add3A_1295, %add3A_1304 : i32
        %add3A_1306 = vector.broadcast %add3A_1305 : i32 to vector<16xi32>
        %add3A_1307 = arith.addi %add3A_1255, %add3A_1306 : vector<16xi32>
        %gather3A_1308 = tpu.vector_load_idx %arg6[%add3A_1307] : memref<16392xf32, #tpu.memory_space<vmem>>[vector<16xi32>], vector<16xf32>,
        %add3A_1309 = vector.broadcast %add3A_1305 : i32 to vector<16xi32>
        %add3A_1310 = arith.addi %mul3A_1261, %add3A_1309 : vector<16xi32>
        %gather3A_1311 = tpu.vector_load_idx %arg10[%add3A_1310] : memref<9984xf32, #tpu.memory_space<vmem>>[vector<16xi32>], vector<16xf32>,
        %add3A_1312 = arith.addf %gather3A_1308, %gather3A_1311 : vector<16xf32>
        %max3A_1313 = arith.maximumf %scan3A_1291, %add3A_1312 : vector<16xf32>
        %add3A_1314 = arith.constant 2 : i32
        %add3A_1315 = arith.addi %add3A_1295, %add3A_1314 : i32
        %add3A_1316 = vector.broadcast %add3A_1315 : i32 to vector<16xi32>
        %add3A_1317 = arith.addi %add3A_1255, %add3A_1316 : vector<16xi32>
        %gather3A_1318 = tpu.vector_load_idx %arg6[%add3A_1317] : memref<16392xf32, #tpu.memory_space<vmem>>[vector<16xi32>], vector<16xf32>,
        %add3A_1319 = vector.broadcast %add3A_1315 : i32 to vector<16xi32>
        %add3A_1320 = arith.addi %mul3A_1261, %add3A_1319 : vector<16xi32>
        %gather3A_1321 = tpu.vector_load_idx %arg10[%add3A_1320] : memref<9984xf32, #tpu.memory_space<vmem>>[vector<16xi32>], vector<16xf32>,
        %add3A_1322 = arith.addf %gather3A_1318, %gather3A_1321 : vector<16xf32>
        %max3A_1323 = arith.maximumf %max3A_1303, %add3A_1322 : vector<16xf32>
        %add3A_1324 = arith.constant 3 : i32
        %add3A_1325 = arith.addi %add3A_1295, %add3A_1324 : i32
        %add3A_1326 = vector.broadcast %add3A_1325 : i32 to vector<16xi32>
        %add3A_1327 = arith.addi %add3A_1255, %add3A_1326 : vector<16xi32>
        %gather3A_1328 = tpu.vector_load_idx %arg6[%add3A_1327] : memref<16392xf32, #tpu.memory_space<vmem>>[vector<16xi32>], vector<16xf32>,
        %add3A_1329 = vector.broadcast %add3A_1325 : i32 to vector<16xi32>
        %add3A_1330 = arith.addi %mul3A_1261, %add3A_1329 : vector<16xi32>
        %gather3A_1331 = tpu.vector_load_idx %arg10[%add3A_1330] : memref<9984xf32, #tpu.memory_space<vmem>>[vector<16xi32>], vector<16xf32>,
        %add3A_1332 = arith.addf %gather3A_1328, %gather3A_1331 : vector<16xf32>
        %max3A_1333 = arith.maximumf %max3A_1313, %add3A_1332 : vector<16xf32>
        scf.yield %max3A_1323, %max3A_1333 : vector<16xf32>, vector<16xf32>
      }
      %scan3A_1278 = arith.constant 6 : i32
      %max3A_1279 = arith.maximumf %scan3A_1277#0, %scan3A_1277#1 : vector<16xf32>
      %lt3A_1280 = arith.constant 1 : i32
      %lt3A_1281 = vector.broadcast %lt3A_1280 : i32 to vector<16xi32>
      %lt3A_1282 = arith.cmpi slt, %iota3A, %lt3A_1281 : vector<16xi32>
      %add3A_1283 = arith.constant 319 : i32
      %add3A_1284 = arith.addi %mul3A_536, %add3A_1283 : i32
      %add3A_1285 = arith.constant 192 : i32
      %add3A_1286 = arith.addi %add3A_1284, %add3A_1285 : i32
      %add3A_1287 = vector.broadcast %add3A_1286 : i32 to vector<16xi32>
      %add3A_1288 = arith.addi %iota3A, %add3A_1287 : vector<16xi32>
      tpu.vector_store_idx %arg11[%add3A_1288], %max3A_1279 masked %lt3A_1282 : memref<4096xf32, #tpu.memory_space<vmem>>[vector<16xi32>], vector<16xf32>, vector<16xi1>
    }
    %scan3A_529 = arith.constant 8 : i32
    %mul3A_530 = arith.constant 4096 : i32
    %mul3A_531 = arith.muli %add3A, %mul3A_530 : i32
    "tpu.region"() ({
      %run_scoped3A = tpu.sem_alloc : memref<!tpu.dma_semaphore, #tpu.memory_space<semaphore_mem>>
      %dma_start3A_532 = tpu.memref_slice %arg5[%mul3A_531] : memref<131072xf32, #tpu.memory_space<hbm>> -> memref<4096xf32, #tpu.memory_space<hbm>>
      %dma_start3A_533 = tpu.memref_slice %arg5[%mul3A_531] : memref<131072xf32, #tpu.memory_space<hbm>> -> memref<4096xf32, #tpu.memory_space<hbm>>
      tpu.enqueue_dma source(%arg11 : memref<4096xf32, #tpu.memory_space<vmem>>) target(%dma_start3A_533 : memref<4096xf32, #tpu.memory_space<hbm>>) target_semaphore(%run_scoped3A : memref<!tpu.dma_semaphore, #tpu.memory_space<semaphore_mem>>)
      %dma_wait3A_534 = tpu.memref_slice %arg5[%mul3A_531] : memref<131072xf32, #tpu.memory_space<hbm>> -> memref<4096xf32, #tpu.memory_space<hbm>>
      %dma_wait3A_535 = tpu.memref_slice %arg5[%mul3A_531] : memref<131072xf32, #tpu.memory_space<hbm>> -> memref<4096xf32, #tpu.memory_space<hbm>>
      tpu.wait_dma2 semaphore(%run_scoped3A : memref<!tpu.dma_semaphore, #tpu.memory_space<semaphore_mem>>) src(%arg11 : memref<4096xf32, #tpu.memory_space<vmem>>) dst(%dma_wait3A_535 : memref<4096xf32, #tpu.memory_space<hbm>>)
      tpu.yield
    }) : () -> ()
    return
  }
}

</mosaic_0001>

<sc_bundles>
// kernel: kernel.3.cloned.1.call-start
scs
__scs_entry_jumppad:
0x0: {  	(pc) =	sbr.rel $0x88, $3  }
0x1: {  	(tag) =	ssettag $0x0;
	lr =	simm.s32 $0x1  }
0x2: {  	[smem:$0x3F9C] =	sst lr;
	_ =	strace $0xD0000000  }
0x3: {  	_ = 	snop  }
0x4: {  	_ = 	snop  }
0x5: {  	_ = 	snop  }
0x6: {  	_ = 	snop  }
0x7: {  	_ = 	snop  }
__scs_overlays_trampoline_lowered:
0x8: {  	[smem:$0x3FAB] =	sst s0  }
0x9: {  	[smem:$0x3FAC] =	sst s1  }
0xa: {  	[smem:$0x3FAD] =	sst s2  }
0xb: {  	[smem:$0x3FAE] =	sst s3  }
0xc: {  	[smem:$0x3FAF] =	sst s4  }
0xd: {  	[smem:$0x3FB0] =	sst s5  }
0xe: {  	[smem:$0x3FB1] =	sst s6  }
0xf: {  	[smem:$0x3FB2] =	sst s7  }
0x10: {  	[smem:$0x3FB3] =	sst s8  }
0x11: {  	[smem:$0x3FB4] =	sst s9;
	s0 =	simm.s32 @!p0 $0x0  }
0x12: {  	s1 =	sld [smem:$0x3F9A];
	s0 =	simm.s32 @p0 $0x1  }
0x13: {  	[smem:$0x3FB5] =	sst s0;
	s0 =	simm.s32 @!p1 $0x0  }
0x14: {  	s2 =	sld [smem:$0x3F99];
	s0 =	simm.s32 @p1 $0x1  }
0x15: {  	[smem:$0x3FB6] =	sst s0;
	s0 =	simm.s32 @!p2 $0x0  }
0x16: {  	s3 =	sld [smem:$0x3FDB];
	s0 =	simm.s32 @p2 $0x1  }
0x17: {  	s4 =	simm.s32 $0x1BF5;
	[smem:$0x3FB8] =	sst s0  }
0x18: {  	s0 =	sld [smem:$0x3F9B];
	_ =	swait.ge [sflag:s4], $0x0  }
0x19: {  	s7 =	sld [smem:$0x3F9C]  }
0x1a: {  	s8 =	sadd.s32 $0xFFFFE003, lr  }
0x1b: {  	s9 =	sadd.s32 $0xFFFFFEF7, lr;
	s5 =	simm.s32 $0xFFFFFFFF;
	p2 =	slt.u32 s8, $0xFFFFF086  }
0x1c: {  	p1 =	slt.u32 s9, $0xF7A;
	s5 =	simm.s32 @!p2 $0x0  }
0x1d: {  	s5 =	simm.s32 @p1 $0x1;
	p0 =	seq.s32 s7, s2  }
0x1e: {  	s7 =	smul.u32 @!p0 $0xF7A, s2;
	p2 =	seq.s32 @!p0 s5, $0x0  }
0x1f: {  	s9 =	smul.u32 $0xF7A, s1;
	s8 =	simm.s32 @!p0 $0x1BF5;
	p2 =	por !p2, p0  }
0x20: {  	[sflag:s8] =	ssyncset.s32 @!p0 $0xFFFFF086;
	s6 =	sadd.s32 @!p0 s3, s7;
	s7 =	simm.s32 @!p0 $0x108  }
0x21: {  	s3 =	sadd.s32 s3, s9;
	s6 =	sadd.s32 @!p0 $0x88, s6;
	s7 =	simm.s32 @p2 $0x1082  }
0x22: {  	[simem:s7], [sflag:s8] =	dma.local @!p0 [hbm:s6], $0xF7A  }
0x23: {  	s9 =	sor.u32 $0xD0000000, s2;
	s6 =	simm.s32 $0x108;
	_ =	swait.ge @!p0 [sflag:s8], $0x0  }
0x24: {  	s3 =	sadd.s32 $0x88, s3;
	s6 =	simm.s32 @!p1 $0x1082;
	[sflag:s4] =	ssyncset.s32 $0xFFFFF086  }
0x25: {  	[simem:s6], [sflag:s4] =	dma.local [hbm:s3], $0xF7A  }
0x26: {  	[smem:$0x3F9C] =	sst s1;
	(tag) =	ssettag s2;
	_ =	strace s9  }
0x27: {  	s1 =	sld [smem:$0x3FAC]  }
0x28: {  	s2 =	sld [smem:$0x3FAD]  }
0x29: {  	s4 =	sld [smem:$0x3FAF]  }
0x2a: {  	p0 =	seq.s32 s5, $0x0;
	s5 =	sld [smem:$0x3FB0]  }
0x2b: {  	s6 =	sld [smem:$0x3FB1]  }
0x2c: {  	s7 =	sld [smem:$0x3FB2]  }
0x2d: {  	s3 =	simm.s32 $0x108;
	s8 =	sld [smem:$0x3FB3]  }
0x2e: {  	s3 =	simm.s32 @!p0 $0x1082;
	s9 =	sld [smem:$0x3FB4]  }
0x2f: {  	lr =	sadd.s32 s0, s3;
	s0 =	sld [smem:$0x3FAB]  }
0x30: {  	s3 =	sld [smem:$0x3FAE]  }
0x31: {  	[smem:$0x3FB7] =	sst s10  }
0x32: {  	s10 =	sld [smem:$0x3FB5];
	_ =	sdelay $0x3  }
0x33: {  	p0 =	seq.s32 s10, $0x1;
	s10 =	sld [smem:$0x3FB7];
	_ =	sdelay $0x3  }
0x34: {  	[smem:$0x3FB7] =	sst s10  }
0x35: {  	s10 =	sld [smem:$0x3FB6];
	_ =	sdelay $0x3  }
0x36: {  	p1 =	seq.s32 s10, $0x1;
	s10 =	sld [smem:$0x3FB7];
	_ =	sdelay $0x3  }
0x37: {  	[smem:$0x3FB7] =	sst s10  }
0x38: {  	s10 =	sld [smem:$0x3FB8]  }
0x39: {  	_ = 	snop;
	(pc) =	sbr.ind lr, $3  }
0x3a: {  	_ = 	snop  }
0x3b: {  	_ = 	snop  }
0x3c: {  	p2 =	seq.s32 s10, $0x1;
	s10 =	sld [smem:$0x3FB7]  }
0x3d: {  	_ =	shalt  }
0x3e: {  	_ =	shalt  }
0x3f: {  	_ =	shalt  }
0x40: {  	_ =	shalt  }
0x41: {  	_ =	shalt  }
0x42: {  	_ =	shalt  }
0x43: {  	_ =	shalt  }
0x44: {  	_ =	shalt  }
0x45: {  	_ =	shalt  }
0x46: {  	_ =	shalt  }
0x47: {  	_ =	shalt  }
0x48: {  	_ =	shalt  }
0x49: {  	_ =	shalt  }
0x4a: {  	_ =	shalt  }
0x4b: {  	_ =	shalt  }
0x4c: {  	_ =	shalt  }
0x4d: {  	_ =	shalt  }
0x4e: {  	_ =	shalt  }
0x4f: {  	_ =	shalt  }
0x50: {  	_ =	shalt  }
0x51: {  	_ =	shalt  }
0x52: {  	_ =	shalt  }
0x53: {  	_ =	shalt  }
0x54: {  	_ =	shalt  }
0x55: {  	_ =	shalt  }
0x56: {  	_ =	shalt  }
0x57: {  	_ =	shalt  }
0x58: {  	_ =	shalt  }
0x59: {  	_ =	shalt  }
0x5a: {  	_ =	shalt  }
0x5b: {  	_ =	shalt  }
0x5c: {  	_ =	shalt  }
0x5d: {  	_ =	shalt  }
0x5e: {  	_ =	shalt  }
0x5f: {  	_ =	shalt  }
0x60: {  	_ =	shalt  }
0x61: {  	_ =	shalt  }
0x62: {  	_ =	shalt  }
0x63: {  	_ =	shalt  }
0x64: {  	_ =	shalt  }
0x65: {  	_ =	shalt  }
0x66: {  	_ =	shalt  }
0x67: {  	_ =	shalt  }
0x68: {  	_ =	shalt  }
0x69: {  	_ =	shalt  }
0x6a: {  	_ =	shalt  }
0x6b: {  	_ =	shalt  }
0x6c: {  	_ =	shalt  }
0x6d: {  	_ =	shalt  }
0x6e: {  	_ =	shalt  }
0x6f: {  	_ =	shalt  }
0x70: {  	_ =	shalt  }
0x71: {  	_ =	shalt  }
0x72: {  	_ =	shalt  }
0x73: {  	_ =	shalt  }
0x74: {  	_ =	shalt  }
0x75: {  	_ =	shalt  }
0x76: {  	_ =	shalt  }
0x77: {  	_ =	shalt  }
0x78: {  	_ =	shalt  }
0x79: {  	_ =	shalt  }
0x7a: {  	_ =	shalt  }
0x7b: {  	_ =	shalt  }
0x7c: {  	_ =	shalt  }
0x7d: {  	_ =	shalt  }
0x7e: {  	_ =	shalt  }
0x7f: {  	_ =	shalt  }
0x80: {  	_ =	shalt  }
0x81: {  	_ =	shalt  }
0x82: {  	_ =	shalt  }
0x83: {  	_ =	shalt  }
0x84: {  	_ =	shalt  }
0x85: {  	_ =	shalt  }
0x86: {  	_ =	shalt  }
0x87: {  	_ =	shalt  }
.Lfunc_end0:
.L_simem_size_0:
called_computation_lowered:
.L_overlay_start_0:
0x88: {  	s2 =	sld [smem:$0x3FD9]  }
0x89: {  	s3 =	sld [smem:$0x3FFE];
	_ =	sdelay $0x1  }
0x8a: {  	s1 =	srdreg.scid  }
0x8b: {  	s0 =	sand.u32 $0x1, s1  }
0x8c: {  	s17 =	sshll.u32 s0, $0xA;
	s2 =	sadd.s32 s3, s2  }
0x8d: {  	s2 =	sadd.s32 s2, s17  }
0x8e: {  	[smem:$0x3FC3] =	sst s2  }
0x8f: {  	_ = 	snop  }
0x90: {  	s2 =	sld [smem:$0x3FD0];
	(tm) =	ssettm $0x1  }
0x91: {  	s18 =	sld [smem:$0x3FFB];
	_ =	sdelay $0x3  }
0x92: {  	_ =	strace s18  }
0x93: {  	s3 =	sld [smem:$0x3FFC];
	_ =	sdelay $0x3  }
0x94: {  	_ =	strace s3  }
0x95: {  	s3 =	sld [smem:$0x3FFD];
	_ =	sdelay $0x3  }
0x96: {  	_ =	strace s3  }
0x97: {  	_ =	strace $0x8FFFFFFF  }
0x98: {  	s19 =	sld [smem:$0x3FDB];
	_ =	sdelay $0x1  }
0x99: {  	s4 =	simm.s32 $_scs_section_size  }
0x9a: {  	s5 =	simm.s32 $_size__tile_overlayer_lowered;
	s6 =	simm.s32 $_tile_overlayer_lowered  }
0x9b: {  	s22 =	simm.s32 $0x1BFF;
	s21 =	sshll.u32 s6, $0x1;
	s3 =	sadd.s32 s4, s19  }
0x9c: {  	s7 =	simm.s32 $0x0;
	s20 =	sshll.u32 s5, $0x1;
	s5 =	sadd.s32 s21, s3  }
0x9d: {  	[timem:s7], [sflag:s22] =	dma.local [hbm:s5], s20  }
0x9e: {  	_ =	swait.ge [sflag:s22], s20  }
0x9f: {  	s4 =	ssub.s32 $0x0, s20;
	[sflag:s22] =	ssyncset.done $0x0  }
0xa0: {  	[sflag:s22] =	ssyncadd.s32 s4;
	_ =	sdelay $0x1  }
0xa1: {  	s23 =	simm.s32 $0x1B8B  }
0xa2: {  	_ =	swait.ge [sflag:s23], $0x1  }
0xa3: {  	[sflag:s23] =	ssyncset.done $0x0  }
0xa4: {  	s25 =	simm.s32 $0x1B8E;
	s24 =	sld [smem:$0x3FFE];
	[sflag:s23] =	ssyncadd.s32 $0xFFFFFFFF  }
0xa5: {  	s26 =	simm.s32 $execute0_lowered;
	[smem:$0x3FD2] =	sst s25  }
0xa6: {  	s5 =	sshll.u32 s26, $0x1;
	_ =	strace $0x80000046;
	[dreg:$0x1] =	wrdreg $0xFFFFFFFF  }
0xa7: {  	s28 =	simm.s32 $_size_execute0_lowered;
	s3 =	sadd.s32 s3, s5;
	[dreg:$0x0] =	wrdreg $0x0  }
0xa8: {  	s5 =	sshll.u32 s28, $0x1;
	[dreg:$0x2] =	wrdreg s3  }
0xa9: {  	[dreg:$0x3] =	wrdreg s5  }
0xaa: {  	[dreg:$0x4] =	wrdreg $0xC0  }
0xab: {  	_ =	task [dreg:s7], $0x5FFFF  }
0xac: {  	[dreg:$0x1] =	wrdreg $0xFFFFFFFF  }
0xad: {  	[dreg:$0x0] =	wrdreg $0x60  }
0xae: {  	[dreg:$0x2] =	wrdreg s24  }
0xaf: {  	[dreg:$0x3] =	wrdreg s2  }
0xb0: {  	[dreg:$0x4] =	wrdreg $0xEB000  }
0xb1: {  	[dreg:$0x5] =	wrdreg $0x9  }
0xb2: {  	_ =	task.clear_ibuf [dreg:s7], $0x6FFFF;
	_ =	strace $0x90000046  }
0xb3: {  	s29 =	simm.s32 $0x9;
	_ =	strace $0x80000048  }
0xb4: {  	_ =	swait.ge [sflag:s29], $0x1  }
0xb5: {  	[sflag:s29] =	ssyncadd.s32 $0xFFFFFFFF  }
0xb6: {  	_ =	strace $0x90000048  }
0xb7: {  	_ =	sfence  }
0xb8: {  	s30 =	sld [smem:$0x0];
	_ =	sdelay $0x2  }
0xb9: {  	s31 =	sshll.u32 s1, $0xD;
	s1 =	sshrl.u32 s1, $0x2  }
0xba: {  	s3 =	sand.u32 $0x4000, s31;
	s1 =	sadd.s32 s1, s30  }
0xbb: {  	s0 =	sor.u32 s3, s0;
	s1 =	sshll.u32 s1, $0x11  }
0xbc: {  	s0 =	sor.u32 s1, s0  }
0xbd: {  	s0 =	sadd.s32 $0x8F2B, s0  }
0xbe: {  	[sflag:s0] =	ssyncadd.remote.s32 $0x1  }
0xbf: {  	_ =	sfence.sel $0xFFFF  }
0xc0: {  	[dreg:$0x0] =	wrdreg $0xFFFFFFFF;
	(pc) =	sbr.abs _section_cstart, $3  }
0xc1: {  	[dreg:$0x1] =	wrdreg $0xFFFFFFFF  }
0xc2: {  	_ =	task.clear_ibuf [dreg:s7], $0x2FFFF;
	_ =	strace $0x9FFFFFFF  }
0xc3: {  	(tm) =	ssettm $0x7FFFFFFF  }
tec
execute0_lowered:
.L_overlay_start_1:
0x0: {  	(tag) =	ssettag $0x1  }
0x1: {  	s5 =	rddreg [dreg:$0x0];
	s1 =	srdreg.scid  }
0x2: {  	s0 =	stileid.u32;
	s2 =	rddreg [dreg:$0x1]  }
0x3: {  	s3 =	rddreg [dreg:$0x2];
	s4 =	simm.s32 $0x0;
	s14 =	simm.s32 $0x2  }
0x4: {  	s15 =	simm.s32 $0xB180;
	s17 =	simm.s32 $0xB400;
	s18 =	simm.s32 $0x0  }
0x5: {  	s25 =	simm.s32 $0x2;
	s6 =	sand.u32 $0x1, s1;
	s9 =	smul.u32 $0xD0D, s0  }
0x6: {  	s30 =	sshll.u32 s0, $0x1;
	s1 =	rddreg [dreg:$0x3];
	s10 =	smul.u32 $0xD, s0  }
0x7: {  	[smem:$0x7FF] =	sst s4;
	s12 =	smul.u32 $0x9C0, s0;
	s7 =	sor.u32 s6, s30  }
0x8: {  	_ =	strace $0x80000047;
	s6 =	ssub.s32 $0x2, s6;
	s8 =	smul.u32 $0x801, s7  }
0x9: {  	s9 =	sadd.s32 s9, s5;
	s7 =	sshll.u32 s7, $0x9;
	s11 =	sshrl.u32 s6, $0x1  }
0xa: {  	s16 =	sadd.s32 $0x260, s10;
	s31 =	sshrl.u32 s12, $0x2;
	s10 =	simm.s32 $0x4080  }
0xb: {  	s12 =	simm.s32 $0x1;
	s13 =	sadd.s32 s7, s5;
	s11 =	ssub.s32 s6, s11  }
0xc: {  	s6 =	sadd.s32 $0x11400, s9;
	s7 =	sadd.s32 s31, s3;
	v0 =	vmov s16;
	s16 =	simm.s32 $0x3  }
0xd: {  	s8 =	sadd.s32 s8, s5;
	s9 =	smax.u32 s11, $0x1;
	s11 =	simm.s32 $0xA900  }
0xe: {  	v1 =	vlaneseq.u32;
	s5 =	sadd.s32 $0x1200, s8;
	s8 =	sadd.s32 $0x1E600, s13;
	s13 =	simm.s32 $0xDB00  }
.LBB2_1:
0xf: {  	[tilespmem:s4], [sflag:$0x1] =	stream.linear.gather [hbm4b:s5+s4], $0x4008, $0x38;
	[tilespmem:$0xED70] =	vst v63  }
0x10: {  	_ = 	snop  }
0x11: {  	[tilespmem:s10], [sflag:$0x2] =	stream.linear.gather [hbm4b:s6+s4], $0x6868, $0x38;
	[tilespmem:$0xED70] =	vst v63  }
0x12: {  	_ = 	snop  }
0x13: {  	[tilespmem:s11], [sflag:$0x1] =	stream.linear.gather [hbm4b:s2+s4], $0x880, $0x38;
	[tilespmem:$0xED70] =	vst v63  }
0x14: {  	_ =	swait.ge [sflag:s12], $0x880  }
0x15: {  	[sflag:s12] =	ssyncset.done $0x0  }
0x16: {  	[sflag:s12] =	ssyncadd.s32 $0xFFFFF780  }
0x17: {  	_ =	swait.ge [sflag:s12], $0x4008  }
0x18: {  	s19 =	simm.s32 $0x13A;
	[sflag:s12] =	ssyncset.done $0x0  }
0x19: {  	s20 =	simm.s32 $0xDB80;
	s21 =	simm.s32 $0x0;
	[sflag:s12] =	ssyncadd.s32 $0xFFFFBFF8  }
.LBB2_2:
0x1a: {  	v2 =	vld [tilespmem:$0xA900];
	_ =	sdelay $0x4  }
0x1b: {  	v2 =	vadd.s32 s21, v2  }
0x1c: {  	v3 =	vadd.s32 $0x1, v2;
	_ =	sdelay $0x2  }
0x1d: {  	v4 =	vld [tilespmem:$0xAA10]  }
0x1e: {  	v2 =	vld.idx.msk [tilespmem:v2+s4+$0x0], $0xffff  }
0x1f: {  	v3 =	vld.idx.msk [tilespmem:v3+s4+$0x0], $0xffff;
	_ =	sdelay $0x2  }
0x20: {  	v5 =	vsub.f32 $1.000000000e+00, v4;
	_ =	sdelay $0x1  }
0x21: {  	v2 =	vmul.f32 v2, v5;
	v3 =	vmul.f32 v3, v4;
	_ =	sdelay $0x1  }
0x22: {  	v2 =	vadd.f32 v3, v2;
	_ =	sdelay $0x1  }
0x23: {  	[tilespmem:s20+$0xFFFFFF80] =	vst v2  }
0x24: {  	v2 =	vld [tilespmem:$0xA910];
	_ =	sdelay $0x4  }
0x25: {  	v2 =	vadd.s32 s21, v2  }
0x26: {  	v3 =	vadd.s32 $0x1, v2;
	_ =	sdelay $0x2  }
0x27: {  	v46 =	vld [tilespmem:$0xAA20]  }
0x28: {  	v2 =	vld.idx.msk [tilespmem:v2+s4+$0x0], $0xffff  }
0x29: {  	v3 =	vld.idx.msk [tilespmem:v3+s4+$0x0], $0xffff;
	_ =	sdelay $0x2  }
0x2a: {  	v47 =	vsub.f32 $1.000000000e+00, v46;
	_ =	sdelay $0x1  }
0x2b: {  	v2 =	vmul.f32 v2, v47;
	v3 =	vmul.f32 v3, v46;
	_ =	sdelay $0x1  }
0x2c: {  	v2 =	vadd.f32 v3, v2;
	_ =	sdelay $0x1  }
0x2d: {  	[tilespmem:s20+$0xFFFFFF90] =	vst v2  }
0x2e: {  	v2 =	vld [tilespmem:$0xA920];
	_ =	sdelay $0x4  }
0x2f: {  	v2 =	vadd.s32 s21, v2  }
0x30: {  	v3 =	vadd.s32 $0x1, v2;
	_ =	sdelay $0x2  }
0x31: {  	v48 =	vld [tilespmem:$0xAA30]  }
0x32: {  	v2 =	vld.idx.msk [tilespmem:v2+s4+$0x0], $0xffff  }
0x33: {  	v3 =	vld.idx.msk [tilespmem:v3+s4+$0x0], $0xffff;
	_ =	sdelay $0x2  }
0x34: {  	v49 =	vsub.f32 $1.000000000e+00, v48;
	_ =	sdelay $0x1  }
0x35: {  	v2 =	vmul.f32 v2, v49;
	v3 =	vmul.f32 v3, v48;
	_ =	sdelay $0x1  }
0x36: {  	v2 =	vadd.f32 v3, v2;
	_ =	sdelay $0x1  }
0x37: {  	[tilespmem:s20+$0xFFFFFFA0] =	vst v2  }
0x38: {  	v2 =	vld [tilespmem:$0xA930];
	_ =	sdelay $0x4  }
0x39: {  	v2 =	vadd.s32 s21, v2  }
0x3a: {  	v3 =	vadd.s32 $0x1, v2;
	_ =	sdelay $0x2  }
0x3b: {  	v50 =	vld [tilespmem:$0xAA40]  }
0x3c: {  	v2 =	vld.idx.msk [tilespmem:v2+s4+$0x0], $0xffff  }
0x3d: {  	v3 =	vld.idx.msk [tilespmem:v3+s4+$0x0], $0xffff;
	_ =	sdelay $0x2  }
0x3e: {  	v51 =	vsub.f32 $1.000000000e+00, v50;
	_ =	sdelay $0x1  }
0x3f: {  	v2 =	vmul.f32 v2, v51;
	v3 =	vmul.f32 v3, v50;
	_ =	sdelay $0x1  }
0x40: {  	v2 =	vadd.f32 v3, v2;
	_ =	sdelay $0x1  }
0x41: {  	[tilespmem:s20+$0xFFFFFFB0] =	vst v2  }
0x42: {  	v2 =	vld [tilespmem:$0xA940];
	_ =	sdelay $0x4  }
0x43: {  	v2 =	vadd.s32 s21, v2  }
0x44: {  	v3 =	vadd.s32 $0x1, v2;
	_ =	sdelay $0x2  }
0x45: {  	v52 =	vld [tilespmem:$0xAA50]  }
0x46: {  	v2 =	vld.idx.msk [tilespmem:v2+s4+$0x0], $0xffff  }
0x47: {  	v3 =	vld.idx.msk [tilespmem:v3+s4+$0x0], $0xffff;
	_ =	sdelay $0x2  }
0x48: {  	v53 =	vsub.f32 $1.000000000e+00, v52;
	_ =	sdelay $0x1  }
0x49: {  	v2 =	vmul.f32 v2, v53;
	v3 =	vmul.f32 v3, v52;
	_ =	sdelay $0x1  }
0x4a: {  	v2 =	vadd.f32 v3, v2;
	_ =	sdelay $0x1  }
0x4b: {  	[tilespmem:s20+$0xFFFFFFC0] =	vst v2  }
0x4c: {  	v2 =	vld [tilespmem:$0xA950];
	_ =	sdelay $0x4  }
0x4d: {  	v2 =	vadd.s32 s21, v2  }
0x4e: {  	v3 =	vadd.s32 $0x1, v2;
	_ =	sdelay $0x2  }
0x4f: {  	v54 =	vld [tilespmem:$0xAA60]  }
0x50: {  	v2 =	vld.idx.msk [tilespmem:v2+s4+$0x0], $0xffff  }
0x51: {  	v3 =	vld.idx.msk [tilespmem:v3+s4+$0x0], $0xffff;
	_ =	sdelay $0x2  }
0x52: {  	v55 =	vsub.f32 $1.000000000e+00, v54;
	_ =	sdelay $0x1  }
0x53: {  	v2 =	vmul.f32 v2, v55;
	v3 =	vmul.f32 v3, v54;
	_ =	sdelay $0x1  }
0x54: {  	v2 =	vadd.f32 v3, v2;
	_ =	sdelay $0x1  }
0x55: {  	[tilespmem:s20+$0xFFFFFFD0] =	vst v2  }
0x56: {  	v2 =	vld [tilespmem:$0xA960];
	_ =	sdelay $0x4  }
0x57: {  	v2 =	vadd.s32 s21, v2  }
0x58: {  	v3 =	vadd.s32 $0x1, v2;
	_ =	sdelay $0x2  }
0x59: {  	v56 =	vld [tilespmem:$0xAA70]  }
0x5a: {  	v2 =	vld.idx.msk [tilespmem:v2+s4+$0x0], $0xffff  }
0x5b: {  	v3 =	vld.idx.msk [tilespmem:v3+s4+$0x0], $0xffff;
	_ =	sdelay $0x2  }
0x5c: {  	v57 =	vsub.f32 $1.000000000e+00, v56;
	_ =	sdelay $0x1  }
0x5d: {  	v2 =	vmul.f32 v2, v57;
	v3 =	vmul.f32 v3, v56;
	_ =	sdelay $0x1  }
0x5e: {  	v2 =	vadd.f32 v3, v2;
	_ =	sdelay $0x1  }
0x5f: {  	[tilespmem:s20+$0xFFFFFFE0] =	vst v2  }
0x60: {  	v2 =	vld [tilespmem:$0xA970];
	_ =	sdelay $0x4  }
0x61: {  	v2 =	vadd.s32 s21, v2  }
0x62: {  	v3 =	vadd.s32 $0x1, v2;
	_ =	sdelay $0x2  }
0x63: {  	v58 =	vld [tilespmem:$0xAA80]  }
0x64: {  	v2 =	vld.idx.msk [tilespmem:v2+s4+$0x0], $0xffff  }
0x65: {  	v3 =	vld.idx.msk [tilespmem:v3+s4+$0x0], $0xffff;
	_ =	sdelay $0x2  }
0x66: {  	v59 =	vsub.f32 $1.000000000e+00, v58;
	_ =	sdelay $0x1  }
0x67: {  	v2 =	vmul.f32 v2, v59;
	v3 =	vmul.f32 v3, v58;
	_ =	sdelay $0x1  }
0x68: {  	v2 =	vadd.f32 v3, v2;
	_ =	sdelay $0x1  }
0x69: {  	[tilespmem:s20+$0xFFFFFFF0] =	vst v2  }
0x6a: {  	v2 =	vld [tilespmem:$0xA980];
	_ =	sdelay $0x4  }
0x6b: {  	v2 =	vadd.s32 s21, v2  }
0x6c: {  	v3 =	vadd.s32 $0x1, v2;
	_ =	sdelay $0x2  }
0x6d: {  	v60 =	vld [tilespmem:$0xAA90]  }
0x6e: {  	v2 =	vld.idx.msk [tilespmem:v2+s4+$0x0], $0xffff  }
0x6f: {  	v3 =	vld.idx.msk [tilespmem:v3+s4+$0x0], $0xffff;
	_ =	sdelay $0x2  }
0x70: {  	v61 =	vsub.f32 $1.000000000e+00, v60;
	_ =	sdelay $0x1  }
0x71: {  	v2 =	vmul.f32 v2, v61;
	v3 =	vmul.f32 v3, v60;
	_ =	sdelay $0x1  }
0x72: {  	v2 =	vadd.f32 v3, v2;
	_ =	sdelay $0x1  }
0x73: {  	[tilespmem:s20+$0x0] =	vst v2  }
0x74: {  	v2 =	vld [tilespmem:$0xA990];
	_ =	sdelay $0x4  }
0x75: {  	v2 =	vadd.s32 s21, v2  }
0x76: {  	v3 =	vadd.s32 $0x1, v2;
	_ =	sdelay $0x2  }
0x77: {  	v62 =	vld [tilespmem:$0xAAA0]  }
0x78: {  	v2 =	vld.idx.msk [tilespmem:v2+s4+$0x0], $0xffff  }
0x79: {  	v3 =	vld.idx.msk [tilespmem:v3+s4+$0x0], $0xffff;
	_ =	sdelay $0x2  }
0x7a: {  	v63 =	vsub.f32 $1.000000000e+00, v62;
	_ =	sdelay $0x1  }
0x7b: {  	v2 =	vmul.f32 v2, v63;
	v3 =	vmul.f32 v3, v62;
	_ =	sdelay $0x1  }
0x7c: {  	v2 =	vadd.f32 v3, v2;
	_ =	sdelay $0x1  }
0x7d: {  	[tilespmem:s20+$0x10] =	vst v2  }
0x7e: {  	v2 =	vld [tilespmem:$0xA9A0];
	_ =	sdelay $0x4  }
0x7f: {  	v2 =	vadd.s32 s21, v2  }
0x80: {  	v3 =	vadd.s32 $0x1, v2;
	_ =	sdelay $0x2  }
0x81: {  	v8 =	vld [tilespmem:$0xAAB0]  }
0x82: {  	v2 =	vld.idx.msk [tilespmem:v2+s4+$0x0], $0xffff  }
0x83: {  	v3 =	vld.idx.msk [tilespmem:v3+s4+$0x0], $0xffff;
	_ =	sdelay $0x2  }
0x84: {  	v9 =	vsub.f32 $1.000000000e+00, v8;
	_ =	sdelay $0x1  }
0x85: {  	v2 =	vmul.f32 v2, v9;
	v3 =	vmul.f32 v3, v8;
	_ =	sdelay $0x1  }
0x86: {  	v2 =	vadd.f32 v3, v2;
	_ =	sdelay $0x1  }
0x87: {  	[tilespmem:s20+$0x20] =	vst v2  }
0x88: {  	v2 =	vld [tilespmem:$0xA9B0];
	_ =	sdelay $0x4  }
0x89: {  	v2 =	vadd.s32 s21, v2  }
0x8a: {  	v3 =	vadd.s32 $0x1, v2;
	_ =	sdelay $0x2  }
0x8b: {  	v10 =	vld [tilespmem:$0xAAC0]  }
0x8c: {  	v2 =	vld.idx.msk [tilespmem:v2+s4+$0x0], $0xffff  }
0x8d: {  	v3 =	vld.idx.msk [tilespmem:v3+s4+$0x0], $0xffff;
	_ =	sdelay $0x2  }
0x8e: {  	v11 =	vsub.f32 $1.000000000e+00, v10;
	_ =	sdelay $0x1  }
0x8f: {  	v2 =	vmul.f32 v2, v11;
	v3 =	vmul.f32 v3, v10;
	_ =	sdelay $0x1  }
0x90: {  	v2 =	vadd.f32 v3, v2;
	_ =	sdelay $0x1  }
0x91: {  	[tilespmem:s20+$0x30] =	vst v2  }
0x92: {  	v2 =	vld [tilespmem:$0xA9C0];
	_ =	sdelay $0x4  }
0x93: {  	v2 =	vadd.s32 s21, v2  }
0x94: {  	v3 =	vadd.s32 $0x1, v2;
	_ =	sdelay $0x2  }
0x95: {  	v12 =	vld [tilespmem:$0xAAD0]  }
0x96: {  	v2 =	vld.idx.msk [tilespmem:v2+s4+$0x0], $0xffff  }
0x97: {  	v3 =	vld.idx.msk [tilespmem:v3+s4+$0x0], $0xffff;
	_ =	sdelay $0x2  }
0x98: {  	v13 =	vsub.f32 $1.000000000e+00, v12;
	_ =	sdelay $0x1  }
0x99: {  	v2 =	vmul.f32 v2, v13;
	v3 =	vmul.f32 v3, v12;
	_ =	sdelay $0x1  }
0x9a: {  	v2 =	vadd.f32 v3, v2;
	_ =	sdelay $0x1  }
0x9b: {  	[tilespmem:s20+$0x40] =	vst v2  }
0x9c: {  	v2 =	vld [tilespmem:$0xA9D0];
	_ =	sdelay $0x4  }
0x9d: {  	v2 =	vadd.s32 s21, v2  }
0x9e: {  	v3 =	vadd.s32 $0x1, v2;
	_ =	sdelay $0x2  }
0x9f: {  	v14 =	vld [tilespmem:$0xAAE0]  }
0xa0: {  	v2 =	vld.idx.msk [tilespmem:v2+s4+$0x0], $0xffff  }
0xa1: {  	v3 =	vld.idx.msk [tilespmem:v3+s4+$0x0], $0xffff;
	_ =	sdelay $0x2  }
0xa2: {  	v15 =	vsub.f32 $1.000000000e+00, v14;
	_ =	sdelay $0x1  }
0xa3: {  	v2 =	vmul.f32 v2, v15;
	v3 =	vmul.f32 v3, v14;
	_ =	sdelay $0x1  }
0xa4: {  	v2 =	vadd.f32 v3, v2;
	_ =	sdelay $0x1  }
0xa5: {  	[tilespmem:s20+$0x50] =	vst v2  }
0xa6: {  	v2 =	vld [tilespmem:$0xA9E0];
	_ =	sdelay $0x4  }
0xa7: {  	v2 =	vadd.s32 s21, v2  }
0xa8: {  	v3 =	vadd.s32 $0x1, v2;
	_ =	sdelay $0x2  }
0xa9: {  	v16 =	vld [tilespmem:$0xAAF0]  }
0xaa: {  	v2 =	vld.idx.msk [tilespmem:v2+s4+$0x0], $0xffff  }
0xab: {  	v3 =	vld.idx.msk [tilespmem:v3+s4+$0x0], $0xffff;
	_ =	sdelay $0x2  }
0xac: {  	v17 =	vsub.f32 $1.000000000e+00, v16;
	_ =	sdelay $0x1  }
0xad: {  	v2 =	vmul.f32 v2, v17;
	v3 =	vmul.f32 v3, v16;
	_ =	sdelay $0x1  }
0xae: {  	v2 =	vadd.f32 v3, v2;
	_ =	sdelay $0x1  }
0xaf: {  	[tilespmem:s20+$0x60] =	vst v2  }
0xb0: {  	v2 =	vld [tilespmem:$0xA9F0];
	_ =	sdelay $0x4  }
0xb1: {  	v2 =	vadd.s32 s21, v2  }
0xb2: {  	v3 =	vadd.s32 $0x1, v2;
	_ =	sdelay $0x2  }
0xb3: {  	v18 =	vld [tilespmem:$0xAB00]  }
0xb4: {  	v2 =	vld.idx.msk [tilespmem:v2+s4+$0x0], $0xffff  }
0xb5: {  	v3 =	vld.idx.msk [tilespmem:v3+s4+$0x0], $0xffff;
	_ =	sdelay $0x2  }
0xb6: {  	v19 =	vsub.f32 $1.000000000e+00, v18;
	_ =	sdelay $0x1  }
0xb7: {  	v2 =	vmul.f32 v2, v19;
	v3 =	vmul.f32 v3, v18;
	_ =	sdelay $0x1  }
0xb8: {  	v2 =	vadd.f32 v3, v2;
	_ =	sdelay $0x1  }
0xb9: {  	[tilespmem:s20+$0x70] =	vst v2  }
0xba: {  	v2 =	vld [tilespmem:$0xAA00];
	_ =	sdelay $0x4  }
0xbb: {  	v2 =	vadd.s32 s21, v2  }
0xbc: {  	v3 =	vadd.s32 $0x1, v2;
	_ =	sdelay $0x2  }
0xbd: {  	v20 =	vld [tilespmem:$0xAB10]  }
0xbe: {  	v2 =	vld.idx.msk [tilespmem:v2+s4+$0x0], $0xffff  }
0xbf: {  	v3 =	vld.idx.msk [tilespmem:v3+s4+$0x0], $0xffff;
	_ =	sdelay $0x2  }
0xc0: {  	v21 =	vsub.f32 $1.000000000e+00, v20;
	_ =	sdelay $0x1  }
0xc1: {  	v2 =	vmul.f32 v2, v21;
	v3 =	vmul.f32 v3, v20;
	_ =	sdelay $0x1  }
0xc2: {  	v2 =	vadd.f32 v3, v2;
	_ =	sdelay $0x1  }
0xc3: {  	[tilespmem:s20+$0x80] =	vst v2  }
0xc4: {  	v2 =	vld [tilespmem:$0xAB20];
	_ =	sdelay $0x4  }
0xc5: {  	v3 =	vtrunc.f32 v2  }
0xc6: {  	v3 =	vcvt.f32.s32 v3;
	_ =	sdelay $0x1  }
0xc7: {  	v22 =	vadd.s32 s21, v3  }
0xc8: {  	v23 =	vadd.s32 $0xFFFFFFFF, v22;
	_ =	sdelay $0x1  }
0xc9: {  	v6 =	vadd.s32 $0x1, v22;
	_ =	sdelay $0x1  }
0xca: {  	v4 =	vadd.s32 $0x2, v22;
	v7 =	vld.idx.msk [tilespmem:v22+s4+$0x0], $0xffff  }
0xcb: {  	v5 =	vld.idx.msk [tilespmem:v23+s4+$0x0], $0xffff;
	_ =	sdelay $0x1  }
0xcc: {  	v6 =	vld.idx.msk [tilespmem:v6+s4+$0x0], $0xffff;
	_ =	sdelay $0x1  }
0xcd: {  	v4 =	vld.idx.msk [tilespmem:v4+s4+$0x0], $0xffff  }
0xce: {  	v9 =	vmul.f32 $1.500000000e+00, v7;
	v8 =	vmul.f32 $-5.000000000e-01, v5;
	_ =	sdelay $0x1  }
0xcf: {  	v11 =	vmul.f32 $2.500000000e+00, v7;
	v10 =	vmul.f32 $1.500000000e+00, v6;
	v9 =	vadd.f32 v9, v8  }
0xd0: {  	v3 =	vcvt.s32.f32 v3;
	v24 =	vadd.f32 v6, v6  }
0xd1: {  	v4 =	vmul.f32 $5.000000000e-01, v4;
	v5 =	vsub.f32 v5, v11;
	v9 =	vsub.f32 v9, v10  }
0xd2: {  	v2 =	vsub.f32 v2, v3  }
0xd3: {  	v5 =	vadd.f32 v24, v5;
	v3 =	vadd.f32 v4, v9;
	_ =	sdelay $0x1  }
0xd4: {  	v4 =	vsub.f32 v5, v4;
	v3 =	vmul.f32 v3, v2;
	_ =	sdelay $0x1  }
0xd5: {  	v25 =	vmul.f32 $5.000000000e-01, v6;
	v3 =	vadd.f32 v3, v4;
	_ =	sdelay $0x1  }
0xd6: {  	v26 =	vadd.f32 v25, v8;
	v3 =	vmul.f32 v3, v2;
	_ =	sdelay $0x1  }
0xd7: {  	s22 =	sadd.s32 $0xFFFFFFD0, s19;
	v3 =	vadd.f32 v3, v26  }
0xd8: {  	v27 =	vadd.s32 s22, v1  }
0xd9: {  	v2 =	vmul.f32 v3, v2;
	_ =	sdelay $0x1  }
0xda: {  	v2 =	vadd.f32 v2, v7;
	_ =	sdelay $0x1  }
0xdb: {  	[tilespmem:v27+s13+$0x0] =	vst.idx.msk $0xffff, v2  }
0xdc: {  	v2 =	vld [tilespmem:$0xAB30];
	_ =	sdelay $0x4  }
0xdd: {  	v3 =	vtrunc.f32 v2  }
0xde: {  	v3 =	vcvt.f32.s32 v3;
	_ =	sdelay $0x1  }
0xdf: {  	v28 =	vadd.s32 s21, v3  }
0xe0: {  	v29 =	vadd.s32 $0xFFFFFFFF, v28;
	_ =	sdelay $0x1  }
0xe1: {  	v30 =	vadd.s32 $0x1, v28;
	_ =	sdelay $0x1  }
0xe2: {  	v4 =	vadd.s32 $0x2, v28;
	v31 =	vld.idx.msk [tilespmem:v28+s4+$0x0], $0xffff  }
0xe3: {  	v5 =	vld.idx.msk [tilespmem:v29+s4+$0x0], $0xffff;
	_ =	sdelay $0x1  }
0xe4: {  	v6 =	vld.idx.msk [tilespmem:v30+s4+$0x0], $0xffff;
	_ =	sdelay $0x1  }
0xe5: {  	v4 =	vld.idx.msk [tilespmem:v4+s4+$0x0], $0xffff  }
0xe6: {  	v33 =	vmul.f32 $1.500000000e+00, v31;
	v32 =	vmul.f32 $-5.000000000e-01, v5;
	_ =	sdelay $0x1  }
0xe7: {  	v35 =	vmul.f32 $2.500000000e+00, v31;
	v34 =	vmul.f32 $1.500000000e+00, v6;
	v9 =	vadd.f32 v33, v32  }
0xe8: {  	v3 =	vcvt.s32.f32 v3;
	v36 =	vadd.f32 v6, v6  }
0xe9: {  	v4 =	vmul.f32 $5.000000000e-01, v4;
	v5 =	vsub.f32 v5, v35;
	v9 =	vsub.f32 v9, v34  }
0xea: {  	v2 =	vsub.f32 v2, v3  }
0xeb: {  	v5 =	vadd.f32 v36, v5;
	v3 =	vadd.f32 v4, v9;
	_ =	sdelay $0x1  }
0xec: {  	v4 =	vsub.f32 v5, v4;
	v3 =	vmul.f32 v3, v2;
	_ =	sdelay $0x1  }
0xed: {  	v37 =	vmul.f32 $5.000000000e-01, v6;
	v3 =	vadd.f32 v3, v4;
	_ =	sdelay $0x1  }
0xee: {  	v38 =	vadd.f32 v37, v32;
	v3 =	vmul.f32 v3, v2;
	_ =	sdelay $0x1  }
0xef: {  	s30 =	sadd.s32 $0xFFFFFFE0, s19;
	v3 =	vadd.f32 v3, v38  }
0xf0: {  	v39 =	vadd.s32 s30, v1  }
0xf1: {  	v2 =	vmul.f32 v3, v2;
	_ =	sdelay $0x1  }
0xf2: {  	v2 =	vadd.f32 v2, v31;
	_ =	sdelay $0x1  }
0xf3: {  	[tilespmem:v39+s13+$0x0] =	vst.idx.msk $0xffff, v2  }
0xf4: {  	v2 =	vld [tilespmem:$0xAB40];
	_ =	sdelay $0x4  }
0xf5: {  	v3 =	vtrunc.f32 v2  }
0xf6: {  	v3 =	vcvt.f32.s32 v3;
	_ =	sdelay $0x1  }
0xf7: {  	v40 =	vadd.s32 s21, v3  }
0xf8: {  	v41 =	vadd.s32 $0xFFFFFFFF, v40;
	_ =	sdelay $0x1  }
0xf9: {  	v42 =	vadd.s32 $0x1, v40;
	_ =	sdelay $0x1  }
0xfa: {  	v4 =	vadd.s32 $0x2, v40;
	v43 =	vld.idx.msk [tilespmem:v40+s4+$0x0], $0xffff  }
0xfb: {  	v5 =	vld.idx.msk [tilespmem:v41+s4+$0x0], $0xffff;
	_ =	sdelay $0x1  }
0xfc: {  	v6 =	vld.idx.msk [tilespmem:v42+s4+$0x0], $0xffff;
	_ =	sdelay $0x1  }
0xfd: {  	v4 =	vld.idx.msk [tilespmem:v4+s4+$0x0], $0xffff  }
0xfe: {  	v45 =	vmul.f32 $1.500000000e+00, v43;
	v44 =	vmul.f32 $-5.000000000e-01, v5;
	_ =	sdelay $0x1  }
0xff: {  	v47 =	vmul.f32 $2.500000000e+00, v43;
	v46 =	vmul.f32 $1.500000000e+00, v6;
	v9 =	vadd.f32 v45, v44  }
0x100: {  	v3 =	vcvt.s32.f32 v3;
	v48 =	vadd.f32 v6, v6  }
0x101: {  	v4 =	vmul.f32 $5.000000000e-01, v4;
	v5 =	vsub.f32 v5, v47;
	v9 =	vsub.f32 v9, v46  }
0x102: {  	v2 =	vsub.f32 v2, v3  }
0x103: {  	v5 =	vadd.f32 v48, v5;
	v3 =	vadd.f32 v4, v9;
	_ =	sdelay $0x1  }
0x104: {  	v4 =	vsub.f32 v5, v4;
	v3 =	vmul.f32 v3, v2;
	_ =	sdelay $0x1  }
0x105: {  	v49 =	vmul.f32 $5.000000000e-01, v6;
	v3 =	vadd.f32 v3, v4;
	_ =	sdelay $0x1  }
0x106: {  	v50 =	vadd.f32 v49, v44;
	v3 =	vmul.f32 v3, v2;
	_ =	sdelay $0x1  }
0x107: {  	s31 =	sadd.s32 $0xFFFFFFF0, s19;
	v3 =	vadd.f32 v3, v50  }
0x108: {  	v51 =	vadd.s32 s31, v1  }
0x109: {  	v2 =	vmul.f32 v3, v2;
	_ =	sdelay $0x1  }
0x10a: {  	v2 =	vadd.f32 v2, v43;
	_ =	sdelay $0x1  }
0x10b: {  	[tilespmem:v51+s13+$0x0] =	vst.idx.msk $0xffff, v2  }
0x10c: {  	v2 =	vld [tilespmem:$0xAB50];
	_ =	sdelay $0x4  }
0x10d: {  	v3 =	vtrunc.f32 v2  }
0x10e: {  	v3 =	vcvt.f32.s32 v3;
	_ =	sdelay $0x1  }
0x10f: {  	v52 =	vadd.s32 s21, v3  }
0x110: {  	v53 =	vadd.s32 $0xFFFFFFFF, v52;
	_ =	sdelay $0x1  }
0x111: {  	v54 =	vadd.s32 $0x1, v52;
	_ =	sdelay $0x1  }
0x112: {  	v4 =	vadd.s32 $0x2, v52;
	v55 =	vld.idx.msk [tilespmem:v52+s4+$0x0], $0xffff  }
0x113: {  	v5 =	vld.idx.msk [tilespmem:v53+s4+$0x0], $0xffff;
	_ =	sdelay $0x1  }
0x114: {  	v6 =	vld.idx.msk [tilespmem:v54+s4+$0x0], $0xffff;
	_ =	sdelay $0x1  }
0x115: {  	v4 =	vld.idx.msk [tilespmem:v4+s4+$0x0], $0xffff  }
0x116: {  	v57 =	vmul.f32 $1.500000000e+00, v55;
	v56 =	vmul.f32 $-5.000000000e-01, v5;
	_ =	sdelay $0x1  }
0x117: {  	v59 =	vmul.f32 $2.500000000e+00, v55;
	v58 =	vmul.f32 $1.500000000e+00, v6;
	v9 =	vadd.f32 v57, v56  }
0x118: {  	v3 =	vcvt.s32.f32 v3;
	v60 =	vadd.f32 v6, v6  }
0x119: {  	v4 =	vmul.f32 $5.000000000e-01, v4;
	v5 =	vsub.f32 v5, v59;
	v9 =	vsub.f32 v9, v58  }
0x11a: {  	v2 =	vsub.f32 v2, v3  }
0x11b: {  	v5 =	vadd.f32 v60, v5;
	v3 =	vadd.f32 v4, v9;
	_ =	sdelay $0x1  }
0x11c: {  	v4 =	vsub.f32 v5, v4;
	v3 =	vmul.f32 v3, v2;
	_ =	sdelay $0x1  }
0x11d: {  	v61 =	vmul.f32 $5.000000000e-01, v6;
	v3 =	vadd.f32 v3, v4;
	_ =	sdelay $0x1  }
0x11e: {  	v62 =	vadd.f32 v61, v56;
	v3 =	vmul.f32 v3, v2;
	_ =	sdelay $0x1  }
0x11f: {  	v3 =	vadd.f32 v3, v62  }
0x120: {  	p0 =	sne.s32 s19, $0xF3A;
	v63 =	vadd.s32 s19, v1  }
.Ltmp0:
0x121: {  	v2 =	vmul.f32 v3, v2;
	(pc) =	sbr.rel @p0 .LBB2_2-.Ltmp0, $3  }
0x122: {  	_ = 	snop  }
0x123: {  	v2 =	vadd.f32 v2, v55;
	_ =	sdelay $0x1  }
0x124: {  	s19 =	sadd.s32 $0x200, s19;
	s20 =	sadd.s32 $0x200, s20;
	s21 =	sadd.s32 $0x801, s21;
	[tilespmem:v63+s13+$0x0] =	vst.idx.msk $0x1f, v2  }
0x125: {  	_ =	swait.ge [sflag:s14], $0x6868  }
0x126: {  	[sflag:s14] =	ssyncset.done $0x0  }
0x127: {  	[sflag:s14] =	ssyncadd.s32 $0xFFFF9798  }
0x128: {  	v2 =	vld [tilespmem:$0xAC30];
	_ =	sdelay $0x4  }
0x129: {  	v2 =	vadd.s32 v0, v2;
	_ =	sdelay $0x3  }
0x12a: {  	v3 =	vld [tilespmem:$0xAEA0]  }
0x12b: {  	v2 =	vld.idx.msk [tilespmem:v2+s11+$0x0], $0xffff;
	_ =	sdelay $0x4  }
0x12c: {  	v2 =	vadd.s32 v3, v2  }
0x12d: {  	v3 =	vld [tilespmem:$0xAC40];
	_ =	sdelay $0x3  }
0x12e: {  	v2 =	vld.idx.msk [tilespmem:v2+s10+$0x0], $0xffff  }
0x12f: {  	v3 =	vadd.s32 v0, v3;
	_ =	sdelay $0x3  }
0x130: {  	[tilespmem:$0xB180] =	vst v2;
	v2 =	vld [tilespmem:$0xAEB0]  }
0x131: {  	v3 =	vld.idx.msk [tilespmem:v3+s11+$0x0], $0xffff;
	_ =	sdelay $0x4  }
0x132: {  	v2 =	vadd.s32 v2, v3  }
0x133: {  	v3 =	vld [tilespmem:$0xAC50];
	_ =	sdelay $0x3  }
0x134: {  	v2 =	vld.idx.msk [tilespmem:v2+s10+$0x0], $0xffff  }
0x135: {  	v3 =	vadd.s32 v0, v3;
	_ =	sdelay $0x3  }
0x136: {  	[tilespmem:$0xB190] =	vst v2;
	v2 =	vld [tilespmem:$0xAEC0]  }
0x137: {  	v3 =	vld.idx.msk [tilespmem:v3+s11+$0x0], $0xffff;
	_ =	sdelay $0x4  }
0x138: {  	v2 =	vadd.s32 v2, v3  }
0x139: {  	v3 =	vld [tilespmem:$0xAC60];
	_ =	sdelay $0x3  }
0x13a: {  	v2 =	vld.idx.msk [tilespmem:v2+s10+$0x0], $0xffff  }
0x13b: {  	v3 =	vadd.s32 v0, v3;
	_ =	sdelay $0x3  }
0x13c: {  	[tilespmem:$0xB1A0] =	vst v2;
	v2 =	vld [tilespmem:$0xAED0]  }
0x13d: {  	v3 =	vld.idx.msk [tilespmem:v3+s11+$0x0], $0xffff;
	_ =	sdelay $0x4  }
0x13e: {  	v2 =	vadd.s32 v2, v3  }
0x13f: {  	v3 =	vld [tilespmem:$0xAC70];
	_ =	sdelay $0x3  }
0x140: {  	v2 =	vld.idx.msk [tilespmem:v2+s10+$0x0], $0xffff  }
0x141: {  	v3 =	vadd.s32 v0, v3;
	_ =	sdelay $0x3  }
0x142: {  	[tilespmem:$0xB1B0] =	vst v2;
	v2 =	vld [tilespmem:$0xAEE0]  }
0x143: {  	v3 =	vld.idx.msk [tilespmem:v3+s11+$0x0], $0xffff;
	_ =	sdelay $0x4  }
0x144: {  	v2 =	vadd.s32 v2, v3  }
0x145: {  	v3 =	vld [tilespmem:$0xAC80];
	_ =	sdelay $0x3  }
0x146: {  	v2 =	vld.idx.msk [tilespmem:v2+s10+$0x0], $0xffff  }
0x147: {  	v3 =	vadd.s32 v0, v3;
	_ =	sdelay $0x3  }
0x148: {  	[tilespmem:$0xB1C0] =	vst v2;
	v2 =	vld [tilespmem:$0xAEF0]  }
0x149: {  	v3 =	vld.idx.msk [tilespmem:v3+s11+$0x0], $0xffff;
	_ =	sdelay $0x4  }
0x14a: {  	v2 =	vadd.s32 v2, v3  }
0x14b: {  	v3 =	vld [tilespmem:$0xAC90];
	_ =	sdelay $0x3  }
0x14c: {  	v2 =	vld.idx.msk [tilespmem:v2+s10+$0x0], $0xffff  }
0x14d: {  	v3 =	vadd.s32 v0, v3;
	_ =	sdelay $0x3  }
0x14e: {  	[tilespmem:$0xB1D0] =	vst v2;
	v2 =	vld [tilespmem:$0xAF00]  }
0x14f: {  	v3 =	vld.idx.msk [tilespmem:v3+s11+$0x0], $0xffff;
	_ =	sdelay $0x4  }
0x150: {  	v2 =	vadd.s32 v2, v3  }
0x151: {  	v3 =	vld [tilespmem:$0xACA0];
	_ =	sdelay $0x3  }
0x152: {  	v2 =	vld.idx.msk [tilespmem:v2+s10+$0x0], $0xffff  }
0x153: {  	v3 =	vadd.s32 v0, v3;
	_ =	sdelay $0x3  }
0x154: {  	[tilespmem:$0xB1E0] =	vst v2;
	v2 =	vld [tilespmem:$0xAF10]  }
0x155: {  	v3 =	vld.idx.msk [tilespmem:v3+s11+$0x0], $0xffff;
	_ =	sdelay $0x4  }
0x156: {  	v2 =	vadd.s32 v2, v3  }
0x157: {  	v3 =	vld [tilespmem:$0xACB0];
	_ =	sdelay $0x3  }
0x158: {  	v2 =	vld.idx.msk [tilespmem:v2+s10+$0x0], $0xffff  }
0x159: {  	v3 =	vadd.s32 v0, v3;
	_ =	sdelay $0x3  }
0x15a: {  	[tilespmem:$0xB1F0] =	vst v2;
	v2 =	vld [tilespmem:$0xAF20]  }
0x15b: {  	v3 =	vld.idx.msk [tilespmem:v3+s11+$0x0], $0xffff;
	_ =	sdelay $0x4  }
0x15c: {  	v2 =	vadd.s32 v2, v3  }
0x15d: {  	v3 =	vld [tilespmem:$0xACC0];
	_ =	sdelay $0x3  }
0x15e: {  	v2 =	vld.idx.msk [tilespmem:v2+s10+$0x0], $0xffff  }
0x15f: {  	v3 =	vadd.s32 v0, v3;
	_ =	sdelay $0x3  }
0x160: {  	[tilespmem:$0xB200] =	vst v2;
	v2 =	vld [tilespmem:$0xAF30]  }
0x161: {  	v3 =	vld.idx.msk [tilespmem:v3+s11+$0x0], $0xffff;
	_ =	sdelay $0x4  }
0x162: {  	v2 =	vadd.s32 v2, v3  }
0x163: {  	v3 =	vld [tilespmem:$0xACD0];
	_ =	sdelay $0x3  }
0x164: {  	v2 =	vld.idx.msk [tilespmem:v2+s10+$0x0], $0xffff  }
0x165: {  	v3 =	vadd.s32 v0, v3;
	_ =	sdelay $0x3  }
0x166: {  	[tilespmem:$0xB210] =	vst v2;
	v2 =	vld [tilespmem:$0xAF40]  }
0x167: {  	v3 =	vld.idx.msk [tilespmem:v3+s11+$0x0], $0xffff;
	_ =	sdelay $0x4  }
0x168: {  	v2 =	vadd.s32 v2, v3  }
0x169: {  	v3 =	vld [tilespmem:$0xACE0];
	_ =	sdelay $0x3  }
0x16a: {  	v2 =	vld.idx.msk [tilespmem:v2+s10+$0x0], $0xffff  }
0x16b: {  	v3 =	vadd.s32 v0, v3;
	_ =	sdelay $0x3  }
0x16c: {  	[tilespmem:$0xB220] =	vst v2;
	v2 =	vld [tilespmem:$0xAF50]  }
0x16d: {  	v3 =	vld.idx.msk [tilespmem:v3+s11+$0x0], $0xffff;
	_ =	sdelay $0x4  }
0x16e: {  	v2 =	vadd.s32 v2, v3  }
0x16f: {  	v3 =	vld [tilespmem:$0xACF0];
	_ =	sdelay $0x3  }
0x170: {  	v2 =	vld.idx.msk [tilespmem:v2+s10+$0x0], $0xffff  }
0x171: {  	v3 =	vadd.s32 v0, v3;
	_ =	sdelay $0x3  }
0x172: {  	[tilespmem:$0xB230] =	vst v2;
	v2 =	vld [tilespmem:$0xAF60]  }
0x173: {  	v3 =	vld.idx.msk [tilespmem:v3+s11+$0x0], $0xffff;
	_ =	sdelay $0x4  }
0x174: {  	v2 =	vadd.s32 v2, v3  }
0x175: {  	v3 =	vld [tilespmem:$0xAD00];
	_ =	sdelay $0x3  }
0x176: {  	v2 =	vld.idx.msk [tilespmem:v2+s10+$0x0], $0xffff  }
0x177: {  	v3 =	vadd.s32 v0, v3;
	_ =	sdelay $0x3  }
0x178: {  	[tilespmem:$0xB240] =	vst v2;
	v2 =	vld [tilespmem:$0xAF70]  }
0x179: {  	v3 =	vld.idx.msk [tilespmem:v3+s11+$0x0], $0xffff;
	_ =	sdelay $0x4  }
0x17a: {  	v2 =	vadd.s32 v2, v3  }
0x17b: {  	v3 =	vld [tilespmem:$0xAD10];
	_ =	sdelay $0x3  }
0x17c: {  	v2 =	vld.idx.msk [tilespmem:v2+s10+$0x0], $0xffff  }
0x17d: {  	v3 =	vadd.s32 v0, v3;
	_ =	sdelay $0x3  }
0x17e: {  	[tilespmem:$0xB250] =	vst v2;
	v2 =	vld [tilespmem:$0xAF80]  }
0x17f: {  	v3 =	vld.idx.msk [tilespmem:v3+s11+$0x0], $0xffff;
	_ =	sdelay $0x4  }
0x180: {  	v2 =	vadd.s32 v2, v3  }
0x181: {  	v3 =	vld [tilespmem:$0xAD20];
	_ =	sdelay $0x3  }
0x182: {  	v2 =	vld.idx.msk [tilespmem:v2+s10+$0x0], $0xffff  }
0x183: {  	v3 =	vadd.s32 v0, v3;
	_ =	sdelay $0x3  }
0x184: {  	[tilespmem:$0xB260] =	vst v2;
	v2 =	vld [tilespmem:$0xAF90]  }
0x185: {  	v3 =	vld.idx.msk [tilespmem:v3+s11+$0x0], $0xffff;
	_ =	sdelay $0x4  }
0x186: {  	v2 =	vadd.s32 v2, v3  }
0x187: {  	v3 =	vld [tilespmem:$0xAD30];
	_ =	sdelay $0x3  }
0x188: {  	v2 =	vld.idx.msk [tilespmem:v2+s10+$0x0], $0xffff  }
0x189: {  	v3 =	vadd.s32 v0, v3;
	_ =	sdelay $0x3  }
0x18a: {  	[tilespmem:$0xB270] =	vst v2;
	v2 =	vld [tilespmem:$0xAFA0]  }
0x18b: {  	v3 =	vld.idx.msk [tilespmem:v3+s11+$0x0], $0xffff;
	_ =	sdelay $0x4  }
0x18c: {  	v2 =	vadd.s32 v2, v3  }
0x18d: {  	v3 =	vld [tilespmem:$0xAD40];
	_ =	sdelay $0x3  }
0x18e: {  	v2 =	vld.idx.msk [tilespmem:v2+s10+$0x0], $0xffff  }
0x18f: {  	v3 =	vadd.s32 v0, v3;
	_ =	sdelay $0x3  }
0x190: {  	[tilespmem:$0xB280] =	vst v2;
	v2 =	vld [tilespmem:$0xAFB0]  }
0x191: {  	v3 =	vld.idx.msk [tilespmem:v3+s11+$0x0], $0xffff;
	_ =	sdelay $0x4  }
0x192: {  	v2 =	vadd.s32 v2, v3  }
0x193: {  	v3 =	vld [tilespmem:$0xAD50];
	_ =	sdelay $0x3  }
0x194: {  	v2 =	vld.idx.msk [tilespmem:v2+s10+$0x0], $0xffff  }
0x195: {  	v3 =	vadd.s32 v0, v3;
	_ =	sdelay $0x3  }
0x196: {  	[tilespmem:$0xB290] =	vst v2;
	v2 =	vld [tilespmem:$0xAFC0]  }
0x197: {  	v3 =	vld.idx.msk [tilespmem:v3+s11+$0x0], $0xffff;
	_ =	sdelay $0x4  }
0x198: {  	v2 =	vadd.s32 v2, v3  }
0x199: {  	v3 =	vld [tilespmem:$0xAD60];
	_ =	sdelay $0x3  }
0x19a: {  	v2 =	vld.idx.msk [tilespmem:v2+s10+$0x0], $0xffff  }
0x19b: {  	v3 =	vadd.s32 v0, v3;
	_ =	sdelay $0x3  }
0x19c: {  	[tilespmem:$0xB2A0] =	vst v2;
	v2 =	vld [tilespmem:$0xAFD0]  }
0x19d: {  	v3 =	vld.idx.msk [tilespmem:v3+s11+$0x0], $0xffff;
	_ =	sdelay $0x4  }
0x19e: {  	v2 =	vadd.s32 v2, v3  }
0x19f: {  	v3 =	vld [tilespmem:$0xAD70];
	_ =	sdelay $0x3  }
0x1a0: {  	v2 =	vld.idx.msk [tilespmem:v2+s10+$0x0], $0xffff  }
0x1a1: {  	v3 =	vadd.s32 v0, v3;
	_ =	sdelay $0x3  }
0x1a2: {  	[tilespmem:$0xB2B0] =	vst v2;
	v2 =	vld [tilespmem:$0xAFE0]  }
0x1a3: {  	v3 =	vld.idx.msk [tilespmem:v3+s11+$0x0], $0xffff;
	_ =	sdelay $0x4  }
0x1a4: {  	v2 =	vadd.s32 v2, v3  }
0x1a5: {  	v3 =	vld [tilespmem:$0xAD80];
	_ =	sdelay $0x3  }
0x1a6: {  	v2 =	vld.idx.msk [tilespmem:v2+s10+$0x0], $0xffff  }
0x1a7: {  	v3 =	vadd.s32 v0, v3;
	_ =	sdelay $0x3  }
0x1a8: {  	[tilespmem:$0xB2C0] =	vst v2;
	v2 =	vld [tilespmem:$0xAFF0]  }
0x1a9: {  	v3 =	vld.idx.msk [tilespmem:v3+s11+$0x0], $0xffff;
	_ =	sdelay $0x4  }
0x1aa: {  	v2 =	vadd.s32 v2, v3  }
0x1ab: {  	v3 =	vld [tilespmem:$0xAD90];
	_ =	sdelay $0x3  }
0x1ac: {  	v2 =	vld.idx.msk [tilespmem:v2+s10+$0x0], $0xffff  }
0x1ad: {  	v3 =	vadd.s32 v0, v3;
	_ =	sdelay $0x3  }
0x1ae: {  	[tilespmem:$0xB2D0] =	vst v2;
	v2 =	vld [tilespmem:$0xB000]  }
0x1af: {  	v3 =	vld.idx.msk [tilespmem:v3+s11+$0x0], $0xffff;
	_ =	sdelay $0x4  }
0x1b0: {  	v2 =	vadd.s32 v2, v3  }
0x1b1: {  	v3 =	vld [tilespmem:$0xADA0];
	_ =	sdelay $0x3  }
0x1b2: {  	v2 =	vld.idx.msk [tilespmem:v2+s10+$0x0], $0xffff  }
0x1b3: {  	v3 =	vadd.s32 v0, v3;
	_ =	sdelay $0x3  }
0x1b4: {  	[tilespmem:$0xB2E0] =	vst v2;
	v2 =	vld [tilespmem:$0xB010]  }
0x1b5: {  	v3 =	vld.idx.msk [tilespmem:v3+s11+$0x0], $0xffff;
	_ =	sdelay $0x4  }
0x1b6: {  	v2 =	vadd.s32 v2, v3  }
0x1b7: {  	v3 =	vld [tilespmem:$0xADB0];
	_ =	sdelay $0x3  }
0x1b8: {  	v2 =	vld.idx.msk [tilespmem:v2+s10+$0x0], $0xffff  }
0x1b9: {  	v3 =	vadd.s32 v0, v3;
	_ =	sdelay $0x3  }
0x1ba: {  	[tilespmem:$0xB2F0] =	vst v2;
	v2 =	vld [tilespmem:$0xB020]  }
0x1bb: {  	v3 =	vld.idx.msk [tilespmem:v3+s11+$0x0], $0xffff;
	_ =	sdelay $0x4  }
0x1bc: {  	v2 =	vadd.s32 v2, v3  }
0x1bd: {  	v3 =	vld [tilespmem:$0xADC0];
	_ =	sdelay $0x3  }
0x1be: {  	v2 =	vld.idx.msk [tilespmem:v2+s10+$0x0], $0xffff  }
0x1bf: {  	v3 =	vadd.s32 v0, v3;
	_ =	sdelay $0x3  }
0x1c0: {  	[tilespmem:$0xB300] =	vst v2;
	v2 =	vld [tilespmem:$0xB030]  }
0x1c1: {  	v3 =	vld.idx.msk [tilespmem:v3+s11+$0x0], $0xffff;
	_ =	sdelay $0x4  }
0x1c2: {  	v2 =	vadd.s32 v2, v3  }
0x1c3: {  	v3 =	vld [tilespmem:$0xADD0];
	_ =	sdelay $0x3  }
0x1c4: {  	v2 =	vld.idx.msk [tilespmem:v2+s10+$0x0], $0xffff  }
0x1c5: {  	v3 =	vadd.s32 v0, v3;
	_ =	sdelay $0x3  }
0x1c6: {  	[tilespmem:$0xB310] =	vst v2;
	v2 =	vld [tilespmem:$0xB040]  }
0x1c7: {  	v3 =	vld.idx.msk [tilespmem:v3+s11+$0x0], $0xffff;
	_ =	sdelay $0x4  }
0x1c8: {  	v2 =	vadd.s32 v2, v3  }
0x1c9: {  	v3 =	vld [tilespmem:$0xADE0];
	_ =	sdelay $0x3  }
0x1ca: {  	v2 =	vld.idx.msk [tilespmem:v2+s10+$0x0], $0xffff  }
0x1cb: {  	v3 =	vadd.s32 v0, v3;
	_ =	sdelay $0x3  }
0x1cc: {  	[tilespmem:$0xB320] =	vst v2;
	v2 =	vld [tilespmem:$0xB050]  }
0x1cd: {  	v3 =	vld.idx.msk [tilespmem:v3+s11+$0x0], $0xffff;
	_ =	sdelay $0x4  }
0x1ce: {  	v2 =	vadd.s32 v2, v3  }
0x1cf: {  	v3 =	vld [tilespmem:$0xADF0];
	_ =	sdelay $0x3  }
0x1d0: {  	v2 =	vld.idx.msk [tilespmem:v2+s10+$0x0], $0xffff  }
0x1d1: {  	v3 =	vadd.s32 v0, v3;
	_ =	sdelay $0x3  }
0x1d2: {  	[tilespmem:$0xB330] =	vst v2;
	v2 =	vld [tilespmem:$0xB060]  }
0x1d3: {  	v3 =	vld.idx.msk [tilespmem:v3+s11+$0x0], $0xffff;
	_ =	sdelay $0x4  }
0x1d4: {  	v2 =	vadd.s32 v2, v3  }
0x1d5: {  	v3 =	vld [tilespmem:$0xAE00];
	_ =	sdelay $0x3  }
0x1d6: {  	v2 =	vld.idx.msk [tilespmem:v2+s10+$0x0], $0xffff  }
0x1d7: {  	v3 =	vadd.s32 v0, v3;
	_ =	sdelay $0x3  }
0x1d8: {  	[tilespmem:$0xB340] =	vst v2;
	v2 =	vld [tilespmem:$0xB070]  }
0x1d9: {  	v3 =	vld.idx.msk [tilespmem:v3+s11+$0x0], $0xffff;
	_ =	sdelay $0x4  }
0x1da: {  	v2 =	vadd.s32 v2, v3  }
0x1db: {  	v3 =	vld [tilespmem:$0xAE10];
	_ =	sdelay $0x3  }
0x1dc: {  	v2 =	vld.idx.msk [tilespmem:v2+s10+$0x0], $0xffff  }
0x1dd: {  	v3 =	vadd.s32 v0, v3;
	_ =	sdelay $0x3  }
0x1de: {  	[tilespmem:$0xB350] =	vst v2;
	v2 =	vld [tilespmem:$0xB080]  }
0x1df: {  	v3 =	vld.idx.msk [tilespmem:v3+s11+$0x0], $0xffff;
	_ =	sdelay $0x4  }
0x1e0: {  	v2 =	vadd.s32 v2, v3  }
0x1e1: {  	v3 =	vld [tilespmem:$0xAE20];
	_ =	sdelay $0x3  }
0x1e2: {  	v2 =	vld.idx.msk [tilespmem:v2+s10+$0x0], $0xffff  }
0x1e3: {  	v3 =	vadd.s32 v0, v3;
	_ =	sdelay $0x3  }
0x1e4: {  	[tilespmem:$0xB360] =	vst v2;
	v2 =	vld [tilespmem:$0xB090]  }
0x1e5: {  	v3 =	vld.idx.msk [tilespmem:v3+s11+$0x0], $0xffff;
	_ =	sdelay $0x4  }
0x1e6: {  	v2 =	vadd.s32 v2, v3  }
0x1e7: {  	v3 =	vld [tilespmem:$0xAE30];
	_ =	sdelay $0x3  }
0x1e8: {  	v2 =	vld.idx.msk [tilespmem:v2+s10+$0x0], $0xffff  }
0x1e9: {  	v3 =	vadd.s32 v0, v3;
	_ =	sdelay $0x3  }
0x1ea: {  	[tilespmem:$0xB370] =	vst v2;
	v2 =	vld [tilespmem:$0xB0A0]  }
0x1eb: {  	v3 =	vld.idx.msk [tilespmem:v3+s11+$0x0], $0xffff;
	_ =	sdelay $0x4  }
0x1ec: {  	v2 =	vadd.s32 v2, v3  }
0x1ed: {  	v3 =	vld [tilespmem:$0xAE40];
	_ =	sdelay $0x3  }
0x1ee: {  	v2 =	vld.idx.msk [tilespmem:v2+s10+$0x0], $0xffff  }
0x1ef: {  	v3 =	vadd.s32 v0, v3;
	_ =	sdelay $0x3  }
0x1f0: {  	[tilespmem:$0xB380] =	vst v2;
	v2 =	vld [tilespmem:$0xB0B0]  }
0x1f1: {  	v3 =	vld.idx.msk [tilespmem:v3+s11+$0x0], $0xffff;
	_ =	sdelay $0x4  }
0x1f2: {  	v2 =	vadd.s32 v2, v3  }
0x1f3: {  	v3 =	vld [tilespmem:$0xAE50];
	_ =	sdelay $0x3  }
0x1f4: {  	v2 =	vld.idx.msk [tilespmem:v2+s10+$0x0], $0xffff  }
0x1f5: {  	v3 =	vadd.s32 v0, v3;
	_ =	sdelay $0x3  }
0x1f6: {  	[tilespmem:$0xB390] =	vst v2;
	v2 =	vld [tilespmem:$0xB0C0]  }
0x1f7: {  	v3 =	vld.idx.msk [tilespmem:v3+s11+$0x0], $0xffff;
	_ =	sdelay $0x4  }
0x1f8: {  	v2 =	vadd.s32 v2, v3  }
0x1f9: {  	v3 =	vld [tilespmem:$0xAE60];
	_ =	sdelay $0x3  }
0x1fa: {  	v2 =	vld.idx.msk [tilespmem:v2+s10+$0x0], $0xffff  }
0x1fb: {  	v3 =	vadd.s32 v0, v3;
	_ =	sdelay $0x3  }
0x1fc: {  	[tilespmem:$0xB3A0] =	vst v2;
	v2 =	vld [tilespmem:$0xB0D0]  }
0x1fd: {  	v3 =	vld.idx.msk [tilespmem:v3+s11+$0x0], $0xffff;
	_ =	sdelay $0x4  }
0x1fe: {  	v2 =	vadd.s32 v2, v3  }
0x1ff: {  	v3 =	vld [tilespmem:$0xAE70];
	_ =	sdelay $0x3  }
0x200: {  	v2 =	vld.idx.msk [tilespmem:v2+s10+$0x0], $0xffff  }
0x201: {  	v3 =	vadd.s32 v0, v3;
	_ =	sdelay $0x3  }
0x202: {  	[tilespmem:$0xB3B0] =	vst v2;
	v2 =	vld [tilespmem:$0xB0E0]  }
0x203: {  	v3 =	vld.idx.msk [tilespmem:v3+s11+$0x0], $0xffff;
	_ =	sdelay $0x4  }
0x204: {  	v2 =	vadd.s32 v2, v3  }
0x205: {  	v3 =	vld [tilespmem:$0xAE80];
	_ =	sdelay $0x3  }
0x206: {  	v2 =	vld.idx.msk [tilespmem:v2+s10+$0x0], $0xffff  }
0x207: {  	v3 =	vadd.s32 v0, v3;
	_ =	sdelay $0x3  }
0x208: {  	[tilespmem:$0xB3C0] =	vst v2;
	v2 =	vld [tilespmem:$0xB0F0]  }
0x209: {  	v3 =	vld.idx.msk [tilespmem:v3+s11+$0x0], $0xffff;
	_ =	sdelay $0x4  }
0x20a: {  	v2 =	vadd.s32 v2, v3  }
0x20b: {  	v3 =	vld [tilespmem:$0xAE90];
	_ =	sdelay $0x3  }
0x20c: {  	v2 =	vld.idx.msk [tilespmem:v2+s10+$0x0], $0xffff  }
0x20d: {  	v3 =	vadd.s32 v0, v3;
	_ =	sdelay $0x3  }
0x20e: {  	[tilespmem:$0xB3D0] =	vst v2;
	v2 =	vld [tilespmem:$0xB100]  }
0x20f: {  	v3 =	vld.idx.msk [tilespmem:v3+s11+$0x0], $0xffff;
	_ =	sdelay $0x4  }
0x210: {  	v2 =	vadd.s32 v2, v3;
	_ =	sdelay $0x4  }
0x211: {  	v2 =	vld.idx.msk [tilespmem:v2+s10+$0x0], $0xffff;
	_ =	sdelay $0x4  }
0x212: {  	[tilespmem:$0xB3E0] =	vst v2  }
0x213: {  	[spmem:s7] =	stream.linear.scatter [tilespmem:s15], [sflag:$0x3], $0x270, $0x38;
	[tilespmem:$0xED70] =	vst v63  }
0x214: {  	_ =	swait.ge [sflag:s16], $0x270  }
0x215: {  	[sflag:s16] =	ssyncset.done $0x0  }
0x216: {  	[sflag:s16] =	ssyncadd.s32 $0xFFFFFD90  }
0x217: {  	[bflag:$0x0] =	sbarrier.arrive $0xFFFF  }
0x218: {  	[tilespmem:s17], [sflag:$0x3] =	stream.linear.gather [spmem:s3], $0x2700, $0x38;
	[tilespmem:$0xED70] =	vst v63  }
0x219: {  	_ =	swait.ge [sflag:s16], $0x2700  }
0x21a: {  	[sflag:s16] =	ssyncset.done $0x0  }
0x21b: {  	s19 =	simm.s32 $0x0;
	s20 =	simm.s32 $0x0;
	[sflag:s16] =	ssyncadd.s32 $0xFFFFD900  }
.LBB2_4:
0x21c: {  	v2 =	vld [tilespmem:$0xAB60];
	_ =	sdelay $0x2  }
0x21d: {  	s22 =	smul.u32 $0x801, s20;
	_ =	sdelay $0x1  }
0x21e: {  	v3 =	vadd.s32 s22, v2;
	v2 =	vmul.u32 $0x30, v1;
	_ =	sdelay $0x1  }
0x21f: {  	v4 =	vadd.s32 $0x1, v3  }
0x220: {  	v6 =	vadd.s32 $0x2, v3  }
0x221: {  	v10 =	vadd.s32 $0x3, v3  }
0x222: {  	v5 =	vor.u32 $0x1, v2;
	v7 =	vld.idx.msk [tilespmem:v3+s19+$0x0], $0xffff  }
0x223: {  	v8 =	vor.u32 $0x2, v2;
	v9 =	vld.idx.msk [tilespmem:v2+s17+$0x0], $0xffff  }
0x224: {  	v11 =	vor.u32 $0x3, v2;
	v4 =	vld.idx.msk [tilespmem:v4+s19+$0x0], $0xffff  }
0x225: {  	v12 =	vor.u32 $0x4, v2;
	v6 =	vld.idx.msk [tilespmem:v6+s19+$0x0], $0xffff  }
0x226: {  	v3 =	vadd.s32 $0x4, v3;
	v10 =	vld.idx.msk [tilespmem:v10+s19+$0x0], $0xffff  }
0x227: {  	v5 =	vld.idx.msk [tilespmem:v5+s17+$0x0], $0xffff  }
0x228: {  	v8 =	vld.idx.msk [tilespmem:v8+s17+$0x0], $0xffff  }
0x229: {  	v11 =	vld.idx.msk [tilespmem:v11+s17+$0x0], $0xffff  }
0x22a: {  	v12 =	vld.idx.msk [tilespmem:v12+s17+$0x0], $0xffff  }
0x22b: {  	v3 =	vld.idx.msk [tilespmem:v3+s19+$0x0], $0xffff;
	_ =	sdelay $0x1  }
0x22c: {  	s21 =	sshll.u32 s20, $0x9  }
0x22d: {  	s23 =	sor.u32 $0x13F, s21;
	v7 =	vadd.f32 v9, v7  }
0x22e: {  	v4 =	vadd.f32 v5, v4;
	v5 =	vadd.f32 v8, v6;
	v6 =	vadd.s32 s23, v1  }
0x22f: {  	v8 =	vadd.f32 v11, v10;
	v3 =	vadd.f32 v12, v3  }
0x230: {  	v4 =	vmax.f32 v7, v4  }
0x231: {  	v4 =	vmax.f32 v4, v8;
	v3 =	vmax.f32 v5, v3  }
0x232: {  	v3 =	vmax.f32 v4, v3  }
0x233: {  	v52 =	vadd.s32 $0x302, v2;
	[tilespmem:v6+s13+$0x0] =	vst.idx.msk $0xffff, v3  }
0x234: {  	v54 =	vadd.s32 $0x303, v2;
	v3 =	vld [tilespmem:$0xAB70]  }
0x235: {  	v13 =	vadd.s32 $0x304, v2  }
0x236: {  	v14 =	vadd.s32 $0x305, v2  }
0x237: {  	v4 =	vadd.s32 $0x300, v2  }
0x238: {  	v6 =	vadd.s32 $0x301, v2;
	v9 =	vld.idx.msk [tilespmem:v52+s17+$0x0], $0xffff  }
0x239: {  	v11 =	vld.idx.msk [tilespmem:v54+s17+$0x0], $0xffff;
	v3 =	vadd.s32 s22, v3  }
0x23a: {  	v13 =	vld.idx.msk [tilespmem:v13+s17+$0x0], $0xffff;
	v5 =	vadd.s32 $0x1, v3  }
0x23b: {  	v14 =	vld.idx.msk [tilespmem:v14+s17+$0x0], $0xffff;
	v7 =	vadd.s32 $0x2, v3  }
0x23c: {  	v4 =	vld.idx.msk [tilespmem:v4+s17+$0x0], $0xffff;
	v53 =	vadd.s32 $0x3, v3  }
0x23d: {  	v6 =	vld.idx.msk [tilespmem:v6+s17+$0x0], $0xffff;
	v55 =	vadd.s32 $0x4, v3  }
0x23e: {  	v8 =	vld.idx.msk [tilespmem:v3+s19+$0x0], $0xffff;
	v3 =	vadd.s32 $0x5, v3  }
0x23f: {  	v5 =	vld.idx.msk [tilespmem:v5+s19+$0x0], $0xffff  }
0x240: {  	v7 =	vld.idx.msk [tilespmem:v7+s19+$0x0], $0xffff  }
0x241: {  	v10 =	vld.idx.msk [tilespmem:v53+s19+$0x0], $0xffff  }
0x242: {  	v12 =	vld.idx.msk [tilespmem:v55+s19+$0x0], $0xffff  }
0x243: {  	v3 =	vld.idx.msk [tilespmem:v3+s19+$0x0], $0xffff;
	_ =	sdelay $0x2  }
0x244: {  	s30 =	sor.u32 $0x14F, s21;
	v4 =	vadd.f32 v4, v8;
	v5 =	vadd.f32 v6, v5  }
0x245: {  	v8 =	vadd.s32 s30, v1;
	v6 =	vadd.f32 v9, v7;
	v7 =	vadd.f32 v13, v12  }
0x246: {  	v56 =	vadd.f32 v11, v10;
	v3 =	vadd.f32 v14, v3  }
0x247: {  	v4 =	vmax.f32 v4, v5;
	v5 =	vmax.f32 v6, v7  }
0x248: {  	v6 =	vadd.s32 $0x601, v2;
	v4 =	vmax.f32 v4, v56;
	v3 =	vmax.f32 v5, v3  }
0x249: {  	v57 =	vadd.s32 $0x602, v2;
	v3 =	vmax.f32 v4, v3  }
0x24a: {  	v59 =	vadd.s32 $0x603, v2;
	[tilespmem:v8+s13+$0x0] =	vst.idx.msk $0xffff, v3  }
0x24b: {  	v61 =	vadd.s32 $0x604, v2;
	v3 =	vld [tilespmem:$0xAB80]  }
0x24c: {  	v15 =	vadd.s32 $0x605, v2  }
0x24d: {  	v17 =	vadd.s32 $0x606, v2;
	v6 =	vld.idx.msk [tilespmem:v6+s17+$0x0], $0xffff  }
0x24e: {  	v18 =	vadd.s32 $0x607, v2;
	v9 =	vld.idx.msk [tilespmem:v57+s17+$0x0], $0xffff  }
0x24f: {  	v4 =	vadd.s32 $0x600, v2;
	v11 =	vld.idx.msk [tilespmem:v59+s17+$0x0], $0xffff  }
0x250: {  	v13 =	vld.idx.msk [tilespmem:v61+s17+$0x0], $0xffff;
	v3 =	vadd.s32 s22, v3  }
0x251: {  	v15 =	vld.idx.msk [tilespmem:v15+s17+$0x0], $0xffff;
	v5 =	vadd.s32 $0x1, v3  }
0x252: {  	v17 =	vld.idx.msk [tilespmem:v17+s17+$0x0], $0xffff;
	v7 =	vadd.s32 $0x2, v3  }
0x253: {  	v18 =	vld.idx.msk [tilespmem:v18+s17+$0x0], $0xffff;
	v58 =	vadd.s32 $0x3, v3  }
0x254: {  	v4 =	vld.idx.msk [tilespmem:v4+s17+$0x0], $0xffff;
	v60 =	vadd.s32 $0x4, v3  }
0x255: {  	v62 =	vadd.s32 $0x5, v3;
	v8 =	vld.idx.msk [tilespmem:v3+s19+$0x0], $0xffff  }
0x256: {  	v16 =	vadd.s32 $0x6, v3;
	v5 =	vld.idx.msk [tilespmem:v5+s19+$0x0], $0xffff  }
0x257: {  	v3 =	vadd.s32 $0x7, v3;
	v7 =	vld.idx.msk [tilespmem:v7+s19+$0x0], $0xffff  }
0x258: {  	v10 =	vld.idx.msk [tilespmem:v58+s19+$0x0], $0xffff  }
0x259: {  	v12 =	vld.idx.msk [tilespmem:v60+s19+$0x0], $0xffff  }
0x25a: {  	v14 =	vld.idx.msk [tilespmem:v62+s19+$0x0], $0xffff  }
0x25b: {  	v16 =	vld.idx.msk [tilespmem:v16+s19+$0x0], $0xffff  }
0x25c: {  	v3 =	vld.idx.msk [tilespmem:v3+s19+$0x0], $0xffff  }
0x25d: {  	v4 =	vadd.f32 v4, v8;
	v5 =	vadd.f32 v6, v5;
	_ =	sdelay $0x1  }
0x25e: {  	s31 =	sor.u32 $0x15F, s21;
	v6 =	vadd.f32 v13, v12;
	v4 =	vmax.f32 v4, v5;
	v5 =	vadd.f32 v9, v7  }
0x25f: {  	v63 =	vadd.s32 s31, v1;
	v8 =	vadd.f32 v15, v14;
	v7 =	vadd.f32 v11, v10  }
0x260: {  	v5 =	vmax.f32 v5, v6;
	v6 =	vadd.f32 v17, v16;
	v3 =	vadd.f32 v18, v3  }
0x261: {  	v4 =	vmax.f32 v4, v7;
	v5 =	vmax.f32 v5, v8  }
0x262: {  	v4 =	vmax.f32 v4, v6;
	v3 =	vmax.f32 v5, v3  }
0x263: {  	v3 =	vmax.f32 v4, v3  }
0x264: {  	[tilespmem:v63+s13+$0x0] =	vst.idx.msk $0xffff, v3  }
0x265: {  	v3 =	vld [tilespmem:$0xAB90];
	_ =	sdelay $0x3  }
0x266: {  	v5 =	vadd.s32 $0x900, v2  }
0x267: {  	v4 =	vadd.s32 s22, v3;
	_ =	sdelay $0x3  }
0x268: {  	v7 =	vld.idx.msk [tilespmem:v5+s17+$0x0], $0xffff  }
0x269: {  	v6 =	vld.idx.msk [tilespmem:v4+s19+$0x0], $0xffff;
	_ =	sdelay $0x4  }
0x26a: {  	p0 =	por $0x1, $0x1;
	v3 =	vmov s22;
	s22 =	simm.s32 $0x0;
	v6 =	vadd.f32 v7, v6;
	v7 =	vimm.f32 $-Inf  }
.LBB2_5:
0x26b: {  	s23 =	sor.u32 $0x1, s22  }
0x26c: {  	v8 =	vadd.s32 s23, v4  }
0x26d: {  	s29 =	sor.u32 $0x2, s22;
	v9 =	vor.u32 s23, v5  }
0x26e: {  	v10 =	vadd.s32 s29, v4  }
0x26f: {  	s30 =	sor.u32 $0x3, s22;
	v11 =	vor.u32 s29, v5  }
0x270: {  	v12 =	vadd.s32 s30, v4  }
0x271: {  	s31 =	sadd.s32 $0x4, s22;
	v13 =	vor.u32 s30, v5;
	v8 =	vld.idx.msk [tilespmem:v8+s4+$0x0], $0xffff  }
0x272: {  	v14 =	vadd.s32 s31, v4;
	v9 =	vld.idx.msk [tilespmem:v9+s17+$0x0], $0xffff  }
0x273: {  	v15 =	vor.u32 s31, v5;
	v10 =	vld.idx.msk [tilespmem:v10+s4+$0x0], $0xffff  }
0x274: {  	v11 =	vld.idx.msk [tilespmem:v11+s17+$0x0], $0xffff  }
0x275: {  	v12 =	vld.idx.msk [tilespmem:v12+s4+$0x0], $0xffff  }
0x276: {  	v13 =	vld.idx.msk [tilespmem:v13+s17+$0x0], $0xffff  }
0x277: {  	v14 =	vld.idx.msk [tilespmem:v14+s4+$0x0], $0xffff  }
0x278: {  	v15 =	vld.idx.msk [tilespmem:v15+s17+$0x0], $0xffff;
	_ =	sdelay $0x1  }
0x279: {  	p1 =	por p0, p0  }
.Ltmp1:
0x27a: {  	_ = 	snop;
	(pc) =	sbr.rel @p1 .LBB2_5-.Ltmp1, $4  }
0x27b: {  	v8 =	vadd.f32 v9, v8;
	v61 =	vadd.f32 v11, v10  }
0x27c: {  	v62 =	vadd.f32 v13, v12;
	v63 =	vadd.f32 v15, v14  }
0x27d: {  	v6 =	vmax.f32 v6, v8;
	v7 =	vmax.f32 v7, v61  }
0x27e: {  	s22 =	simm.s32 $0x4;
	p0 =	por $0x0, $0x0;
	v6 =	vmax.f32 v6, v62;
	v7 =	vmax.f32 v7, v63  }
0x27f: {  	s22 =	sor.u32 $0x16F, s21  }
0x280: {  	v4 =	vadd.s32 s22, v1;
	_ =	sdelay $0x3  }
0x281: {  	v5 =	vmax.f32 v6, v7  }
0x282: {  	[tilespmem:v4+s13+$0x0] =	vst.idx.msk $0xffff, v5  }
0x283: {  	v4 =	vld [tilespmem:$0xABA0];
	_ =	sdelay $0x3  }
0x284: {  	v7 =	vor.u32 $0xC00, v2  }
0x285: {  	v5 =	vadd.s32 v3, v4;
	_ =	sdelay $0x3  }
0x286: {  	s22 =	simm.s32 $0x0;
	v6 =	vld.idx.msk [tilespmem:v7+s17+$0x0], $0xffff  }
0x287: {  	v4 =	vld.idx.msk [tilespmem:v5+s22+$0x0], $0xffff;
	_ =	sdelay $0x4  }
0x288: {  	p0 =	por $0x1, $0x1;
	v4 =	vadd.f32 v6, v4;
	v6 =	vimm.f32 $-Inf  }
.LBB2_7:
0x289: {  	s23 =	sor.u32 $0x1, s22  }
0x28a: {  	v8 =	vadd.s32 s23, v5  }
0x28b: {  	s29 =	sor.u32 $0x2, s22;
	v9 =	vor.u32 s23, v7  }
0x28c: {  	v10 =	vadd.s32 s29, v5  }
0x28d: {  	s30 =	sor.u32 $0x3, s22;
	v11 =	vor.u32 s29, v7  }
0x28e: {  	v12 =	vadd.s32 s30, v5  }
0x28f: {  	s31 =	sadd.s32 $0x4, s22;
	v13 =	vor.u32 s30, v7;
	v8 =	vld.idx.msk [tilespmem:v8+s4+$0x0], $0xffff  }
0x290: {  	v14 =	vadd.s32 s31, v5;
	v9 =	vld.idx.msk [tilespmem:v9+s17+$0x0], $0xffff  }
0x291: {  	v15 =	vor.u32 s31, v7;
	v10 =	vld.idx.msk [tilespmem:v10+s4+$0x0], $0xffff  }
0x292: {  	v11 =	vld.idx.msk [tilespmem:v11+s17+$0x0], $0xffff  }
0x293: {  	v12 =	vld.idx.msk [tilespmem:v12+s4+$0x0], $0xffff  }
0x294: {  	v13 =	vld.idx.msk [tilespmem:v13+s17+$0x0], $0xffff  }
0x295: {  	v14 =	vld.idx.msk [tilespmem:v14+s4+$0x0], $0xffff  }
0x296: {  	v15 =	vld.idx.msk [tilespmem:v15+s17+$0x0], $0xffff;
	_ =	sdelay $0x1  }
0x297: {  	p1 =	por p0, p0  }
.Ltmp2:
0x298: {  	_ = 	snop;
	(pc) =	sbr.rel @p1 .LBB2_7-.Ltmp2, $4  }
0x299: {  	v8 =	vadd.f32 v9, v8;
	v61 =	vadd.f32 v11, v10  }
0x29a: {  	v62 =	vadd.f32 v13, v12;
	v63 =	vadd.f32 v15, v14  }
0x29b: {  	v4 =	vmax.f32 v4, v8;
	v6 =	vmax.f32 v6, v61  }
0x29c: {  	s22 =	simm.s32 $0x4;
	p0 =	por $0x0, $0x0;
	v4 =	vmax.f32 v4, v62;
	v6 =	vmax.f32 v6, v63  }
0x29d: {  	v7 =	vadd.s32 $0x9, v5  }
0x29e: {  	v8 =	vor.u32 $0xC09, v2  }
0x29f: {  	v5 =	vadd.s32 $0xA, v5  }
0x2a0: {  	v9 =	vor.u32 $0xC0A, v2;
	_ =	sdelay $0x1  }
0x2a1: {  	v7 =	vld.idx.msk [tilespmem:v7+s4+$0x0], $0xffff  }
0x2a2: {  	v8 =	vld.idx.msk [tilespmem:v8+s17+$0x0], $0xffff  }
0x2a3: {  	v5 =	vld.idx.msk [tilespmem:v5+s4+$0x0], $0xffff  }
0x2a4: {  	v9 =	vld.idx.msk [tilespmem:v9+s17+$0x0], $0xffff;
	_ =	sdelay $0x2  }
0x2a5: {  	s22 =	sor.u32 $0x17F, s21  }
0x2a6: {  	v10 =	vadd.s32 s22, v1  }
0x2a7: {  	v7 =	vadd.f32 v8, v7;
	v5 =	vadd.f32 v9, v5;
	_ =	sdelay $0x1  }
0x2a8: {  	v6 =	vmax.f32 v6, v7;
	v4 =	vmax.f32 v4, v5  }
0x2a9: {  	v4 =	vmax.f32 v4, v6  }
0x2aa: {  	[tilespmem:v10+s13+$0x0] =	vst.idx.msk $0xffff, v4  }
0x2ab: {  	v4 =	vld [tilespmem:$0xABB0];
	_ =	sdelay $0x3  }
0x2ac: {  	v7 =	vadd.s32 $0xF00, v2  }
0x2ad: {  	v5 =	vadd.s32 v3, v4;
	_ =	sdelay $0x3  }
0x2ae: {  	s31 =	simm.s32 $0x4;
	v6 =	vld.idx.msk [tilespmem:v7+s17+$0x0], $0xffff  }
0x2af: {  	v8 =	vadd.s32 s31, v5;
	v4 =	vld.idx.msk [tilespmem:v5+s4+$0x0], $0xffff  }
0x2b0: {  	v9 =	vadd.s32 s31, v7  }
0x2b1: {  	v10 =	vadd.s32 s25, v5  }
0x2b2: {  	s23 =	simm.s32 $0x3;
	v11 =	vor.u32 s25, v7  }
0x2b3: {  	s24 =	simm.s32 $0x1;
	v12 =	vadd.s32 s23, v5  }
0x2b4: {  	s22 =	simm.s32 $0x8;
	v13 =	vadd.s32 s24, v5;
	v8 =	vld.idx.msk [tilespmem:v8+s4+$0x0], $0xffff;
	v4 =	vadd.f32 v6, v4;
	v6 =	vimm.f32 $-Inf  }
.LBB2_9:
0x2b5: {  	p0 =	sne.s32 s22, $0xC;
	v14 =	vor.u32 s24, v7;
	v15 =	vld.idx.msk [tilespmem:v9+s17+$0x0], $0xffff  }
0x2b6: {  	v9 =	vor.u32 s23, v7;
	v16 =	vld.idx.msk [tilespmem:v10+s4+$0x0], $0xffff  }
0x2b7: {  	v11 =	vld.idx.msk [tilespmem:v11+s17+$0x0], $0xffff  }
0x2b8: {  	v12 =	vld.idx.msk [tilespmem:v12+s4+$0x0], $0xffff  }
0x2b9: {  	v13 =	vld.idx.msk [tilespmem:v13+s4+$0x0], $0xffff  }
0x2ba: {  	v14 =	vld.idx.msk [tilespmem:v14+s17+$0x0], $0xffff  }
0x2bb: {  	v17 =	vld.idx.msk [tilespmem:v9+s17+$0x0], $0xffff;
	_ =	sdelay $0x2  }
0x2bc: {  	v18 =	vadd.s32 s22, v5  }
.Ltmp3:
0x2bd: {  	s23 =	sadd.s32 $0xFFFFFFFE, s22;
	v9 =	vadd.s32 s22, v7;
	(pc) =	sbr.rel @p0 .LBB2_9-.Ltmp3, $4  }
0x2be: {  	v10 =	vadd.s32 s23, v5;
	v13 =	vadd.f32 v14, v13;
	v14 =	vadd.f32 v11, v16  }
0x2bf: {  	v15 =	vadd.f32 v15, v8;
	v11 =	vor.u32 s23, v7;
	s23 =	sadd.s32 $0xFFFFFFFF, s22;
	v16 =	vadd.f32 v17, v12  }
0x2c0: {  	s24 =	sadd.s32 $0xFFFFFFFD, s22;
	v12 =	vadd.s32 s23, v5;
	v4 =	vmax.f32 v4, v13;
	v6 =	vmax.f32 v6, v14  }
0x2c1: {  	s22 =	sadd.s32 $0x4, s22;
	v13 =	vadd.s32 s24, v5;
	v4 =	vmax.f32 v4, v16;
	v6 =	vmax.f32 v6, v15;
	v8 =	vld.idx.msk [tilespmem:v18+s4+$0x0], $0xffff  }
0x2c2: {  	_ =	sdelay $0x3  }
0x2c3: {  	v14 =	vor.u32 s24, v7;
	v9 =	vld.idx.msk [tilespmem:v9+s17+$0x0], $0xffff  }
0x2c4: {  	v10 =	vld.idx.msk [tilespmem:v10+s4+$0x0], $0xffff;
	v7 =	vor.u32 s23, v7  }
0x2c5: {  	v11 =	vld.idx.msk [tilespmem:v11+s17+$0x0], $0xffff;
	v5 =	vadd.s32 $0xD, v5  }
0x2c6: {  	v12 =	vld.idx.msk [tilespmem:v12+s4+$0x0], $0xffff;
	v15 =	vadd.s32 $0xF0D, v2  }
0x2c7: {  	v13 =	vld.idx.msk [tilespmem:v13+s4+$0x0], $0xffff  }
0x2c8: {  	v14 =	vld.idx.msk [tilespmem:v14+s17+$0x0], $0xffff  }
0x2c9: {  	v7 =	vld.idx.msk [tilespmem:v7+s17+$0x0], $0xffff  }
0x2ca: {  	v5 =	vld.idx.msk [tilespmem:v5+s4+$0x0], $0xffff  }
0x2cb: {  	v15 =	vld.idx.msk [tilespmem:v15+s17+$0x0], $0xffff;
	_ =	sdelay $0x2  }
0x2cc: {  	s22 =	sor.u32 $0x18F, s21;
	v10 =	vadd.f32 v11, v10  }
0x2cd: {  	v8 =	vadd.f32 v9, v8;
	v9 =	vadd.s32 s22, v1;
	v11 =	vadd.f32 v14, v13  }
0x2ce: {  	v6 =	vmax.f32 v6, v10;
	v7 =	vadd.f32 v7, v12;
	v5 =	vadd.f32 v15, v5  }
0x2cf: {  	v6 =	vmax.f32 v6, v8;
	v4 =	vmax.f32 v4, v11  }
0x2d0: {  	v5 =	vmax.f32 v6, v5;
	v4 =	vmax.f32 v4, v7  }
0x2d1: {  	v4 =	vmax.f32 v4, v5  }
0x2d2: {  	[tilespmem:v9+s13+$0x0] =	vst.idx.msk $0xffff, v4  }
0x2d3: {  	v4 =	vld [tilespmem:$0xABC0];
	_ =	sdelay $0x4  }
0x2d4: {  	v5 =	vadd.s32 v3, v4  }
0x2d5: {  	s24 =	simm.s32 $0x4;
	v4 =	vadd.s32 $0x1200, v2  }
0x2d6: {  	v6 =	vadd.s32 s24, v5  }
0x2d7: {  	s26 =	simm.s32 $0x2;
	v7 =	vadd.s32 s24, v4  }
0x2d8: {  	v8 =	vadd.s32 s26, v5  }
0x2d9: {  	s28 =	simm.s32 $0x3;
	v9 =	vor.u32 s26, v4;
	v11 =	vld.idx.msk [tilespmem:v5+s4+$0x0], $0xffff  }
0x2da: {  	s29 =	simm.s32 $0x1;
	v10 =	vadd.s32 s28, v5;
	v12 =	vld.idx.msk [tilespmem:v4+s17+$0x0], $0xffff  }
0x2db: {  	v13 =	vadd.s32 s29, v5;
	v6 =	vld.idx.msk [tilespmem:v6+s4+$0x0], $0xffff  }
0x2dc: {  	v14 =	vor.u32 s29, v4;
	v7 =	vld.idx.msk [tilespmem:v7+s17+$0x0], $0xffff  }
0x2dd: {  	s30 =	simm.s32 $0x8;
	v16 =	vor.u32 s28, v4;
	v15 =	vld.idx.msk [tilespmem:v8+s4+$0x0], $0xffff  }
0x2de: {  	v22 =	vadd.s32 s30, v5;
	v8 =	vld.idx.msk [tilespmem:v9+s17+$0x0], $0xffff  }
0x2df: {  	s31 =	simm.s32 $0x6;
	v17 =	vadd.s32 s30, v4;
	v9 =	vld.idx.msk [tilespmem:v10+s4+$0x0], $0xffff  }
0x2e0: {  	v18 =	vadd.s32 s31, v5;
	v10 =	vld.idx.msk [tilespmem:v13+s4+$0x0], $0xffff  }
0x2e1: {  	s23 =	simm.s32 $0x7;
	v19 =	vor.u32 s31, v4;
	v14 =	vld.idx.msk [tilespmem:v14+s17+$0x0], $0xffff  }
0x2e2: {  	s24 =	simm.s32 $0x5;
	v20 =	vadd.s32 s23, v5;
	v16 =	vld.idx.msk [tilespmem:v16+s17+$0x0], $0xffff  }
0x2e3: {  	s22 =	simm.s32 $0xC;
	v21 =	vadd.s32 s24, v5;
	v13 =	vld.idx.msk [tilespmem:v22+s4+$0x0], $0xffff;
	v11 =	vadd.f32 v12, v11;
	v12 =	vimm.f32 $-Inf  }
.LBB2_11:
0x2e4: {  	p0 =	sne.s32 s22, $0x10;
	v22 =	vor.u32 s24, v4;
	v23 =	vld.idx.msk [tilespmem:v17+s17+$0x0], $0xffff;
	v24 =	vmov v8  }
0x2e5: {  	v26 =	vor.u32 s23, v4;
	v27 =	vmov v9;
	v25 =	vld.idx.msk [tilespmem:v18+s4+$0x0], $0xffff  }
0x2e6: {  	v28 =	vadd.s32 s22, v5;
	v8 =	vld.idx.msk [tilespmem:v19+s17+$0x0], $0xffff  }
.Ltmp4:
0x2e7: {  	s23 =	sadd.s32 $0xFFFFFFFE, s22;
	v17 =	vadd.s32 s22, v4;
	v15 =	vadd.f32 v24, v15;
	v9 =	vld.idx.msk [tilespmem:v20+s4+$0x0], $0xffff;
	v20 =	vadd.f32 v14, v10;
	(pc) =	sbr.rel @p0 .LBB2_11-.Ltmp4, $4  }
0x2e8: {  	v18 =	vadd.s32 s23, v5;
	v24 =	vadd.f32 v7, v6;
	v10 =	vld.idx.msk [tilespmem:v21+s4+$0x0], $0xffff;
	v21 =	vadd.f32 v16, v27  }
0x2e9: {  	v19 =	vor.u32 s23, v4;
	s23 =	sadd.s32 $0xFFFFFFFF, s22;
	v12 =	vmax.f32 v12, v15;
	v6 =	vmovc v13;
	v14 =	vld.idx.msk [tilespmem:v22+s17+$0x0], $0xffff;
	v11 =	vmax.f32 v11, v20  }
0x2ea: {  	s24 =	sadd.s32 $0xFFFFFFFD, s22;
	v12 =	vmax.f32 v12, v24;
	v20 =	vadd.s32 s23, v5;
	v7 =	vmovc v23;
	v16 =	vld.idx.msk [tilespmem:v26+s17+$0x0], $0xffff;
	v11 =	vmax.f32 v11, v21  }
0x2eb: {  	s22 =	sadd.s32 $0x4, s22;
	v21 =	vadd.s32 s24, v5;
	v15 =	vmov v25;
	v13 =	vld.idx.msk [tilespmem:v28+s4+$0x0], $0xffff  }
0x2ec: {  	_ =	sdelay $0x3  }
0x2ed: {  	v5 =	vor.u32 s24, v4;
	v17 =	vld.idx.msk [tilespmem:v17+s17+$0x0], $0xffff  }
0x2ee: {  	v18 =	vld.idx.msk [tilespmem:v18+s4+$0x0], $0xffff;
	v4 =	vor.u32 s23, v4  }
0x2ef: {  	v19 =	vld.idx.msk [tilespmem:v19+s17+$0x0], $0xffff  }
0x2f0: {  	v20 =	vld.idx.msk [tilespmem:v20+s4+$0x0], $0xffff  }
0x2f1: {  	v21 =	vld.idx.msk [tilespmem:v21+s4+$0x0], $0xffff  }
0x2f2: {  	v5 =	vld.idx.msk [tilespmem:v5+s17+$0x0], $0xffff  }
0x2f3: {  	v10 =	vadd.f32 v14, v10;
	v4 =	vld.idx.msk [tilespmem:v4+s17+$0x0], $0xffff  }
0x2f4: {  	v8 =	vadd.f32 v8, v15;
	v9 =	vadd.f32 v16, v9  }
0x2f5: {  	v10 =	vmax.f32 v11, v10  }
0x2f6: {  	v6 =	vadd.f32 v7, v6;
	s22 =	sor.u32 $0x19F, s21;
	v7 =	vmax.f32 v12, v8;
	v8 =	vmax.f32 v10, v9  }
0x2f7: {  	v9 =	vadd.f32 v19, v18;
	v10 =	vadd.s32 s22, v1;
	v5 =	vadd.f32 v5, v21  }
0x2f8: {  	v6 =	vmax.f32 v7, v6;
	v7 =	vadd.f32 v17, v13;
	v4 =	vadd.f32 v4, v20  }
0x2f9: {  	v6 =	vmax.f32 v6, v9;
	v5 =	vmax.f32 v8, v5  }
0x2fa: {  	v4 =	vmax.f32 v5, v4;
	v5 =	vmax.f32 v6, v7  }
0x2fb: {  	v4 =	vmax.f32 v4, v5  }
0x2fc: {  	[tilespmem:v10+s13+$0x0] =	vst.idx.msk $0xffff, v4  }
0x2fd: {  	v4 =	vld [tilespmem:$0xABD0];
	_ =	sdelay $0x4  }
0x2fe: {  	v5 =	vadd.s32 v3, v4  }
0x2ff: {  	s24 =	simm.s32 $0x4;
	v4 =	vadd.s32 $0x1500, v2  }
0x300: {  	v6 =	vadd.s32 s24, v5  }
0x301: {  	s26 =	simm.s32 $0x2;
	v7 =	vadd.s32 s24, v4  }
0x302: {  	v8 =	vadd.s32 s26, v5  }
0x303: {  	s28 =	simm.s32 $0x3;
	v9 =	vadd.s32 s26, v4;
	v11 =	vld.idx.msk [tilespmem:v5+s4+$0x0], $0xffff  }
0x304: {  	s29 =	simm.s32 $0x1;
	v10 =	vadd.s32 s28, v5;
	v12 =	vld.idx.msk [tilespmem:v4+s17+$0x0], $0xffff  }
0x305: {  	v13 =	vadd.s32 s29, v5;
	v6 =	vld.idx.msk [tilespmem:v6+s4+$0x0], $0xffff  }
0x306: {  	v14 =	vadd.s32 s29, v4;
	v7 =	vld.idx.msk [tilespmem:v7+s17+$0x0], $0xffff  }
0x307: {  	s30 =	simm.s32 $0x8;
	v16 =	vadd.s32 s28, v4;
	v15 =	vld.idx.msk [tilespmem:v8+s4+$0x0], $0xffff  }
0x308: {  	v22 =	vadd.s32 s30, v5;
	v8 =	vld.idx.msk [tilespmem:v9+s17+$0x0], $0xffff  }
0x309: {  	s31 =	simm.s32 $0x6;
	v17 =	vadd.s32 s30, v4;
	v9 =	vld.idx.msk [tilespmem:v10+s4+$0x0], $0xffff  }
0x30a: {  	v18 =	vadd.s32 s31, v5;
	v10 =	vld.idx.msk [tilespmem:v13+s4+$0x0], $0xffff  }
0x30b: {  	s23 =	simm.s32 $0x7;
	v19 =	vadd.s32 s31, v4;
	v14 =	vld.idx.msk [tilespmem:v14+s17+$0x0], $0xffff  }
0x30c: {  	s24 =	simm.s32 $0x5;
	v20 =	vadd.s32 s23, v5;
	v16 =	vld.idx.msk [tilespmem:v16+s17+$0x0], $0xffff  }
0x30d: {  	s22 =	simm.s32 $0xC;
	v21 =	vadd.s32 s24, v5;
	v13 =	vld.idx.msk [tilespmem:v22+s4+$0x0], $0xffff;
	v11 =	vadd.f32 v12, v11;
	v12 =	vimm.f32 $-Inf  }
.LBB2_13:
0x30e: {  	p0 =	sne.s32 s22, $0x14;
	v22 =	vadd.s32 s24, v4;
	v23 =	vld.idx.msk [tilespmem:v17+s17+$0x0], $0xffff;
	v24 =	vmov v8  }
0x30f: {  	v26 =	vadd.s32 s23, v4;
	v27 =	vmov v9;
	v25 =	vld.idx.msk [tilespmem:v18+s4+$0x0], $0xffff  }
0x310: {  	v28 =	vadd.s32 s22, v5;
	v8 =	vld.idx.msk [tilespmem:v19+s17+$0x0], $0xffff  }
.Ltmp5:
0x311: {  	s23 =	sadd.s32 $0xFFFFFFFE, s22;
	v17 =	vadd.s32 s22, v4;
	v15 =	vadd.f32 v24, v15;
	v9 =	vld.idx.msk [tilespmem:v20+s4+$0x0], $0xffff;
	v20 =	vadd.f32 v14, v10;
	(pc) =	sbr.rel @p0 .LBB2_13-.Ltmp5, $4  }
0x312: {  	v18 =	vadd.s32 s23, v5;
	v24 =	vadd.f32 v7, v6;
	v10 =	vld.idx.msk [tilespmem:v21+s4+$0x0], $0xffff;
	v21 =	vadd.f32 v16, v27  }
0x313: {  	v19 =	vadd.s32 s23, v4;
	s23 =	sadd.s32 $0xFFFFFFFF, s22;
	v12 =	vmax.f32 v12, v15;
	v6 =	vmovc v13;
	v14 =	vld.idx.msk [tilespmem:v22+s17+$0x0], $0xffff;
	v11 =	vmax.f32 v11, v20  }
0x314: {  	s24 =	sadd.s32 $0xFFFFFFFD, s22;
	v12 =	vmax.f32 v12, v24;
	v20 =	vadd.s32 s23, v5;
	v7 =	vmovc v23;
	v16 =	vld.idx.msk [tilespmem:v26+s17+$0x0], $0xffff;
	v11 =	vmax.f32 v11, v21  }
0x315: {  	s22 =	sadd.s32 $0x4, s22;
	v21 =	vadd.s32 s24, v5;
	v15 =	vmov v25;
	v13 =	vld.idx.msk [tilespmem:v28+s4+$0x0], $0xffff  }
0x316: {  	_ =	sdelay $0x3  }
0x317: {  	v5 =	vadd.s32 s24, v4;
	v17 =	vld.idx.msk [tilespmem:v17+s17+$0x0], $0xffff  }
0x318: {  	v18 =	vld.idx.msk [tilespmem:v18+s4+$0x0], $0xffff;
	v4 =	vadd.s32 s23, v4  }
0x319: {  	v19 =	vld.idx.msk [tilespmem:v19+s17+$0x0], $0xffff  }
0x31a: {  	v20 =	vld.idx.msk [tilespmem:v20+s4+$0x0], $0xffff  }
0x31b: {  	v21 =	vld.idx.msk [tilespmem:v21+s4+$0x0], $0xffff  }
0x31c: {  	v5 =	vld.idx.msk [tilespmem:v5+s17+$0x0], $0xffff  }
0x31d: {  	v10 =	vadd.f32 v14, v10;
	v4 =	vld.idx.msk [tilespmem:v4+s17+$0x0], $0xffff  }
0x31e: {  	v8 =	vadd.f32 v8, v15;
	v9 =	vadd.f32 v16, v9  }
0x31f: {  	v10 =	vmax.f32 v11, v10  }
0x320: {  	v6 =	vadd.f32 v7, v6;
	s22 =	sor.u32 $0x1AF, s21;
	v7 =	vmax.f32 v12, v8;
	v8 =	vmax.f32 v10, v9  }
0x321: {  	v9 =	vadd.f32 v19, v18;
	v10 =	vadd.s32 s22, v1;
	v5 =	vadd.f32 v5, v21  }
0x322: {  	v6 =	vmax.f32 v7, v6;
	v7 =	vadd.f32 v17, v13;
	v4 =	vadd.f32 v4, v20  }
0x323: {  	v6 =	vmax.f32 v6, v9;
	v5 =	vmax.f32 v8, v5  }
0x324: {  	v4 =	vmax.f32 v5, v4;
	v5 =	vmax.f32 v6, v7  }
0x325: {  	v4 =	vmax.f32 v4, v5  }
0x326: {  	[tilespmem:v10+s13+$0x0] =	vst.idx.msk $0xffff, v4  }
0x327: {  	s24 =	simm.s32 $0x4;
	v5 =	vor.u32 $0x1800, v2;
	v4 =	vld [tilespmem:$0xABE0]  }
0x328: {  	s26 =	simm.s32 $0x2;
	v7 =	vadd.s32 s24, v5  }
0x329: {  	s29 =	simm.s32 $0x1;
	v10 =	vadd.s32 s26, v5  }
0x32a: {  	s28 =	simm.s32 $0x3;
	v14 =	vadd.s32 s29, v5  }
0x32b: {  	v16 =	vadd.s32 s28, v5  }
0x32c: {  	v12 =	vld.idx.msk [tilespmem:v5+s17+$0x0], $0xffff;
	v4 =	vadd.s32 v3, v4  }
0x32d: {  	v7 =	vld.idx.msk [tilespmem:v7+s17+$0x0], $0xffff;
	v8 =	vadd.s32 s26, v4  }
0x32e: {  	v10 =	vld.idx.msk [tilespmem:v10+s17+$0x0], $0xffff;
	v11 =	vadd.s32 s28, v4  }
0x32f: {  	v14 =	vld.idx.msk [tilespmem:v14+s17+$0x0], $0xffff;
	v6 =	vadd.s32 s24, v4  }
0x330: {  	s30 =	simm.s32 $0x8;
	v16 =	vld.idx.msk [tilespmem:v16+s17+$0x0], $0xffff;
	v13 =	vadd.s32 s29, v4  }
0x331: {  	v22 =	vadd.s32 s30, v4;
	v9 =	vld.idx.msk [tilespmem:v4+s4+$0x0], $0xffff  }
0x332: {  	s31 =	simm.s32 $0x6;
	v17 =	vadd.s32 s30, v5;
	v15 =	vld.idx.msk [tilespmem:v8+s4+$0x0], $0xffff  }
0x333: {  	v18 =	vadd.s32 s31, v4;
	v8 =	vld.idx.msk [tilespmem:v11+s4+$0x0], $0xffff  }
0x334: {  	s23 =	simm.s32 $0x7;
	v19 =	vadd.s32 s31, v5;
	v6 =	vld.idx.msk [tilespmem:v6+s4+$0x0], $0xffff  }
0x335: {  	s24 =	simm.s32 $0x5;
	v20 =	vadd.s32 s23, v4;
	v11 =	vld.idx.msk [tilespmem:v13+s4+$0x0], $0xffff  }
0x336: {  	s22 =	simm.s32 $0xC;
	v21 =	vadd.s32 s24, v4;
	v13 =	vld.idx.msk [tilespmem:v22+s4+$0x0], $0xffff;
	v9 =	vadd.f32 v12, v9;
	v12 =	vimm.f32 $-Inf  }
.LBB2_15:
0x337: {  	p0 =	sne.s32 s22, $0x18;
	v22 =	vadd.s32 s24, v5;
	v23 =	vld.idx.msk [tilespmem:v17+s17+$0x0], $0xffff;
	v24 =	vmov v10  }
0x338: {  	v26 =	vadd.s32 s23, v5;
	v27 =	vmov v8;
	v25 =	vld.idx.msk [tilespmem:v18+s4+$0x0], $0xffff  }
0x339: {  	v28 =	vadd.s32 s22, v4;
	v10 =	vld.idx.msk [tilespmem:v19+s17+$0x0], $0xffff  }
.Ltmp6:
0x33a: {  	s23 =	sadd.s32 $0xFFFFFFFE, s22;
	v17 =	vadd.s32 s22, v5;
	v15 =	vadd.f32 v24, v15;
	v8 =	vld.idx.msk [tilespmem:v20+s4+$0x0], $0xffff;
	v20 =	vadd.f32 v14, v11;
	(pc) =	sbr.rel @p0 .LBB2_15-.Ltmp6, $4  }
0x33b: {  	v18 =	vadd.s32 s23, v4;
	v24 =	vadd.f32 v7, v6;
	v11 =	vld.idx.msk [tilespmem:v21+s4+$0x0], $0xffff;
	v21 =	vadd.f32 v16, v27  }
0x33c: {  	v19 =	vadd.s32 s23, v5;
	s23 =	sadd.s32 $0xFFFFFFFF, s22;
	v12 =	vmax.f32 v12, v15;
	v6 =	vmovc v13;
	v14 =	vld.idx.msk [tilespmem:v22+s17+$0x0], $0xffff;
	v9 =	vmax.f32 v9, v20  }
0x33d: {  	s24 =	sadd.s32 $0xFFFFFFFD, s22;
	v12 =	vmax.f32 v12, v24;
	v20 =	vadd.s32 s23, v4;
	v7 =	vmovc v23;
	v16 =	vld.idx.msk [tilespmem:v26+s17+$0x0], $0xffff;
	v9 =	vmax.f32 v9, v21  }
0x33e: {  	s22 =	sadd.s32 $0x4, s22;
	v21 =	vadd.s32 s24, v4;
	v15 =	vmov v25;
	v13 =	vld.idx.msk [tilespmem:v28+s4+$0x0], $0xffff  }
0x33f: {  	_ =	sdelay $0x3  }
0x340: {  	v22 =	vadd.s32 s24, v5;
	v17 =	vld.idx.msk [tilespmem:v17+s17+$0x0], $0xffff  }
0x341: {  	v18 =	vld.idx.msk [tilespmem:v18+s4+$0x0], $0xffff;
	v5 =	vadd.s32 s23, v5  }
0x342: {  	v19 =	vld.idx.msk [tilespmem:v19+s17+$0x0], $0xffff;
	v4 =	vadd.s32 $0x19, v4  }
0x343: {  	v20 =	vld.idx.msk [tilespmem:v20+s4+$0x0], $0xffff;
	v23 =	vadd.s32 $0x1819, v2  }
0x344: {  	v21 =	vld.idx.msk [tilespmem:v21+s4+$0x0], $0xffff  }
0x345: {  	v22 =	vld.idx.msk [tilespmem:v22+s17+$0x0], $0xffff  }
0x346: {  	v5 =	vld.idx.msk [tilespmem:v5+s17+$0x0], $0xffff  }
0x347: {  	v4 =	vld.idx.msk [tilespmem:v4+s4+$0x0], $0xffff  }
0x348: {  	v10 =	vadd.f32 v10, v15;
	v11 =	vadd.f32 v14, v11;
	v14 =	vld.idx.msk [tilespmem:v23+s17+$0x0], $0xffff  }
0x349: {  	v8 =	vadd.f32 v16, v8  }
0x34a: {  	v6 =	vadd.f32 v7, v6;
	s22 =	sor.u32 $0x1BF, s21;
	v7 =	vmax.f32 v9, v11;
	v9 =	vmax.f32 v12, v10  }
0x34b: {  	v11 =	vadd.s32 s22, v1;
	v7 =	vmax.f32 v7, v8;
	v8 =	vadd.f32 v19, v18  }
0x34c: {  	v6 =	vmax.f32 v9, v6;
	v10 =	vadd.f32 v17, v13;
	v9 =	vadd.f32 v22, v21  }
0x34d: {  	v6 =	vmax.f32 v6, v8;
	v5 =	vadd.f32 v5, v20;
	v4 =	vadd.f32 v14, v4  }
0x34e: {  	v6 =	vmax.f32 v6, v10;
	v7 =	vmax.f32 v7, v9  }
0x34f: {  	v4 =	vmax.f32 v6, v4;
	v5 =	vmax.f32 v7, v5  }
0x350: {  	v4 =	vmax.f32 v5, v4  }
0x351: {  	[tilespmem:v11+s13+$0x0] =	vst.idx.msk $0xffff, v4  }
0x352: {  	v4 =	vld [tilespmem:$0xABF0];
	_ =	sdelay $0x1  }
0x353: {  	s24 =	simm.s32 $0x4;
	v6 =	vadd.s32 $0x1B00, v2  }
0x354: {  	s26 =	simm.s32 $0x2;
	v7 =	vadd.s32 s24, v6  }
0x355: {  	v10 =	vadd.s32 s26, v6  }
0x356: {  	v4 =	vadd.s32 v3, v4  }
0x357: {  	s28 =	simm.s32 $0x3;
	v9 =	vadd.s32 s26, v4  }
0x358: {  	s29 =	simm.s32 $0x1;
	v13 =	vld.idx.msk [tilespmem:v6+s17+$0x0], $0xffff;
	v11 =	vadd.s32 s28, v4  }
0x359: {  	v8 =	vld.idx.msk [tilespmem:v7+s17+$0x0], $0xffff;
	v14 =	vadd.s32 s29, v4  }
0x35a: {  	v16 =	vadd.s32 s29, v6;
	v10 =	vld.idx.msk [tilespmem:v10+s17+$0x0], $0xffff  }
0x35b: {  	v19 =	vadd.s32 s28, v6;
	v12 =	vld.idx.msk [tilespmem:v4+s4+$0x0], $0xffff  }
0x35c: {  	s30 =	simm.s32 $0x8;
	v5 =	vadd.s32 s24, v4;
	v15 =	vld.idx.msk [tilespmem:v9+s4+$0x0], $0xffff  }
0x35d: {  	v22 =	vadd.s32 s30, v4;
	v9 =	vld.idx.msk [tilespmem:v11+s4+$0x0], $0xffff  }
0x35e: {  	s31 =	simm.s32 $0x6;
	v17 =	vadd.s32 s30, v6;
	v11 =	vld.idx.msk [tilespmem:v14+s4+$0x0], $0xffff  }
0x35f: {  	v18 =	vadd.s32 s31, v4;
	v14 =	vld.idx.msk [tilespmem:v16+s17+$0x0], $0xffff  }
0x360: {  	s23 =	simm.s32 $0x7;
	v16 =	vld.idx.msk [tilespmem:v19+s17+$0x0], $0xffff;
	v19 =	vadd.s32 s31, v6  }
0x361: {  	s24 =	simm.s32 $0x5;
	v20 =	vadd.s32 s23, v4;
	v5 =	vld.idx.msk [tilespmem:v5+s4+$0x0], $0xffff  }
0x362: {  	s22 =	simm.s32 $0xC;
	v21 =	vadd.s32 s24, v4;
	v7 =	vadd.f32 v13, v12;
	v12 =	vimm.f32 $-Inf;
	v13 =	vld.idx.msk [tilespmem:v22+s4+$0x0], $0xffff  }
.LBB2_17:
0x363: {  	p0 =	sne.s32 s22, $0x1C;
	v22 =	vadd.s32 s24, v6;
	v23 =	vld.idx.msk [tilespmem:v17+s17+$0x0], $0xffff;
	v24 =	vmov v10  }
0x364: {  	v26 =	vadd.s32 s23, v6;
	v27 =	vmov v9;
	v25 =	vld.idx.msk [tilespmem:v18+s4+$0x0], $0xffff  }
0x365: {  	v28 =	vadd.s32 s22, v4;
	v10 =	vld.idx.msk [tilespmem:v19+s17+$0x0], $0xffff  }
.Ltmp7:
0x366: {  	s23 =	sadd.s32 $0xFFFFFFFE, s22;
	v17 =	vadd.s32 s22, v6;
	v15 =	vadd.f32 v24, v15;
	v9 =	vld.idx.msk [tilespmem:v20+s4+$0x0], $0xffff;
	v20 =	vadd.f32 v14, v11;
	(pc) =	sbr.rel @p0 .LBB2_17-.Ltmp7, $4  }
0x367: {  	v18 =	vadd.s32 s23, v4;
	v24 =	vadd.f32 v8, v5;
	v11 =	vld.idx.msk [tilespmem:v21+s4+$0x0], $0xffff;
	v21 =	vadd.f32 v16, v27  }
0x368: {  	v19 =	vadd.s32 s23, v6;
	s23 =	sadd.s32 $0xFFFFFFFF, s22;
	v12 =	vmax.f32 v12, v15;
	v5 =	vmovc v13;
	v14 =	vld.idx.msk [tilespmem:v22+s17+$0x0], $0xffff;
	v7 =	vmax.f32 v7, v20  }
0x369: {  	s24 =	sadd.s32 $0xFFFFFFFD, s22;
	v12 =	vmax.f32 v12, v24;
	v20 =	vadd.s32 s23, v4;
	v8 =	vmovc v23;
	v16 =	vld.idx.msk [tilespmem:v26+s17+$0x0], $0xffff;
	v7 =	vmax.f32 v7, v21  }
0x36a: {  	s22 =	sadd.s32 $0x4, s22;
	v21 =	vadd.s32 s24, v4;
	v15 =	vmov v25;
	v13 =	vld.idx.msk [tilespmem:v28+s4+$0x0], $0xffff  }
0x36b: {  	_ =	sdelay $0x3  }
0x36c: {  	v22 =	vadd.s32 s24, v6;
	v17 =	vld.idx.msk [tilespmem:v17+s17+$0x0], $0xffff  }
0x36d: {  	v18 =	vld.idx.msk [tilespmem:v18+s4+$0x0], $0xffff;
	v6 =	vadd.s32 s23, v6  }
0x36e: {  	v19 =	vld.idx.msk [tilespmem:v19+s17+$0x0], $0xffff;
	v23 =	vadd.s32 $0x1D, v4  }
0x36f: {  	v20 =	vld.idx.msk [tilespmem:v20+s4+$0x0], $0xffff;
	v24 =	vadd.s32 $0x1B1D, v2  }
0x370: {  	v21 =	vld.idx.msk [tilespmem:v21+s4+$0x0], $0xffff;
	v25 =	vadd.s32 $0x1E, v4  }
0x371: {  	v26 =	vadd.s32 $0x1B1E, v2;
	v22 =	vld.idx.msk [tilespmem:v22+s17+$0x0], $0xffff  }
0x372: {  	v4 =	vadd.s32 $0x1F, v4;
	v6 =	vld.idx.msk [tilespmem:v6+s17+$0x0], $0xffff  }
0x373: {  	v27 =	vadd.s32 $0x1B1F, v2;
	v23 =	vld.idx.msk [tilespmem:v23+s4+$0x0], $0xffff  }
0x374: {  	v24 =	vld.idx.msk [tilespmem:v24+s17+$0x0], $0xffff  }
0x375: {  	v25 =	vld.idx.msk [tilespmem:v25+s4+$0x0], $0xffff  }
0x376: {  	v11 =	vadd.f32 v14, v11;
	v26 =	vld.idx.msk [tilespmem:v26+s17+$0x0], $0xffff  }
0x377: {  	v10 =	vadd.f32 v10, v15;
	v9 =	vadd.f32 v16, v9;
	v4 =	vld.idx.msk [tilespmem:v4+s4+$0x0], $0xffff  }
0x378: {  	v5 =	vadd.f32 v8, v5;
	v7 =	vmax.f32 v7, v11;
	v8 =	vld.idx.msk [tilespmem:v27+s17+$0x0], $0xffff  }
0x379: {  	v10 =	vmax.f32 v12, v10;
	v7 =	vmax.f32 v7, v9;
	v9 =	vadd.f32 v19, v18  }
0x37a: {  	v5 =	vmax.f32 v10, v5;
	v11 =	vadd.f32 v22, v21  }
0x37b: {  	s22 =	sor.u32 $0x1CF, s21;
	v10 =	vadd.f32 v17, v13;
	v5 =	vmax.f32 v5, v9;
	v6 =	vadd.f32 v6, v20  }
0x37c: {  	v9 =	vadd.f32 v24, v23;
	v7 =	vmax.f32 v7, v11;
	v11 =	vadd.s32 s22, v1  }
0x37d: {  	v5 =	vmax.f32 v5, v10;
	v10 =	vadd.f32 v26, v25;
	v4 =	vadd.f32 v8, v4  }
0x37e: {  	v5 =	vmax.f32 v5, v9;
	v6 =	vmax.f32 v7, v6  }
0x37f: {  	v4 =	vmax.f32 v5, v4;
	v6 =	vmax.f32 v6, v10  }
0x380: {  	v4 =	vmax.f32 v6, v4  }
0x381: {  	[tilespmem:v11+s13+$0x0] =	vst.idx.msk $0xffff, v4  }
0x382: {  	s24 =	simm.s32 $0x4;
	v5 =	vadd.s32 $0x1E00, v2;
	v4 =	vld [tilespmem:$0xAC00]  }
0x383: {  	s26 =	simm.s32 $0x2;
	v7 =	vadd.s32 s24, v5  }
0x384: {  	s29 =	simm.s32 $0x1;
	v9 =	vadd.s32 s26, v5  }
0x385: {  	s28 =	simm.s32 $0x3;
	v14 =	vadd.s32 s29, v5  }
0x386: {  	v16 =	vadd.s32 s28, v5  }
0x387: {  	v13 =	vld.idx.msk [tilespmem:v5+s17+$0x0], $0xffff;
	v4 =	vadd.s32 v3, v4  }
0x388: {  	v7 =	vld.idx.msk [tilespmem:v7+s17+$0x0], $0xffff;
	v6 =	vadd.s32 s24, v4  }
0x389: {  	v9 =	vld.idx.msk [tilespmem:v9+s17+$0x0], $0xffff;
	v10 =	vadd.s32 s28, v4  }
0x38a: {  	v14 =	vld.idx.msk [tilespmem:v14+s17+$0x0], $0xffff;
	v8 =	vadd.s32 s26, v4  }
0x38b: {  	s30 =	simm.s32 $0x8;
	v16 =	vld.idx.msk [tilespmem:v16+s17+$0x0], $0xffff;
	v11 =	vadd.s32 s29, v4  }
0x38c: {  	v22 =	vadd.s32 s30, v4;
	v12 =	vld.idx.msk [tilespmem:v4+s4+$0x0], $0xffff  }
0x38d: {  	s31 =	simm.s32 $0x6;
	v17 =	vadd.s32 s30, v5;
	v6 =	vld.idx.msk [tilespmem:v6+s4+$0x0], $0xffff  }
0x38e: {  	v18 =	vadd.s32 s31, v4;
	v10 =	vld.idx.msk [tilespmem:v10+s4+$0x0], $0xffff  }
0x38f: {  	s23 =	simm.s32 $0x7;
	v19 =	vadd.s32 s31, v5;
	v15 =	vld.idx.msk [tilespmem:v8+s4+$0x0], $0xffff  }
0x390: {  	s24 =	simm.s32 $0x5;
	v20 =	vadd.s32 s23, v4;
	v11 =	vld.idx.msk [tilespmem:v11+s4+$0x0], $0xffff  }
0x391: {  	s22 =	simm.s32 $0xC;
	v21 =	vadd.s32 s24, v4;
	v8 =	vadd.f32 v13, v12;
	v12 =	vimm.f32 $-Inf;
	v13 =	vld.idx.msk [tilespmem:v22+s4+$0x0], $0xffff  }
.LBB2_19:
0x392: {  	p0 =	sne.s32 s22, $0x24;
	v22 =	vadd.s32 s24, v5;
	v23 =	vld.idx.msk [tilespmem:v17+s17+$0x0], $0xffff;
	v24 =	vmov v9  }
0x393: {  	v26 =	vadd.s32 s23, v5;
	v27 =	vmov v10;
	v25 =	vld.idx.msk [tilespmem:v18+s4+$0x0], $0xffff  }
0x394: {  	v28 =	vadd.s32 s22, v4;
	v9 =	vld.idx.msk [tilespmem:v19+s17+$0x0], $0xffff  }
.Ltmp8:
0x395: {  	s23 =	sadd.s32 $0xFFFFFFFE, s22;
	v17 =	vadd.s32 s22, v5;
	v15 =	vadd.f32 v24, v15;
	v10 =	vld.idx.msk [tilespmem:v20+s4+$0x0], $0xffff;
	v20 =	vadd.f32 v14, v11;
	(pc) =	sbr.rel @p0 .LBB2_19-.Ltmp8, $4  }
0x396: {  	v18 =	vadd.s32 s23, v4;
	v24 =	vadd.f32 v7, v6;
	v11 =	vld.idx.msk [tilespmem:v21+s4+$0x0], $0xffff;
	v21 =	vadd.f32 v16, v27  }
0x397: {  	v19 =	vadd.s32 s23, v5;
	s23 =	sadd.s32 $0xFFFFFFFF, s22;
	v12 =	vmax.f32 v12, v15;
	v6 =	vmovc v13;
	v14 =	vld.idx.msk [tilespmem:v22+s17+$0x0], $0xffff;
	v8 =	vmax.f32 v8, v20  }
0x398: {  	s24 =	sadd.s32 $0xFFFFFFFD, s22;
	v12 =	vmax.f32 v12, v24;
	v20 =	vadd.s32 s23, v4;
	v7 =	vmovc v23;
	v16 =	vld.idx.msk [tilespmem:v26+s17+$0x0], $0xffff;
	v8 =	vmax.f32 v8, v21  }
0x399: {  	s22 =	sadd.s32 $0x4, s22;
	v21 =	vadd.s32 s24, v4;
	v15 =	vmov v25;
	v13 =	vld.idx.msk [tilespmem:v28+s4+$0x0], $0xffff  }
0x39a: {  	_ =	sdelay $0x3  }
0x39b: {  	v22 =	vadd.s32 s24, v5;
	v17 =	vld.idx.msk [tilespmem:v17+s17+$0x0], $0xffff  }
0x39c: {  	v18 =	vld.idx.msk [tilespmem:v18+s4+$0x0], $0xffff;
	v5 =	vadd.s32 s23, v5  }
0x39d: {  	v19 =	vld.idx.msk [tilespmem:v19+s17+$0x0], $0xffff;
	v23 =	vadd.s32 $0x25, v4  }
0x39e: {  	v20 =	vld.idx.msk [tilespmem:v20+s4+$0x0], $0xffff;
	v24 =	vadd.s32 $0x1E25, v2  }
0x39f: {  	v21 =	vld.idx.msk [tilespmem:v21+s4+$0x0], $0xffff;
	v4 =	vadd.s32 $0x26, v4  }
0x3a0: {  	v25 =	vadd.s32 $0x1E26, v2;
	v22 =	vld.idx.msk [tilespmem:v22+s17+$0x0], $0xffff  }
0x3a1: {  	v5 =	vld.idx.msk [tilespmem:v5+s17+$0x0], $0xffff  }
0x3a2: {  	v23 =	vld.idx.msk [tilespmem:v23+s4+$0x0], $0xffff  }
0x3a3: {  	v24 =	vld.idx.msk [tilespmem:v24+s17+$0x0], $0xffff  }
0x3a4: {  	v11 =	vadd.f32 v14, v11;
	v4 =	vld.idx.msk [tilespmem:v4+s4+$0x0], $0xffff  }
0x3a5: {  	v9 =	vadd.f32 v9, v15;
	v10 =	vadd.f32 v16, v10;
	v14 =	vld.idx.msk [tilespmem:v25+s17+$0x0], $0xffff  }
0x3a6: {  	v6 =	vadd.f32 v7, v6;
	v7 =	vmax.f32 v8, v11  }
0x3a7: {  	v8 =	vmax.f32 v12, v9;
	v7 =	vmax.f32 v7, v10;
	v9 =	vadd.f32 v22, v21  }
0x3a8: {  	s22 =	sor.u32 $0x1DF, s21;
	v6 =	vmax.f32 v8, v6;
	v8 =	vadd.f32 v19, v18;
	v10 =	vadd.f32 v17, v13  }
0x3a9: {  	v5 =	vadd.f32 v5, v20;
	v7 =	vmax.f32 v7, v9;
	v9 =	vadd.s32 s22, v1  }
0x3aa: {  	v6 =	vmax.f32 v6, v8;
	v8 =	vadd.f32 v24, v23;
	v4 =	vadd.f32 v14, v4  }
0x3ab: {  	v6 =	vmax.f32 v6, v10;
	v5 =	vmax.f32 v7, v5  }
0x3ac: {  	v6 =	vmax.f32 v6, v8;
	v4 =	vmax.f32 v5, v4  }
0x3ad: {  	v4 =	vmax.f32 v4, v6  }
0x3ae: {  	[tilespmem:v9+s13+$0x0] =	vst.idx.msk $0xffff, v4  }
0x3af: {  	v4 =	vld [tilespmem:$0xAC10];
	_ =	sdelay $0x1  }
0x3b0: {  	s24 =	simm.s32 $0x4;
	v6 =	vadd.s32 $0x2100, v2  }
0x3b1: {  	s26 =	simm.s32 $0x2;
	v7 =	vadd.s32 s24, v6  }
0x3b2: {  	v10 =	vadd.s32 s26, v6  }
0x3b3: {  	v4 =	vadd.s32 v3, v4  }
0x3b4: {  	s28 =	simm.s32 $0x3;
	v9 =	vadd.s32 s26, v4  }
0x3b5: {  	s29 =	simm.s32 $0x1;
	v13 =	vld.idx.msk [tilespmem:v6+s17+$0x0], $0xffff;
	v11 =	vadd.s32 s28, v4  }
0x3b6: {  	v8 =	vld.idx.msk [tilespmem:v7+s17+$0x0], $0xffff;
	v14 =	vadd.s32 s29, v4  }
0x3b7: {  	v16 =	vadd.s32 s29, v6;
	v10 =	vld.idx.msk [tilespmem:v10+s17+$0x0], $0xffff  }
0x3b8: {  	v19 =	vadd.s32 s28, v6;
	v12 =	vld.idx.msk [tilespmem:v4+s4+$0x0], $0xffff  }
0x3b9: {  	s30 =	simm.s32 $0x8;
	v5 =	vadd.s32 s24, v4;
	v15 =	vld.idx.msk [tilespmem:v9+s4+$0x0], $0xffff  }
0x3ba: {  	v22 =	vadd.s32 s30, v4;
	v9 =	vld.idx.msk [tilespmem:v11+s4+$0x0], $0xffff  }
0x3bb: {  	s31 =	simm.s32 $0x6;
	v17 =	vadd.s32 s30, v6;
	v11 =	vld.idx.msk [tilespmem:v14+s4+$0x0], $0xffff  }
0x3bc: {  	v18 =	vadd.s32 s31, v4;
	v14 =	vld.idx.msk [tilespmem:v16+s17+$0x0], $0xffff  }
0x3bd: {  	s23 =	simm.s32 $0x7;
	v16 =	vld.idx.msk [tilespmem:v19+s17+$0x0], $0xffff;
	v19 =	vadd.s32 s31, v6  }
0x3be: {  	s24 =	simm.s32 $0x5;
	v20 =	vadd.s32 s23, v4;
	v5 =	vld.idx.msk [tilespmem:v5+s4+$0x0], $0xffff  }
0x3bf: {  	s22 =	simm.s32 $0xC;
	v21 =	vadd.s32 s24, v4;
	v7 =	vadd.f32 v13, v12;
	v12 =	vimm.f32 $-Inf;
	v13 =	vld.idx.msk [tilespmem:v22+s4+$0x0], $0xffff  }
.LBB2_21:
0x3c0: {  	p0 =	sne.s32 s22, $0x2C;
	v22 =	vadd.s32 s24, v6;
	v23 =	vld.idx.msk [tilespmem:v17+s17+$0x0], $0xffff;
	v24 =	vmov v10  }
0x3c1: {  	v26 =	vadd.s32 s23, v6;
	v27 =	vmov v9;
	v25 =	vld.idx.msk [tilespmem:v18+s4+$0x0], $0xffff  }
0x3c2: {  	v28 =	vadd.s32 s22, v4;
	v10 =	vld.idx.msk [tilespmem:v19+s17+$0x0], $0xffff  }
.Ltmp9:
0x3c3: {  	s23 =	sadd.s32 $0xFFFFFFFE, s22;
	v17 =	vadd.s32 s22, v6;
	v15 =	vadd.f32 v24, v15;
	v9 =	vld.idx.msk [tilespmem:v20+s4+$0x0], $0xffff;
	v20 =	vadd.f32 v14, v11;
	(pc) =	sbr.rel @p0 .LBB2_21-.Ltmp9, $4  }
0x3c4: {  	v18 =	vadd.s32 s23, v4;
	v24 =	vadd.f32 v8, v5;
	v11 =	vld.idx.msk [tilespmem:v21+s4+$0x0], $0xffff;
	v21 =	vadd.f32 v16, v27  }
0x3c5: {  	v19 =	vadd.s32 s23, v6;
	s23 =	sadd.s32 $0xFFFFFFFF, s22;
	v12 =	vmax.f32 v12, v15;
	v5 =	vmovc v13;
	v14 =	vld.idx.msk [tilespmem:v22+s17+$0x0], $0xffff;
	v7 =	vmax.f32 v7, v20  }
0x3c6: {  	s24 =	sadd.s32 $0xFFFFFFFD, s22;
	v12 =	vmax.f32 v12, v24;
	v20 =	vadd.s32 s23, v4;
	v8 =	vmovc v23;
	v16 =	vld.idx.msk [tilespmem:v26+s17+$0x0], $0xffff;
	v7 =	vmax.f32 v7, v21  }
0x3c7: {  	s22 =	sadd.s32 $0x4, s22;
	v21 =	vadd.s32 s24, v4;
	v15 =	vmov v25;
	v13 =	vld.idx.msk [tilespmem:v28+s4+$0x0], $0xffff  }
0x3c8: {  	_ =	sdelay $0x3  }
0x3c9: {  	v22 =	vadd.s32 s24, v6;
	v17 =	vld.idx.msk [tilespmem:v17+s17+$0x0], $0xffff  }
0x3ca: {  	v18 =	vld.idx.msk [tilespmem:v18+s4+$0x0], $0xffff;
	v6 =	vadd.s32 s23, v6  }
0x3cb: {  	v19 =	vld.idx.msk [tilespmem:v19+s17+$0x0], $0xffff;
	v23 =	vadd.s32 $0x2D, v4  }
0x3cc: {  	v20 =	vld.idx.msk [tilespmem:v20+s4+$0x0], $0xffff;
	v24 =	vadd.s32 $0x212D, v2  }
0x3cd: {  	v21 =	vld.idx.msk [tilespmem:v21+s4+$0x0], $0xffff;
	v25 =	vadd.s32 $0x2E, v4  }
0x3ce: {  	v26 =	vadd.s32 $0x212E, v2;
	v22 =	vld.idx.msk [tilespmem:v22+s17+$0x0], $0xffff  }
0x3cf: {  	v4 =	vadd.s32 $0x2F, v4;
	v6 =	vld.idx.msk [tilespmem:v6+s17+$0x0], $0xffff  }
0x3d0: {  	v27 =	vadd.s32 $0x212F, v2;
	v23 =	vld.idx.msk [tilespmem:v23+s4+$0x0], $0xffff  }
0x3d1: {  	v24 =	vld.idx.msk [tilespmem:v24+s17+$0x0], $0xffff  }
0x3d2: {  	v25 =	vld.idx.msk [tilespmem:v25+s4+$0x0], $0xffff  }
0x3d3: {  	v11 =	vadd.f32 v14, v11;
	v26 =	vld.idx.msk [tilespmem:v26+s17+$0x0], $0xffff  }
0x3d4: {  	v10 =	vadd.f32 v10, v15;
	v9 =	vadd.f32 v16, v9;
	v4 =	vld.idx.msk [tilespmem:v4+s4+$0x0], $0xffff  }
0x3d5: {  	v5 =	vadd.f32 v8, v5;
	v7 =	vmax.f32 v7, v11;
	v8 =	vld.idx.msk [tilespmem:v27+s17+$0x0], $0xffff  }
0x3d6: {  	v10 =	vmax.f32 v12, v10;
	v7 =	vmax.f32 v7, v9;
	v9 =	vadd.f32 v19, v18  }
0x3d7: {  	v5 =	vmax.f32 v10, v5;
	v11 =	vadd.f32 v22, v21  }
0x3d8: {  	s22 =	sor.u32 $0x1EF, s21;
	v10 =	vadd.f32 v17, v13;
	v5 =	vmax.f32 v5, v9;
	v6 =	vadd.f32 v6, v20  }
0x3d9: {  	v9 =	vadd.f32 v24, v23;
	v7 =	vmax.f32 v7, v11;
	v11 =	vadd.s32 s22, v1  }
0x3da: {  	v5 =	vmax.f32 v5, v10;
	v10 =	vadd.f32 v26, v25;
	v4 =	vadd.f32 v8, v4  }
0x3db: {  	v5 =	vmax.f32 v5, v9;
	v6 =	vmax.f32 v7, v6  }
0x3dc: {  	v4 =	vmax.f32 v5, v4;
	v6 =	vmax.f32 v6, v10  }
0x3dd: {  	v4 =	vmax.f32 v6, v4  }
0x3de: {  	[tilespmem:v11+s13+$0x0] =	vst.idx.msk $0xffff, v4  }
0x3df: {  	v4 =	vld [tilespmem:$0xAC20]  }
0x3e0: {  	v2 =	vor.u32 $0x2400, v2;
	s24 =	simm.s32 $0x4  }
0x3e1: {  	s29 =	simm.s32 $0x1;
	v5 =	vadd.s32 s24, v2  }
0x3e2: {  	s28 =	simm.s32 $0x3;
	v12 =	vadd.s32 s29, v2  }
0x3e3: {  	v14 =	vadd.s32 s28, v2  }
0x3e4: {  	s26 =	simm.s32 $0x2;
	v3 =	vadd.s32 v3, v4  }
0x3e5: {  	v10 =	vld.idx.msk [tilespmem:v2+s17+$0x0], $0xffff;
	v6 =	vadd.s32 s26, v3  }
0x3e6: {  	v7 =	vadd.s32 s26, v2;
	v5 =	vld.idx.msk [tilespmem:v5+s17+$0x0], $0xffff  }
0x3e7: {  	v12 =	vld.idx.msk [tilespmem:v12+s17+$0x0], $0xffff;
	v8 =	vadd.s32 s28, v3  }
0x3e8: {  	v14 =	vld.idx.msk [tilespmem:v14+s17+$0x0], $0xffff;
	v4 =	vadd.s32 s24, v3  }
0x3e9: {  	s30 =	simm.s32 $0x8;
	v11 =	vadd.s32 s29, v3;
	v9 =	vld.idx.msk [tilespmem:v3+s4+$0x0], $0xffff  }
0x3ea: {  	v20 =	vadd.s32 s30, v3;
	v13 =	vld.idx.msk [tilespmem:v6+s4+$0x0], $0xffff  }
0x3eb: {  	s31 =	simm.s32 $0x6;
	v15 =	vadd.s32 s30, v2;
	v6 =	vld.idx.msk [tilespmem:v7+s17+$0x0], $0xffff  }
0x3ec: {  	v16 =	vadd.s32 s31, v3;
	v7 =	vld.idx.msk [tilespmem:v8+s4+$0x0], $0xffff  }
0x3ed: {  	s23 =	simm.s32 $0x7;
	v17 =	vadd.s32 s31, v2;
	v4 =	vld.idx.msk [tilespmem:v4+s4+$0x0], $0xffff  }
0x3ee: {  	s24 =	simm.s32 $0x5;
	v18 =	vadd.s32 s23, v3;
	v8 =	vld.idx.msk [tilespmem:v11+s4+$0x0], $0xffff  }
0x3ef: {  	s22 =	simm.s32 $0xC;
	v19 =	vadd.s32 s24, v3;
	v11 =	vld.idx.msk [tilespmem:v20+s4+$0x0], $0xffff;
	v9 =	vadd.f32 v10, v9;
	v10 =	vimm.f32 $-Inf  }
.LBB2_23:
0x3f0: {  	p0 =	sne.s32 s22, $0x18;
	v20 =	vadd.s32 s24, v2;
	v21 =	vld.idx.msk [tilespmem:v15+s17+$0x0], $0xffff;
	v22 =	vmov v6  }
0x3f1: {  	v24 =	vadd.s32 s23, v2;
	v25 =	vmov v7;
	v23 =	vld.idx.msk [tilespmem:v16+s4+$0x0], $0xffff  }
0x3f2: {  	v26 =	vadd.s32 s22, v3;
	v6 =	vld.idx.msk [tilespmem:v17+s17+$0x0], $0xffff  }
.Ltmp10:
0x3f3: {  	s23 =	sadd.s32 $0xFFFFFFFE, s22;
	v15 =	vadd.s32 s22, v2;
	v13 =	vadd.f32 v22, v13;
	v7 =	vld.idx.msk [tilespmem:v18+s4+$0x0], $0xffff;
	v18 =	vadd.f32 v12, v8;
	(pc) =	sbr.rel @p0 .LBB2_23-.Ltmp10, $4  }
0x3f4: {  	v16 =	vadd.s32 s23, v3;
	v22 =	vadd.f32 v5, v4;
	v8 =	vld.idx.msk [tilespmem:v19+s4+$0x0], $0xffff;
	v19 =	vadd.f32 v14, v25  }
0x3f5: {  	v17 =	vadd.s32 s23, v2;
	s23 =	sadd.s32 $0xFFFFFFFF, s22;
	v10 =	vmax.f32 v10, v13;
	v4 =	vmovc v11;
	v12 =	vld.idx.msk [tilespmem:v20+s17+$0x0], $0xffff;
	v9 =	vmax.f32 v9, v18  }
0x3f6: {  	s24 =	sadd.s32 $0xFFFFFFFD, s22;
	v10 =	vmax.f32 v10, v22;
	v18 =	vadd.s32 s23, v3;
	v5 =	vmovc v21;
	v14 =	vld.idx.msk [tilespmem:v24+s17+$0x0], $0xffff;
	v9 =	vmax.f32 v9, v19  }
0x3f7: {  	s22 =	sadd.s32 $0x4, s22;
	v19 =	vadd.s32 s24, v3;
	v13 =	vmov v23;
	v11 =	vld.idx.msk [tilespmem:v26+s4+$0x0], $0xffff  }
0x3f8: {  	_ =	sdelay $0x3  }
0x3f9: {  	v3 =	vadd.s32 s24, v2;
	v15 =	vld.idx.msk [tilespmem:v15+s17+$0x0], $0xffff  }
0x3fa: {  	v16 =	vld.idx.msk [tilespmem:v16+s4+$0x0], $0xffff;
	v2 =	vadd.s32 s23, v2  }
0x3fb: {  	v17 =	vld.idx.msk [tilespmem:v17+s17+$0x0], $0xffff  }
0x3fc: {  	v18 =	vld.idx.msk [tilespmem:v18+s4+$0x0], $0xffff  }
0x3fd: {  	v19 =	vld.idx.msk [tilespmem:v19+s4+$0x0], $0xffff  }
0x3fe: {  	v3 =	vld.idx.msk [tilespmem:v3+s17+$0x0], $0xffff  }
0x3ff: {  	v6 =	vadd.f32 v6, v13;
	v2 =	vld.idx.msk [tilespmem:v2+s17+$0x0], $0xffff  }
0x400: {  	v4 =	vadd.f32 v5, v4  }
0x401: {  	s21 =	sor.u32 $0x1FF, s21;
	v8 =	vadd.f32 v12, v8;
	v59 =	vmax.f32 v10, v6  }
0x402: {  	s20 =	sadd.s32 $0x1, s20;
	v62 =	vadd.s32 s21, v1;
	v7 =	vadd.f32 v14, v7;
	v4 =	vmax.f32 v59, v4  }
0x403: {  	p0 =	sne.s32 s20, $0x8;
	v8 =	vmax.f32 v9, v8;
	v61 =	vadd.f32 v17, v16;
	v3 =	vadd.f32 v3, v19  }
.Ltmp11:
0x404: {  	v60 =	vmax.f32 v8, v7;
	v63 =	vadd.f32 v15, v11;
	v2 =	vadd.f32 v2, v18;
	(pc) =	sbr.rel @p0 .LBB2_4-.Ltmp11, $4  }
0x405: {  	v4 =	vmax.f32 v4, v61;
	v3 =	vmax.f32 v60, v3  }
0x406: {  	v2 =	vmax.f32 v3, v2;
	v3 =	vmax.f32 v4, v63  }
0x407: {  	v2 =	vmax.f32 v2, v3  }
0x408: {  	[tilespmem:v62+s13+$0x0] =	vst.idx.msk $0x1, v2  }
0x409: {  	s18 =	sadd.s32 $0x1, s18  }
0x40a: {  	p0 =	sne.s32 s18, s9  }
.Ltmp12:
0x40b: {  	_ = 	snop;
	(pc) =	sbr.rel @p0 .LBB2_1-.Ltmp12, $4  }
0x40c: {  	[hbm4b:s8+s4] =	stream.linear.scatter [tilespmem:s13], [sflag:$0x3], $0x1000, $0x38;
	[tilespmem:$0xED70] =	vst v63  }
0x40d: {  	_ =	swait.ge [sflag:s16], $0x1000  }
0x40e: {  	[sflag:s16] =	ssyncset.done $0x0  }
0x40f: {  	[sflag:s16] =	ssyncadd.s32 $0xFFFFF000  }
0x410: {  	_ =	sfence.sel $0x180000  }
0x411: {  	[bflag:$0x0] =	sbarrier.arrive $0xFFFF  }
0x412: {  	p0 =	sne.s32 s0, $0x0;
	_ =	strace $0x90000047  }
0x413: {  	s0 =	sadd.s32 @!p0 $0x100000, s1;
	[bflag:$0x2] =	sbarrier.arrive $0xFFFF  }
0x414: {  	[sflag:s0] =	ssyncadd.tile.s32 @!p0 $0x1;
	_ =	shalt  }
.Lfunc_end2:
_tile_overlayer_lowered:
.L_overlay_start_2:
0x415: {  	(tag) =	ssettag $0x2  }
0x416: {  	s0 =	rddreg [dreg:$0x0];
	s2 =	stileid.u32  }
0x417: {  	s1 =	rddreg [dreg:$0x1];
	p0 =	sne.s32 s2, $0x0  }
0x418: {  	s3 =	rddreg [dreg:$0x2];
	[bflag:$0x3] =	sbarrier.arrive $0xFFFF;
	s2 =	simm.s32 @!p0 $0x1C03  }
0x419: {  	[timem:s3], [sflag:s2] =	dma.local @!p0 [hbm:s0], s1  }
0x41a: {  	s0 =	simm.s32 @!p0 $0x3  }
0x41b: {  	_ =	swait.ge @!p0 [sflag:s0], s1  }
0x41c: {  	s1 =	ssub.s32 @!p0 $0x0, s1;
	[sflag:s0] =	ssyncset.done @!p0 $0x0  }
0x41d: {  	[sflag:s0] =	ssyncadd.s32 @!p0 s1  }
0x41e: {  	[bflag:$0x3] =	sbarrier.arrive $0xFFFF  }
0x41f: {  	_ =	shalt  }

</sc_bundles>
